<compile_context>
chip_gen: v7x
topology: tpu7x:2x2x1
jax: 0.10.2.dev20260603
libtpu: 0.0.44.dev20260713+nightly
codegen_flags: <defaults>
</compile_context>

<pallas_src>
import functools

import jax
import jax.numpy as jnp
from jax import lax
from jax.experimental import pallas as pl
from jax.experimental.pallas import tpu as pltpu
from jax.experimental.pallas import tpu_sc as plsc

CROP_RATIO = 0.8


@functools.lru_cache(maxsize=None)
def _crop_call(B, L, C, crop_len):
    info = plsc.get_sparse_core_info()
    NC, NS, NL = info.num_cores, info.num_subcores, info.num_lanes
    NW = NC * NS
    assert B % NL == 0
    TCH = 128 // B
    assert crop_len % TCH == 0
    NCHT = crop_len // TCH
    q, extra = divmod(NCHT, NW)
    NJ = q + (1 if extra else 0)
    NBUF = 3
    ROWS = TCH * B
    PADC = (q * (NW - 1) + min(NW - 1, extra)) + NJ

    mesh = plsc.VectorSubcoreMesh(core_axis_name="c", subcore_axis_name="s")

    @functools.partial(
        pl.kernel,
        mesh=mesh,
        compiler_params=pltpu.CompilerParams(needs_layout_passes=False),
        out_type=jax.ShapeDtypeStruct((crop_len * B, C), jnp.float32),
        scratch_types=[
            pltpu.VMEM((NJ * ROWS,), jnp.int32),
        ]
        + [pltpu.VMEM((ROWS, C), jnp.float32) for _ in range(NBUF)]
        + [pltpu.SemaphoreType.DMA for _ in range(2 * NBUF)],
    )
    def k(x2_hbm, idx_hbm, out_hbm, idx_v, *bufs_sems):
        bufs = bufs_sems[:NBUF]
        rsems = bufs_sems[NBUF : 2 * NBUF]
        wsems = bufs_sems[2 * NBUF :]
        wid = lax.axis_index("c") * NS + lax.axis_index("s")

        c0 = q * wid + jnp.minimum(wid, extra)
        pltpu.sync_copy(
            idx_hbm.at[pl.ds(pl.multiple_of(c0 * ROWS, ROWS), NJ * ROWS)], idx_v
        )

        def tc_of(j):
            return jnp.minimum(c0 + j, NCHT - 1)

        def rd(j):
            return pltpu.make_async_copy(
                x2_hbm.at[idx_v.at[pl.ds(j * ROWS, ROWS)]],
                bufs[j % NBUF],
                rsems[j % NBUF],
            )

        def wr(j):
            return pltpu.make_async_copy(
                bufs[j % NBUF],
                out_hbm.at[pl.ds(pl.multiple_of(tc_of(j) * ROWS, ROWS), ROWS), :],
                wsems[j % NBUF],
            )

        ahead = NBUF - 1
        for j in range(min(ahead, NJ)):
            rd(j).start()
        for j in range(NJ):
            rd(j).wait()
            wr(j).start()
            nxt = j + ahead
            if nxt < NJ:
                if nxt - NBUF >= 0:
                    wr(nxt - NBUF).wait()
                rd(nxt).start()
        for j in range(max(0, NJ - NBUF), NJ):
            wr(j).wait()

    return k, PADC * ROWS


def kernel(x):
    B, L, C = x.shape
    crop_len = int(L * CROP_RATIO)
    start = jax.random.randint(
        jax.random.key(1), (B,), 0, L - crop_len + 1
    ).astype(jnp.int32)
    call, pad_rows = _crop_call(B, L, C, crop_len)
    tch = 128 // B
    t = jnp.arange(pad_rows // B, dtype=jnp.int32)
    t = jnp.where(t >= crop_len, t - tch, t)
    g = jnp.arange(B, dtype=jnp.int32) * L + start
    idx = (g[None, :] + t[:, None]).reshape(-1)
    out2 = call(x.reshape(B * L, C), idx)
    return out2.reshape(crop_len, B, C).transpose(1, 0, 2)

# --- scband reference (transcript-rebuilt; emitter-appended) ---
"""Pipeline reference for scband-temporal-augmentation-19095424598125 (READ-ONLY COPY).

The authoritative reference and input builder live on the scoring server;
editing this copy changes nothing except your own understanding.
"""

import jax, jax.numpy as jnp
import numpy as np

CROP_RATIO = 0.8


def setup_inputs(seed: int = 0) -> dict:
    key = jax.random.key(seed)
    x = jax.random.normal(key, (32, 4096, 256), dtype=jnp.float32)
    return {"x": x}


def reference(x):
    # Faithful jax translation of TemporalAugmentation.forward with
    # augmentation_type='crop' (the default): random temporal cropping.
    # torch.randint start offsets are replaced by a deterministic jax PRNG.
    B, L, C = x.shape
    crop_len = int(L * CROP_RATIO)
    start_idx = jax.random.randint(jax.random.key(1), (B,), 0, L - crop_len + 1)
    # Gather the cropped window per batch element (vectorized version of the
    # python loop `cropped[i] = x[i, start_idx[i]:start_idx[i]+crop_len]`).
    b_idx = jnp.arange(B)[:, None]                                   # (B, 1)
    t_idx = start_idx[:, None] + jnp.arange(crop_len)[None, :]       # (B, crop_len)
    cropped = x[b_idx, t_idx, :]                                     # (B, crop_len, C)
    # Original forward returns (cropped, None); the auxiliary value is None,
    # so we return the augmented tensor.
    return cropped

if __name__ == "__main__":
    import jax
    _d = setup_inputs()
    print(jax.jit(kernel)(*tuple(_d.values())))

</pallas_src>

<mosaic_0001>
#map = affine_map<(d0, d1) -> (0, 0)>
#map1 = affine_map<(d0, d1) -> (0)>
module attributes {stable_mosaic.version = 14 : i64} {
  func.func @k(%arg0: i32, %arg1: i32, %arg2: memref<131072x256xf32, #tpu.memory_space<hbm>>, %arg3: memref<104960xi32, #tpu.memory_space<hbm>>, %arg4: memref<104832x256xf32, #tpu.memory_space<hbm>>, %arg5: memref<3328xi32, #tpu.memory_space<vmem>>, %arg6: memref<128x256xf32, #tpu.memory_space<vmem>>, %arg7: memref<128x256xf32, #tpu.memory_space<vmem>>, %arg8: memref<128x256xf32, #tpu.memory_space<vmem>>, %arg9: memref<!tpu.dma_semaphore, #tpu.memory_space<semaphore_mem>>, %arg10: memref<!tpu.dma_semaphore, #tpu.memory_space<semaphore_mem>>, %arg11: memref<!tpu.dma_semaphore, #tpu.memory_space<semaphore_mem>>, %arg12: memref<!tpu.dma_semaphore, #tpu.memory_space<semaphore_mem>>, %arg13: memref<!tpu.dma_semaphore, #tpu.memory_space<semaphore_mem>>, %arg14: memref<!tpu.dma_semaphore, #tpu.memory_space<semaphore_mem>>) attributes {dimension_semantics = [#tpu.dimension_semantics<core_parallel>, #tpu.dimension_semantics<subcore_parallel>], iteration_bounds = array<i64: 2, 16>, scalar_prefetch = 0 : i64, scratch_operands = 10 : i64, tpu.core_type = #tpu.core_type<sc_vector_subcore>, window_params = [{transform_indices = #map}, {transform_indices = #map1}, {transform_indices = #map}]} {
    %mul3A = arith.constant 16 : i32
    %mul3A_0 = arith.muli %arg0, %mul3A : i32
    %add3A = arith.addi %mul3A_0, %arg1 : i32
    %mul3A_1 = arith.constant 25 : i32
    %mul3A_2 = arith.muli %mul3A_1, %add3A : i32
    %min3A = arith.constant 19 : i32
    %min3A_3 = arith.minsi %add3A, %min3A : i32
    %add3A_4 = arith.addi %mul3A_2, %min3A_3 : i32
    %mul3A_5 = arith.constant 128 : i32
    %mul3A_6 = arith.muli %add3A_4, %mul3A_5 : i32
    %multiple_of3A = tpu.assume_multiple %mul3A_6, 128 : i32
    "tpu.region"() ({
      %run_scoped3A = tpu.sem_alloc : memref<!tpu.dma_semaphore, #tpu.memory_space<semaphore_mem>>
      %dma_start3A_837 = tpu.memref_slice %arg3[%multiple_of3A] : memref<104960xi32, #tpu.memory_space<hbm>> -> memref<3328xi32, #tpu.memory_space<hbm>>
      %dma_start3A_838 = tpu.memref_slice %arg3[%multiple_of3A] : memref<104960xi32, #tpu.memory_space<hbm>> -> memref<3328xi32, #tpu.memory_space<hbm>>
      tpu.enqueue_dma source(%dma_start3A_838 : memref<3328xi32, #tpu.memory_space<hbm>>) target(%arg5 : memref<3328xi32, #tpu.memory_space<vmem>>) target_semaphore(%run_scoped3A : memref<!tpu.dma_semaphore, #tpu.memory_space<semaphore_mem>>)
      %dma_wait3A_839 = tpu.memref_slice %arg3[%multiple_of3A] : memref<104960xi32, #tpu.memory_space<hbm>> -> memref<3328xi32, #tpu.memory_space<hbm>>
      %dma_wait3A_840 = tpu.memref_slice %arg3[%multiple_of3A] : memref<104960xi32, #tpu.memory_space<hbm>> -> memref<3328xi32, #tpu.memory_space<hbm>>
      tpu.wait_dma2 semaphore(%run_scoped3A : memref<!tpu.dma_semaphore, #tpu.memory_space<semaphore_mem>>) src(%dma_wait3A_840 : memref<3328xi32, #tpu.memory_space<hbm>>) dst(%arg5 : memref<3328xi32, #tpu.memory_space<vmem>>)
      tpu.yield
    }) : () -> ()
    %dma_start3A = arith.constant 0 : i32
    %dma_start3A_7 = tpu.memref_slice %arg5[%dma_start3A] : memref<3328xi32, #tpu.memory_space<vmem>> -> memref<128xi32, #tpu.memory_space<vmem>>
    %dma_start3A_8 = arith.constant 0 : i32
    %dma_start3A_9 = arith.constant 0 : i32
    %dma_start3A_10 = tpu.memref_slice %arg2[%dma_start3A_8, %dma_start3A_9] : memref<131072x256xf32, #tpu.memory_space<hbm>> -> memref<131072x256xf32, #tpu.memory_space<hbm>>
    tpu.enqueue_indirect_dma source(%dma_start3A_10 : memref<131072x256xf32, #tpu.memory_space<hbm>>) target(%arg6 : memref<128x256xf32, #tpu.memory_space<vmem>>) offsets(%dma_start3A_7 : memref<128xi32, #tpu.memory_space<vmem>>) semaphore(%arg9 : memref<!tpu.dma_semaphore, #tpu.memory_space<semaphore_mem>>)
    %dma_start3A_11 = arith.constant 128 : i32
    %dma_start3A_12 = tpu.memref_slice %arg5[%dma_start3A_11] : memref<3328xi32, #tpu.memory_space<vmem>> -> memref<128xi32, #tpu.memory_space<vmem>>
    %dma_start3A_13 = arith.constant 0 : i32
    %dma_start3A_14 = arith.constant 0 : i32
    %dma_start3A_15 = tpu.memref_slice %arg2[%dma_start3A_13, %dma_start3A_14] : memref<131072x256xf32, #tpu.memory_space<hbm>> -> memref<131072x256xf32, #tpu.memory_space<hbm>>
    tpu.enqueue_indirect_dma source(%dma_start3A_15 : memref<131072x256xf32, #tpu.memory_space<hbm>>) target(%arg7 : memref<128x256xf32, #tpu.memory_space<vmem>>) offsets(%dma_start3A_12 : memref<128xi32, #tpu.memory_space<vmem>>) semaphore(%arg10 : memref<!tpu.dma_semaphore, #tpu.memory_space<semaphore_mem>>)
    %dma_wait3A = arith.constant 0 : i32
    %dma_wait3A_16 = tpu.memref_slice %arg5[%dma_wait3A] : memref<3328xi32, #tpu.memory_space<vmem>> -> memref<128xi32, #tpu.memory_space<vmem>>
    %dma_wait3A_17 = arith.constant 0 : i32
    %dma_wait3A_18 = arith.constant 0 : i32
    %dma_wait3A_19 = tpu.memref_slice %arg2[%dma_wait3A_17, %dma_wait3A_18] : memref<131072x256xf32, #tpu.memory_space<hbm>> -> memref<131072x256xf32, #tpu.memory_space<hbm>>
    tpu.wait_indirect_dma semaphore(%arg9 : memref<!tpu.dma_semaphore, #tpu.memory_space<semaphore_mem>>) src(%dma_wait3A_19 : memref<131072x256xf32, #tpu.memory_space<hbm>>) dst(%arg6 : memref<128x256xf32, #tpu.memory_space<vmem>>)
    %add3A_20 = arith.constant 0 : i32
    %add3A_21 = arith.addi %add3A_4, %add3A_20 : i32
    %min3A_22 = arith.constant 818 : i32
    %min3A_23 = arith.minsi %add3A_21, %min3A_22 : i32
    %mul3A_24 = arith.constant 128 : i32
    %mul3A_25 = arith.muli %min3A_23, %mul3A_24 : i32
    %multiple_of3A_26 = tpu.assume_multiple %mul3A_25, 128 : i32
    %dma_start3A_27 = arith.constant 0 : i32
    %dma_start3A_28 = tpu.memref_slice %arg4[%multiple_of3A_26, %dma_start3A_27] : memref<104832x256xf32, #tpu.memory_space<hbm>> -> memref<128x256xf32, #tpu.memory_space<hbm>>
    %dma_start3A_29 = arith.constant 0 : i32
    %dma_start3A_30 = tpu.memref_slice %arg4[%multiple_of3A_26, %dma_start3A_29] : memref<104832x256xf32, #tpu.memory_space<hbm>> -> memref<128x256xf32, #tpu.memory_space<hbm>>
    tpu.enqueue_dma source(%arg6 : memref<128x256xf32, #tpu.memory_space<vmem>>) target(%dma_start3A_30 : memref<128x256xf32, #tpu.memory_space<hbm>>) target_semaphore(%arg12 : memref<!tpu.dma_semaphore, #tpu.memory_space<semaphore_mem>>)
    %dma_start3A_31 = arith.constant 256 : i32
    %dma_start3A_32 = tpu.memref_slice %arg5[%dma_start3A_31] : memref<3328xi32, #tpu.memory_space<vmem>> -> memref<128xi32, #tpu.memory_space<vmem>>
    %dma_start3A_33 = arith.constant 0 : i32
    %dma_start3A_34 = arith.constant 0 : i32
    %dma_start3A_35 = tpu.memref_slice %arg2[%dma_start3A_33, %dma_start3A_34] : memref<131072x256xf32, #tpu.memory_space<hbm>> -> memref<131072x256xf32, #tpu.memory_space<hbm>>
    tpu.enqueue_indirect_dma source(%dma_start3A_35 : memref<131072x256xf32, #tpu.memory_space<hbm>>) target(%arg8 : memref<128x256xf32, #tpu.memory_space<vmem>>) offsets(%dma_start3A_32 : memref<128xi32, #tpu.memory_space<vmem>>) semaphore(%arg11 : memref<!tpu.dma_semaphore, #tpu.memory_space<semaphore_mem>>)
    %dma_wait3A_36 = arith.constant 128 : i32
    %dma_wait3A_37 = tpu.memref_slice %arg5[%dma_wait3A_36] : memref<3328xi32, #tpu.memory_space<vmem>> -> memref<128xi32, #tpu.memory_space<vmem>>
    %dma_wait3A_38 = arith.constant 0 : i32
    %dma_wait3A_39 = arith.constant 0 : i32
    %dma_wait3A_40 = tpu.memref_slice %arg2[%dma_wait3A_38, %dma_wait3A_39] : memref<131072x256xf32, #tpu.memory_space<hbm>> -> memref<131072x256xf32, #tpu.memory_space<hbm>>
    tpu.wait_indirect_dma semaphore(%arg10 : memref<!tpu.dma_semaphore, #tpu.memory_space<semaphore_mem>>) src(%dma_wait3A_40 : memref<131072x256xf32, #tpu.memory_space<hbm>>) dst(%arg7 : memref<128x256xf32, #tpu.memory_space<vmem>>)
    %add3A_41 = arith.constant 1 : i32
    %add3A_42 = arith.addi %add3A_4, %add3A_41 : i32
    %min3A_43 = arith.constant 818 : i32
    %min3A_44 = arith.minsi %add3A_42, %min3A_43 : i32
    %mul3A_45 = arith.constant 128 : i32
    %mul3A_46 = arith.muli %min3A_44, %mul3A_45 : i32
    %multiple_of3A_47 = tpu.assume_multiple %mul3A_46, 128 : i32
    %dma_start3A_48 = arith.constant 0 : i32
    %dma_start3A_49 = tpu.memref_slice %arg4[%multiple_of3A_47, %dma_start3A_48] : memref<104832x256xf32, #tpu.memory_space<hbm>> -> memref<128x256xf32, #tpu.memory_space<hbm>>
    %dma_start3A_50 = arith.constant 0 : i32
    %dma_start3A_51 = tpu.memref_slice %arg4[%multiple_of3A_47, %dma_start3A_50] : memref<104832x256xf32, #tpu.memory_space<hbm>> -> memref<128x256xf32, #tpu.memory_space<hbm>>
    tpu.enqueue_dma source(%arg7 : memref<128x256xf32, #tpu.memory_space<vmem>>) target(%dma_start3A_51 : memref<128x256xf32, #tpu.memory_space<hbm>>) target_semaphore(%arg13 : memref<!tpu.dma_semaphore, #tpu.memory_space<semaphore_mem>>)
    %add3A_52 = arith.constant 0 : i32
    %add3A_53 = arith.addi %add3A_4, %add3A_52 : i32
    %min3A_54 = arith.constant 818 : i32
    %min3A_55 = arith.minsi %add3A_53, %min3A_54 : i32
    %mul3A_56 = arith.constant 128 : i32
    %mul3A_57 = arith.muli %min3A_55, %mul3A_56 : i32
    %multiple_of3A_58 = tpu.assume_multiple %mul3A_57, 128 : i32
    %dma_wait3A_59 = arith.constant 0 : i32
    %dma_wait3A_60 = tpu.memref_slice %arg4[%multiple_of3A_58, %dma_wait3A_59] : memref<104832x256xf32, #tpu.memory_space<hbm>> -> memref<128x256xf32, #tpu.memory_space<hbm>>
    %dma_wait3A_61 = arith.constant 0 : i32
    %dma_wait3A_62 = tpu.memref_slice %arg4[%multiple_of3A_58, %dma_wait3A_61] : memref<104832x256xf32, #tpu.memory_space<hbm>> -> memref<128x256xf32, #tpu.memory_space<hbm>>
    tpu.wait_dma2 semaphore(%arg12 : memref<!tpu.dma_semaphore, #tpu.memory_space<semaphore_mem>>) src(%arg6 : memref<128x256xf32, #tpu.memory_space<vmem>>) dst(%dma_wait3A_62 : memref<128x256xf32, #tpu.memory_space<hbm>>)
    %dma_start3A_63 = arith.constant 384 : i32
    %dma_start3A_64 = tpu.memref_slice %arg5[%dma_start3A_63] : memref<3328xi32, #tpu.memory_space<vmem>> -> memref<128xi32, #tpu.memory_space<vmem>>
    %dma_start3A_65 = arith.constant 0 : i32
    %dma_start3A_66 = arith.constant 0 : i32
    %dma_start3A_67 = tpu.memref_slice %arg2[%dma_start3A_65, %dma_start3A_66] : memref<131072x256xf32, #tpu.memory_space<hbm>> -> memref<131072x256xf32, #tpu.memory_space<hbm>>
    tpu.enqueue_indirect_dma source(%dma_start3A_67 : memref<131072x256xf32, #tpu.memory_space<hbm>>) target(%arg6 : memref<128x256xf32, #tpu.memory_space<vmem>>) offsets(%dma_start3A_64 : memref<128xi32, #tpu.memory_space<vmem>>) semaphore(%arg9 : memref<!tpu.dma_semaphore, #tpu.memory_space<semaphore_mem>>)
    %dma_wait3A_68 = arith.constant 256 : i32
    %dma_wait3A_69 = tpu.memref_slice %arg5[%dma_wait3A_68] : memref<3328xi32, #tpu.memory_space<vmem>> -> memref<128xi32, #tpu.memory_space<vmem>>
    %dma_wait3A_70 = arith.constant 0 : i32
    %dma_wait3A_71 = arith.constant 0 : i32
    %dma_wait3A_72 = tpu.memref_slice %arg2[%dma_wait3A_70, %dma_wait3A_71] : memref<131072x256xf32, #tpu.memory_space<hbm>> -> memref<131072x256xf32, #tpu.memory_space<hbm>>
    tpu.wait_indirect_dma semaphore(%arg11 : memref<!tpu.dma_semaphore, #tpu.memory_space<semaphore_mem>>) src(%dma_wait3A_72 : memref<131072x256xf32, #tpu.memory_space<hbm>>) dst(%arg8 : memref<128x256xf32, #tpu.memory_space<vmem>>)
    %add3A_73 = arith.constant 2 : i32
    %add3A_74 = arith.addi %add3A_4, %add3A_73 : i32
    %min3A_75 = arith.constant 818 : i32
    %min3A_76 = arith.minsi %add3A_74, %min3A_75 : i32
    %mul3A_77 = arith.constant 128 : i32
    %mul3A_78 = arith.muli %min3A_76, %mul3A_77 : i32
    %multiple_of3A_79 = tpu.assume_multiple %mul3A_78, 128 : i32
    %dma_start3A_80 = arith.constant 0 : i32
    %dma_start3A_81 = tpu.memref_slice %arg4[%multiple_of3A_79, %dma_start3A_80] : memref<104832x256xf32, #tpu.memory_space<hbm>> -> memref<128x256xf32, #tpu.memory_space<hbm>>
    %dma_start3A_82 = arith.constant 0 : i32
    %dma_start3A_83 = tpu.memref_slice %arg4[%multiple_of3A_79, %dma_start3A_82] : memref<104832x256xf32, #tpu.memory_space<hbm>> -> memref<128x256xf32, #tpu.memory_space<hbm>>
    tpu.enqueue_dma source(%arg8 : memref<128x256xf32, #tpu.memory_space<vmem>>) target(%dma_start3A_83 : memref<128x256xf32, #tpu.memory_space<hbm>>) target_semaphore(%arg14 : memref<!tpu.dma_semaphore, #tpu.memory_space<semaphore_mem>>)
    %add3A_84 = arith.constant 1 : i32
    %add3A_85 = arith.addi %add3A_4, %add3A_84 : i32
    %min3A_86 = arith.constant 818 : i32
    %min3A_87 = arith.minsi %add3A_85, %min3A_86 : i32
    %mul3A_88 = arith.constant 128 : i32
    %mul3A_89 = arith.muli %min3A_87, %mul3A_88 : i32
    %multiple_of3A_90 = tpu.assume_multiple %mul3A_89, 128 : i32
    %dma_wait3A_91 = arith.constant 0 : i32
    %dma_wait3A_92 = tpu.memref_slice %arg4[%multiple_of3A_90, %dma_wait3A_91] : memref<104832x256xf32, #tpu.memory_space<hbm>> -> memref<128x256xf32, #tpu.memory_space<hbm>>
    %dma_wait3A_93 = arith.constant 0 : i32
    %dma_wait3A_94 = tpu.memref_slice %arg4[%multiple_of3A_90, %dma_wait3A_93] : memref<104832x256xf32, #tpu.memory_space<hbm>> -> memref<128x256xf32, #tpu.memory_space<hbm>>
    tpu.wait_dma2 semaphore(%arg13 : memref<!tpu.dma_semaphore, #tpu.memory_space<semaphore_mem>>) src(%arg7 : memref<128x256xf32, #tpu.memory_space<vmem>>) dst(%dma_wait3A_94 : memref<128x256xf32, #tpu.memory_space<hbm>>)
    %dma_start3A_95 = arith.constant 512 : i32
    %dma_start3A_96 = tpu.memref_slice %arg5[%dma_start3A_95] : memref<3328xi32, #tpu.memory_space<vmem>> -> memref<128xi32, #tpu.memory_space<vmem>>
    %dma_start3A_97 = arith.constant 0 : i32
    %dma_start3A_98 = arith.constant 0 : i32
    %dma_start3A_99 = tpu.memref_slice %arg2[%dma_start3A_97, %dma_start3A_98] : memref<131072x256xf32, #tpu.memory_space<hbm>> -> memref<131072x256xf32, #tpu.memory_space<hbm>>
    tpu.enqueue_indirect_dma source(%dma_start3A_99 : memref<131072x256xf32, #tpu.memory_space<hbm>>) target(%arg7 : memref<128x256xf32, #tpu.memory_space<vmem>>) offsets(%dma_start3A_96 : memref<128xi32, #tpu.memory_space<vmem>>) semaphore(%arg10 : memref<!tpu.dma_semaphore, #tpu.memory_space<semaphore_mem>>)
    %dma_wait3A_100 = arith.constant 384 : i32
    %dma_wait3A_101 = tpu.memref_slice %arg5[%dma_wait3A_100] : memref<3328xi32, #tpu.memory_space<vmem>> -> memref<128xi32, #tpu.memory_space<vmem>>
    %dma_wait3A_102 = arith.constant 0 : i32
    %dma_wait3A_103 = arith.constant 0 : i32
    %dma_wait3A_104 = tpu.memref_slice %arg2[%dma_wait3A_102, %dma_wait3A_103] : memref<131072x256xf32, #tpu.memory_space<hbm>> -> memref<131072x256xf32, #tpu.memory_space<hbm>>
    tpu.wait_indirect_dma semaphore(%arg9 : memref<!tpu.dma_semaphore, #tpu.memory_space<semaphore_mem>>) src(%dma_wait3A_104 : memref<131072x256xf32, #tpu.memory_space<hbm>>) dst(%arg6 : memref<128x256xf32, #tpu.memory_space<vmem>>)
    %add3A_105 = arith.constant 3 : i32
    %add3A_106 = arith.addi %add3A_4, %add3A_105 : i32
    %min3A_107 = arith.constant 818 : i32
    %min3A_108 = arith.minsi %add3A_106, %min3A_107 : i32
    %mul3A_109 = arith.constant 128 : i32
    %mul3A_110 = arith.muli %min3A_108, %mul3A_109 : i32
    %multiple_of3A_111 = tpu.assume_multiple %mul3A_110, 128 : i32
    %dma_start3A_112 = arith.constant 0 : i32
    %dma_start3A_113 = tpu.memref_slice %arg4[%multiple_of3A_111, %dma_start3A_112] : memref<104832x256xf32, #tpu.memory_space<hbm>> -> memref<128x256xf32, #tpu.memory_space<hbm>>
    %dma_start3A_114 = arith.constant 0 : i32
    %dma_start3A_115 = tpu.memref_slice %arg4[%multiple_of3A_111, %dma_start3A_114] : memref<104832x256xf32, #tpu.memory_space<hbm>> -> memref<128x256xf32, #tpu.memory_space<hbm>>
    tpu.enqueue_dma source(%arg6 : memref<128x256xf32, #tpu.memory_space<vmem>>) target(%dma_start3A_115 : memref<128x256xf32, #tpu.memory_space<hbm>>) target_semaphore(%arg12 : memref<!tpu.dma_semaphore, #tpu.memory_space<semaphore_mem>>)
    %add3A_116 = arith.constant 2 : i32
    %add3A_117 = arith.addi %add3A_4, %add3A_116 : i32
    %min3A_118 = arith.constant 818 : i32
    %min3A_119 = arith.minsi %add3A_117, %min3A_118 : i32
    %mul3A_120 = arith.constant 128 : i32
    %mul3A_121 = arith.muli %min3A_119, %mul3A_120 : i32
    %multiple_of3A_122 = tpu.assume_multiple %mul3A_121, 128 : i32
    %dma_wait3A_123 = arith.constant 0 : i32
    %dma_wait3A_124 = tpu.memref_slice %arg4[%multiple_of3A_122, %dma_wait3A_123] : memref<104832x256xf32, #tpu.memory_space<hbm>> -> memref<128x256xf32, #tpu.memory_space<hbm>>
    %dma_wait3A_125 = arith.constant 0 : i32
    %dma_wait3A_126 = tpu.memref_slice %arg4[%multiple_of3A_122, %dma_wait3A_125] : memref<104832x256xf32, #tpu.memory_space<hbm>> -> memref<128x256xf32, #tpu.memory_space<hbm>>
    tpu.wait_dma2 semaphore(%arg14 : memref<!tpu.dma_semaphore, #tpu.memory_space<semaphore_mem>>) src(%arg8 : memref<128x256xf32, #tpu.memory_space<vmem>>) dst(%dma_wait3A_126 : memref<128x256xf32, #tpu.memory_space<hbm>>)
    %dma_start3A_127 = arith.constant 640 : i32
    %dma_start3A_128 = tpu.memref_slice %arg5[%dma_start3A_127] : memref<3328xi32, #tpu.memory_space<vmem>> -> memref<128xi32, #tpu.memory_space<vmem>>
    %dma_start3A_129 = arith.constant 0 : i32
    %dma_start3A_130 = arith.constant 0 : i32
    %dma_start3A_131 = tpu.memref_slice %arg2[%dma_start3A_129, %dma_start3A_130] : memref<131072x256xf32, #tpu.memory_space<hbm>> -> memref<131072x256xf32, #tpu.memory_space<hbm>>
    tpu.enqueue_indirect_dma source(%dma_start3A_131 : memref<131072x256xf32, #tpu.memory_space<hbm>>) target(%arg8 : memref<128x256xf32, #tpu.memory_space<vmem>>) offsets(%dma_start3A_128 : memref<128xi32, #tpu.memory_space<vmem>>) semaphore(%arg11 : memref<!tpu.dma_semaphore, #tpu.memory_space<semaphore_mem>>)
    %dma_wait3A_132 = arith.constant 512 : i32
    %dma_wait3A_133 = tpu.memref_slice %arg5[%dma_wait3A_132] : memref<3328xi32, #tpu.memory_space<vmem>> -> memref<128xi32, #tpu.memory_space<vmem>>
    %dma_wait3A_134 = arith.constant 0 : i32
    %dma_wait3A_135 = arith.constant 0 : i32
    %dma_wait3A_136 = tpu.memref_slice %arg2[%dma_wait3A_134, %dma_wait3A_135] : memref<131072x256xf32, #tpu.memory_space<hbm>> -> memref<131072x256xf32, #tpu.memory_space<hbm>>
    tpu.wait_indirect_dma semaphore(%arg10 : memref<!tpu.dma_semaphore, #tpu.memory_space<semaphore_mem>>) src(%dma_wait3A_136 : memref<131072x256xf32, #tpu.memory_space<hbm>>) dst(%arg7 : memref<128x256xf32, #tpu.memory_space<vmem>>)
    %add3A_137 = arith.constant 4 : i32
    %add3A_138 = arith.addi %add3A_4, %add3A_137 : i32
    %min3A_139 = arith.constant 818 : i32
    %min3A_140 = arith.minsi %add3A_138, %min3A_139 : i32
    %mul3A_141 = arith.constant 128 : i32
    %mul3A_142 = arith.muli %min3A_140, %mul3A_141 : i32
    %multiple_of3A_143 = tpu.assume_multiple %mul3A_142, 128 : i32
    %dma_start3A_144 = arith.constant 0 : i32
    %dma_start3A_145 = tpu.memref_slice %arg4[%multiple_of3A_143, %dma_start3A_144] : memref<104832x256xf32, #tpu.memory_space<hbm>> -> memref<128x256xf32, #tpu.memory_space<hbm>>
    %dma_start3A_146 = arith.constant 0 : i32
    %dma_start3A_147 = tpu.memref_slice %arg4[%multiple_of3A_143, %dma_start3A_146] : memref<104832x256xf32, #tpu.memory_space<hbm>> -> memref<128x256xf32, #tpu.memory_space<hbm>>
    tpu.enqueue_dma source(%arg7 : memref<128x256xf32, #tpu.memory_space<vmem>>) target(%dma_start3A_147 : memref<128x256xf32, #tpu.memory_space<hbm>>) target_semaphore(%arg13 : memref<!tpu.dma_semaphore, #tpu.memory_space<semaphore_mem>>)
    %add3A_148 = arith.constant 3 : i32
    %add3A_149 = arith.addi %add3A_4, %add3A_148 : i32
    %min3A_150 = arith.constant 818 : i32
    %min3A_151 = arith.minsi %add3A_149, %min3A_150 : i32
    %mul3A_152 = arith.constant 128 : i32
    %mul3A_153 = arith.muli %min3A_151, %mul3A_152 : i32
    %multiple_of3A_154 = tpu.assume_multiple %mul3A_153, 128 : i32
    %dma_wait3A_155 = arith.constant 0 : i32
    %dma_wait3A_156 = tpu.memref_slice %arg4[%multiple_of3A_154, %dma_wait3A_155] : memref<104832x256xf32, #tpu.memory_space<hbm>> -> memref<128x256xf32, #tpu.memory_space<hbm>>
    %dma_wait3A_157 = arith.constant 0 : i32
    %dma_wait3A_158 = tpu.memref_slice %arg4[%multiple_of3A_154, %dma_wait3A_157] : memref<104832x256xf32, #tpu.memory_space<hbm>> -> memref<128x256xf32, #tpu.memory_space<hbm>>
    tpu.wait_dma2 semaphore(%arg12 : memref<!tpu.dma_semaphore, #tpu.memory_space<semaphore_mem>>) src(%arg6 : memref<128x256xf32, #tpu.memory_space<vmem>>) dst(%dma_wait3A_158 : memref<128x256xf32, #tpu.memory_space<hbm>>)
    %dma_start3A_159 = arith.constant 768 : i32
    %dma_start3A_160 = tpu.memref_slice %arg5[%dma_start3A_159] : memref<3328xi32, #tpu.memory_space<vmem>> -> memref<128xi32, #tpu.memory_space<vmem>>
    %dma_start3A_161 = arith.constant 0 : i32
    %dma_start3A_162 = arith.constant 0 : i32
    %dma_start3A_163 = tpu.memref_slice %arg2[%dma_start3A_161, %dma_start3A_162] : memref<131072x256xf32, #tpu.memory_space<hbm>> -> memref<131072x256xf32, #tpu.memory_space<hbm>>
    tpu.enqueue_indirect_dma source(%dma_start3A_163 : memref<131072x256xf32, #tpu.memory_space<hbm>>) target(%arg6 : memref<128x256xf32, #tpu.memory_space<vmem>>) offsets(%dma_start3A_160 : memref<128xi32, #tpu.memory_space<vmem>>) semaphore(%arg9 : memref<!tpu.dma_semaphore, #tpu.memory_space<semaphore_mem>>)
    %dma_wait3A_164 = arith.constant 640 : i32
    %dma_wait3A_165 = tpu.memref_slice %arg5[%dma_wait3A_164] : memref<3328xi32, #tpu.memory_space<vmem>> -> memref<128xi32, #tpu.memory_space<vmem>>
    %dma_wait3A_166 = arith.constant 0 : i32
    %dma_wait3A_167 = arith.constant 0 : i32
    %dma_wait3A_168 = tpu.memref_slice %arg2[%dma_wait3A_166, %dma_wait3A_167] : memref<131072x256xf32, #tpu.memory_space<hbm>> -> memref<131072x256xf32, #tpu.memory_space<hbm>>
    tpu.wait_indirect_dma semaphore(%arg11 : memref<!tpu.dma_semaphore, #tpu.memory_space<semaphore_mem>>) src(%dma_wait3A_168 : memref<131072x256xf32, #tpu.memory_space<hbm>>) dst(%arg8 : memref<128x256xf32, #tpu.memory_space<vmem>>)
    %add3A_169 = arith.constant 5 : i32
    %add3A_170 = arith.addi %add3A_4, %add3A_169 : i32
    %min3A_171 = arith.constant 818 : i32
    %min3A_172 = arith.minsi %add3A_170, %min3A_171 : i32
    %mul3A_173 = arith.constant 128 : i32
    %mul3A_174 = arith.muli %min3A_172, %mul3A_173 : i32
    %multiple_of3A_175 = tpu.assume_multiple %mul3A_174, 128 : i32
    %dma_start3A_176 = arith.constant 0 : i32
    %dma_start3A_177 = tpu.memref_slice %arg4[%multiple_of3A_175, %dma_start3A_176] : memref<104832x256xf32, #tpu.memory_space<hbm>> -> memref<128x256xf32, #tpu.memory_space<hbm>>
    %dma_start3A_178 = arith.constant 0 : i32
    %dma_start3A_179 = tpu.memref_slice %arg4[%multiple_of3A_175, %dma_start3A_178] : memref<104832x256xf32, #tpu.memory_space<hbm>> -> memref<128x256xf32, #tpu.memory_space<hbm>>
    tpu.enqueue_dma source(%arg8 : memref<128x256xf32, #tpu.memory_space<vmem>>) target(%dma_start3A_179 : memref<128x256xf32, #tpu.memory_space<hbm>>) target_semaphore(%arg14 : memref<!tpu.dma_semaphore, #tpu.memory_space<semaphore_mem>>)
    %add3A_180 = arith.constant 4 : i32
    %add3A_181 = arith.addi %add3A_4, %add3A_180 : i32
    %min3A_182 = arith.constant 818 : i32
    %min3A_183 = arith.minsi %add3A_181, %min3A_182 : i32
    %mul3A_184 = arith.constant 128 : i32
    %mul3A_185 = arith.muli %min3A_183, %mul3A_184 : i32
    %multiple_of3A_186 = tpu.assume_multiple %mul3A_185, 128 : i32
    %dma_wait3A_187 = arith.constant 0 : i32
    %dma_wait3A_188 = tpu.memref_slice %arg4[%multiple_of3A_186, %dma_wait3A_187] : memref<104832x256xf32, #tpu.memory_space<hbm>> -> memref<128x256xf32, #tpu.memory_space<hbm>>
    %dma_wait3A_189 = arith.constant 0 : i32
    %dma_wait3A_190 = tpu.memref_slice %arg4[%multiple_of3A_186, %dma_wait3A_189] : memref<104832x256xf32, #tpu.memory_space<hbm>> -> memref<128x256xf32, #tpu.memory_space<hbm>>
    tpu.wait_dma2 semaphore(%arg13 : memref<!tpu.dma_semaphore, #tpu.memory_space<semaphore_mem>>) src(%arg7 : memref<128x256xf32, #tpu.memory_space<vmem>>) dst(%dma_wait3A_190 : memref<128x256xf32, #tpu.memory_space<hbm>>)
    %dma_start3A_191 = arith.constant 896 : i32
    %dma_start3A_192 = tpu.memref_slice %arg5[%dma_start3A_191] : memref<3328xi32, #tpu.memory_space<vmem>> -> memref<128xi32, #tpu.memory_space<vmem>>
    %dma_start3A_193 = arith.constant 0 : i32
    %dma_start3A_194 = arith.constant 0 : i32
    %dma_start3A_195 = tpu.memref_slice %arg2[%dma_start3A_193, %dma_start3A_194] : memref<131072x256xf32, #tpu.memory_space<hbm>> -> memref<131072x256xf32, #tpu.memory_space<hbm>>
    tpu.enqueue_indirect_dma source(%dma_start3A_195 : memref<131072x256xf32, #tpu.memory_space<hbm>>) target(%arg7 : memref<128x256xf32, #tpu.memory_space<vmem>>) offsets(%dma_start3A_192 : memref<128xi32, #tpu.memory_space<vmem>>) semaphore(%arg10 : memref<!tpu.dma_semaphore, #tpu.memory_space<semaphore_mem>>)
    %dma_wait3A_196 = arith.constant 768 : i32
    %dma_wait3A_197 = tpu.memref_slice %arg5[%dma_wait3A_196] : memref<3328xi32, #tpu.memory_space<vmem>> -> memref<128xi32, #tpu.memory_space<vmem>>
    %dma_wait3A_198 = arith.constant 0 : i32
    %dma_wait3A_199 = arith.constant 0 : i32
    %dma_wait3A_200 = tpu.memref_slice %arg2[%dma_wait3A_198, %dma_wait3A_199] : memref<131072x256xf32, #tpu.memory_space<hbm>> -> memref<131072x256xf32, #tpu.memory_space<hbm>>
    tpu.wait_indirect_dma semaphore(%arg9 : memref<!tpu.dma_semaphore, #tpu.memory_space<semaphore_mem>>) src(%dma_wait3A_200 : memref<131072x256xf32, #tpu.memory_space<hbm>>) dst(%arg6 : memref<128x256xf32, #tpu.memory_space<vmem>>)
    %add3A_201 = arith.constant 6 : i32
    %add3A_202 = arith.addi %add3A_4, %add3A_201 : i32
    %min3A_203 = arith.constant 818 : i32
    %min3A_204 = arith.minsi %add3A_202, %min3A_203 : i32
    %mul3A_205 = arith.constant 128 : i32
    %mul3A_206 = arith.muli %min3A_204, %mul3A_205 : i32
    %multiple_of3A_207 = tpu.assume_multiple %mul3A_206, 128 : i32
    %dma_start3A_208 = arith.constant 0 : i32
    %dma_start3A_209 = tpu.memref_slice %arg4[%multiple_of3A_207, %dma_start3A_208] : memref<104832x256xf32, #tpu.memory_space<hbm>> -> memref<128x256xf32, #tpu.memory_space<hbm>>
    %dma_start3A_210 = arith.constant 0 : i32
    %dma_start3A_211 = tpu.memref_slice %arg4[%multiple_of3A_207, %dma_start3A_210] : memref<104832x256xf32, #tpu.memory_space<hbm>> -> memref<128x256xf32, #tpu.memory_space<hbm>>
    tpu.enqueue_dma source(%arg6 : memref<128x256xf32, #tpu.memory_space<vmem>>) target(%dma_start3A_211 : memref<128x256xf32, #tpu.memory_space<hbm>>) target_semaphore(%arg12 : memref<!tpu.dma_semaphore, #tpu.memory_space<semaphore_mem>>)
    %add3A_212 = arith.constant 5 : i32
    %add3A_213 = arith.addi %add3A_4, %add3A_212 : i32
    %min3A_214 = arith.constant 818 : i32
    %min3A_215 = arith.minsi %add3A_213, %min3A_214 : i32
    %mul3A_216 = arith.constant 128 : i32
    %mul3A_217 = arith.muli %min3A_215, %mul3A_216 : i32
    %multiple_of3A_218 = tpu.assume_multiple %mul3A_217, 128 : i32
    %dma_wait3A_219 = arith.constant 0 : i32
    %dma_wait3A_220 = tpu.memref_slice %arg4[%multiple_of3A_218, %dma_wait3A_219] : memref<104832x256xf32, #tpu.memory_space<hbm>> -> memref<128x256xf32, #tpu.memory_space<hbm>>
    %dma_wait3A_221 = arith.constant 0 : i32
    %dma_wait3A_222 = tpu.memref_slice %arg4[%multiple_of3A_218, %dma_wait3A_221] : memref<104832x256xf32, #tpu.memory_space<hbm>> -> memref<128x256xf32, #tpu.memory_space<hbm>>
    tpu.wait_dma2 semaphore(%arg14 : memref<!tpu.dma_semaphore, #tpu.memory_space<semaphore_mem>>) src(%arg8 : memref<128x256xf32, #tpu.memory_space<vmem>>) dst(%dma_wait3A_222 : memref<128x256xf32, #tpu.memory_space<hbm>>)
    %dma_start3A_223 = arith.constant 1024 : i32
    %dma_start3A_224 = tpu.memref_slice %arg5[%dma_start3A_223] : memref<3328xi32, #tpu.memory_space<vmem>> -> memref<128xi32, #tpu.memory_space<vmem>>
    %dma_start3A_225 = arith.constant 0 : i32
    %dma_start3A_226 = arith.constant 0 : i32
    %dma_start3A_227 = tpu.memref_slice %arg2[%dma_start3A_225, %dma_start3A_226] : memref<131072x256xf32, #tpu.memory_space<hbm>> -> memref<131072x256xf32, #tpu.memory_space<hbm>>
    tpu.enqueue_indirect_dma source(%dma_start3A_227 : memref<131072x256xf32, #tpu.memory_space<hbm>>) target(%arg8 : memref<128x256xf32, #tpu.memory_space<vmem>>) offsets(%dma_start3A_224 : memref<128xi32, #tpu.memory_space<vmem>>) semaphore(%arg11 : memref<!tpu.dma_semaphore, #tpu.memory_space<semaphore_mem>>)
    %dma_wait3A_228 = arith.constant 896 : i32
    %dma_wait3A_229 = tpu.memref_slice %arg5[%dma_wait3A_228] : memref<3328xi32, #tpu.memory_space<vmem>> -> memref<128xi32, #tpu.memory_space<vmem>>
    %dma_wait3A_230 = arith.constant 0 : i32
    %dma_wait3A_231 = arith.constant 0 : i32
    %dma_wait3A_232 = tpu.memref_slice %arg2[%dma_wait3A_230, %dma_wait3A_231] : memref<131072x256xf32, #tpu.memory_space<hbm>> -> memref<131072x256xf32, #tpu.memory_space<hbm>>
    tpu.wait_indirect_dma semaphore(%arg10 : memref<!tpu.dma_semaphore, #tpu.memory_space<semaphore_mem>>) src(%dma_wait3A_232 : memref<131072x256xf32, #tpu.memory_space<hbm>>) dst(%arg7 : memref<128x256xf32, #tpu.memory_space<vmem>>)
    %add3A_233 = arith.constant 7 : i32
    %add3A_234 = arith.addi %add3A_4, %add3A_233 : i32
    %min3A_235 = arith.constant 818 : i32
    %min3A_236 = arith.minsi %add3A_234, %min3A_235 : i32
    %mul3A_237 = arith.constant 128 : i32
    %mul3A_238 = arith.muli %min3A_236, %mul3A_237 : i32
    %multiple_of3A_239 = tpu.assume_multiple %mul3A_238, 128 : i32
    %dma_start3A_240 = arith.constant 0 : i32
    %dma_start3A_241 = tpu.memref_slice %arg4[%multiple_of3A_239, %dma_start3A_240] : memref<104832x256xf32, #tpu.memory_space<hbm>> -> memref<128x256xf32, #tpu.memory_space<hbm>>
    %dma_start3A_242 = arith.constant 0 : i32
    %dma_start3A_243 = tpu.memref_slice %arg4[%multiple_of3A_239, %dma_start3A_242] : memref<104832x256xf32, #tpu.memory_space<hbm>> -> memref<128x256xf32, #tpu.memory_space<hbm>>
    tpu.enqueue_dma source(%arg7 : memref<128x256xf32, #tpu.memory_space<vmem>>) target(%dma_start3A_243 : memref<128x256xf32, #tpu.memory_space<hbm>>) target_semaphore(%arg13 : memref<!tpu.dma_semaphore, #tpu.memory_space<semaphore_mem>>)
    %add3A_244 = arith.constant 6 : i32
    %add3A_245 = arith.addi %add3A_4, %add3A_244 : i32
    %min3A_246 = arith.constant 818 : i32
    %min3A_247 = arith.minsi %add3A_245, %min3A_246 : i32
    %mul3A_248 = arith.constant 128 : i32
    %mul3A_249 = arith.muli %min3A_247, %mul3A_248 : i32
    %multiple_of3A_250 = tpu.assume_multiple %mul3A_249, 128 : i32
    %dma_wait3A_251 = arith.constant 0 : i32
    %dma_wait3A_252 = tpu.memref_slice %arg4[%multiple_of3A_250, %dma_wait3A_251] : memref<104832x256xf32, #tpu.memory_space<hbm>> -> memref<128x256xf32, #tpu.memory_space<hbm>>
    %dma_wait3A_253 = arith.constant 0 : i32
    %dma_wait3A_254 = tpu.memref_slice %arg4[%multiple_of3A_250, %dma_wait3A_253] : memref<104832x256xf32, #tpu.memory_space<hbm>> -> memref<128x256xf32, #tpu.memory_space<hbm>>
    tpu.wait_dma2 semaphore(%arg12 : memref<!tpu.dma_semaphore, #tpu.memory_space<semaphore_mem>>) src(%arg6 : memref<128x256xf32, #tpu.memory_space<vmem>>) dst(%dma_wait3A_254 : memref<128x256xf32, #tpu.memory_space<hbm>>)
    %dma_start3A_255 = arith.constant 1152 : i32
    %dma_start3A_256 = tpu.memref_slice %arg5[%dma_start3A_255] : memref<3328xi32, #tpu.memory_space<vmem>> -> memref<128xi32, #tpu.memory_space<vmem>>
    %dma_start3A_257 = arith.constant 0 : i32
    %dma_start3A_258 = arith.constant 0 : i32
    %dma_start3A_259 = tpu.memref_slice %arg2[%dma_start3A_257, %dma_start3A_258] : memref<131072x256xf32, #tpu.memory_space<hbm>> -> memref<131072x256xf32, #tpu.memory_space<hbm>>
    tpu.enqueue_indirect_dma source(%dma_start3A_259 : memref<131072x256xf32, #tpu.memory_space<hbm>>) target(%arg6 : memref<128x256xf32, #tpu.memory_space<vmem>>) offsets(%dma_start3A_256 : memref<128xi32, #tpu.memory_space<vmem>>) semaphore(%arg9 : memref<!tpu.dma_semaphore, #tpu.memory_space<semaphore_mem>>)
    %dma_wait3A_260 = arith.constant 1024 : i32
    %dma_wait3A_261 = tpu.memref_slice %arg5[%dma_wait3A_260] : memref<3328xi32, #tpu.memory_space<vmem>> -> memref<128xi32, #tpu.memory_space<vmem>>
    %dma_wait3A_262 = arith.constant 0 : i32
    %dma_wait3A_263 = arith.constant 0 : i32
    %dma_wait3A_264 = tpu.memref_slice %arg2[%dma_wait3A_262, %dma_wait3A_263] : memref<131072x256xf32, #tpu.memory_space<hbm>> -> memref<131072x256xf32, #tpu.memory_space<hbm>>
    tpu.wait_indirect_dma semaphore(%arg11 : memref<!tpu.dma_semaphore, #tpu.memory_space<semaphore_mem>>) src(%dma_wait3A_264 : memref<131072x256xf32, #tpu.memory_space<hbm>>) dst(%arg8 : memref<128x256xf32, #tpu.memory_space<vmem>>)
    %add3A_265 = arith.constant 8 : i32
    %add3A_266 = arith.addi %add3A_4, %add3A_265 : i32
    %min3A_267 = arith.constant 818 : i32
    %min3A_268 = arith.minsi %add3A_266, %min3A_267 : i32
    %mul3A_269 = arith.constant 128 : i32
    %mul3A_270 = arith.muli %min3A_268, %mul3A_269 : i32
    %multiple_of3A_271 = tpu.assume_multiple %mul3A_270, 128 : i32
    %dma_start3A_272 = arith.constant 0 : i32
    %dma_start3A_273 = tpu.memref_slice %arg4[%multiple_of3A_271, %dma_start3A_272] : memref<104832x256xf32, #tpu.memory_space<hbm>> -> memref<128x256xf32, #tpu.memory_space<hbm>>
    %dma_start3A_274 = arith.constant 0 : i32
    %dma_start3A_275 = tpu.memref_slice %arg4[%multiple_of3A_271, %dma_start3A_274] : memref<104832x256xf32, #tpu.memory_space<hbm>> -> memref<128x256xf32, #tpu.memory_space<hbm>>
    tpu.enqueue_dma source(%arg8 : memref<128x256xf32, #tpu.memory_space<vmem>>) target(%dma_start3A_275 : memref<128x256xf32, #tpu.memory_space<hbm>>) target_semaphore(%arg14 : memref<!tpu.dma_semaphore, #tpu.memory_space<semaphore_mem>>)
    %add3A_276 = arith.constant 7 : i32
    %add3A_277 = arith.addi %add3A_4, %add3A_276 : i32
    %min3A_278 = arith.constant 818 : i32
    %min3A_279 = arith.minsi %add3A_277, %min3A_278 : i32
    %mul3A_280 = arith.constant 128 : i32
    %mul3A_281 = arith.muli %min3A_279, %mul3A_280 : i32
    %multiple_of3A_282 = tpu.assume_multiple %mul3A_281, 128 : i32
    %dma_wait3A_283 = arith.constant 0 : i32
    %dma_wait3A_284 = tpu.memref_slice %arg4[%multiple_of3A_282, %dma_wait3A_283] : memref<104832x256xf32, #tpu.memory_space<hbm>> -> memref<128x256xf32, #tpu.memory_space<hbm>>
    %dma_wait3A_285 = arith.constant 0 : i32
    %dma_wait3A_286 = tpu.memref_slice %arg4[%multiple_of3A_282, %dma_wait3A_285] : memref<104832x256xf32, #tpu.memory_space<hbm>> -> memref<128x256xf32, #tpu.memory_space<hbm>>
    tpu.wait_dma2 semaphore(%arg13 : memref<!tpu.dma_semaphore, #tpu.memory_space<semaphore_mem>>) src(%arg7 : memref<128x256xf32, #tpu.memory_space<vmem>>) dst(%dma_wait3A_286 : memref<128x256xf32, #tpu.memory_space<hbm>>)
    %dma_start3A_287 = arith.constant 1280 : i32
    %dma_start3A_288 = tpu.memref_slice %arg5[%dma_start3A_287] : memref<3328xi32, #tpu.memory_space<vmem>> -> memref<128xi32, #tpu.memory_space<vmem>>
    %dma_start3A_289 = arith.constant 0 : i32
    %dma_start3A_290 = arith.constant 0 : i32
    %dma_start3A_291 = tpu.memref_slice %arg2[%dma_start3A_289, %dma_start3A_290] : memref<131072x256xf32, #tpu.memory_space<hbm>> -> memref<131072x256xf32, #tpu.memory_space<hbm>>
    tpu.enqueue_indirect_dma source(%dma_start3A_291 : memref<131072x256xf32, #tpu.memory_space<hbm>>) target(%arg7 : memref<128x256xf32, #tpu.memory_space<vmem>>) offsets(%dma_start3A_288 : memref<128xi32, #tpu.memory_space<vmem>>) semaphore(%arg10 : memref<!tpu.dma_semaphore, #tpu.memory_space<semaphore_mem>>)
    %dma_wait3A_292 = arith.constant 1152 : i32
    %dma_wait3A_293 = tpu.memref_slice %arg5[%dma_wait3A_292] : memref<3328xi32, #tpu.memory_space<vmem>> -> memref<128xi32, #tpu.memory_space<vmem>>
    %dma_wait3A_294 = arith.constant 0 : i32
    %dma_wait3A_295 = arith.constant 0 : i32
    %dma_wait3A_296 = tpu.memref_slice %arg2[%dma_wait3A_294, %dma_wait3A_295] : memref<131072x256xf32, #tpu.memory_space<hbm>> -> memref<131072x256xf32, #tpu.memory_space<hbm>>
    tpu.wait_indirect_dma semaphore(%arg9 : memref<!tpu.dma_semaphore, #tpu.memory_space<semaphore_mem>>) src(%dma_wait3A_296 : memref<131072x256xf32, #tpu.memory_space<hbm>>) dst(%arg6 : memref<128x256xf32, #tpu.memory_space<vmem>>)
    %add3A_297 = arith.constant 9 : i32
    %add3A_298 = arith.addi %add3A_4, %add3A_297 : i32
    %min3A_299 = arith.constant 818 : i32
    %min3A_300 = arith.minsi %add3A_298, %min3A_299 : i32
    %mul3A_301 = arith.constant 128 : i32
    %mul3A_302 = arith.muli %min3A_300, %mul3A_301 : i32
    %multiple_of3A_303 = tpu.assume_multiple %mul3A_302, 128 : i32
    %dma_start3A_304 = arith.constant 0 : i32
    %dma_start3A_305 = tpu.memref_slice %arg4[%multiple_of3A_303, %dma_start3A_304] : memref<104832x256xf32, #tpu.memory_space<hbm>> -> memref<128x256xf32, #tpu.memory_space<hbm>>
    %dma_start3A_306 = arith.constant 0 : i32
    %dma_start3A_307 = tpu.memref_slice %arg4[%multiple_of3A_303, %dma_start3A_306] : memref<104832x256xf32, #tpu.memory_space<hbm>> -> memref<128x256xf32, #tpu.memory_space<hbm>>
    tpu.enqueue_dma source(%arg6 : memref<128x256xf32, #tpu.memory_space<vmem>>) target(%dma_start3A_307 : memref<128x256xf32, #tpu.memory_space<hbm>>) target_semaphore(%arg12 : memref<!tpu.dma_semaphore, #tpu.memory_space<semaphore_mem>>)
    %add3A_308 = arith.constant 8 : i32
    %add3A_309 = arith.addi %add3A_4, %add3A_308 : i32
    %min3A_310 = arith.constant 818 : i32
    %min3A_311 = arith.minsi %add3A_309, %min3A_310 : i32
    %mul3A_312 = arith.constant 128 : i32
    %mul3A_313 = arith.muli %min3A_311, %mul3A_312 : i32
    %multiple_of3A_314 = tpu.assume_multiple %mul3A_313, 128 : i32
    %dma_wait3A_315 = arith.constant 0 : i32
    %dma_wait3A_316 = tpu.memref_slice %arg4[%multiple_of3A_314, %dma_wait3A_315] : memref<104832x256xf32, #tpu.memory_space<hbm>> -> memref<128x256xf32, #tpu.memory_space<hbm>>
    %dma_wait3A_317 = arith.constant 0 : i32
    %dma_wait3A_318 = tpu.memref_slice %arg4[%multiple_of3A_314, %dma_wait3A_317] : memref<104832x256xf32, #tpu.memory_space<hbm>> -> memref<128x256xf32, #tpu.memory_space<hbm>>
    tpu.wait_dma2 semaphore(%arg14 : memref<!tpu.dma_semaphore, #tpu.memory_space<semaphore_mem>>) src(%arg8 : memref<128x256xf32, #tpu.memory_space<vmem>>) dst(%dma_wait3A_318 : memref<128x256xf32, #tpu.memory_space<hbm>>)
    %dma_start3A_319 = arith.constant 1408 : i32
    %dma_start3A_320 = tpu.memref_slice %arg5[%dma_start3A_319] : memref<3328xi32, #tpu.memory_space<vmem>> -> memref<128xi32, #tpu.memory_space<vmem>>
    %dma_start3A_321 = arith.constant 0 : i32
    %dma_start3A_322 = arith.constant 0 : i32
    %dma_start3A_323 = tpu.memref_slice %arg2[%dma_start3A_321, %dma_start3A_322] : memref<131072x256xf32, #tpu.memory_space<hbm>> -> memref<131072x256xf32, #tpu.memory_space<hbm>>
    tpu.enqueue_indirect_dma source(%dma_start3A_323 : memref<131072x256xf32, #tpu.memory_space<hbm>>) target(%arg8 : memref<128x256xf32, #tpu.memory_space<vmem>>) offsets(%dma_start3A_320 : memref<128xi32, #tpu.memory_space<vmem>>) semaphore(%arg11 : memref<!tpu.dma_semaphore, #tpu.memory_space<semaphore_mem>>)
    %dma_wait3A_324 = arith.constant 1280 : i32
    %dma_wait3A_325 = tpu.memref_slice %arg5[%dma_wait3A_324] : memref<3328xi32, #tpu.memory_space<vmem>> -> memref<128xi32, #tpu.memory_space<vmem>>
    %dma_wait3A_326 = arith.constant 0 : i32
    %dma_wait3A_327 = arith.constant 0 : i32
    %dma_wait3A_328 = tpu.memref_slice %arg2[%dma_wait3A_326, %dma_wait3A_327] : memref<131072x256xf32, #tpu.memory_space<hbm>> -> memref<131072x256xf32, #tpu.memory_space<hbm>>
    tpu.wait_indirect_dma semaphore(%arg10 : memref<!tpu.dma_semaphore, #tpu.memory_space<semaphore_mem>>) src(%dma_wait3A_328 : memref<131072x256xf32, #tpu.memory_space<hbm>>) dst(%arg7 : memref<128x256xf32, #tpu.memory_space<vmem>>)
    %add3A_329 = arith.constant 10 : i32
    %add3A_330 = arith.addi %add3A_4, %add3A_329 : i32
    %min3A_331 = arith.constant 818 : i32
    %min3A_332 = arith.minsi %add3A_330, %min3A_331 : i32
    %mul3A_333 = arith.constant 128 : i32
    %mul3A_334 = arith.muli %min3A_332, %mul3A_333 : i32
    %multiple_of3A_335 = tpu.assume_multiple %mul3A_334, 128 : i32
    %dma_start3A_336 = arith.constant 0 : i32
    %dma_start3A_337 = tpu.memref_slice %arg4[%multiple_of3A_335, %dma_start3A_336] : memref<104832x256xf32, #tpu.memory_space<hbm>> -> memref<128x256xf32, #tpu.memory_space<hbm>>
    %dma_start3A_338 = arith.constant 0 : i32
    %dma_start3A_339 = tpu.memref_slice %arg4[%multiple_of3A_335, %dma_start3A_338] : memref<104832x256xf32, #tpu.memory_space<hbm>> -> memref<128x256xf32, #tpu.memory_space<hbm>>
    tpu.enqueue_dma source(%arg7 : memref<128x256xf32, #tpu.memory_space<vmem>>) target(%dma_start3A_339 : memref<128x256xf32, #tpu.memory_space<hbm>>) target_semaphore(%arg13 : memref<!tpu.dma_semaphore, #tpu.memory_space<semaphore_mem>>)
    %add3A_340 = arith.constant 9 : i32
    %add3A_341 = arith.addi %add3A_4, %add3A_340 : i32
    %min3A_342 = arith.constant 818 : i32
    %min3A_343 = arith.minsi %add3A_341, %min3A_342 : i32
    %mul3A_344 = arith.constant 128 : i32
    %mul3A_345 = arith.muli %min3A_343, %mul3A_344 : i32
    %multiple_of3A_346 = tpu.assume_multiple %mul3A_345, 128 : i32
    %dma_wait3A_347 = arith.constant 0 : i32
    %dma_wait3A_348 = tpu.memref_slice %arg4[%multiple_of3A_346, %dma_wait3A_347] : memref<104832x256xf32, #tpu.memory_space<hbm>> -> memref<128x256xf32, #tpu.memory_space<hbm>>
    %dma_wait3A_349 = arith.constant 0 : i32
    %dma_wait3A_350 = tpu.memref_slice %arg4[%multiple_of3A_346, %dma_wait3A_349] : memref<104832x256xf32, #tpu.memory_space<hbm>> -> memref<128x256xf32, #tpu.memory_space<hbm>>
    tpu.wait_dma2 semaphore(%arg12 : memref<!tpu.dma_semaphore, #tpu.memory_space<semaphore_mem>>) src(%arg6 : memref<128x256xf32, #tpu.memory_space<vmem>>) dst(%dma_wait3A_350 : memref<128x256xf32, #tpu.memory_space<hbm>>)
    %dma_start3A_351 = arith.constant 1536 : i32
    %dma_start3A_352 = tpu.memref_slice %arg5[%dma_start3A_351] : memref<3328xi32, #tpu.memory_space<vmem>> -> memref<128xi32, #tpu.memory_space<vmem>>
    %dma_start3A_353 = arith.constant 0 : i32
    %dma_start3A_354 = arith.constant 0 : i32
    %dma_start3A_355 = tpu.memref_slice %arg2[%dma_start3A_353, %dma_start3A_354] : memref<131072x256xf32, #tpu.memory_space<hbm>> -> memref<131072x256xf32, #tpu.memory_space<hbm>>
    tpu.enqueue_indirect_dma source(%dma_start3A_355 : memref<131072x256xf32, #tpu.memory_space<hbm>>) target(%arg6 : memref<128x256xf32, #tpu.memory_space<vmem>>) offsets(%dma_start3A_352 : memref<128xi32, #tpu.memory_space<vmem>>) semaphore(%arg9 : memref<!tpu.dma_semaphore, #tpu.memory_space<semaphore_mem>>)
    %dma_wait3A_356 = arith.constant 1408 : i32
    %dma_wait3A_357 = tpu.memref_slice %arg5[%dma_wait3A_356] : memref<3328xi32, #tpu.memory_space<vmem>> -> memref<128xi32, #tpu.memory_space<vmem>>
    %dma_wait3A_358 = arith.constant 0 : i32
    %dma_wait3A_359 = arith.constant 0 : i32
    %dma_wait3A_360 = tpu.memref_slice %arg2[%dma_wait3A_358, %dma_wait3A_359] : memref<131072x256xf32, #tpu.memory_space<hbm>> -> memref<131072x256xf32, #tpu.memory_space<hbm>>
    tpu.wait_indirect_dma semaphore(%arg11 : memref<!tpu.dma_semaphore, #tpu.memory_space<semaphore_mem>>) src(%dma_wait3A_360 : memref<131072x256xf32, #tpu.memory_space<hbm>>) dst(%arg8 : memref<128x256xf32, #tpu.memory_space<vmem>>)
    %add3A_361 = arith.constant 11 : i32
    %add3A_362 = arith.addi %add3A_4, %add3A_361 : i32
    %min3A_363 = arith.constant 818 : i32
    %min3A_364 = arith.minsi %add3A_362, %min3A_363 : i32
    %mul3A_365 = arith.constant 128 : i32
    %mul3A_366 = arith.muli %min3A_364, %mul3A_365 : i32
    %multiple_of3A_367 = tpu.assume_multiple %mul3A_366, 128 : i32
    %dma_start3A_368 = arith.constant 0 : i32
    %dma_start3A_369 = tpu.memref_slice %arg4[%multiple_of3A_367, %dma_start3A_368] : memref<104832x256xf32, #tpu.memory_space<hbm>> -> memref<128x256xf32, #tpu.memory_space<hbm>>
    %dma_start3A_370 = arith.constant 0 : i32
    %dma_start3A_371 = tpu.memref_slice %arg4[%multiple_of3A_367, %dma_start3A_370] : memref<104832x256xf32, #tpu.memory_space<hbm>> -> memref<128x256xf32, #tpu.memory_space<hbm>>
    tpu.enqueue_dma source(%arg8 : memref<128x256xf32, #tpu.memory_space<vmem>>) target(%dma_start3A_371 : memref<128x256xf32, #tpu.memory_space<hbm>>) target_semaphore(%arg14 : memref<!tpu.dma_semaphore, #tpu.memory_space<semaphore_mem>>)
    %add3A_372 = arith.constant 10 : i32
    %add3A_373 = arith.addi %add3A_4, %add3A_372 : i32
    %min3A_374 = arith.constant 818 : i32
    %min3A_375 = arith.minsi %add3A_373, %min3A_374 : i32
    %mul3A_376 = arith.constant 128 : i32
    %mul3A_377 = arith.muli %min3A_375, %mul3A_376 : i32
    %multiple_of3A_378 = tpu.assume_multiple %mul3A_377, 128 : i32
    %dma_wait3A_379 = arith.constant 0 : i32
    %dma_wait3A_380 = tpu.memref_slice %arg4[%multiple_of3A_378, %dma_wait3A_379] : memref<104832x256xf32, #tpu.memory_space<hbm>> -> memref<128x256xf32, #tpu.memory_space<hbm>>
    %dma_wait3A_381 = arith.constant 0 : i32
    %dma_wait3A_382 = tpu.memref_slice %arg4[%multiple_of3A_378, %dma_wait3A_381] : memref<104832x256xf32, #tpu.memory_space<hbm>> -> memref<128x256xf32, #tpu.memory_space<hbm>>
    tpu.wait_dma2 semaphore(%arg13 : memref<!tpu.dma_semaphore, #tpu.memory_space<semaphore_mem>>) src(%arg7 : memref<128x256xf32, #tpu.memory_space<vmem>>) dst(%dma_wait3A_382 : memref<128x256xf32, #tpu.memory_space<hbm>>)
    %dma_start3A_383 = arith.constant 1664 : i32
    %dma_start3A_384 = tpu.memref_slice %arg5[%dma_start3A_383] : memref<3328xi32, #tpu.memory_space<vmem>> -> memref<128xi32, #tpu.memory_space<vmem>>
    %dma_start3A_385 = arith.constant 0 : i32
    %dma_start3A_386 = arith.constant 0 : i32
    %dma_start3A_387 = tpu.memref_slice %arg2[%dma_start3A_385, %dma_start3A_386] : memref<131072x256xf32, #tpu.memory_space<hbm>> -> memref<131072x256xf32, #tpu.memory_space<hbm>>
    tpu.enqueue_indirect_dma source(%dma_start3A_387 : memref<131072x256xf32, #tpu.memory_space<hbm>>) target(%arg7 : memref<128x256xf32, #tpu.memory_space<vmem>>) offsets(%dma_start3A_384 : memref<128xi32, #tpu.memory_space<vmem>>) semaphore(%arg10 : memref<!tpu.dma_semaphore, #tpu.memory_space<semaphore_mem>>)
    %dma_wait3A_388 = arith.constant 1536 : i32
    %dma_wait3A_389 = tpu.memref_slice %arg5[%dma_wait3A_388] : memref<3328xi32, #tpu.memory_space<vmem>> -> memref<128xi32, #tpu.memory_space<vmem>>
    %dma_wait3A_390 = arith.constant 0 : i32
    %dma_wait3A_391 = arith.constant 0 : i32
    %dma_wait3A_392 = tpu.memref_slice %arg2[%dma_wait3A_390, %dma_wait3A_391] : memref<131072x256xf32, #tpu.memory_space<hbm>> -> memref<131072x256xf32, #tpu.memory_space<hbm>>
    tpu.wait_indirect_dma semaphore(%arg9 : memref<!tpu.dma_semaphore, #tpu.memory_space<semaphore_mem>>) src(%dma_wait3A_392 : memref<131072x256xf32, #tpu.memory_space<hbm>>) dst(%arg6 : memref<128x256xf32, #tpu.memory_space<vmem>>)
    %add3A_393 = arith.constant 12 : i32
    %add3A_394 = arith.addi %add3A_4, %add3A_393 : i32
    %min3A_395 = arith.constant 818 : i32
    %min3A_396 = arith.minsi %add3A_394, %min3A_395 : i32
    %mul3A_397 = arith.constant 128 : i32
    %mul3A_398 = arith.muli %min3A_396, %mul3A_397 : i32
    %multiple_of3A_399 = tpu.assume_multiple %mul3A_398, 128 : i32
    %dma_start3A_400 = arith.constant 0 : i32
    %dma_start3A_401 = tpu.memref_slice %arg4[%multiple_of3A_399, %dma_start3A_400] : memref<104832x256xf32, #tpu.memory_space<hbm>> -> memref<128x256xf32, #tpu.memory_space<hbm>>
    %dma_start3A_402 = arith.constant 0 : i32
    %dma_start3A_403 = tpu.memref_slice %arg4[%multiple_of3A_399, %dma_start3A_402] : memref<104832x256xf32, #tpu.memory_space<hbm>> -> memref<128x256xf32, #tpu.memory_space<hbm>>
    tpu.enqueue_dma source(%arg6 : memref<128x256xf32, #tpu.memory_space<vmem>>) target(%dma_start3A_403 : memref<128x256xf32, #tpu.memory_space<hbm>>) target_semaphore(%arg12 : memref<!tpu.dma_semaphore, #tpu.memory_space<semaphore_mem>>)
    %add3A_404 = arith.constant 11 : i32
    %add3A_405 = arith.addi %add3A_4, %add3A_404 : i32
    %min3A_406 = arith.constant 818 : i32
    %min3A_407 = arith.minsi %add3A_405, %min3A_406 : i32
    %mul3A_408 = arith.constant 128 : i32
    %mul3A_409 = arith.muli %min3A_407, %mul3A_408 : i32
    %multiple_of3A_410 = tpu.assume_multiple %mul3A_409, 128 : i32
    %dma_wait3A_411 = arith.constant 0 : i32
    %dma_wait3A_412 = tpu.memref_slice %arg4[%multiple_of3A_410, %dma_wait3A_411] : memref<104832x256xf32, #tpu.memory_space<hbm>> -> memref<128x256xf32, #tpu.memory_space<hbm>>
    %dma_wait3A_413 = arith.constant 0 : i32
    %dma_wait3A_414 = tpu.memref_slice %arg4[%multiple_of3A_410, %dma_wait3A_413] : memref<104832x256xf32, #tpu.memory_space<hbm>> -> memref<128x256xf32, #tpu.memory_space<hbm>>
    tpu.wait_dma2 semaphore(%arg14 : memref<!tpu.dma_semaphore, #tpu.memory_space<semaphore_mem>>) src(%arg8 : memref<128x256xf32, #tpu.memory_space<vmem>>) dst(%dma_wait3A_414 : memref<128x256xf32, #tpu.memory_space<hbm>>)
    %dma_start3A_415 = arith.constant 1792 : i32
    %dma_start3A_416 = tpu.memref_slice %arg5[%dma_start3A_415] : memref<3328xi32, #tpu.memory_space<vmem>> -> memref<128xi32, #tpu.memory_space<vmem>>
    %dma_start3A_417 = arith.constant 0 : i32
    %dma_start3A_418 = arith.constant 0 : i32
    %dma_start3A_419 = tpu.memref_slice %arg2[%dma_start3A_417, %dma_start3A_418] : memref<131072x256xf32, #tpu.memory_space<hbm>> -> memref<131072x256xf32, #tpu.memory_space<hbm>>
    tpu.enqueue_indirect_dma source(%dma_start3A_419 : memref<131072x256xf32, #tpu.memory_space<hbm>>) target(%arg8 : memref<128x256xf32, #tpu.memory_space<vmem>>) offsets(%dma_start3A_416 : memref<128xi32, #tpu.memory_space<vmem>>) semaphore(%arg11 : memref<!tpu.dma_semaphore, #tpu.memory_space<semaphore_mem>>)
    %dma_wait3A_420 = arith.constant 1664 : i32
    %dma_wait3A_421 = tpu.memref_slice %arg5[%dma_wait3A_420] : memref<3328xi32, #tpu.memory_space<vmem>> -> memref<128xi32, #tpu.memory_space<vmem>>
    %dma_wait3A_422 = arith.constant 0 : i32
    %dma_wait3A_423 = arith.constant 0 : i32
    %dma_wait3A_424 = tpu.memref_slice %arg2[%dma_wait3A_422, %dma_wait3A_423] : memref<131072x256xf32, #tpu.memory_space<hbm>> -> memref<131072x256xf32, #tpu.memory_space<hbm>>
    tpu.wait_indirect_dma semaphore(%arg10 : memref<!tpu.dma_semaphore, #tpu.memory_space<semaphore_mem>>) src(%dma_wait3A_424 : memref<131072x256xf32, #tpu.memory_space<hbm>>) dst(%arg7 : memref<128x256xf32, #tpu.memory_space<vmem>>)
    %add3A_425 = arith.constant 13 : i32
    %add3A_426 = arith.addi %add3A_4, %add3A_425 : i32
    %min3A_427 = arith.constant 818 : i32
    %min3A_428 = arith.minsi %add3A_426, %min3A_427 : i32
    %mul3A_429 = arith.constant 128 : i32
    %mul3A_430 = arith.muli %min3A_428, %mul3A_429 : i32
    %multiple_of3A_431 = tpu.assume_multiple %mul3A_430, 128 : i32
    %dma_start3A_432 = arith.constant 0 : i32
    %dma_start3A_433 = tpu.memref_slice %arg4[%multiple_of3A_431, %dma_start3A_432] : memref<104832x256xf32, #tpu.memory_space<hbm>> -> memref<128x256xf32, #tpu.memory_space<hbm>>
    %dma_start3A_434 = arith.constant 0 : i32
    %dma_start3A_435 = tpu.memref_slice %arg4[%multiple_of3A_431, %dma_start3A_434] : memref<104832x256xf32, #tpu.memory_space<hbm>> -> memref<128x256xf32, #tpu.memory_space<hbm>>
    tpu.enqueue_dma source(%arg7 : memref<128x256xf32, #tpu.memory_space<vmem>>) target(%dma_start3A_435 : memref<128x256xf32, #tpu.memory_space<hbm>>) target_semaphore(%arg13 : memref<!tpu.dma_semaphore, #tpu.memory_space<semaphore_mem>>)
    %add3A_436 = arith.constant 12 : i32
    %add3A_437 = arith.addi %add3A_4, %add3A_436 : i32
    %min3A_438 = arith.constant 818 : i32
    %min3A_439 = arith.minsi %add3A_437, %min3A_438 : i32
    %mul3A_440 = arith.constant 128 : i32
    %mul3A_441 = arith.muli %min3A_439, %mul3A_440 : i32
    %multiple_of3A_442 = tpu.assume_multiple %mul3A_441, 128 : i32
    %dma_wait3A_443 = arith.constant 0 : i32
    %dma_wait3A_444 = tpu.memref_slice %arg4[%multiple_of3A_442, %dma_wait3A_443] : memref<104832x256xf32, #tpu.memory_space<hbm>> -> memref<128x256xf32, #tpu.memory_space<hbm>>
    %dma_wait3A_445 = arith.constant 0 : i32
    %dma_wait3A_446 = tpu.memref_slice %arg4[%multiple_of3A_442, %dma_wait3A_445] : memref<104832x256xf32, #tpu.memory_space<hbm>> -> memref<128x256xf32, #tpu.memory_space<hbm>>
    tpu.wait_dma2 semaphore(%arg12 : memref<!tpu.dma_semaphore, #tpu.memory_space<semaphore_mem>>) src(%arg6 : memref<128x256xf32, #tpu.memory_space<vmem>>) dst(%dma_wait3A_446 : memref<128x256xf32, #tpu.memory_space<hbm>>)
    %dma_start3A_447 = arith.constant 1920 : i32
    %dma_start3A_448 = tpu.memref_slice %arg5[%dma_start3A_447] : memref<3328xi32, #tpu.memory_space<vmem>> -> memref<128xi32, #tpu.memory_space<vmem>>
    %dma_start3A_449 = arith.constant 0 : i32
    %dma_start3A_450 = arith.constant 0 : i32
    %dma_start3A_451 = tpu.memref_slice %arg2[%dma_start3A_449, %dma_start3A_450] : memref<131072x256xf32, #tpu.memory_space<hbm>> -> memref<131072x256xf32, #tpu.memory_space<hbm>>
    tpu.enqueue_indirect_dma source(%dma_start3A_451 : memref<131072x256xf32, #tpu.memory_space<hbm>>) target(%arg6 : memref<128x256xf32, #tpu.memory_space<vmem>>) offsets(%dma_start3A_448 : memref<128xi32, #tpu.memory_space<vmem>>) semaphore(%arg9 : memref<!tpu.dma_semaphore, #tpu.memory_space<semaphore_mem>>)
    %dma_wait3A_452 = arith.constant 1792 : i32
    %dma_wait3A_453 = tpu.memref_slice %arg5[%dma_wait3A_452] : memref<3328xi32, #tpu.memory_space<vmem>> -> memref<128xi32, #tpu.memory_space<vmem>>
    %dma_wait3A_454 = arith.constant 0 : i32
    %dma_wait3A_455 = arith.constant 0 : i32
    %dma_wait3A_456 = tpu.memref_slice %arg2[%dma_wait3A_454, %dma_wait3A_455] : memref<131072x256xf32, #tpu.memory_space<hbm>> -> memref<131072x256xf32, #tpu.memory_space<hbm>>
    tpu.wait_indirect_dma semaphore(%arg11 : memref<!tpu.dma_semaphore, #tpu.memory_space<semaphore_mem>>) src(%dma_wait3A_456 : memref<131072x256xf32, #tpu.memory_space<hbm>>) dst(%arg8 : memref<128x256xf32, #tpu.memory_space<vmem>>)
    %add3A_457 = arith.constant 14 : i32
    %add3A_458 = arith.addi %add3A_4, %add3A_457 : i32
    %min3A_459 = arith.constant 818 : i32
    %min3A_460 = arith.minsi %add3A_458, %min3A_459 : i32
    %mul3A_461 = arith.constant 128 : i32
    %mul3A_462 = arith.muli %min3A_460, %mul3A_461 : i32
    %multiple_of3A_463 = tpu.assume_multiple %mul3A_462, 128 : i32
    %dma_start3A_464 = arith.constant 0 : i32
    %dma_start3A_465 = tpu.memref_slice %arg4[%multiple_of3A_463, %dma_start3A_464] : memref<104832x256xf32, #tpu.memory_space<hbm>> -> memref<128x256xf32, #tpu.memory_space<hbm>>
    %dma_start3A_466 = arith.constant 0 : i32
    %dma_start3A_467 = tpu.memref_slice %arg4[%multiple_of3A_463, %dma_start3A_466] : memref<104832x256xf32, #tpu.memory_space<hbm>> -> memref<128x256xf32, #tpu.memory_space<hbm>>
    tpu.enqueue_dma source(%arg8 : memref<128x256xf32, #tpu.memory_space<vmem>>) target(%dma_start3A_467 : memref<128x256xf32, #tpu.memory_space<hbm>>) target_semaphore(%arg14 : memref<!tpu.dma_semaphore, #tpu.memory_space<semaphore_mem>>)
    %add3A_468 = arith.constant 13 : i32
    %add3A_469 = arith.addi %add3A_4, %add3A_468 : i32
    %min3A_470 = arith.constant 818 : i32
    %min3A_471 = arith.minsi %add3A_469, %min3A_470 : i32
    %mul3A_472 = arith.constant 128 : i32
    %mul3A_473 = arith.muli %min3A_471, %mul3A_472 : i32
    %multiple_of3A_474 = tpu.assume_multiple %mul3A_473, 128 : i32
    %dma_wait3A_475 = arith.constant 0 : i32
    %dma_wait3A_476 = tpu.memref_slice %arg4[%multiple_of3A_474, %dma_wait3A_475] : memref<104832x256xf32, #tpu.memory_space<hbm>> -> memref<128x256xf32, #tpu.memory_space<hbm>>
    %dma_wait3A_477 = arith.constant 0 : i32
    %dma_wait3A_478 = tpu.memref_slice %arg4[%multiple_of3A_474, %dma_wait3A_477] : memref<104832x256xf32, #tpu.memory_space<hbm>> -> memref<128x256xf32, #tpu.memory_space<hbm>>
    tpu.wait_dma2 semaphore(%arg13 : memref<!tpu.dma_semaphore, #tpu.memory_space<semaphore_mem>>) src(%arg7 : memref<128x256xf32, #tpu.memory_space<vmem>>) dst(%dma_wait3A_478 : memref<128x256xf32, #tpu.memory_space<hbm>>)
    %dma_start3A_479 = arith.constant 2048 : i32
    %dma_start3A_480 = tpu.memref_slice %arg5[%dma_start3A_479] : memref<3328xi32, #tpu.memory_space<vmem>> -> memref<128xi32, #tpu.memory_space<vmem>>
    %dma_start3A_481 = arith.constant 0 : i32
    %dma_start3A_482 = arith.constant 0 : i32
    %dma_start3A_483 = tpu.memref_slice %arg2[%dma_start3A_481, %dma_start3A_482] : memref<131072x256xf32, #tpu.memory_space<hbm>> -> memref<131072x256xf32, #tpu.memory_space<hbm>>
    tpu.enqueue_indirect_dma source(%dma_start3A_483 : memref<131072x256xf32, #tpu.memory_space<hbm>>) target(%arg7 : memref<128x256xf32, #tpu.memory_space<vmem>>) offsets(%dma_start3A_480 : memref<128xi32, #tpu.memory_space<vmem>>) semaphore(%arg10 : memref<!tpu.dma_semaphore, #tpu.memory_space<semaphore_mem>>)
    %dma_wait3A_484 = arith.constant 1920 : i32
    %dma_wait3A_485 = tpu.memref_slice %arg5[%dma_wait3A_484] : memref<3328xi32, #tpu.memory_space<vmem>> -> memref<128xi32, #tpu.memory_space<vmem>>
    %dma_wait3A_486 = arith.constant 0 : i32
    %dma_wait3A_487 = arith.constant 0 : i32
    %dma_wait3A_488 = tpu.memref_slice %arg2[%dma_wait3A_486, %dma_wait3A_487] : memref<131072x256xf32, #tpu.memory_space<hbm>> -> memref<131072x256xf32, #tpu.memory_space<hbm>>
    tpu.wait_indirect_dma semaphore(%arg9 : memref<!tpu.dma_semaphore, #tpu.memory_space<semaphore_mem>>) src(%dma_wait3A_488 : memref<131072x256xf32, #tpu.memory_space<hbm>>) dst(%arg6 : memref<128x256xf32, #tpu.memory_space<vmem>>)
    %add3A_489 = arith.constant 15 : i32
    %add3A_490 = arith.addi %add3A_4, %add3A_489 : i32
    %min3A_491 = arith.constant 818 : i32
    %min3A_492 = arith.minsi %add3A_490, %min3A_491 : i32
    %mul3A_493 = arith.constant 128 : i32
    %mul3A_494 = arith.muli %min3A_492, %mul3A_493 : i32
    %multiple_of3A_495 = tpu.assume_multiple %mul3A_494, 128 : i32
    %dma_start3A_496 = arith.constant 0 : i32
    %dma_start3A_497 = tpu.memref_slice %arg4[%multiple_of3A_495, %dma_start3A_496] : memref<104832x256xf32, #tpu.memory_space<hbm>> -> memref<128x256xf32, #tpu.memory_space<hbm>>
    %dma_start3A_498 = arith.constant 0 : i32
    %dma_start3A_499 = tpu.memref_slice %arg4[%multiple_of3A_495, %dma_start3A_498] : memref<104832x256xf32, #tpu.memory_space<hbm>> -> memref<128x256xf32, #tpu.memory_space<hbm>>
    tpu.enqueue_dma source(%arg6 : memref<128x256xf32, #tpu.memory_space<vmem>>) target(%dma_start3A_499 : memref<128x256xf32, #tpu.memory_space<hbm>>) target_semaphore(%arg12 : memref<!tpu.dma_semaphore, #tpu.memory_space<semaphore_mem>>)
    %add3A_500 = arith.constant 14 : i32
    %add3A_501 = arith.addi %add3A_4, %add3A_500 : i32
    %min3A_502 = arith.constant 818 : i32
    %min3A_503 = arith.minsi %add3A_501, %min3A_502 : i32
    %mul3A_504 = arith.constant 128 : i32
    %mul3A_505 = arith.muli %min3A_503, %mul3A_504 : i32
    %multiple_of3A_506 = tpu.assume_multiple %mul3A_505, 128 : i32
    %dma_wait3A_507 = arith.constant 0 : i32
    %dma_wait3A_508 = tpu.memref_slice %arg4[%multiple_of3A_506, %dma_wait3A_507] : memref<104832x256xf32, #tpu.memory_space<hbm>> -> memref<128x256xf32, #tpu.memory_space<hbm>>
    %dma_wait3A_509 = arith.constant 0 : i32
    %dma_wait3A_510 = tpu.memref_slice %arg4[%multiple_of3A_506, %dma_wait3A_509] : memref<104832x256xf32, #tpu.memory_space<hbm>> -> memref<128x256xf32, #tpu.memory_space<hbm>>
    tpu.wait_dma2 semaphore(%arg14 : memref<!tpu.dma_semaphore, #tpu.memory_space<semaphore_mem>>) src(%arg8 : memref<128x256xf32, #tpu.memory_space<vmem>>) dst(%dma_wait3A_510 : memref<128x256xf32, #tpu.memory_space<hbm>>)
    %dma_start3A_511 = arith.constant 2176 : i32
    %dma_start3A_512 = tpu.memref_slice %arg5[%dma_start3A_511] : memref<3328xi32, #tpu.memory_space<vmem>> -> memref<128xi32, #tpu.memory_space<vmem>>
    %dma_start3A_513 = arith.constant 0 : i32
    %dma_start3A_514 = arith.constant 0 : i32
    %dma_start3A_515 = tpu.memref_slice %arg2[%dma_start3A_513, %dma_start3A_514] : memref<131072x256xf32, #tpu.memory_space<hbm>> -> memref<131072x256xf32, #tpu.memory_space<hbm>>
    tpu.enqueue_indirect_dma source(%dma_start3A_515 : memref<131072x256xf32, #tpu.memory_space<hbm>>) target(%arg8 : memref<128x256xf32, #tpu.memory_space<vmem>>) offsets(%dma_start3A_512 : memref<128xi32, #tpu.memory_space<vmem>>) semaphore(%arg11 : memref<!tpu.dma_semaphore, #tpu.memory_space<semaphore_mem>>)
    %dma_wait3A_516 = arith.constant 2048 : i32
    %dma_wait3A_517 = tpu.memref_slice %arg5[%dma_wait3A_516] : memref<3328xi32, #tpu.memory_space<vmem>> -> memref<128xi32, #tpu.memory_space<vmem>>
    %dma_wait3A_518 = arith.constant 0 : i32
    %dma_wait3A_519 = arith.constant 0 : i32
    %dma_wait3A_520 = tpu.memref_slice %arg2[%dma_wait3A_518, %dma_wait3A_519] : memref<131072x256xf32, #tpu.memory_space<hbm>> -> memref<131072x256xf32, #tpu.memory_space<hbm>>
    tpu.wait_indirect_dma semaphore(%arg10 : memref<!tpu.dma_semaphore, #tpu.memory_space<semaphore_mem>>) src(%dma_wait3A_520 : memref<131072x256xf32, #tpu.memory_space<hbm>>) dst(%arg7 : memref<128x256xf32, #tpu.memory_space<vmem>>)
    %add3A_521 = arith.constant 16 : i32
    %add3A_522 = arith.addi %add3A_4, %add3A_521 : i32
    %min3A_523 = arith.constant 818 : i32
    %min3A_524 = arith.minsi %add3A_522, %min3A_523 : i32
    %mul3A_525 = arith.constant 128 : i32
    %mul3A_526 = arith.muli %min3A_524, %mul3A_525 : i32
    %multiple_of3A_527 = tpu.assume_multiple %mul3A_526, 128 : i32
    %dma_start3A_528 = arith.constant 0 : i32
    %dma_start3A_529 = tpu.memref_slice %arg4[%multiple_of3A_527, %dma_start3A_528] : memref<104832x256xf32, #tpu.memory_space<hbm>> -> memref<128x256xf32, #tpu.memory_space<hbm>>
    %dma_start3A_530 = arith.constant 0 : i32
    %dma_start3A_531 = tpu.memref_slice %arg4[%multiple_of3A_527, %dma_start3A_530] : memref<104832x256xf32, #tpu.memory_space<hbm>> -> memref<128x256xf32, #tpu.memory_space<hbm>>
    tpu.enqueue_dma source(%arg7 : memref<128x256xf32, #tpu.memory_space<vmem>>) target(%dma_start3A_531 : memref<128x256xf32, #tpu.memory_space<hbm>>) target_semaphore(%arg13 : memref<!tpu.dma_semaphore, #tpu.memory_space<semaphore_mem>>)
    %add3A_532 = arith.constant 15 : i32
    %add3A_533 = arith.addi %add3A_4, %add3A_532 : i32
    %min3A_534 = arith.constant 818 : i32
    %min3A_535 = arith.minsi %add3A_533, %min3A_534 : i32
    %mul3A_536 = arith.constant 128 : i32
    %mul3A_537 = arith.muli %min3A_535, %mul3A_536 : i32
    %multiple_of3A_538 = tpu.assume_multiple %mul3A_537, 128 : i32
    %dma_wait3A_539 = arith.constant 0 : i32
    %dma_wait3A_540 = tpu.memref_slice %arg4[%multiple_of3A_538, %dma_wait3A_539] : memref<104832x256xf32, #tpu.memory_space<hbm>> -> memref<128x256xf32, #tpu.memory_space<hbm>>
    %dma_wait3A_541 = arith.constant 0 : i32
    %dma_wait3A_542 = tpu.memref_slice %arg4[%multiple_of3A_538, %dma_wait3A_541] : memref<104832x256xf32, #tpu.memory_space<hbm>> -> memref<128x256xf32, #tpu.memory_space<hbm>>
    tpu.wait_dma2 semaphore(%arg12 : memref<!tpu.dma_semaphore, #tpu.memory_space<semaphore_mem>>) src(%arg6 : memref<128x256xf32, #tpu.memory_space<vmem>>) dst(%dma_wait3A_542 : memref<128x256xf32, #tpu.memory_space<hbm>>)
    %dma_start3A_543 = arith.constant 2304 : i32
    %dma_start3A_544 = tpu.memref_slice %arg5[%dma_start3A_543] : memref<3328xi32, #tpu.memory_space<vmem>> -> memref<128xi32, #tpu.memory_space<vmem>>
    %dma_start3A_545 = arith.constant 0 : i32
    %dma_start3A_546 = arith.constant 0 : i32
    %dma_start3A_547 = tpu.memref_slice %arg2[%dma_start3A_545, %dma_start3A_546] : memref<131072x256xf32, #tpu.memory_space<hbm>> -> memref<131072x256xf32, #tpu.memory_space<hbm>>
    tpu.enqueue_indirect_dma source(%dma_start3A_547 : memref<131072x256xf32, #tpu.memory_space<hbm>>) target(%arg6 : memref<128x256xf32, #tpu.memory_space<vmem>>) offsets(%dma_start3A_544 : memref<128xi32, #tpu.memory_space<vmem>>) semaphore(%arg9 : memref<!tpu.dma_semaphore, #tpu.memory_space<semaphore_mem>>)
    %dma_wait3A_548 = arith.constant 2176 : i32
    %dma_wait3A_549 = tpu.memref_slice %arg5[%dma_wait3A_548] : memref<3328xi32, #tpu.memory_space<vmem>> -> memref<128xi32, #tpu.memory_space<vmem>>
    %dma_wait3A_550 = arith.constant 0 : i32
    %dma_wait3A_551 = arith.constant 0 : i32
    %dma_wait3A_552 = tpu.memref_slice %arg2[%dma_wait3A_550, %dma_wait3A_551] : memref<131072x256xf32, #tpu.memory_space<hbm>> -> memref<131072x256xf32, #tpu.memory_space<hbm>>
    tpu.wait_indirect_dma semaphore(%arg11 : memref<!tpu.dma_semaphore, #tpu.memory_space<semaphore_mem>>) src(%dma_wait3A_552 : memref<131072x256xf32, #tpu.memory_space<hbm>>) dst(%arg8 : memref<128x256xf32, #tpu.memory_space<vmem>>)
    %add3A_553 = arith.constant 17 : i32
    %add3A_554 = arith.addi %add3A_4, %add3A_553 : i32
    %min3A_555 = arith.constant 818 : i32
    %min3A_556 = arith.minsi %add3A_554, %min3A_555 : i32
    %mul3A_557 = arith.constant 128 : i32
    %mul3A_558 = arith.muli %min3A_556, %mul3A_557 : i32
    %multiple_of3A_559 = tpu.assume_multiple %mul3A_558, 128 : i32
    %dma_start3A_560 = arith.constant 0 : i32
    %dma_start3A_561 = tpu.memref_slice %arg4[%multiple_of3A_559, %dma_start3A_560] : memref<104832x256xf32, #tpu.memory_space<hbm>> -> memref<128x256xf32, #tpu.memory_space<hbm>>
    %dma_start3A_562 = arith.constant 0 : i32
    %dma_start3A_563 = tpu.memref_slice %arg4[%multiple_of3A_559, %dma_start3A_562] : memref<104832x256xf32, #tpu.memory_space<hbm>> -> memref<128x256xf32, #tpu.memory_space<hbm>>
    tpu.enqueue_dma source(%arg8 : memref<128x256xf32, #tpu.memory_space<vmem>>) target(%dma_start3A_563 : memref<128x256xf32, #tpu.memory_space<hbm>>) target_semaphore(%arg14 : memref<!tpu.dma_semaphore, #tpu.memory_space<semaphore_mem>>)
    %add3A_564 = arith.constant 16 : i32
    %add3A_565 = arith.addi %add3A_4, %add3A_564 : i32
    %min3A_566 = arith.constant 818 : i32
    %min3A_567 = arith.minsi %add3A_565, %min3A_566 : i32
    %mul3A_568 = arith.constant 128 : i32
    %mul3A_569 = arith.muli %min3A_567, %mul3A_568 : i32
    %multiple_of3A_570 = tpu.assume_multiple %mul3A_569, 128 : i32
    %dma_wait3A_571 = arith.constant 0 : i32
    %dma_wait3A_572 = tpu.memref_slice %arg4[%multiple_of3A_570, %dma_wait3A_571] : memref<104832x256xf32, #tpu.memory_space<hbm>> -> memref<128x256xf32, #tpu.memory_space<hbm>>
    %dma_wait3A_573 = arith.constant 0 : i32
    %dma_wait3A_574 = tpu.memref_slice %arg4[%multiple_of3A_570, %dma_wait3A_573] : memref<104832x256xf32, #tpu.memory_space<hbm>> -> memref<128x256xf32, #tpu.memory_space<hbm>>
    tpu.wait_dma2 semaphore(%arg13 : memref<!tpu.dma_semaphore, #tpu.memory_space<semaphore_mem>>) src(%arg7 : memref<128x256xf32, #tpu.memory_space<vmem>>) dst(%dma_wait3A_574 : memref<128x256xf32, #tpu.memory_space<hbm>>)
    %dma_start3A_575 = arith.constant 2432 : i32
    %dma_start3A_576 = tpu.memref_slice %arg5[%dma_start3A_575] : memref<3328xi32, #tpu.memory_space<vmem>> -> memref<128xi32, #tpu.memory_space<vmem>>
    %dma_start3A_577 = arith.constant 0 : i32
    %dma_start3A_578 = arith.constant 0 : i32
    %dma_start3A_579 = tpu.memref_slice %arg2[%dma_start3A_577, %dma_start3A_578] : memref<131072x256xf32, #tpu.memory_space<hbm>> -> memref<131072x256xf32, #tpu.memory_space<hbm>>
    tpu.enqueue_indirect_dma source(%dma_start3A_579 : memref<131072x256xf32, #tpu.memory_space<hbm>>) target(%arg7 : memref<128x256xf32, #tpu.memory_space<vmem>>) offsets(%dma_start3A_576 : memref<128xi32, #tpu.memory_space<vmem>>) semaphore(%arg10 : memref<!tpu.dma_semaphore, #tpu.memory_space<semaphore_mem>>)
    %dma_wait3A_580 = arith.constant 2304 : i32
    %dma_wait3A_581 = tpu.memref_slice %arg5[%dma_wait3A_580] : memref<3328xi32, #tpu.memory_space<vmem>> -> memref<128xi32, #tpu.memory_space<vmem>>
    %dma_wait3A_582 = arith.constant 0 : i32
    %dma_wait3A_583 = arith.constant 0 : i32
    %dma_wait3A_584 = tpu.memref_slice %arg2[%dma_wait3A_582, %dma_wait3A_583] : memref<131072x256xf32, #tpu.memory_space<hbm>> -> memref<131072x256xf32, #tpu.memory_space<hbm>>
    tpu.wait_indirect_dma semaphore(%arg9 : memref<!tpu.dma_semaphore, #tpu.memory_space<semaphore_mem>>) src(%dma_wait3A_584 : memref<131072x256xf32, #tpu.memory_space<hbm>>) dst(%arg6 : memref<128x256xf32, #tpu.memory_space<vmem>>)
    %add3A_585 = arith.constant 18 : i32
    %add3A_586 = arith.addi %add3A_4, %add3A_585 : i32
    %min3A_587 = arith.constant 818 : i32
    %min3A_588 = arith.minsi %add3A_586, %min3A_587 : i32
    %mul3A_589 = arith.constant 128 : i32
    %mul3A_590 = arith.muli %min3A_588, %mul3A_589 : i32
    %multiple_of3A_591 = tpu.assume_multiple %mul3A_590, 128 : i32
    %dma_start3A_592 = arith.constant 0 : i32
    %dma_start3A_593 = tpu.memref_slice %arg4[%multiple_of3A_591, %dma_start3A_592] : memref<104832x256xf32, #tpu.memory_space<hbm>> -> memref<128x256xf32, #tpu.memory_space<hbm>>
    %dma_start3A_594 = arith.constant 0 : i32
    %dma_start3A_595 = tpu.memref_slice %arg4[%multiple_of3A_591, %dma_start3A_594] : memref<104832x256xf32, #tpu.memory_space<hbm>> -> memref<128x256xf32, #tpu.memory_space<hbm>>
    tpu.enqueue_dma source(%arg6 : memref<128x256xf32, #tpu.memory_space<vmem>>) target(%dma_start3A_595 : memref<128x256xf32, #tpu.memory_space<hbm>>) target_semaphore(%arg12 : memref<!tpu.dma_semaphore, #tpu.memory_space<semaphore_mem>>)
    %add3A_596 = arith.constant 17 : i32
    %add3A_597 = arith.addi %add3A_4, %add3A_596 : i32
    %min3A_598 = arith.constant 818 : i32
    %min3A_599 = arith.minsi %add3A_597, %min3A_598 : i32
    %mul3A_600 = arith.constant 128 : i32
    %mul3A_601 = arith.muli %min3A_599, %mul3A_600 : i32
    %multiple_of3A_602 = tpu.assume_multiple %mul3A_601, 128 : i32
    %dma_wait3A_603 = arith.constant 0 : i32
    %dma_wait3A_604 = tpu.memref_slice %arg4[%multiple_of3A_602, %dma_wait3A_603] : memref<104832x256xf32, #tpu.memory_space<hbm>> -> memref<128x256xf32, #tpu.memory_space<hbm>>
    %dma_wait3A_605 = arith.constant 0 : i32
    %dma_wait3A_606 = tpu.memref_slice %arg4[%multiple_of3A_602, %dma_wait3A_605] : memref<104832x256xf32, #tpu.memory_space<hbm>> -> memref<128x256xf32, #tpu.memory_space<hbm>>
    tpu.wait_dma2 semaphore(%arg14 : memref<!tpu.dma_semaphore, #tpu.memory_space<semaphore_mem>>) src(%arg8 : memref<128x256xf32, #tpu.memory_space<vmem>>) dst(%dma_wait3A_606 : memref<128x256xf32, #tpu.memory_space<hbm>>)
    %dma_start3A_607 = arith.constant 2560 : i32
    %dma_start3A_608 = tpu.memref_slice %arg5[%dma_start3A_607] : memref<3328xi32, #tpu.memory_space<vmem>> -> memref<128xi32, #tpu.memory_space<vmem>>
    %dma_start3A_609 = arith.constant 0 : i32
    %dma_start3A_610 = arith.constant 0 : i32
    %dma_start3A_611 = tpu.memref_slice %arg2[%dma_start3A_609, %dma_start3A_610] : memref<131072x256xf32, #tpu.memory_space<hbm>> -> memref<131072x256xf32, #tpu.memory_space<hbm>>
    tpu.enqueue_indirect_dma source(%dma_start3A_611 : memref<131072x256xf32, #tpu.memory_space<hbm>>) target(%arg8 : memref<128x256xf32, #tpu.memory_space<vmem>>) offsets(%dma_start3A_608 : memref<128xi32, #tpu.memory_space<vmem>>) semaphore(%arg11 : memref<!tpu.dma_semaphore, #tpu.memory_space<semaphore_mem>>)
    %dma_wait3A_612 = arith.constant 2432 : i32
    %dma_wait3A_613 = tpu.memref_slice %arg5[%dma_wait3A_612] : memref<3328xi32, #tpu.memory_space<vmem>> -> memref<128xi32, #tpu.memory_space<vmem>>
    %dma_wait3A_614 = arith.constant 0 : i32
    %dma_wait3A_615 = arith.constant 0 : i32
    %dma_wait3A_616 = tpu.memref_slice %arg2[%dma_wait3A_614, %dma_wait3A_615] : memref<131072x256xf32, #tpu.memory_space<hbm>> -> memref<131072x256xf32, #tpu.memory_space<hbm>>
    tpu.wait_indirect_dma semaphore(%arg10 : memref<!tpu.dma_semaphore, #tpu.memory_space<semaphore_mem>>) src(%dma_wait3A_616 : memref<131072x256xf32, #tpu.memory_space<hbm>>) dst(%arg7 : memref<128x256xf32, #tpu.memory_space<vmem>>)
    %add3A_617 = arith.constant 19 : i32
    %add3A_618 = arith.addi %add3A_4, %add3A_617 : i32
    %min3A_619 = arith.constant 818 : i32
    %min3A_620 = arith.minsi %add3A_618, %min3A_619 : i32
    %mul3A_621 = arith.constant 128 : i32
    %mul3A_622 = arith.muli %min3A_620, %mul3A_621 : i32
    %multiple_of3A_623 = tpu.assume_multiple %mul3A_622, 128 : i32
    %dma_start3A_624 = arith.constant 0 : i32
    %dma_start3A_625 = tpu.memref_slice %arg4[%multiple_of3A_623, %dma_start3A_624] : memref<104832x256xf32, #tpu.memory_space<hbm>> -> memref<128x256xf32, #tpu.memory_space<hbm>>
    %dma_start3A_626 = arith.constant 0 : i32
    %dma_start3A_627 = tpu.memref_slice %arg4[%multiple_of3A_623, %dma_start3A_626] : memref<104832x256xf32, #tpu.memory_space<hbm>> -> memref<128x256xf32, #tpu.memory_space<hbm>>
    tpu.enqueue_dma source(%arg7 : memref<128x256xf32, #tpu.memory_space<vmem>>) target(%dma_start3A_627 : memref<128x256xf32, #tpu.memory_space<hbm>>) target_semaphore(%arg13 : memref<!tpu.dma_semaphore, #tpu.memory_space<semaphore_mem>>)
    %add3A_628 = arith.constant 18 : i32
    %add3A_629 = arith.addi %add3A_4, %add3A_628 : i32
    %min3A_630 = arith.constant 818 : i32
    %min3A_631 = arith.minsi %add3A_629, %min3A_630 : i32
    %mul3A_632 = arith.constant 128 : i32
    %mul3A_633 = arith.muli %min3A_631, %mul3A_632 : i32
    %multiple_of3A_634 = tpu.assume_multiple %mul3A_633, 128 : i32
    %dma_wait3A_635 = arith.constant 0 : i32
    %dma_wait3A_636 = tpu.memref_slice %arg4[%multiple_of3A_634, %dma_wait3A_635] : memref<104832x256xf32, #tpu.memory_space<hbm>> -> memref<128x256xf32, #tpu.memory_space<hbm>>
    %dma_wait3A_637 = arith.constant 0 : i32
    %dma_wait3A_638 = tpu.memref_slice %arg4[%multiple_of3A_634, %dma_wait3A_637] : memref<104832x256xf32, #tpu.memory_space<hbm>> -> memref<128x256xf32, #tpu.memory_space<hbm>>
    tpu.wait_dma2 semaphore(%arg12 : memref<!tpu.dma_semaphore, #tpu.memory_space<semaphore_mem>>) src(%arg6 : memref<128x256xf32, #tpu.memory_space<vmem>>) dst(%dma_wait3A_638 : memref<128x256xf32, #tpu.memory_space<hbm>>)
    %dma_start3A_639 = arith.constant 2688 : i32
    %dma_start3A_640 = tpu.memref_slice %arg5[%dma_start3A_639] : memref<3328xi32, #tpu.memory_space<vmem>> -> memref<128xi32, #tpu.memory_space<vmem>>
    %dma_start3A_641 = arith.constant 0 : i32
    %dma_start3A_642 = arith.constant 0 : i32
    %dma_start3A_643 = tpu.memref_slice %arg2[%dma_start3A_641, %dma_start3A_642] : memref<131072x256xf32, #tpu.memory_space<hbm>> -> memref<131072x256xf32, #tpu.memory_space<hbm>>
    tpu.enqueue_indirect_dma source(%dma_start3A_643 : memref<131072x256xf32, #tpu.memory_space<hbm>>) target(%arg6 : memref<128x256xf32, #tpu.memory_space<vmem>>) offsets(%dma_start3A_640 : memref<128xi32, #tpu.memory_space<vmem>>) semaphore(%arg9 : memref<!tpu.dma_semaphore, #tpu.memory_space<semaphore_mem>>)
    %dma_wait3A_644 = arith.constant 2560 : i32
    %dma_wait3A_645 = tpu.memref_slice %arg5[%dma_wait3A_644] : memref<3328xi32, #tpu.memory_space<vmem>> -> memref<128xi32, #tpu.memory_space<vmem>>
    %dma_wait3A_646 = arith.constant 0 : i32
    %dma_wait3A_647 = arith.constant 0 : i32
    %dma_wait3A_648 = tpu.memref_slice %arg2[%dma_wait3A_646, %dma_wait3A_647] : memref<131072x256xf32, #tpu.memory_space<hbm>> -> memref<131072x256xf32, #tpu.memory_space<hbm>>
    tpu.wait_indirect_dma semaphore(%arg11 : memref<!tpu.dma_semaphore, #tpu.memory_space<semaphore_mem>>) src(%dma_wait3A_648 : memref<131072x256xf32, #tpu.memory_space<hbm>>) dst(%arg8 : memref<128x256xf32, #tpu.memory_space<vmem>>)
    %add3A_649 = arith.constant 20 : i32
    %add3A_650 = arith.addi %add3A_4, %add3A_649 : i32
    %min3A_651 = arith.constant 818 : i32
    %min3A_652 = arith.minsi %add3A_650, %min3A_651 : i32
    %mul3A_653 = arith.constant 128 : i32
    %mul3A_654 = arith.muli %min3A_652, %mul3A_653 : i32
    %multiple_of3A_655 = tpu.assume_multiple %mul3A_654, 128 : i32
    %dma_start3A_656 = arith.constant 0 : i32
    %dma_start3A_657 = tpu.memref_slice %arg4[%multiple_of3A_655, %dma_start3A_656] : memref<104832x256xf32, #tpu.memory_space<hbm>> -> memref<128x256xf32, #tpu.memory_space<hbm>>
    %dma_start3A_658 = arith.constant 0 : i32
    %dma_start3A_659 = tpu.memref_slice %arg4[%multiple_of3A_655, %dma_start3A_658] : memref<104832x256xf32, #tpu.memory_space<hbm>> -> memref<128x256xf32, #tpu.memory_space<hbm>>
    tpu.enqueue_dma source(%arg8 : memref<128x256xf32, #tpu.memory_space<vmem>>) target(%dma_start3A_659 : memref<128x256xf32, #tpu.memory_space<hbm>>) target_semaphore(%arg14 : memref<!tpu.dma_semaphore, #tpu.memory_space<semaphore_mem>>)
    %add3A_660 = arith.constant 19 : i32
    %add3A_661 = arith.addi %add3A_4, %add3A_660 : i32
    %min3A_662 = arith.constant 818 : i32
    %min3A_663 = arith.minsi %add3A_661, %min3A_662 : i32
    %mul3A_664 = arith.constant 128 : i32
    %mul3A_665 = arith.muli %min3A_663, %mul3A_664 : i32
    %multiple_of3A_666 = tpu.assume_multiple %mul3A_665, 128 : i32
    %dma_wait3A_667 = arith.constant 0 : i32
    %dma_wait3A_668 = tpu.memref_slice %arg4[%multiple_of3A_666, %dma_wait3A_667] : memref<104832x256xf32, #tpu.memory_space<hbm>> -> memref<128x256xf32, #tpu.memory_space<hbm>>
    %dma_wait3A_669 = arith.constant 0 : i32
    %dma_wait3A_670 = tpu.memref_slice %arg4[%multiple_of3A_666, %dma_wait3A_669] : memref<104832x256xf32, #tpu.memory_space<hbm>> -> memref<128x256xf32, #tpu.memory_space<hbm>>
    tpu.wait_dma2 semaphore(%arg13 : memref<!tpu.dma_semaphore, #tpu.memory_space<semaphore_mem>>) src(%arg7 : memref<128x256xf32, #tpu.memory_space<vmem>>) dst(%dma_wait3A_670 : memref<128x256xf32, #tpu.memory_space<hbm>>)
    %dma_start3A_671 = arith.constant 2816 : i32
    %dma_start3A_672 = tpu.memref_slice %arg5[%dma_start3A_671] : memref<3328xi32, #tpu.memory_space<vmem>> -> memref<128xi32, #tpu.memory_space<vmem>>
    %dma_start3A_673 = arith.constant 0 : i32
    %dma_start3A_674 = arith.constant 0 : i32
    %dma_start3A_675 = tpu.memref_slice %arg2[%dma_start3A_673, %dma_start3A_674] : memref<131072x256xf32, #tpu.memory_space<hbm>> -> memref<131072x256xf32, #tpu.memory_space<hbm>>
    tpu.enqueue_indirect_dma source(%dma_start3A_675 : memref<131072x256xf32, #tpu.memory_space<hbm>>) target(%arg7 : memref<128x256xf32, #tpu.memory_space<vmem>>) offsets(%dma_start3A_672 : memref<128xi32, #tpu.memory_space<vmem>>) semaphore(%arg10 : memref<!tpu.dma_semaphore, #tpu.memory_space<semaphore_mem>>)
    %dma_wait3A_676 = arith.constant 2688 : i32
    %dma_wait3A_677 = tpu.memref_slice %arg5[%dma_wait3A_676] : memref<3328xi32, #tpu.memory_space<vmem>> -> memref<128xi32, #tpu.memory_space<vmem>>
    %dma_wait3A_678 = arith.constant 0 : i32
    %dma_wait3A_679 = arith.constant 0 : i32
    %dma_wait3A_680 = tpu.memref_slice %arg2[%dma_wait3A_678, %dma_wait3A_679] : memref<131072x256xf32, #tpu.memory_space<hbm>> -> memref<131072x256xf32, #tpu.memory_space<hbm>>
    tpu.wait_indirect_dma semaphore(%arg9 : memref<!tpu.dma_semaphore, #tpu.memory_space<semaphore_mem>>) src(%dma_wait3A_680 : memref<131072x256xf32, #tpu.memory_space<hbm>>) dst(%arg6 : memref<128x256xf32, #tpu.memory_space<vmem>>)
    %add3A_681 = arith.constant 21 : i32
    %add3A_682 = arith.addi %add3A_4, %add3A_681 : i32
    %min3A_683 = arith.constant 818 : i32
    %min3A_684 = arith.minsi %add3A_682, %min3A_683 : i32
    %mul3A_685 = arith.constant 128 : i32
    %mul3A_686 = arith.muli %min3A_684, %mul3A_685 : i32
    %multiple_of3A_687 = tpu.assume_multiple %mul3A_686, 128 : i32
    %dma_start3A_688 = arith.constant 0 : i32
    %dma_start3A_689 = tpu.memref_slice %arg4[%multiple_of3A_687, %dma_start3A_688] : memref<104832x256xf32, #tpu.memory_space<hbm>> -> memref<128x256xf32, #tpu.memory_space<hbm>>
    %dma_start3A_690 = arith.constant 0 : i32
    %dma_start3A_691 = tpu.memref_slice %arg4[%multiple_of3A_687, %dma_start3A_690] : memref<104832x256xf32, #tpu.memory_space<hbm>> -> memref<128x256xf32, #tpu.memory_space<hbm>>
    tpu.enqueue_dma source(%arg6 : memref<128x256xf32, #tpu.memory_space<vmem>>) target(%dma_start3A_691 : memref<128x256xf32, #tpu.memory_space<hbm>>) target_semaphore(%arg12 : memref<!tpu.dma_semaphore, #tpu.memory_space<semaphore_mem>>)
    %add3A_692 = arith.constant 20 : i32
    %add3A_693 = arith.addi %add3A_4, %add3A_692 : i32
    %min3A_694 = arith.constant 818 : i32
    %min3A_695 = arith.minsi %add3A_693, %min3A_694 : i32
    %mul3A_696 = arith.constant 128 : i32
    %mul3A_697 = arith.muli %min3A_695, %mul3A_696 : i32
    %multiple_of3A_698 = tpu.assume_multiple %mul3A_697, 128 : i32
    %dma_wait3A_699 = arith.constant 0 : i32
    %dma_wait3A_700 = tpu.memref_slice %arg4[%multiple_of3A_698, %dma_wait3A_699] : memref<104832x256xf32, #tpu.memory_space<hbm>> -> memref<128x256xf32, #tpu.memory_space<hbm>>
    %dma_wait3A_701 = arith.constant 0 : i32
    %dma_wait3A_702 = tpu.memref_slice %arg4[%multiple_of3A_698, %dma_wait3A_701] : memref<104832x256xf32, #tpu.memory_space<hbm>> -> memref<128x256xf32, #tpu.memory_space<hbm>>
    tpu.wait_dma2 semaphore(%arg14 : memref<!tpu.dma_semaphore, #tpu.memory_space<semaphore_mem>>) src(%arg8 : memref<128x256xf32, #tpu.memory_space<vmem>>) dst(%dma_wait3A_702 : memref<128x256xf32, #tpu.memory_space<hbm>>)
    %dma_start3A_703 = arith.constant 2944 : i32
    %dma_start3A_704 = tpu.memref_slice %arg5[%dma_start3A_703] : memref<3328xi32, #tpu.memory_space<vmem>> -> memref<128xi32, #tpu.memory_space<vmem>>
    %dma_start3A_705 = arith.constant 0 : i32
    %dma_start3A_706 = arith.constant 0 : i32
    %dma_start3A_707 = tpu.memref_slice %arg2[%dma_start3A_705, %dma_start3A_706] : memref<131072x256xf32, #tpu.memory_space<hbm>> -> memref<131072x256xf32, #tpu.memory_space<hbm>>
    tpu.enqueue_indirect_dma source(%dma_start3A_707 : memref<131072x256xf32, #tpu.memory_space<hbm>>) target(%arg8 : memref<128x256xf32, #tpu.memory_space<vmem>>) offsets(%dma_start3A_704 : memref<128xi32, #tpu.memory_space<vmem>>) semaphore(%arg11 : memref<!tpu.dma_semaphore, #tpu.memory_space<semaphore_mem>>)
    %dma_wait3A_708 = arith.constant 2816 : i32
    %dma_wait3A_709 = tpu.memref_slice %arg5[%dma_wait3A_708] : memref<3328xi32, #tpu.memory_space<vmem>> -> memref<128xi32, #tpu.memory_space<vmem>>
    %dma_wait3A_710 = arith.constant 0 : i32
    %dma_wait3A_711 = arith.constant 0 : i32
    %dma_wait3A_712 = tpu.memref_slice %arg2[%dma_wait3A_710, %dma_wait3A_711] : memref<131072x256xf32, #tpu.memory_space<hbm>> -> memref<131072x256xf32, #tpu.memory_space<hbm>>
    tpu.wait_indirect_dma semaphore(%arg10 : memref<!tpu.dma_semaphore, #tpu.memory_space<semaphore_mem>>) src(%dma_wait3A_712 : memref<131072x256xf32, #tpu.memory_space<hbm>>) dst(%arg7 : memref<128x256xf32, #tpu.memory_space<vmem>>)
    %add3A_713 = arith.constant 22 : i32
    %add3A_714 = arith.addi %add3A_4, %add3A_713 : i32
    %min3A_715 = arith.constant 818 : i32
    %min3A_716 = arith.minsi %add3A_714, %min3A_715 : i32
    %mul3A_717 = arith.constant 128 : i32
    %mul3A_718 = arith.muli %min3A_716, %mul3A_717 : i32
    %multiple_of3A_719 = tpu.assume_multiple %mul3A_718, 128 : i32
    %dma_start3A_720 = arith.constant 0 : i32
    %dma_start3A_721 = tpu.memref_slice %arg4[%multiple_of3A_719, %dma_start3A_720] : memref<104832x256xf32, #tpu.memory_space<hbm>> -> memref<128x256xf32, #tpu.memory_space<hbm>>
    %dma_start3A_722 = arith.constant 0 : i32
    %dma_start3A_723 = tpu.memref_slice %arg4[%multiple_of3A_719, %dma_start3A_722] : memref<104832x256xf32, #tpu.memory_space<hbm>> -> memref<128x256xf32, #tpu.memory_space<hbm>>
    tpu.enqueue_dma source(%arg7 : memref<128x256xf32, #tpu.memory_space<vmem>>) target(%dma_start3A_723 : memref<128x256xf32, #tpu.memory_space<hbm>>) target_semaphore(%arg13 : memref<!tpu.dma_semaphore, #tpu.memory_space<semaphore_mem>>)
    %add3A_724 = arith.constant 21 : i32
    %add3A_725 = arith.addi %add3A_4, %add3A_724 : i32
    %min3A_726 = arith.constant 818 : i32
    %min3A_727 = arith.minsi %add3A_725, %min3A_726 : i32
    %mul3A_728 = arith.constant 128 : i32
    %mul3A_729 = arith.muli %min3A_727, %mul3A_728 : i32
    %multiple_of3A_730 = tpu.assume_multiple %mul3A_729, 128 : i32
    %dma_wait3A_731 = arith.constant 0 : i32
    %dma_wait3A_732 = tpu.memref_slice %arg4[%multiple_of3A_730, %dma_wait3A_731] : memref<104832x256xf32, #tpu.memory_space<hbm>> -> memref<128x256xf32, #tpu.memory_space<hbm>>
    %dma_wait3A_733 = arith.constant 0 : i32
    %dma_wait3A_734 = tpu.memref_slice %arg4[%multiple_of3A_730, %dma_wait3A_733] : memref<104832x256xf32, #tpu.memory_space<hbm>> -> memref<128x256xf32, #tpu.memory_space<hbm>>
    tpu.wait_dma2 semaphore(%arg12 : memref<!tpu.dma_semaphore, #tpu.memory_space<semaphore_mem>>) src(%arg6 : memref<128x256xf32, #tpu.memory_space<vmem>>) dst(%dma_wait3A_734 : memref<128x256xf32, #tpu.memory_space<hbm>>)
    %dma_start3A_735 = arith.constant 3072 : i32
    %dma_start3A_736 = tpu.memref_slice %arg5[%dma_start3A_735] : memref<3328xi32, #tpu.memory_space<vmem>> -> memref<128xi32, #tpu.memory_space<vmem>>
    %dma_start3A_737 = arith.constant 0 : i32
    %dma_start3A_738 = arith.constant 0 : i32
    %dma_start3A_739 = tpu.memref_slice %arg2[%dma_start3A_737, %dma_start3A_738] : memref<131072x256xf32, #tpu.memory_space<hbm>> -> memref<131072x256xf32, #tpu.memory_space<hbm>>
    tpu.enqueue_indirect_dma source(%dma_start3A_739 : memref<131072x256xf32, #tpu.memory_space<hbm>>) target(%arg6 : memref<128x256xf32, #tpu.memory_space<vmem>>) offsets(%dma_start3A_736 : memref<128xi32, #tpu.memory_space<vmem>>) semaphore(%arg9 : memref<!tpu.dma_semaphore, #tpu.memory_space<semaphore_mem>>)
    %dma_wait3A_740 = arith.constant 2944 : i32
    %dma_wait3A_741 = tpu.memref_slice %arg5[%dma_wait3A_740] : memref<3328xi32, #tpu.memory_space<vmem>> -> memref<128xi32, #tpu.memory_space<vmem>>
    %dma_wait3A_742 = arith.constant 0 : i32
    %dma_wait3A_743 = arith.constant 0 : i32
    %dma_wait3A_744 = tpu.memref_slice %arg2[%dma_wait3A_742, %dma_wait3A_743] : memref<131072x256xf32, #tpu.memory_space<hbm>> -> memref<131072x256xf32, #tpu.memory_space<hbm>>
    tpu.wait_indirect_dma semaphore(%arg11 : memref<!tpu.dma_semaphore, #tpu.memory_space<semaphore_mem>>) src(%dma_wait3A_744 : memref<131072x256xf32, #tpu.memory_space<hbm>>) dst(%arg8 : memref<128x256xf32, #tpu.memory_space<vmem>>)
    %add3A_745 = arith.constant 23 : i32
    %add3A_746 = arith.addi %add3A_4, %add3A_745 : i32
    %min3A_747 = arith.constant 818 : i32
    %min3A_748 = arith.minsi %add3A_746, %min3A_747 : i32
    %mul3A_749 = arith.constant 128 : i32
    %mul3A_750 = arith.muli %min3A_748, %mul3A_749 : i32
    %multiple_of3A_751 = tpu.assume_multiple %mul3A_750, 128 : i32
    %dma_start3A_752 = arith.constant 0 : i32
    %dma_start3A_753 = tpu.memref_slice %arg4[%multiple_of3A_751, %dma_start3A_752] : memref<104832x256xf32, #tpu.memory_space<hbm>> -> memref<128x256xf32, #tpu.memory_space<hbm>>
    %dma_start3A_754 = arith.constant 0 : i32
    %dma_start3A_755 = tpu.memref_slice %arg4[%multiple_of3A_751, %dma_start3A_754] : memref<104832x256xf32, #tpu.memory_space<hbm>> -> memref<128x256xf32, #tpu.memory_space<hbm>>
    tpu.enqueue_dma source(%arg8 : memref<128x256xf32, #tpu.memory_space<vmem>>) target(%dma_start3A_755 : memref<128x256xf32, #tpu.memory_space<hbm>>) target_semaphore(%arg14 : memref<!tpu.dma_semaphore, #tpu.memory_space<semaphore_mem>>)
    %add3A_756 = arith.constant 22 : i32
    %add3A_757 = arith.addi %add3A_4, %add3A_756 : i32
    %min3A_758 = arith.constant 818 : i32
    %min3A_759 = arith.minsi %add3A_757, %min3A_758 : i32
    %mul3A_760 = arith.constant 128 : i32
    %mul3A_761 = arith.muli %min3A_759, %mul3A_760 : i32
    %multiple_of3A_762 = tpu.assume_multiple %mul3A_761, 128 : i32
    %dma_wait3A_763 = arith.constant 0 : i32
    %dma_wait3A_764 = tpu.memref_slice %arg4[%multiple_of3A_762, %dma_wait3A_763] : memref<104832x256xf32, #tpu.memory_space<hbm>> -> memref<128x256xf32, #tpu.memory_space<hbm>>
    %dma_wait3A_765 = arith.constant 0 : i32
    %dma_wait3A_766 = tpu.memref_slice %arg4[%multiple_of3A_762, %dma_wait3A_765] : memref<104832x256xf32, #tpu.memory_space<hbm>> -> memref<128x256xf32, #tpu.memory_space<hbm>>
    tpu.wait_dma2 semaphore(%arg13 : memref<!tpu.dma_semaphore, #tpu.memory_space<semaphore_mem>>) src(%arg7 : memref<128x256xf32, #tpu.memory_space<vmem>>) dst(%dma_wait3A_766 : memref<128x256xf32, #tpu.memory_space<hbm>>)
    %dma_start3A_767 = arith.constant 3200 : i32
    %dma_start3A_768 = tpu.memref_slice %arg5[%dma_start3A_767] : memref<3328xi32, #tpu.memory_space<vmem>> -> memref<128xi32, #tpu.memory_space<vmem>>
    %dma_start3A_769 = arith.constant 0 : i32
    %dma_start3A_770 = arith.constant 0 : i32
    %dma_start3A_771 = tpu.memref_slice %arg2[%dma_start3A_769, %dma_start3A_770] : memref<131072x256xf32, #tpu.memory_space<hbm>> -> memref<131072x256xf32, #tpu.memory_space<hbm>>
    tpu.enqueue_indirect_dma source(%dma_start3A_771 : memref<131072x256xf32, #tpu.memory_space<hbm>>) target(%arg7 : memref<128x256xf32, #tpu.memory_space<vmem>>) offsets(%dma_start3A_768 : memref<128xi32, #tpu.memory_space<vmem>>) semaphore(%arg10 : memref<!tpu.dma_semaphore, #tpu.memory_space<semaphore_mem>>)
    %dma_wait3A_772 = arith.constant 3072 : i32
    %dma_wait3A_773 = tpu.memref_slice %arg5[%dma_wait3A_772] : memref<3328xi32, #tpu.memory_space<vmem>> -> memref<128xi32, #tpu.memory_space<vmem>>
    %dma_wait3A_774 = arith.constant 0 : i32
    %dma_wait3A_775 = arith.constant 0 : i32
    %dma_wait3A_776 = tpu.memref_slice %arg2[%dma_wait3A_774, %dma_wait3A_775] : memref<131072x256xf32, #tpu.memory_space<hbm>> -> memref<131072x256xf32, #tpu.memory_space<hbm>>
    tpu.wait_indirect_dma semaphore(%arg9 : memref<!tpu.dma_semaphore, #tpu.memory_space<semaphore_mem>>) src(%dma_wait3A_776 : memref<131072x256xf32, #tpu.memory_space<hbm>>) dst(%arg6 : memref<128x256xf32, #tpu.memory_space<vmem>>)
    %add3A_777 = arith.constant 24 : i32
    %add3A_778 = arith.addi %add3A_4, %add3A_777 : i32
    %min3A_779 = arith.constant 818 : i32
    %min3A_780 = arith.minsi %add3A_778, %min3A_779 : i32
    %mul3A_781 = arith.constant 128 : i32
    %mul3A_782 = arith.muli %min3A_780, %mul3A_781 : i32
    %multiple_of3A_783 = tpu.assume_multiple %mul3A_782, 128 : i32
    %dma_start3A_784 = arith.constant 0 : i32
    %dma_start3A_785 = tpu.memref_slice %arg4[%multiple_of3A_783, %dma_start3A_784] : memref<104832x256xf32, #tpu.memory_space<hbm>> -> memref<128x256xf32, #tpu.memory_space<hbm>>
    %dma_start3A_786 = arith.constant 0 : i32
    %dma_start3A_787 = tpu.memref_slice %arg4[%multiple_of3A_783, %dma_start3A_786] : memref<104832x256xf32, #tpu.memory_space<hbm>> -> memref<128x256xf32, #tpu.memory_space<hbm>>
    tpu.enqueue_dma source(%arg6 : memref<128x256xf32, #tpu.memory_space<vmem>>) target(%dma_start3A_787 : memref<128x256xf32, #tpu.memory_space<hbm>>) target_semaphore(%arg12 : memref<!tpu.dma_semaphore, #tpu.memory_space<semaphore_mem>>)
    %dma_wait3A_788 = arith.constant 3200 : i32
    %dma_wait3A_789 = tpu.memref_slice %arg5[%dma_wait3A_788] : memref<3328xi32, #tpu.memory_space<vmem>> -> memref<128xi32, #tpu.memory_space<vmem>>
    %dma_wait3A_790 = arith.constant 0 : i32
    %dma_wait3A_791 = arith.constant 0 : i32
    %dma_wait3A_792 = tpu.memref_slice %arg2[%dma_wait3A_790, %dma_wait3A_791] : memref<131072x256xf32, #tpu.memory_space<hbm>> -> memref<131072x256xf32, #tpu.memory_space<hbm>>
    tpu.wait_indirect_dma semaphore(%arg10 : memref<!tpu.dma_semaphore, #tpu.memory_space<semaphore_mem>>) src(%dma_wait3A_792 : memref<131072x256xf32, #tpu.memory_space<hbm>>) dst(%arg7 : memref<128x256xf32, #tpu.memory_space<vmem>>)
    %add3A_793 = arith.constant 25 : i32
    %add3A_794 = arith.addi %add3A_4, %add3A_793 : i32
    %min3A_795 = arith.constant 818 : i32
    %min3A_796 = arith.minsi %add3A_794, %min3A_795 : i32
    %mul3A_797 = arith.constant 128 : i32
    %mul3A_798 = arith.muli %min3A_796, %mul3A_797 : i32
    %multiple_of3A_799 = tpu.assume_multiple %mul3A_798, 128 : i32
    %dma_start3A_800 = arith.constant 0 : i32
    %dma_start3A_801 = tpu.memref_slice %arg4[%multiple_of3A_799, %dma_start3A_800] : memref<104832x256xf32, #tpu.memory_space<hbm>> -> memref<128x256xf32, #tpu.memory_space<hbm>>
    %dma_start3A_802 = arith.constant 0 : i32
    %dma_start3A_803 = tpu.memref_slice %arg4[%multiple_of3A_799, %dma_start3A_802] : memref<104832x256xf32, #tpu.memory_space<hbm>> -> memref<128x256xf32, #tpu.memory_space<hbm>>
    tpu.enqueue_dma source(%arg7 : memref<128x256xf32, #tpu.memory_space<vmem>>) target(%dma_start3A_803 : memref<128x256xf32, #tpu.memory_space<hbm>>) target_semaphore(%arg13 : memref<!tpu.dma_semaphore, #tpu.memory_space<semaphore_mem>>)
    %add3A_804 = arith.constant 23 : i32
    %add3A_805 = arith.addi %add3A_4, %add3A_804 : i32
    %min3A_806 = arith.constant 818 : i32
    %min3A_807 = arith.minsi %add3A_805, %min3A_806 : i32
    %mul3A_808 = arith.constant 128 : i32
    %mul3A_809 = arith.muli %min3A_807, %mul3A_808 : i32
    %multiple_of3A_810 = tpu.assume_multiple %mul3A_809, 128 : i32
    %dma_wait3A_811 = arith.constant 0 : i32
    %dma_wait3A_812 = tpu.memref_slice %arg4[%multiple_of3A_810, %dma_wait3A_811] : memref<104832x256xf32, #tpu.memory_space<hbm>> -> memref<128x256xf32, #tpu.memory_space<hbm>>
    %dma_wait3A_813 = arith.constant 0 : i32
    %dma_wait3A_814 = tpu.memref_slice %arg4[%multiple_of3A_810, %dma_wait3A_813] : memref<104832x256xf32, #tpu.memory_space<hbm>> -> memref<128x256xf32, #tpu.memory_space<hbm>>
    tpu.wait_dma2 semaphore(%arg14 : memref<!tpu.dma_semaphore, #tpu.memory_space<semaphore_mem>>) src(%arg8 : memref<128x256xf32, #tpu.memory_space<vmem>>) dst(%dma_wait3A_814 : memref<128x256xf32, #tpu.memory_space<hbm>>)
    %add3A_815 = arith.constant 24 : i32
    %add3A_816 = arith.addi %add3A_4, %add3A_815 : i32
    %min3A_817 = arith.constant 818 : i32
    %min3A_818 = arith.minsi %add3A_816, %min3A_817 : i32
    %mul3A_819 = arith.constant 128 : i32
    %mul3A_820 = arith.muli %min3A_818, %mul3A_819 : i32
    %multiple_of3A_821 = tpu.assume_multiple %mul3A_820, 128 : i32
    %dma_wait3A_822 = arith.constant 0 : i32
    %dma_wait3A_823 = tpu.memref_slice %arg4[%multiple_of3A_821, %dma_wait3A_822] : memref<104832x256xf32, #tpu.memory_space<hbm>> -> memref<128x256xf32, #tpu.memory_space<hbm>>
    %dma_wait3A_824 = arith.constant 0 : i32
    %dma_wait3A_825 = tpu.memref_slice %arg4[%multiple_of3A_821, %dma_wait3A_824] : memref<104832x256xf32, #tpu.memory_space<hbm>> -> memref<128x256xf32, #tpu.memory_space<hbm>>
    tpu.wait_dma2 semaphore(%arg12 : memref<!tpu.dma_semaphore, #tpu.memory_space<semaphore_mem>>) src(%arg6 : memref<128x256xf32, #tpu.memory_space<vmem>>) dst(%dma_wait3A_825 : memref<128x256xf32, #tpu.memory_space<hbm>>)
    %add3A_826 = arith.constant 25 : i32
    %add3A_827 = arith.addi %add3A_4, %add3A_826 : i32
    %min3A_828 = arith.constant 818 : i32
    %min3A_829 = arith.minsi %add3A_827, %min3A_828 : i32
    %mul3A_830 = arith.constant 128 : i32
    %mul3A_831 = arith.muli %min3A_829, %mul3A_830 : i32
    %multiple_of3A_832 = tpu.assume_multiple %mul3A_831, 128 : i32
    %dma_wait3A_833 = arith.constant 0 : i32
    %dma_wait3A_834 = tpu.memref_slice %arg4[%multiple_of3A_832, %dma_wait3A_833] : memref<104832x256xf32, #tpu.memory_space<hbm>> -> memref<128x256xf32, #tpu.memory_space<hbm>>
    %dma_wait3A_835 = arith.constant 0 : i32
    %dma_wait3A_836 = tpu.memref_slice %arg4[%multiple_of3A_832, %dma_wait3A_835] : memref<104832x256xf32, #tpu.memory_space<hbm>> -> memref<128x256xf32, #tpu.memory_space<hbm>>
    tpu.wait_dma2 semaphore(%arg13 : memref<!tpu.dma_semaphore, #tpu.memory_space<semaphore_mem>>) src(%arg7 : memref<128x256xf32, #tpu.memory_space<vmem>>) dst(%dma_wait3A_836 : memref<128x256xf32, #tpu.memory_space<hbm>>)
    return
  }
}

</mosaic_0001>

<sc_bundles>
// kernel: kernel.3.cloned.1.call-start
scs
__scs_entry_jumppad:
0x0: {  	(pc) =	sbr.rel $0x88, $3  }
0x1: {  	(tag) =	ssettag $0x0;
	lr =	simm.s32 $0x1  }
0x2: {  	[smem:$0x3FA0] =	sst lr;
	_ =	strace $0xD0000000  }
0x3: {  	_ = 	snop  }
0x4: {  	_ = 	snop  }
0x5: {  	_ = 	snop  }
0x6: {  	_ = 	snop  }
0x7: {  	_ = 	snop  }
__scs_overlays_trampoline_lowered:
0x8: {  	[smem:$0x3FAF] =	sst s0  }
0x9: {  	[smem:$0x3FB0] =	sst s1  }
0xa: {  	[smem:$0x3FB1] =	sst s2  }
0xb: {  	[smem:$0x3FB2] =	sst s3  }
0xc: {  	[smem:$0x3FB3] =	sst s4  }
0xd: {  	[smem:$0x3FB4] =	sst s5  }
0xe: {  	[smem:$0x3FB5] =	sst s6  }
0xf: {  	[smem:$0x3FB6] =	sst s7  }
0x10: {  	[smem:$0x3FB7] =	sst s8  }
0x11: {  	[smem:$0x3FB8] =	sst s9;
	s0 =	simm.s32 @!p0 $0x0  }
0x12: {  	s1 =	sld [smem:$0x3F9E];
	s0 =	simm.s32 @p0 $0x1  }
0x13: {  	[smem:$0x3FB9] =	sst s0;
	s0 =	simm.s32 @!p1 $0x0  }
0x14: {  	s2 =	sld [smem:$0x3F9D];
	s0 =	simm.s32 @p1 $0x1  }
0x15: {  	[smem:$0x3FBA] =	sst s0;
	s0 =	simm.s32 @!p2 $0x0  }
0x16: {  	s3 =	sld [smem:$0x3FDB];
	s0 =	simm.s32 @p2 $0x1  }
0x17: {  	s4 =	simm.s32 $0x1BF5;
	[smem:$0x3FBC] =	sst s0  }
0x18: {  	s0 =	sld [smem:$0x3F9F];
	_ =	swait.ge [sflag:s4], $0x0  }
0x19: {  	s7 =	sld [smem:$0x3FA0]  }
0x1a: {  	s8 =	sadd.s32 $0xFFFFE003, lr  }
0x1b: {  	s9 =	sadd.s32 $0xFFFFFEF7, lr;
	s5 =	simm.s32 $0xFFFFFFFF;
	p2 =	slt.u32 s8, $0xFFFFF086  }
0x1c: {  	p1 =	slt.u32 s9, $0xF7A;
	s5 =	simm.s32 @!p2 $0x0  }
0x1d: {  	s5 =	simm.s32 @p1 $0x1;
	p0 =	seq.s32 s7, s2  }
0x1e: {  	s7 =	smul.u32 @!p0 $0xF7A, s2;
	p2 =	seq.s32 @!p0 s5, $0x0  }
0x1f: {  	s9 =	smul.u32 $0xF7A, s1;
	s8 =	simm.s32 @!p0 $0x1BF5;
	p2 =	por !p2, p0  }
0x20: {  	[sflag:s8] =	ssyncset.s32 @!p0 $0xFFFFF086;
	s6 =	sadd.s32 @!p0 s3, s7;
	s7 =	simm.s32 @!p0 $0x108  }
0x21: {  	s3 =	sadd.s32 s3, s9;
	s6 =	sadd.s32 @!p0 $0x88, s6;
	s7 =	simm.s32 @p2 $0x1082  }
0x22: {  	[simem:s7], [sflag:s8] =	dma.local @!p0 [hbm:s6], $0xF7A  }
0x23: {  	s9 =	sor.u32 $0xD0000000, s2;
	s6 =	simm.s32 $0x108;
	_ =	swait.ge @!p0 [sflag:s8], $0x0  }
0x24: {  	s3 =	sadd.s32 $0x88, s3;
	s6 =	simm.s32 @!p1 $0x1082;
	[sflag:s4] =	ssyncset.s32 $0xFFFFF086  }
0x25: {  	[simem:s6], [sflag:s4] =	dma.local [hbm:s3], $0xF7A  }
0x26: {  	[smem:$0x3FA0] =	sst s1;
	(tag) =	ssettag s2;
	_ =	strace s9  }
0x27: {  	s1 =	sld [smem:$0x3FB0]  }
0x28: {  	s2 =	sld [smem:$0x3FB1]  }
0x29: {  	s4 =	sld [smem:$0x3FB3]  }
0x2a: {  	p0 =	seq.s32 s5, $0x0;
	s5 =	sld [smem:$0x3FB4]  }
0x2b: {  	s6 =	sld [smem:$0x3FB5]  }
0x2c: {  	s7 =	sld [smem:$0x3FB6]  }
0x2d: {  	s3 =	simm.s32 $0x108;
	s8 =	sld [smem:$0x3FB7]  }
0x2e: {  	s3 =	simm.s32 @!p0 $0x1082;
	s9 =	sld [smem:$0x3FB8]  }
0x2f: {  	lr =	sadd.s32 s0, s3;
	s0 =	sld [smem:$0x3FAF]  }
0x30: {  	s3 =	sld [smem:$0x3FB2]  }
0x31: {  	[smem:$0x3FBB] =	sst s10  }
0x32: {  	s10 =	sld [smem:$0x3FB9];
	_ =	sdelay $0x3  }
0x33: {  	p0 =	seq.s32 s10, $0x1;
	s10 =	sld [smem:$0x3FBB];
	_ =	sdelay $0x3  }
0x34: {  	[smem:$0x3FBB] =	sst s10  }
0x35: {  	s10 =	sld [smem:$0x3FBA];
	_ =	sdelay $0x3  }
0x36: {  	p1 =	seq.s32 s10, $0x1;
	s10 =	sld [smem:$0x3FBB];
	_ =	sdelay $0x3  }
0x37: {  	[smem:$0x3FBB] =	sst s10  }
0x38: {  	s10 =	sld [smem:$0x3FBC]  }
0x39: {  	_ = 	snop;
	(pc) =	sbr.ind lr, $3  }
0x3a: {  	_ = 	snop  }
0x3b: {  	_ = 	snop  }
0x3c: {  	p2 =	seq.s32 s10, $0x1;
	s10 =	sld [smem:$0x3FBB]  }
0x3d: {  	_ =	shalt  }
0x3e: {  	_ =	shalt  }
0x3f: {  	_ =	shalt  }
0x40: {  	_ =	shalt  }
0x41: {  	_ =	shalt  }
0x42: {  	_ =	shalt  }
0x43: {  	_ =	shalt  }
0x44: {  	_ =	shalt  }
0x45: {  	_ =	shalt  }
0x46: {  	_ =	shalt  }
0x47: {  	_ =	shalt  }
0x48: {  	_ =	shalt  }
0x49: {  	_ =	shalt  }
0x4a: {  	_ =	shalt  }
0x4b: {  	_ =	shalt  }
0x4c: {  	_ =	shalt  }
0x4d: {  	_ =	shalt  }
0x4e: {  	_ =	shalt  }
0x4f: {  	_ =	shalt  }
0x50: {  	_ =	shalt  }
0x51: {  	_ =	shalt  }
0x52: {  	_ =	shalt  }
0x53: {  	_ =	shalt  }
0x54: {  	_ =	shalt  }
0x55: {  	_ =	shalt  }
0x56: {  	_ =	shalt  }
0x57: {  	_ =	shalt  }
0x58: {  	_ =	shalt  }
0x59: {  	_ =	shalt  }
0x5a: {  	_ =	shalt  }
0x5b: {  	_ =	shalt  }
0x5c: {  	_ =	shalt  }
0x5d: {  	_ =	shalt  }
0x5e: {  	_ =	shalt  }
0x5f: {  	_ =	shalt  }
0x60: {  	_ =	shalt  }
0x61: {  	_ =	shalt  }
0x62: {  	_ =	shalt  }
0x63: {  	_ =	shalt  }
0x64: {  	_ =	shalt  }
0x65: {  	_ =	shalt  }
0x66: {  	_ =	shalt  }
0x67: {  	_ =	shalt  }
0x68: {  	_ =	shalt  }
0x69: {  	_ =	shalt  }
0x6a: {  	_ =	shalt  }
0x6b: {  	_ =	shalt  }
0x6c: {  	_ =	shalt  }
0x6d: {  	_ =	shalt  }
0x6e: {  	_ =	shalt  }
0x6f: {  	_ =	shalt  }
0x70: {  	_ =	shalt  }
0x71: {  	_ =	shalt  }
0x72: {  	_ =	shalt  }
0x73: {  	_ =	shalt  }
0x74: {  	_ =	shalt  }
0x75: {  	_ =	shalt  }
0x76: {  	_ =	shalt  }
0x77: {  	_ =	shalt  }
0x78: {  	_ =	shalt  }
0x79: {  	_ =	shalt  }
0x7a: {  	_ =	shalt  }
0x7b: {  	_ =	shalt  }
0x7c: {  	_ =	shalt  }
0x7d: {  	_ =	shalt  }
0x7e: {  	_ =	shalt  }
0x7f: {  	_ =	shalt  }
0x80: {  	_ =	shalt  }
0x81: {  	_ =	shalt  }
0x82: {  	_ =	shalt  }
0x83: {  	_ =	shalt  }
0x84: {  	_ =	shalt  }
0x85: {  	_ =	shalt  }
0x86: {  	_ =	shalt  }
0x87: {  	_ =	shalt  }
.Lfunc_end0:
.L_simem_size_0:
called_computation_lowered:
.L_overlay_start_0:
0x88: {  	s2 =	sld [smem:$0x3FD9]  }
0x89: {  	s3 =	sld [smem:$0x3FFE];
	_ =	sdelay $0x1  }
0x8a: {  	s1 =	srdreg.scid  }
0x8b: {  	s0 =	sand.u32 $0x1, s1  }
0x8c: {  	s17 =	sshll.u32 s0, $0xA;
	s2 =	sadd.s32 s3, s2  }
0x8d: {  	s2 =	sadd.s32 s2, s17  }
0x8e: {  	[smem:$0x3FC7] =	sst s2  }
0x8f: {  	_ = 	snop  }
0x90: {  	s2 =	sld [smem:$0x3FC9]  }
0x91: {  	s18 =	sld [smem:$0x3FD0];
	(tm) =	ssettm $0x1  }
0x92: {  	s4 =	sld [smem:$0x3FFB];
	_ =	sdelay $0x3  }
0x93: {  	_ =	strace s4  }
0x94: {  	s4 =	sld [smem:$0x3FFC];
	_ =	sdelay $0x3  }
0x95: {  	_ =	strace s4  }
0x96: {  	s4 =	sld [smem:$0x3FFD];
	_ =	sdelay $0x3  }
0x97: {  	_ =	strace s4  }
0x98: {  	_ =	strace $0x8FFFFFFF  }
0x99: {  	s19 =	sld [smem:$0x3FDB];
	_ =	sdelay $0x1  }
0x9a: {  	s5 =	simm.s32 $_scs_section_size  }
0x9b: {  	s6 =	simm.s32 $_size__tile_overlayer_lowered;
	s7 =	simm.s32 $_tile_overlayer_lowered  }
0x9c: {  	s22 =	simm.s32 $0x1BFF;
	s21 =	sshll.u32 s7, $0x1;
	s4 =	sadd.s32 s5, s19  }
0x9d: {  	s8 =	simm.s32 $0x0;
	s20 =	sshll.u32 s6, $0x1;
	s6 =	sadd.s32 s21, s4  }
0x9e: {  	[timem:s8], [sflag:s22] =	dma.local [hbm:s6], s20  }
0x9f: {  	_ =	swait.ge [sflag:s22], s20  }
0xa0: {  	s5 =	ssub.s32 $0x0, s20;
	[sflag:s22] =	ssyncset.done $0x0  }
0xa1: {  	[sflag:s22] =	ssyncadd.s32 s5;
	_ =	sdelay $0x1  }
0xa2: {  	s23 =	simm.s32 $0x1B8B  }
0xa3: {  	_ =	swait.ge [sflag:s23], $0x1  }
0xa4: {  	[sflag:s23] =	ssyncset.done $0x0  }
0xa5: {  	s25 =	simm.s32 $0x1B8E;
	s24 =	sld [smem:$0x3FFE];
	[sflag:s23] =	ssyncadd.s32 $0xFFFFFFFF  }
0xa6: {  	s26 =	simm.s32 $execute0_lowered;
	[smem:$0x3FD2] =	sst s25  }
0xa7: {  	s6 =	sshll.u32 s26, $0x1;
	_ =	strace $0x80000046;
	[dreg:$0x1] =	wrdreg $0xFFFFFFFF  }
0xa8: {  	s28 =	simm.s32 $_size_execute0_lowered;
	s4 =	sadd.s32 s4, s6;
	[dreg:$0x0] =	wrdreg $0x0  }
0xa9: {  	s6 =	sshll.u32 s28, $0x1;
	[dreg:$0x2] =	wrdreg s4  }
0xaa: {  	[dreg:$0x3] =	wrdreg s6  }
0xab: {  	[dreg:$0x4] =	wrdreg $0xC0  }
0xac: {  	_ =	task [dreg:s8], $0x5FFFF  }
0xad: {  	[dreg:$0x1] =	wrdreg $0xFFFFFFFF  }
0xae: {  	[dreg:$0x0] =	wrdreg $0x60  }
0xaf: {  	[dreg:$0x2] =	wrdreg s2  }
0xb0: {  	[dreg:$0x3] =	wrdreg s24  }
0xb1: {  	[dreg:$0x4] =	wrdreg s18  }
0xb2: {  	[dreg:$0x5] =	wrdreg $0x9  }
0xb3: {  	_ =	task.clear_ibuf [dreg:s8], $0x6FFFF;
	_ =	strace $0x90000046  }
0xb4: {  	s29 =	simm.s32 $0x9;
	_ =	strace $0x80000048  }
0xb5: {  	_ =	swait.ge [sflag:s29], $0x1  }
0xb6: {  	[sflag:s29] =	ssyncadd.s32 $0xFFFFFFFF  }
0xb7: {  	_ =	strace $0x90000048  }
0xb8: {  	_ =	sfence  }
0xb9: {  	s30 =	sld [smem:$0x0];
	_ =	sdelay $0x2  }
0xba: {  	s31 =	sshll.u32 s1, $0xD;
	s1 =	sshrl.u32 s1, $0x2  }
0xbb: {  	s3 =	sand.u32 $0x4000, s31;
	s1 =	sadd.s32 s1, s30  }
0xbc: {  	s0 =	sor.u32 s3, s0;
	s1 =	sshll.u32 s1, $0x11  }
0xbd: {  	s0 =	sor.u32 s1, s0  }
0xbe: {  	s0 =	sadd.s32 $0x8F2B, s0  }
0xbf: {  	[sflag:s0] =	ssyncadd.remote.s32 $0x1  }
0xc0: {  	_ =	sfence.sel $0xFFFF  }
0xc1: {  	[dreg:$0x0] =	wrdreg $0xFFFFFFFF;
	(pc) =	sbr.abs _section_cstart, $3  }
0xc2: {  	[dreg:$0x1] =	wrdreg $0xFFFFFFFF  }
0xc3: {  	_ =	task.clear_ibuf [dreg:s8], $0x2FFFF;
	_ =	strace $0x9FFFFFFF  }
0xc4: {  	(tm) =	ssettm $0x7FFFFFFF  }
0xc5: {  	_ =	shalt  }
tec
execute0_lowered:
.L_overlay_start_1:
0x0: {  	(tag) =	ssettag $0x1  }
0x1: {  	s0 =	srdreg.scid  }
0x2: {  	s1 =	sand.u32 $0x1, s0  }
0x3: {  	s2 =	stileid.u32;
	s0 =	sshll.u32 s1, $0x4  }
0x4: {  	s0 =	sor.u32 s2, s0  }
0x5: {  	s3 =	smul.u32 $0x19, s0  }
0x6: {  	s5 =	rddreg [dreg:$0x1];
	s4 =	smin.u32 s0, $0x13  }
0x7: {  	s1 =	ssub.s32 $0x2, s1;
	s2 =	rddreg [dreg:$0x0];
	s4 =	sadd.s32 s4, s3  }
0x8: {  	s0 =	rddreg [dreg:$0x2];
	s3 =	simm.s32 $0x0;
	s6 =	sshll.u32 s4, $0x4  }
0x9: {  	[smem:$0x7FF] =	sst s3;
	s6 =	sadd.s32 s6, s5;
	s5 =	sshll.u32 s4, $0xC  }
0xa: {  	_ =	strace $0x80000047;
	s4 =	smin.u32 s4, $0x319;
	s6 =	sadd.s32 $0xA00, s6  }
0xb: {  	s7 =	sadd.s32 $0x1000, s5;
	s26 =	sadd.s32 s0, s5;
	s29 =	sadd.s32 $0x2000, s5  }
0xc: {  	s31 =	sadd.s32 $0x3000, s5;
	s8 =	sadd.s32 $0x4000, s5;
	s11 =	sadd.s32 $0x5000, s5  }
0xd: {  	s13 =	sadd.s32 $0x6000, s5;
	s14 =	sadd.s32 $0x7000, s5;
	s18 =	sadd.s32 $0x8000, s5  }
0xe: {  	s20 =	sadd.s32 $0x9000, s5;
	s21 =	sadd.s32 $0xA000, s5;
	s25 =	sadd.s32 $0xB000, s5  }
0xf: {  	s4 =	sshll.u32 s4, $0xC;
	[dreg:$0x4] =	wrdreg s6;
	s7 =	sand.u32 $0x1FFFF000, s7  }
0x10: {  	[dreg:$0x5] =	wrdreg s26;
	s30 =	sand.u32 $0x1FFFF000, s29;
	s9 =	sand.u32 $0x1FFFF000, s8  }
0x11: {  	s12 =	sand.u32 $0x1FFFF000, s11;
	s16 =	sand.u32 $0x1FFFF000, s14;
	s19 =	sand.u32 $0x1FFFF000, s18  }
0x12: {  	s23 =	sand.u32 $0x1FFFF000, s21;
	s26 =	sand.u32 $0x1FFFF000, s25;
	s29 =	sadd.s32 $0xD000, s5  }
0x13: {  	s8 =	sadd.s32 $0xE000, s5;
	s11 =	sadd.s32 $0x10000, s5;
	s18 =	sadd.s32 $0x13000, s5  }
0x14: {  	s25 =	sadd.s32 $0x16000, s5;
	s28 =	sadd.s32 s0, s7;
	s6 =	sadd.s32 s0, s30  }
0x15: {  	s7 =	sand.u32 $0x1FFFF000, s31;
	s10 =	sadd.s32 s0, s9;
	[dreg:$0x6] =	wrdreg s28  }
0x16: {  	s17 =	sadd.s32 s0, s16;
	s24 =	sadd.s32 s0, s23;
	[dreg:$0x7] =	wrdreg s6  }
0x17: {  	s31 =	sand.u32 $0x1FFFF000, s29;
	s9 =	sand.u32 $0x1FFFF000, s8;
	[dreg:$0x9] =	wrdreg s10  }
0x18: {  	s7 =	sadd.s32 s0, s7;
	s6 =	sadd.s32 s0, s12;
	[dreg:$0xc] =	wrdreg s17  }
0x19: {  	[dreg:$0xf] =	wrdreg s24;
	s28 =	sadd.s32 $0xC000, s5;
	s10 =	sadd.s32 $0xF000, s5  }
0x1a: {  	s17 =	sadd.s32 $0x12000, s5;
	s24 =	sadd.s32 $0x15000, s5;
	[dreg:$0x8] =	wrdreg s7  }
0x1b: {  	s7 =	sand.u32 $0x1FFFF000, s13;
	[dreg:$0xa] =	wrdreg s6;
	s6 =	sadd.s32 s0, s19  }
0x1c: {  	s13 =	sand.u32 $0x1FFFF000, s11;
	s11 =	simm.s32 $0x1;
	s15 =	sadd.s32 s0, s7  }
0x1d: {  	s7 =	sand.u32 $0x1FFFF000, s20;
	[dreg:$0xd] =	wrdreg s6;
	s6 =	sadd.s32 s0, s26  }
0x1e: {  	s14 =	sadd.s32 s0, s13;
	s20 =	sand.u32 $0x1FFFF000, s18;
	s13 =	simm.s32 $0x2  }
0x1f: {  	[dreg:$0xb] =	wrdreg s15;
	s22 =	sadd.s32 s0, s7;
	s7 =	sand.u32 $0x1FFFF000, s28  }
0x20: {  	[dreg:$0x10] =	wrdreg s6;
	s6 =	sadd.s32 s0, s9;
	s15 =	sadd.s32 $0x11000, s5  }
0x21: {  	[dreg:$0x15] =	wrdreg s14;
	s21 =	sadd.s32 s0, s20;
	s28 =	sand.u32 $0x1FFFF000, s25  }
0x22: {  	s14 =	simm.s32 $0x4;
	[dreg:$0xe] =	wrdreg s22;
	s30 =	sadd.s32 s0, s7  }
0x23: {  	s7 =	sadd.s32 s0, s31;
	[dreg:$0x13] =	wrdreg s6;
	s16 =	sand.u32 $0x1FFFF000, s15  }
0x24: {  	s22 =	sadd.s32 $0x14000, s5;
	[dreg:$0x18] =	wrdreg s21;
	s29 =	sadd.s32 s0, s28  }
0x25: {  	s31 =	sadd.s32 $0x17000, s5;
	s5 =	sadd.s32 $0x18000, s5;
	[dreg:$0x11] =	wrdreg s30  }
0x26: {  	[dreg:$0x12] =	wrdreg s7;
	s7 =	sand.u32 $0x1FFFF000, s10;
	s6 =	sadd.s32 s0, s16  }
0x27: {  	s23 =	sand.u32 $0x1FFFF000, s22;
	s30 =	sshrl.u32 s1, $0x1;
	[dreg:$0x1b] =	wrdreg s29  }
0x28: {  	s5 =	sand.u32 $0x1FFFF000, s5;
	s12 =	sadd.s32 s0, s7;
	[dreg:$0x16] =	wrdreg s6  }
0x29: {  	s16 =	simm.s32 $0x5;
	s6 =	sadd.s32 s0, s23;
	[dreg:$0x14] =	wrdreg s12  }
0x2a: {  	s7 =	sand.u32 $0x1FFFF000, s17;
	s5 =	sadd.s32 s0, s5;
	[dreg:$0x19] =	wrdreg s6  }
0x2b: {  	s19 =	sadd.s32 s0, s7;
	s7 =	sand.u32 $0x1FFFF000, s24;
	[dreg:$0x1d] =	wrdreg s5  }
0x2c: {  	s6 =	sand.u32 $0x1FFFF000, s31;
	[dreg:$0x17] =	wrdreg s19;
	s26 =	sadd.s32 s0, s7  }
0x2d: {  	v2 =	vlaneseq.u32;
	s6 =	sadd.s32 s0, s6;
	s0 =	sadd.s32 s0, s4;
	[dreg:$0x1a] =	wrdreg s26  }
0x2e: {  	vm0 =	vmmov $0xffff;
	v1 =	vshrl.u32 v2, $0x3;
	s1 =	ssub.s32 s1, s30;
	[dreg:$0x1c] =	wrdreg s6;
	s0 =	sadd.s32 $0x19000, s0  }
0x2f: {  	v0 =	vand.u32 $0x7, v2;
	v2 =	vor.u32 $0x8, v2;
	v1 =	vmul.u32 $0x8, v1;
	s17 =	simm.s32 $0x3;
	[dreg:$0x1e] =	wrdreg s0;
	s0 =	smax.u32 s1, $0x1  }
.LBB2_1:
0x30: {  	[dreg:$0x1f] =	wrdreg s0  }
0x31: {  	s18 =	rddreg [dreg:$0x4];
	s26 =	simm.s32 $0x7  }
0x32: {  	[tilespmem:s3], [sflag:$0x7] =	stream.linear.gather [hbm4b:s18+s3], $0xD00, $0x38;
	[tilespmem:$0x18D00] =	vst v63  }
0x33: {  	_ =	swait.ge [sflag:s26], $0xD00  }
0x34: {  	[sflag:s26] =	ssyncset.done $0x0  }
0x35: {  	[sflag:s26] =	ssyncadd.s32 $0xFFFFF300  }
0x36: {  	v3 =	vld [tilespmem:$0x0];
	_ =	sdelay $0x4  }
0x37: {  	v4 =	vshll.u32 v3, $0x1  }
0x38: {  	v3 =	vand.u32 $0x7, v3;
	v4 =	vand.u32 $0xFFFFFFF0, v4  }
0x39: {  	v3 =	vor.u32 v3, v4  }
0x3a: {  	v4 =	vperm.xlane v3, v0;
	_ =	sdelay $0x1  }
0x3b: {  	v3 =	vperm.xlane v3, v2;
	v4 =	vadd.s32 v1, v4;
	_ =	sdelay $0x1  }
0x3c: {  	v3 =	vadd.s32 v1, v3;
	_ =	sdelay $0x1  }
0x3d: {  	s28 =	simm.s32 $0xD00  }
0x3e: {  	[tilespmem:s28], [sflag:$0x1] =	stream.indirect_vreg.gather [hbm4b:s2+s3], $0x80, v4, vm0, $0xb8;
	[tilespmem:$0x18D00] =	vst v63  }
0x3f: {  	s29 =	simm.s32 $0x1500  }
0x40: {  	[tilespmem:s29], [sflag:$0x1] =	stream.indirect_vreg.gather [hbm4b:s2+s3], $0x80, v3, vm0, $0xb8;
	[tilespmem:$0x18D00] =	vst v63  }
0x41: {  	v3 =	vld [tilespmem:$0x10];
	_ =	sdelay $0x4  }
0x42: {  	v25 =	vshll.u32 v3, $0x1  }
0x43: {  	v3 =	vand.u32 $0x7, v3;
	v4 =	vand.u32 $0xFFFFFFF0, v25  }
0x44: {  	v3 =	vor.u32 v3, v4  }
0x45: {  	v4 =	vperm.xlane v3, v0;
	_ =	sdelay $0x1  }
0x46: {  	v3 =	vperm.xlane v3, v2;
	v4 =	vadd.s32 v1, v4;
	_ =	sdelay $0x1  }
0x47: {  	v3 =	vadd.s32 v1, v3;
	_ =	sdelay $0x1  }
0x48: {  	s30 =	simm.s32 $0x1D00  }
0x49: {  	[tilespmem:s30], [sflag:$0x1] =	stream.indirect_vreg.gather [hbm4b:s2+s3], $0x80, v4, vm0, $0xb8;
	[tilespmem:$0x18D00] =	vst v63  }
0x4a: {  	s31 =	simm.s32 $0x2500  }
0x4b: {  	[tilespmem:s31], [sflag:$0x1] =	stream.indirect_vreg.gather [hbm4b:s2+s3], $0x80, v3, vm0, $0xb8;
	[tilespmem:$0x18D00] =	vst v63  }
0x4c: {  	v3 =	vld [tilespmem:$0x20];
	_ =	sdelay $0x4  }
0x4d: {  	v26 =	vshll.u32 v3, $0x1  }
0x4e: {  	v3 =	vand.u32 $0x7, v3;
	v4 =	vand.u32 $0xFFFFFFF0, v26  }
0x4f: {  	v3 =	vor.u32 v3, v4  }
0x50: {  	v4 =	vperm.xlane v3, v0;
	_ =	sdelay $0x1  }
0x51: {  	v3 =	vperm.xlane v3, v2;
	v4 =	vadd.s32 v1, v4;
	_ =	sdelay $0x1  }
0x52: {  	v3 =	vadd.s32 v1, v3;
	_ =	sdelay $0x1  }
0x53: {  	s1 =	simm.s32 $0x2D00  }
0x54: {  	[tilespmem:s1], [sflag:$0x1] =	stream.indirect_vreg.gather [hbm4b:s2+s3], $0x80, v4, vm0, $0xb8;
	[tilespmem:$0x18D00] =	vst v63  }
0x55: {  	s4 =	simm.s32 $0x3500  }
0x56: {  	[tilespmem:s4], [sflag:$0x1] =	stream.indirect_vreg.gather [hbm4b:s2+s3], $0x80, v3, vm0, $0xb8;
	[tilespmem:$0x18D00] =	vst v63  }
0x57: {  	v3 =	vld [tilespmem:$0x30];
	_ =	sdelay $0x4  }
0x58: {  	v27 =	vshll.u32 v3, $0x1  }
0x59: {  	v3 =	vand.u32 $0x7, v3;
	v4 =	vand.u32 $0xFFFFFFF0, v27  }
0x5a: {  	v3 =	vor.u32 v3, v4  }
0x5b: {  	v4 =	vperm.xlane v3, v0;
	_ =	sdelay $0x1  }
0x5c: {  	v3 =	vperm.xlane v3, v2;
	v4 =	vadd.s32 v1, v4;
	_ =	sdelay $0x1  }
0x5d: {  	v3 =	vadd.s32 v1, v3;
	_ =	sdelay $0x1  }
0x5e: {  	s5 =	simm.s32 $0x3D00  }
0x5f: {  	[tilespmem:s5], [sflag:$0x1] =	stream.indirect_vreg.gather [hbm4b:s2+s3], $0x80, v4, vm0, $0xb8;
	[tilespmem:$0x18D00] =	vst v63  }
0x60: {  	s6 =	simm.s32 $0x4500  }
0x61: {  	[tilespmem:s6], [sflag:$0x1] =	stream.indirect_vreg.gather [hbm4b:s2+s3], $0x80, v3, vm0, $0xb8;
	[tilespmem:$0x18D00] =	vst v63  }
0x62: {  	v3 =	vld [tilespmem:$0x40];
	_ =	sdelay $0x4  }
0x63: {  	v28 =	vshll.u32 v3, $0x1  }
0x64: {  	v3 =	vand.u32 $0x7, v3;
	v4 =	vand.u32 $0xFFFFFFF0, v28  }
0x65: {  	v3 =	vor.u32 v3, v4  }
0x66: {  	v4 =	vperm.xlane v3, v0;
	_ =	sdelay $0x1  }
0x67: {  	v3 =	vperm.xlane v3, v2;
	v4 =	vadd.s32 v1, v4;
	_ =	sdelay $0x1  }
0x68: {  	v3 =	vadd.s32 v1, v3;
	_ =	sdelay $0x1  }
0x69: {  	s7 =	simm.s32 $0x4D00  }
0x6a: {  	[tilespmem:s7], [sflag:$0x1] =	stream.indirect_vreg.gather [hbm4b:s2+s3], $0x80, v4, vm0, $0xb8;
	[tilespmem:$0x18D00] =	vst v63  }
0x6b: {  	s8 =	simm.s32 $0x5500  }
0x6c: {  	[tilespmem:s8], [sflag:$0x1] =	stream.indirect_vreg.gather [hbm4b:s2+s3], $0x80, v3, vm0, $0xb8;
	[tilespmem:$0x18D00] =	vst v63  }
0x6d: {  	v3 =	vld [tilespmem:$0x50];
	_ =	sdelay $0x4  }
0x6e: {  	v29 =	vshll.u32 v3, $0x1  }
0x6f: {  	v3 =	vand.u32 $0x7, v3;
	v4 =	vand.u32 $0xFFFFFFF0, v29  }
0x70: {  	v3 =	vor.u32 v3, v4  }
0x71: {  	v4 =	vperm.xlane v3, v0;
	_ =	sdelay $0x1  }
0x72: {  	v3 =	vperm.xlane v3, v2;
	v4 =	vadd.s32 v1, v4;
	_ =	sdelay $0x1  }
0x73: {  	v3 =	vadd.s32 v1, v3;
	_ =	sdelay $0x1  }
0x74: {  	s12 =	simm.s32 $0x5D00  }
0x75: {  	[tilespmem:s12], [sflag:$0x1] =	stream.indirect_vreg.gather [hbm4b:s2+s3], $0x80, v4, vm0, $0xb8;
	[tilespmem:$0x18D00] =	vst v63  }
0x76: {  	s15 =	simm.s32 $0x6500  }
0x77: {  	[tilespmem:s15], [sflag:$0x1] =	stream.indirect_vreg.gather [hbm4b:s2+s3], $0x80, v3, vm0, $0xb8;
	[tilespmem:$0x18D00] =	vst v63  }
0x78: {  	v3 =	vld [tilespmem:$0x60];
	_ =	sdelay $0x4  }
0x79: {  	v30 =	vshll.u32 v3, $0x1  }
0x7a: {  	v3 =	vand.u32 $0x7, v3;
	v4 =	vand.u32 $0xFFFFFFF0, v30  }
0x7b: {  	v3 =	vor.u32 v3, v4  }
0x7c: {  	v4 =	vperm.xlane v3, v0;
	_ =	sdelay $0x1  }
0x7d: {  	v3 =	vperm.xlane v3, v2;
	v4 =	vadd.s32 v1, v4;
	_ =	sdelay $0x1  }
0x7e: {  	v3 =	vadd.s32 v1, v3;
	_ =	sdelay $0x1  }
0x7f: {  	s18 =	simm.s32 $0x6D00  }
0x80: {  	[tilespmem:s18], [sflag:$0x1] =	stream.indirect_vreg.gather [hbm4b:s2+s3], $0x80, v4, vm0, $0xb8;
	[tilespmem:$0x18D00] =	vst v63  }
0x81: {  	s22 =	simm.s32 $0x7500  }
0x82: {  	[tilespmem:s22], [sflag:$0x1] =	stream.indirect_vreg.gather [hbm4b:s2+s3], $0x80, v3, vm0, $0xb8;
	[tilespmem:$0x18D00] =	vst v63  }
0x83: {  	v3 =	vld [tilespmem:$0x70];
	_ =	sdelay $0x4  }
0x84: {  	v31 =	vshll.u32 v3, $0x1  }
0x85: {  	v3 =	vand.u32 $0x7, v3;
	v4 =	vand.u32 $0xFFFFFFF0, v31  }
0x86: {  	v3 =	vor.u32 v3, v4  }
0x87: {  	v4 =	vperm.xlane v3, v0;
	_ =	sdelay $0x1  }
0x88: {  	v3 =	vperm.xlane v3, v2;
	v4 =	vadd.s32 v1, v4;
	_ =	sdelay $0x1  }
0x89: {  	v3 =	vadd.s32 v1, v3;
	_ =	sdelay $0x1  }
0x8a: {  	s25 =	simm.s32 $0x7D00  }
0x8b: {  	[tilespmem:s25], [sflag:$0x1] =	stream.indirect_vreg.gather [hbm4b:s2+s3], $0x80, v4, vm0, $0xb8;
	[tilespmem:$0x18D00] =	vst v63  }
0x8c: {  	s26 =	simm.s32 $0x8500  }
0x8d: {  	[tilespmem:s26], [sflag:$0x1] =	stream.indirect_vreg.gather [hbm4b:s2+s3], $0x80, v3, vm0, $0xb8;
	[tilespmem:$0x18D00] =	vst v63  }
0x8e: {  	v3 =	vld [tilespmem:$0x80];
	_ =	sdelay $0x4  }
0x8f: {  	v32 =	vshll.u32 v3, $0x1  }
0x90: {  	v3 =	vand.u32 $0x7, v3;
	v4 =	vand.u32 $0xFFFFFFF0, v32  }
0x91: {  	v3 =	vor.u32 v3, v4  }
0x92: {  	v4 =	vperm.xlane v3, v0;
	_ =	sdelay $0x1  }
0x93: {  	v3 =	vperm.xlane v3, v2;
	v4 =	vadd.s32 v1, v4;
	_ =	sdelay $0x1  }
0x94: {  	v3 =	vadd.s32 v1, v3;
	_ =	sdelay $0x1  }
0x95: {  	s28 =	simm.s32 $0x8D00  }
0x96: {  	[tilespmem:s28], [sflag:$0x2] =	stream.indirect_vreg.gather [hbm4b:s2+s3], $0x80, v4, vm0, $0xb8;
	[tilespmem:$0x18D00] =	vst v63  }
0x97: {  	s29 =	simm.s32 $0x9500  }
0x98: {  	[tilespmem:s29], [sflag:$0x2] =	stream.indirect_vreg.gather [hbm4b:s2+s3], $0x80, v3, vm0, $0xb8;
	[tilespmem:$0x18D00] =	vst v63  }
0x99: {  	v3 =	vld [tilespmem:$0x90];
	_ =	sdelay $0x4  }
0x9a: {  	v33 =	vshll.u32 v3, $0x1  }
0x9b: {  	v3 =	vand.u32 $0x7, v3;
	v4 =	vand.u32 $0xFFFFFFF0, v33  }
0x9c: {  	v3 =	vor.u32 v3, v4  }
0x9d: {  	v4 =	vperm.xlane v3, v0;
	_ =	sdelay $0x1  }
0x9e: {  	v3 =	vperm.xlane v3, v2;
	v4 =	vadd.s32 v1, v4;
	_ =	sdelay $0x1  }
0x9f: {  	v3 =	vadd.s32 v1, v3;
	_ =	sdelay $0x1  }
0xa0: {  	s30 =	simm.s32 $0x9D00  }
0xa1: {  	[tilespmem:s30], [sflag:$0x2] =	stream.indirect_vreg.gather [hbm4b:s2+s3], $0x80, v4, vm0, $0xb8;
	[tilespmem:$0x18D00] =	vst v63  }
0xa2: {  	s4 =	simm.s32 $0xA500  }
0xa3: {  	[tilespmem:s4], [sflag:$0x2] =	stream.indirect_vreg.gather [hbm4b:s2+s3], $0x80, v3, vm0, $0xb8;
	[tilespmem:$0x18D00] =	vst v63  }
0xa4: {  	v3 =	vld [tilespmem:$0xA0];
	_ =	sdelay $0x4  }
0xa5: {  	v34 =	vshll.u32 v3, $0x1  }
0xa6: {  	v3 =	vand.u32 $0x7, v3;
	v4 =	vand.u32 $0xFFFFFFF0, v34  }
0xa7: {  	v3 =	vor.u32 v3, v4  }
0xa8: {  	v4 =	vperm.xlane v3, v0;
	_ =	sdelay $0x1  }
0xa9: {  	v3 =	vperm.xlane v3, v2;
	v4 =	vadd.s32 v1, v4;
	_ =	sdelay $0x1  }
0xaa: {  	v3 =	vadd.s32 v1, v3;
	_ =	sdelay $0x1  }
0xab: {  	s5 =	simm.s32 $0xAD00  }
0xac: {  	[tilespmem:s5], [sflag:$0x2] =	stream.indirect_vreg.gather [hbm4b:s2+s3], $0x80, v4, vm0, $0xb8;
	[tilespmem:$0x18D00] =	vst v63  }
0xad: {  	s6 =	simm.s32 $0xB500  }
0xae: {  	[tilespmem:s6], [sflag:$0x2] =	stream.indirect_vreg.gather [hbm4b:s2+s3], $0x80, v3, vm0, $0xb8;
	[tilespmem:$0x18D00] =	vst v63  }
0xaf: {  	v3 =	vld [tilespmem:$0xB0];
	_ =	sdelay $0x4  }
0xb0: {  	v35 =	vshll.u32 v3, $0x1  }
0xb1: {  	v3 =	vand.u32 $0x7, v3;
	v4 =	vand.u32 $0xFFFFFFF0, v35  }
0xb2: {  	v3 =	vor.u32 v3, v4  }
0xb3: {  	v4 =	vperm.xlane v3, v0;
	_ =	sdelay $0x1  }
0xb4: {  	v3 =	vperm.xlane v3, v2;
	v4 =	vadd.s32 v1, v4;
	_ =	sdelay $0x1  }
0xb5: {  	v3 =	vadd.s32 v1, v3;
	_ =	sdelay $0x1  }
0xb6: {  	s7 =	simm.s32 $0xBD00  }
0xb7: {  	[tilespmem:s7], [sflag:$0x2] =	stream.indirect_vreg.gather [hbm4b:s2+s3], $0x80, v4, vm0, $0xb8;
	[tilespmem:$0x18D00] =	vst v63  }
0xb8: {  	s8 =	simm.s32 $0xC500  }
0xb9: {  	[tilespmem:s8], [sflag:$0x2] =	stream.indirect_vreg.gather [hbm4b:s2+s3], $0x80, v3, vm0, $0xb8;
	[tilespmem:$0x18D00] =	vst v63  }
0xba: {  	v3 =	vld [tilespmem:$0xC0];
	_ =	sdelay $0x4  }
0xbb: {  	v36 =	vshll.u32 v3, $0x1  }
0xbc: {  	v3 =	vand.u32 $0x7, v3;
	v4 =	vand.u32 $0xFFFFFFF0, v36  }
0xbd: {  	v3 =	vor.u32 v3, v4  }
0xbe: {  	v4 =	vperm.xlane v3, v0;
	_ =	sdelay $0x1  }
0xbf: {  	v3 =	vperm.xlane v3, v2;
	v4 =	vadd.s32 v1, v4;
	_ =	sdelay $0x1  }
0xc0: {  	v3 =	vadd.s32 v1, v3;
	_ =	sdelay $0x1  }
0xc1: {  	s12 =	simm.s32 $0xCD00  }
0xc2: {  	[tilespmem:s12], [sflag:$0x2] =	stream.indirect_vreg.gather [hbm4b:s2+s3], $0x80, v4, vm0, $0xb8;
	[tilespmem:$0x18D00] =	vst v63  }
0xc3: {  	s15 =	simm.s32 $0xD500  }
0xc4: {  	[tilespmem:s15], [sflag:$0x2] =	stream.indirect_vreg.gather [hbm4b:s2+s3], $0x80, v3, vm0, $0xb8;
	[tilespmem:$0x18D00] =	vst v63  }
0xc5: {  	v3 =	vld [tilespmem:$0xD0];
	_ =	sdelay $0x4  }
0xc6: {  	v37 =	vshll.u32 v3, $0x1  }
0xc7: {  	v3 =	vand.u32 $0x7, v3;
	v4 =	vand.u32 $0xFFFFFFF0, v37  }
0xc8: {  	v3 =	vor.u32 v3, v4  }
0xc9: {  	v4 =	vperm.xlane v3, v0;
	_ =	sdelay $0x1  }
0xca: {  	v3 =	vperm.xlane v3, v2;
	v4 =	vadd.s32 v1, v4;
	_ =	sdelay $0x1  }
0xcb: {  	v3 =	vadd.s32 v1, v3;
	_ =	sdelay $0x1  }
0xcc: {  	s18 =	simm.s32 $0xDD00  }
0xcd: {  	[tilespmem:s18], [sflag:$0x2] =	stream.indirect_vreg.gather [hbm4b:s2+s3], $0x80, v4, vm0, $0xb8;
	[tilespmem:$0x18D00] =	vst v63  }
0xce: {  	s22 =	simm.s32 $0xE500  }
0xcf: {  	[tilespmem:s22], [sflag:$0x2] =	stream.indirect_vreg.gather [hbm4b:s2+s3], $0x80, v3, vm0, $0xb8;
	[tilespmem:$0x18D00] =	vst v63  }
0xd0: {  	v3 =	vld [tilespmem:$0xE0];
	_ =	sdelay $0x4  }
0xd1: {  	v38 =	vshll.u32 v3, $0x1  }
0xd2: {  	v3 =	vand.u32 $0x7, v3;
	v4 =	vand.u32 $0xFFFFFFF0, v38  }
0xd3: {  	v3 =	vor.u32 v3, v4  }
0xd4: {  	v4 =	vperm.xlane v3, v0;
	_ =	sdelay $0x1  }
0xd5: {  	v3 =	vperm.xlane v3, v2;
	v4 =	vadd.s32 v1, v4;
	_ =	sdelay $0x1  }
0xd6: {  	v3 =	vadd.s32 v1, v3;
	_ =	sdelay $0x1  }
0xd7: {  	s25 =	simm.s32 $0xED00  }
0xd8: {  	[tilespmem:s25], [sflag:$0x2] =	stream.indirect_vreg.gather [hbm4b:s2+s3], $0x80, v4, vm0, $0xb8;
	[tilespmem:$0x18D00] =	vst v63  }
0xd9: {  	s26 =	simm.s32 $0xF500  }
0xda: {  	[tilespmem:s26], [sflag:$0x2] =	stream.indirect_vreg.gather [hbm4b:s2+s3], $0x80, v3, vm0, $0xb8;
	[tilespmem:$0x18D00] =	vst v63  }
0xdb: {  	v3 =	vld [tilespmem:$0xF0];
	_ =	sdelay $0x4  }
0xdc: {  	v39 =	vshll.u32 v3, $0x1  }
0xdd: {  	v3 =	vand.u32 $0x7, v3;
	v4 =	vand.u32 $0xFFFFFFF0, v39  }
0xde: {  	v3 =	vor.u32 v3, v4  }
0xdf: {  	v4 =	vperm.xlane v3, v0;
	_ =	sdelay $0x1  }
0xe0: {  	v3 =	vperm.xlane v3, v2;
	v4 =	vadd.s32 v1, v4;
	_ =	sdelay $0x1  }
0xe1: {  	v3 =	vadd.s32 v1, v3;
	_ =	sdelay $0x1  }
0xe2: {  	s28 =	simm.s32 $0xFD00  }
0xe3: {  	[tilespmem:s28], [sflag:$0x2] =	stream.indirect_vreg.gather [hbm4b:s2+s3], $0x80, v4, vm0, $0xb8;
	[tilespmem:$0x18D00] =	vst v63  }
0xe4: {  	s29 =	simm.s32 $0x10500  }
0xe5: {  	[tilespmem:s29], [sflag:$0x2] =	stream.indirect_vreg.gather [hbm4b:s2+s3], $0x80, v3, vm0, $0xb8;
	[tilespmem:$0x18D00] =	vst v63  }
0xe6: {  	_ =	swait.ge [sflag:s11], $0x8000  }
0xe7: {  	[sflag:s11] =	ssyncset.done $0x0  }
0xe8: {  	s19 =	simm.s32 $0xD00;
	s5 =	rddreg [dreg:$0x5];
	[sflag:s11] =	ssyncadd.s32 $0xFFFF8000  }
0xe9: {  	[hbm4b:s5+s3] =	stream.linear.scatter [tilespmem:s19], [sflag:$0x4], $0x8000, $0x38;
	[tilespmem:$0x18D00] =	vst v63  }
0xea: {  	v3 =	vld [tilespmem:$0x100];
	_ =	sdelay $0x4  }
0xeb: {  	v40 =	vshll.u32 v3, $0x1  }
0xec: {  	v3 =	vand.u32 $0x7, v3;
	v4 =	vand.u32 $0xFFFFFFF0, v40  }
0xed: {  	v3 =	vor.u32 v3, v4  }
0xee: {  	v4 =	vperm.xlane v3, v0;
	_ =	sdelay $0x1  }
0xef: {  	v3 =	vperm.xlane v3, v2;
	v4 =	vadd.s32 v1, v4;
	_ =	sdelay $0x1  }
0xf0: {  	v3 =	vadd.s32 v1, v3;
	_ =	sdelay $0x1  }
0xf1: {  	s6 =	simm.s32 $0x10D00  }
0xf2: {  	[tilespmem:s6], [sflag:$0x3] =	stream.indirect_vreg.gather [hbm4b:s2+s3], $0x80, v4, vm0, $0xb8;
	[tilespmem:$0x18D00] =	vst v63  }
0xf3: {  	s15 =	simm.s32 $0x11500  }
0xf4: {  	[tilespmem:s15], [sflag:$0x3] =	stream.indirect_vreg.gather [hbm4b:s2+s3], $0x80, v3, vm0, $0xb8;
	[tilespmem:$0x18D00] =	vst v63  }
0xf5: {  	v3 =	vld [tilespmem:$0x110];
	_ =	sdelay $0x4  }
0xf6: {  	v41 =	vshll.u32 v3, $0x1  }
0xf7: {  	v3 =	vand.u32 $0x7, v3;
	v4 =	vand.u32 $0xFFFFFFF0, v41  }
0xf8: {  	v3 =	vor.u32 v3, v4  }
0xf9: {  	v4 =	vperm.xlane v3, v0;
	_ =	sdelay $0x1  }
0xfa: {  	v3 =	vperm.xlane v3, v2;
	v4 =	vadd.s32 v1, v4;
	_ =	sdelay $0x1  }
0xfb: {  	v3 =	vadd.s32 v1, v3;
	_ =	sdelay $0x1  }
0xfc: {  	s18 =	simm.s32 $0x11D00  }
0xfd: {  	[tilespmem:s18], [sflag:$0x3] =	stream.indirect_vreg.gather [hbm4b:s2+s3], $0x80, v4, vm0, $0xb8;
	[tilespmem:$0x18D00] =	vst v63  }
0xfe: {  	s22 =	simm.s32 $0x12500  }
0xff: {  	[tilespmem:s22], [sflag:$0x3] =	stream.indirect_vreg.gather [hbm4b:s2+s3], $0x80, v3, vm0, $0xb8;
	[tilespmem:$0x18D00] =	vst v63  }
0x100: {  	v3 =	vld [tilespmem:$0x120];
	_ =	sdelay $0x4  }
0x101: {  	v42 =	vshll.u32 v3, $0x1  }
0x102: {  	v3 =	vand.u32 $0x7, v3;
	v4 =	vand.u32 $0xFFFFFFF0, v42  }
0x103: {  	v3 =	vor.u32 v3, v4  }
0x104: {  	v4 =	vperm.xlane v3, v0;
	_ =	sdelay $0x1  }
0x105: {  	v3 =	vperm.xlane v3, v2;
	v4 =	vadd.s32 v1, v4;
	_ =	sdelay $0x1  }
0x106: {  	v3 =	vadd.s32 v1, v3;
	_ =	sdelay $0x1  }
0x107: {  	s25 =	simm.s32 $0x12D00  }
0x108: {  	[tilespmem:s25], [sflag:$0x3] =	stream.indirect_vreg.gather [hbm4b:s2+s3], $0x80, v4, vm0, $0xb8;
	[tilespmem:$0x18D00] =	vst v63  }
0x109: {  	s26 =	simm.s32 $0x13500  }
0x10a: {  	[tilespmem:s26], [sflag:$0x3] =	stream.indirect_vreg.gather [hbm4b:s2+s3], $0x80, v3, vm0, $0xb8;
	[tilespmem:$0x18D00] =	vst v63  }
0x10b: {  	v3 =	vld [tilespmem:$0x130];
	_ =	sdelay $0x4  }
0x10c: {  	v43 =	vshll.u32 v3, $0x1  }
0x10d: {  	v3 =	vand.u32 $0x7, v3;
	v4 =	vand.u32 $0xFFFFFFF0, v43  }
0x10e: {  	v3 =	vor.u32 v3, v4  }
0x10f: {  	v4 =	vperm.xlane v3, v0;
	_ =	sdelay $0x1  }
0x110: {  	v3 =	vperm.xlane v3, v2;
	v4 =	vadd.s32 v1, v4;
	_ =	sdelay $0x1  }
0x111: {  	v3 =	vadd.s32 v1, v3;
	_ =	sdelay $0x1  }
0x112: {  	s28 =	simm.s32 $0x13D00  }
0x113: {  	[tilespmem:s28], [sflag:$0x3] =	stream.indirect_vreg.gather [hbm4b:s2+s3], $0x80, v4, vm0, $0xb8;
	[tilespmem:$0x18D00] =	vst v63  }
0x114: {  	s29 =	simm.s32 $0x14500  }
0x115: {  	[tilespmem:s29], [sflag:$0x3] =	stream.indirect_vreg.gather [hbm4b:s2+s3], $0x80, v3, vm0, $0xb8;
	[tilespmem:$0x18D00] =	vst v63  }
0x116: {  	v3 =	vld [tilespmem:$0x140];
	_ =	sdelay $0x4  }
0x117: {  	v44 =	vshll.u32 v3, $0x1  }
0x118: {  	v3 =	vand.u32 $0x7, v3;
	v4 =	vand.u32 $0xFFFFFFF0, v44  }
0x119: {  	v3 =	vor.u32 v3, v4  }
0x11a: {  	v4 =	vperm.xlane v3, v0;
	_ =	sdelay $0x1  }
0x11b: {  	v3 =	vperm.xlane v3, v2;
	v4 =	vadd.s32 v1, v4;
	_ =	sdelay $0x1  }
0x11c: {  	v3 =	vadd.s32 v1, v3;
	_ =	sdelay $0x1  }
0x11d: {  	s5 =	simm.s32 $0x14D00  }
0x11e: {  	[tilespmem:s5], [sflag:$0x3] =	stream.indirect_vreg.gather [hbm4b:s2+s3], $0x80, v4, vm0, $0xb8;
	[tilespmem:$0x18D00] =	vst v63  }
0x11f: {  	s6 =	simm.s32 $0x15500  }
0x120: {  	[tilespmem:s6], [sflag:$0x3] =	stream.indirect_vreg.gather [hbm4b:s2+s3], $0x80, v3, vm0, $0xb8;
	[tilespmem:$0x18D00] =	vst v63  }
0x121: {  	v3 =	vld [tilespmem:$0x150];
	_ =	sdelay $0x4  }
0x122: {  	v45 =	vshll.u32 v3, $0x1  }
0x123: {  	v3 =	vand.u32 $0x7, v3;
	v4 =	vand.u32 $0xFFFFFFF0, v45  }
0x124: {  	v3 =	vor.u32 v3, v4  }
0x125: {  	v4 =	vperm.xlane v3, v0;
	_ =	sdelay $0x1  }
0x126: {  	v3 =	vperm.xlane v3, v2;
	v4 =	vadd.s32 v1, v4;
	_ =	sdelay $0x1  }
0x127: {  	v3 =	vadd.s32 v1, v3;
	_ =	sdelay $0x1  }
0x128: {  	s18 =	simm.s32 $0x15D00  }
0x129: {  	[tilespmem:s18], [sflag:$0x3] =	stream.indirect_vreg.gather [hbm4b:s2+s3], $0x80, v4, vm0, $0xb8;
	[tilespmem:$0x18D00] =	vst v63  }
0x12a: {  	s22 =	simm.s32 $0x16500  }
0x12b: {  	[tilespmem:s22], [sflag:$0x3] =	stream.indirect_vreg.gather [hbm4b:s2+s3], $0x80, v3, vm0, $0xb8;
	[tilespmem:$0x18D00] =	vst v63  }
0x12c: {  	v3 =	vld [tilespmem:$0x160];
	_ =	sdelay $0x4  }
0x12d: {  	v46 =	vshll.u32 v3, $0x1  }
0x12e: {  	v3 =	vand.u32 $0x7, v3;
	v4 =	vand.u32 $0xFFFFFFF0, v46  }
0x12f: {  	v3 =	vor.u32 v3, v4  }
0x130: {  	v4 =	vperm.xlane v3, v0;
	_ =	sdelay $0x1  }
0x131: {  	v3 =	vperm.xlane v3, v2;
	v4 =	vadd.s32 v1, v4;
	_ =	sdelay $0x1  }
0x132: {  	v3 =	vadd.s32 v1, v3;
	_ =	sdelay $0x1  }
0x133: {  	s25 =	simm.s32 $0x16D00  }
0x134: {  	[tilespmem:s25], [sflag:$0x3] =	stream.indirect_vreg.gather [hbm4b:s2+s3], $0x80, v4, vm0, $0xb8;
	[tilespmem:$0x18D00] =	vst v63  }
0x135: {  	s26 =	simm.s32 $0x17500  }
0x136: {  	[tilespmem:s26], [sflag:$0x3] =	stream.indirect_vreg.gather [hbm4b:s2+s3], $0x80, v3, vm0, $0xb8;
	[tilespmem:$0x18D00] =	vst v63  }
0x137: {  	v3 =	vld [tilespmem:$0x170];
	_ =	sdelay $0x4  }
0x138: {  	v47 =	vshll.u32 v3, $0x1  }
0x139: {  	v3 =	vand.u32 $0x7, v3;
	v4 =	vand.u32 $0xFFFFFFF0, v47  }
0x13a: {  	v3 =	vor.u32 v3, v4  }
0x13b: {  	v4 =	vperm.xlane v3, v0;
	_ =	sdelay $0x1  }
0x13c: {  	v3 =	vperm.xlane v3, v2;
	v4 =	vadd.s32 v1, v4;
	_ =	sdelay $0x1  }
0x13d: {  	v3 =	vadd.s32 v1, v3;
	_ =	sdelay $0x1  }
0x13e: {  	s28 =	simm.s32 $0x17D00  }
0x13f: {  	[tilespmem:s28], [sflag:$0x3] =	stream.indirect_vreg.gather [hbm4b:s2+s3], $0x80, v4, vm0, $0xb8;
	[tilespmem:$0x18D00] =	vst v63  }
0x140: {  	s29 =	simm.s32 $0x18500  }
0x141: {  	[tilespmem:s29], [sflag:$0x3] =	stream.indirect_vreg.gather [hbm4b:s2+s3], $0x80, v3, vm0, $0xb8;
	[tilespmem:$0x18D00] =	vst v63  }
0x142: {  	_ =	swait.ge [sflag:s13], $0x8000  }
0x143: {  	[sflag:s13] =	ssyncset.done $0x0  }
0x144: {  	s5 =	simm.s32 $0x8D00;
	s0 =	rddreg [dreg:$0x6];
	[sflag:s13] =	ssyncadd.s32 $0xFFFF8000  }
0x145: {  	[hbm4b:s0+s3] =	stream.linear.scatter [tilespmem:s5], [sflag:$0x5], $0x8000, $0x38;
	[tilespmem:$0x18D00] =	vst v63  }
0x146: {  	_ =	swait.ge [sflag:s14], $0x8000  }
0x147: {  	[sflag:s14] =	ssyncset.done $0x0  }
0x148: {  	[sflag:s14] =	ssyncadd.s32 $0xFFFF8000  }
0x149: {  	v3 =	vld [tilespmem:$0x180];
	_ =	sdelay $0x4  }
0x14a: {  	v48 =	vshll.u32 v3, $0x1  }
0x14b: {  	v3 =	vand.u32 $0x7, v3;
	v4 =	vand.u32 $0xFFFFFFF0, v48  }
0x14c: {  	v3 =	vor.u32 v3, v4  }
0x14d: {  	v4 =	vperm.xlane v3, v0;
	_ =	sdelay $0x1  }
0x14e: {  	v3 =	vperm.xlane v3, v2;
	v4 =	vadd.s32 v1, v4;
	_ =	sdelay $0x1  }
0x14f: {  	v3 =	vadd.s32 v1, v3;
	_ =	sdelay $0x1  }
0x150: {  	s19 =	simm.s32 $0xD00  }
0x151: {  	[tilespmem:s19], [sflag:$0x1] =	stream.indirect_vreg.gather [hbm4b:s2+s3], $0x80, v4, vm0, $0xb8;
	[tilespmem:$0x18D00] =	vst v63  }
0x152: {  	s20 =	simm.s32 $0x1500  }
0x153: {  	[tilespmem:s20], [sflag:$0x1] =	stream.indirect_vreg.gather [hbm4b:s2+s3], $0x80, v3, vm0, $0xb8;
	[tilespmem:$0x18D00] =	vst v63  }
0x154: {  	v3 =	vld [tilespmem:$0x190];
	_ =	sdelay $0x4  }
0x155: {  	v49 =	vshll.u32 v3, $0x1  }
0x156: {  	v3 =	vand.u32 $0x7, v3;
	v4 =	vand.u32 $0xFFFFFFF0, v49  }
0x157: {  	v3 =	vor.u32 v3, v4  }
0x158: {  	v4 =	vperm.xlane v3, v0;
	_ =	sdelay $0x1  }
0x159: {  	v3 =	vperm.xlane v3, v2;
	v4 =	vadd.s32 v1, v4;
	_ =	sdelay $0x1  }
0x15a: {  	v3 =	vadd.s32 v1, v3;
	_ =	sdelay $0x1  }
0x15b: {  	s9 =	simm.s32 $0x1D00  }
0x15c: {  	[tilespmem:s9], [sflag:$0x1] =	stream.indirect_vreg.gather [hbm4b:s2+s3], $0x80, v4, vm0, $0xb8;
	[tilespmem:$0x18D00] =	vst v63  }
0x15d: {  	s21 =	simm.s32 $0x2500  }
0x15e: {  	[tilespmem:s21], [sflag:$0x1] =	stream.indirect_vreg.gather [hbm4b:s2+s3], $0x80, v3, vm0, $0xb8;
	[tilespmem:$0x18D00] =	vst v63  }
0x15f: {  	v3 =	vld [tilespmem:$0x1A0];
	_ =	sdelay $0x4  }
0x160: {  	v50 =	vshll.u32 v3, $0x1  }
0x161: {  	v3 =	vand.u32 $0x7, v3;
	v4 =	vand.u32 $0xFFFFFFF0, v50  }
0x162: {  	v3 =	vor.u32 v3, v4  }
0x163: {  	v4 =	vperm.xlane v3, v0;
	_ =	sdelay $0x1  }
0x164: {  	v3 =	vperm.xlane v3, v2;
	v4 =	vadd.s32 v1, v4;
	_ =	sdelay $0x1  }
0x165: {  	v3 =	vadd.s32 v1, v3;
	_ =	sdelay $0x1  }
0x166: {  	s10 =	simm.s32 $0x2D00  }
0x167: {  	[tilespmem:s10], [sflag:$0x1] =	stream.indirect_vreg.gather [hbm4b:s2+s3], $0x80, v4, vm0, $0xb8;
	[tilespmem:$0x18D00] =	vst v63  }
0x168: {  	s23 =	simm.s32 $0x3500  }
0x169: {  	[tilespmem:s23], [sflag:$0x1] =	stream.indirect_vreg.gather [hbm4b:s2+s3], $0x80, v3, vm0, $0xb8;
	[tilespmem:$0x18D00] =	vst v63  }
0x16a: {  	v3 =	vld [tilespmem:$0x1B0];
	_ =	sdelay $0x4  }
0x16b: {  	v51 =	vshll.u32 v3, $0x1  }
0x16c: {  	v3 =	vand.u32 $0x7, v3;
	v4 =	vand.u32 $0xFFFFFFF0, v51  }
0x16d: {  	v3 =	vor.u32 v3, v4  }
0x16e: {  	v4 =	vperm.xlane v3, v0;
	_ =	sdelay $0x1  }
0x16f: {  	v3 =	vperm.xlane v3, v2;
	v4 =	vadd.s32 v1, v4;
	_ =	sdelay $0x1  }
0x170: {  	v3 =	vadd.s32 v1, v3;
	_ =	sdelay $0x1  }
0x171: {  	s31 =	simm.s32 $0x3D00  }
0x172: {  	[tilespmem:s31], [sflag:$0x1] =	stream.indirect_vreg.gather [hbm4b:s2+s3], $0x80, v4, vm0, $0xb8;
	[tilespmem:$0x18D00] =	vst v63  }
0x173: {  	s24 =	simm.s32 $0x4500  }
0x174: {  	[tilespmem:s24], [sflag:$0x1] =	stream.indirect_vreg.gather [hbm4b:s2+s3], $0x80, v3, vm0, $0xb8;
	[tilespmem:$0x18D00] =	vst v63  }
0x175: {  	v3 =	vld [tilespmem:$0x1C0];
	_ =	sdelay $0x4  }
0x176: {  	v52 =	vshll.u32 v3, $0x1  }
0x177: {  	v3 =	vand.u32 $0x7, v3;
	v4 =	vand.u32 $0xFFFFFFF0, v52  }
0x178: {  	v3 =	vor.u32 v3, v4  }
0x179: {  	v4 =	vperm.xlane v3, v0;
	_ =	sdelay $0x1  }
0x17a: {  	v3 =	vperm.xlane v3, v2;
	v4 =	vadd.s32 v1, v4;
	_ =	sdelay $0x1  }
0x17b: {  	v3 =	vadd.s32 v1, v3;
	_ =	sdelay $0x1  }
0x17c: {  	s20 =	simm.s32 $0x4D00  }
0x17d: {  	[tilespmem:s20], [sflag:$0x1] =	stream.indirect_vreg.gather [hbm4b:s2+s3], $0x80, v4, vm0, $0xb8;
	[tilespmem:$0x18D00] =	vst v63  }
0x17e: {  	s25 =	simm.s32 $0x5500  }
0x17f: {  	[tilespmem:s25], [sflag:$0x1] =	stream.indirect_vreg.gather [hbm4b:s2+s3], $0x80, v3, vm0, $0xb8;
	[tilespmem:$0x18D00] =	vst v63  }
0x180: {  	v3 =	vld [tilespmem:$0x1D0];
	_ =	sdelay $0x4  }
0x181: {  	v53 =	vshll.u32 v3, $0x1  }
0x182: {  	v3 =	vand.u32 $0x7, v3;
	v4 =	vand.u32 $0xFFFFFFF0, v53  }
0x183: {  	v3 =	vor.u32 v3, v4  }
0x184: {  	v4 =	vperm.xlane v3, v0;
	_ =	sdelay $0x1  }
0x185: {  	v3 =	vperm.xlane v3, v2;
	v4 =	vadd.s32 v1, v4;
	_ =	sdelay $0x1  }
0x186: {  	v3 =	vadd.s32 v1, v3;
	_ =	sdelay $0x1  }
0x187: {  	s21 =	simm.s32 $0x5D00  }
0x188: {  	[tilespmem:s21], [sflag:$0x1] =	stream.indirect_vreg.gather [hbm4b:s2+s3], $0x80, v4, vm0, $0xb8;
	[tilespmem:$0x18D00] =	vst v63  }
0x189: {  	s26 =	simm.s32 $0x6500  }
0x18a: {  	[tilespmem:s26], [sflag:$0x1] =	stream.indirect_vreg.gather [hbm4b:s2+s3], $0x80, v3, vm0, $0xb8;
	[tilespmem:$0x18D00] =	vst v63  }
0x18b: {  	v3 =	vld [tilespmem:$0x1E0];
	_ =	sdelay $0x4  }
0x18c: {  	v54 =	vshll.u32 v3, $0x1  }
0x18d: {  	v3 =	vand.u32 $0x7, v3;
	v4 =	vand.u32 $0xFFFFFFF0, v54  }
0x18e: {  	v3 =	vor.u32 v3, v4  }
0x18f: {  	v4 =	vperm.xlane v3, v0;
	_ =	sdelay $0x1  }
0x190: {  	v3 =	vperm.xlane v3, v2;
	v4 =	vadd.s32 v1, v4;
	_ =	sdelay $0x1  }
0x191: {  	v3 =	vadd.s32 v1, v3;
	_ =	sdelay $0x1  }
0x192: {  	s23 =	simm.s32 $0x6D00  }
0x193: {  	[tilespmem:s23], [sflag:$0x1] =	stream.indirect_vreg.gather [hbm4b:s2+s3], $0x80, v4, vm0, $0xb8;
	[tilespmem:$0x18D00] =	vst v63  }
0x194: {  	s28 =	simm.s32 $0x7500  }
0x195: {  	[tilespmem:s28], [sflag:$0x1] =	stream.indirect_vreg.gather [hbm4b:s2+s3], $0x80, v3, vm0, $0xb8;
	[tilespmem:$0x18D00] =	vst v63  }
0x196: {  	v3 =	vld [tilespmem:$0x1F0];
	_ =	sdelay $0x4  }
0x197: {  	v55 =	vshll.u32 v3, $0x1  }
0x198: {  	v3 =	vand.u32 $0x7, v3;
	v4 =	vand.u32 $0xFFFFFFF0, v55  }
0x199: {  	v3 =	vor.u32 v3, v4  }
0x19a: {  	v4 =	vperm.xlane v3, v0;
	_ =	sdelay $0x1  }
0x19b: {  	v3 =	vperm.xlane v3, v2;
	v4 =	vadd.s32 v1, v4;
	_ =	sdelay $0x1  }
0x19c: {  	v3 =	vadd.s32 v1, v3;
	_ =	sdelay $0x1  }
0x19d: {  	s24 =	simm.s32 $0x7D00  }
0x19e: {  	[tilespmem:s24], [sflag:$0x1] =	stream.indirect_vreg.gather [hbm4b:s2+s3], $0x80, v4, vm0, $0xb8;
	[tilespmem:$0x18D00] =	vst v63  }
0x19f: {  	s29 =	simm.s32 $0x8500  }
0x1a0: {  	[tilespmem:s29], [sflag:$0x1] =	stream.indirect_vreg.gather [hbm4b:s2+s3], $0x80, v3, vm0, $0xb8;
	[tilespmem:$0x18D00] =	vst v63  }
0x1a1: {  	_ =	swait.ge [sflag:s17], $0x8000  }
0x1a2: {  	[sflag:s17] =	ssyncset.done $0x0  }
0x1a3: {  	s6 =	simm.s32 $0x10D00;
	s31 =	rddreg [dreg:$0x7];
	[sflag:s17] =	ssyncadd.s32 $0xFFFF8000  }
0x1a4: {  	[hbm4b:s31+s3] =	stream.linear.scatter [tilespmem:s6], [sflag:$0x6], $0x8000, $0x38;
	[tilespmem:$0x18D00] =	vst v63  }
0x1a5: {  	_ =	swait.ge [sflag:s16], $0x8000  }
0x1a6: {  	[sflag:s16] =	ssyncset.done $0x0  }
0x1a7: {  	[sflag:s16] =	ssyncadd.s32 $0xFFFF8000  }
0x1a8: {  	v3 =	vld [tilespmem:$0x200];
	_ =	sdelay $0x4  }
0x1a9: {  	v56 =	vshll.u32 v3, $0x1  }
0x1aa: {  	v3 =	vand.u32 $0x7, v3;
	v4 =	vand.u32 $0xFFFFFFF0, v56  }
0x1ab: {  	v3 =	vor.u32 v3, v4  }
0x1ac: {  	v4 =	vperm.xlane v3, v0;
	_ =	sdelay $0x1  }
0x1ad: {  	v3 =	vperm.xlane v3, v2;
	v4 =	vadd.s32 v1, v4;
	_ =	sdelay $0x1  }
0x1ae: {  	v3 =	vadd.s32 v1, v3;
	_ =	sdelay $0x2  }
0x1af: {  	[tilespmem:s5], [sflag:$0x2] =	stream.indirect_vreg.gather [hbm4b:s2+s3], $0x80, v4, vm0, $0xb8;
	[tilespmem:$0x18D00] =	vst v63  }
0x1b0: {  	s1 =	simm.s32 $0x9500  }
0x1b1: {  	[tilespmem:s1], [sflag:$0x2] =	stream.indirect_vreg.gather [hbm4b:s2+s3], $0x80, v3, vm0, $0xb8;
	[tilespmem:$0x18D00] =	vst v63  }
0x1b2: {  	v3 =	vld [tilespmem:$0x210];
	_ =	sdelay $0x4  }
0x1b3: {  	v57 =	vshll.u32 v3, $0x1  }
0x1b4: {  	v3 =	vand.u32 $0x7, v3;
	v4 =	vand.u32 $0xFFFFFFF0, v57  }
0x1b5: {  	v3 =	vor.u32 v3, v4  }
0x1b6: {  	v4 =	vperm.xlane v3, v0;
	_ =	sdelay $0x1  }
0x1b7: {  	v3 =	vperm.xlane v3, v2;
	v4 =	vadd.s32 v1, v4;
	_ =	sdelay $0x1  }
0x1b8: {  	v3 =	vadd.s32 v1, v3;
	_ =	sdelay $0x1  }
0x1b9: {  	s5 =	simm.s32 $0x9D00  }
0x1ba: {  	[tilespmem:s5], [sflag:$0x2] =	stream.indirect_vreg.gather [hbm4b:s2+s3], $0x80, v4, vm0, $0xb8;
	[tilespmem:$0x18D00] =	vst v63  }
0x1bb: {  	s4 =	simm.s32 $0xA500  }
0x1bc: {  	[tilespmem:s4], [sflag:$0x2] =	stream.indirect_vreg.gather [hbm4b:s2+s3], $0x80, v3, vm0, $0xb8;
	[tilespmem:$0x18D00] =	vst v63  }
0x1bd: {  	v3 =	vld [tilespmem:$0x220];
	_ =	sdelay $0x4  }
0x1be: {  	v58 =	vshll.u32 v3, $0x1  }
0x1bf: {  	v3 =	vand.u32 $0x7, v3;
	v4 =	vand.u32 $0xFFFFFFF0, v58  }
0x1c0: {  	v3 =	vor.u32 v3, v4  }
0x1c1: {  	v4 =	vperm.xlane v3, v0;
	_ =	sdelay $0x1  }
0x1c2: {  	v3 =	vperm.xlane v3, v2;
	v4 =	vadd.s32 v1, v4;
	_ =	sdelay $0x1  }
0x1c3: {  	v3 =	vadd.s32 v1, v3;
	_ =	sdelay $0x1  }
0x1c4: {  	s1 =	simm.s32 $0xAD00  }
0x1c5: {  	[tilespmem:s1], [sflag:$0x2] =	stream.indirect_vreg.gather [hbm4b:s2+s3], $0x80, v4, vm0, $0xb8;
	[tilespmem:$0x18D00] =	vst v63  }
0x1c6: {  	s30 =	simm.s32 $0xB500  }
0x1c7: {  	[tilespmem:s30], [sflag:$0x2] =	stream.indirect_vreg.gather [hbm4b:s2+s3], $0x80, v3, vm0, $0xb8;
	[tilespmem:$0x18D00] =	vst v63  }
0x1c8: {  	v3 =	vld [tilespmem:$0x230];
	_ =	sdelay $0x4  }
0x1c9: {  	v59 =	vshll.u32 v3, $0x1  }
0x1ca: {  	v3 =	vand.u32 $0x7, v3;
	v4 =	vand.u32 $0xFFFFFFF0, v59  }
0x1cb: {  	v3 =	vor.u32 v3, v4  }
0x1cc: {  	v4 =	vperm.xlane v3, v0;
	_ =	sdelay $0x1  }
0x1cd: {  	v3 =	vperm.xlane v3, v2;
	v4 =	vadd.s32 v1, v4;
	_ =	sdelay $0x1  }
0x1ce: {  	v3 =	vadd.s32 v1, v3;
	_ =	sdelay $0x1  }
0x1cf: {  	s4 =	simm.s32 $0xBD00  }
0x1d0: {  	[tilespmem:s4], [sflag:$0x2] =	stream.indirect_vreg.gather [hbm4b:s2+s3], $0x80, v4, vm0, $0xb8;
	[tilespmem:$0x18D00] =	vst v63  }
0x1d1: {  	s7 =	simm.s32 $0xC500  }
0x1d2: {  	[tilespmem:s7], [sflag:$0x2] =	stream.indirect_vreg.gather [hbm4b:s2+s3], $0x80, v3, vm0, $0xb8;
	[tilespmem:$0x18D00] =	vst v63  }
0x1d3: {  	v3 =	vld [tilespmem:$0x240];
	_ =	sdelay $0x4  }
0x1d4: {  	v60 =	vshll.u32 v3, $0x1  }
0x1d5: {  	v3 =	vand.u32 $0x7, v3;
	v4 =	vand.u32 $0xFFFFFFF0, v60  }
0x1d6: {  	v3 =	vor.u32 v3, v4  }
0x1d7: {  	v4 =	vperm.xlane v3, v0;
	_ =	sdelay $0x1  }
0x1d8: {  	v3 =	vperm.xlane v3, v2;
	v4 =	vadd.s32 v1, v4;
	_ =	sdelay $0x1  }
0x1d9: {  	v3 =	vadd.s32 v1, v3;
	_ =	sdelay $0x1  }
0x1da: {  	s7 =	simm.s32 $0xCD00  }
0x1db: {  	[tilespmem:s7], [sflag:$0x2] =	stream.indirect_vreg.gather [hbm4b:s2+s3], $0x80, v4, vm0, $0xb8;
	[tilespmem:$0x18D00] =	vst v63  }
0x1dc: {  	s8 =	simm.s32 $0xD500  }
0x1dd: {  	[tilespmem:s8], [sflag:$0x2] =	stream.indirect_vreg.gather [hbm4b:s2+s3], $0x80, v3, vm0, $0xb8;
	[tilespmem:$0x18D00] =	vst v63  }
0x1de: {  	v3 =	vld [tilespmem:$0x250];
	_ =	sdelay $0x4  }
0x1df: {  	v61 =	vshll.u32 v3, $0x1  }
0x1e0: {  	v3 =	vand.u32 $0x7, v3;
	v4 =	vand.u32 $0xFFFFFFF0, v61  }
0x1e1: {  	v3 =	vor.u32 v3, v4  }
0x1e2: {  	v4 =	vperm.xlane v3, v0;
	_ =	sdelay $0x1  }
0x1e3: {  	v3 =	vperm.xlane v3, v2;
	v4 =	vadd.s32 v1, v4;
	_ =	sdelay $0x1  }
0x1e4: {  	v3 =	vadd.s32 v1, v3;
	_ =	sdelay $0x1  }
0x1e5: {  	s31 =	simm.s32 $0xDD00  }
0x1e6: {  	[tilespmem:s31], [sflag:$0x2] =	stream.indirect_vreg.gather [hbm4b:s2+s3], $0x80, v4, vm0, $0xb8;
	[tilespmem:$0x18D00] =	vst v63  }
0x1e7: {  	s9 =	simm.s32 $0xE500  }
0x1e8: {  	[tilespmem:s9], [sflag:$0x2] =	stream.indirect_vreg.gather [hbm4b:s2+s3], $0x80, v3, vm0, $0xb8;
	[tilespmem:$0x18D00] =	vst v63  }
0x1e9: {  	v3 =	vld [tilespmem:$0x260];
	_ =	sdelay $0x4  }
0x1ea: {  	v62 =	vshll.u32 v3, $0x1  }
0x1eb: {  	v3 =	vand.u32 $0x7, v3;
	v4 =	vand.u32 $0xFFFFFFF0, v62  }
0x1ec: {  	v3 =	vor.u32 v3, v4  }
0x1ed: {  	v4 =	vperm.xlane v3, v0;
	_ =	sdelay $0x1  }
0x1ee: {  	v3 =	vperm.xlane v3, v2;
	v4 =	vadd.s32 v1, v4;
	_ =	sdelay $0x1  }
0x1ef: {  	v3 =	vadd.s32 v1, v3;
	_ =	sdelay $0x1  }
0x1f0: {  	s7 =	simm.s32 $0xED00  }
0x1f1: {  	[tilespmem:s7], [sflag:$0x2] =	stream.indirect_vreg.gather [hbm4b:s2+s3], $0x80, v4, vm0, $0xb8;
	[tilespmem:$0x18D00] =	vst v63  }
0x1f2: {  	s10 =	simm.s32 $0xF500  }
0x1f3: {  	[tilespmem:s10], [sflag:$0x2] =	stream.indirect_vreg.gather [hbm4b:s2+s3], $0x80, v3, vm0, $0xb8;
	[tilespmem:$0x18D00] =	vst v63  }
0x1f4: {  	v3 =	vld [tilespmem:$0x270];
	_ =	sdelay $0x4  }
0x1f5: {  	v63 =	vshll.u32 v3, $0x1  }
0x1f6: {  	v3 =	vand.u32 $0x7, v3;
	v4 =	vand.u32 $0xFFFFFFF0, v63  }
0x1f7: {  	v3 =	vor.u32 v3, v4  }
0x1f8: {  	v4 =	vperm.xlane v3, v0;
	_ =	sdelay $0x1  }
0x1f9: {  	v3 =	vperm.xlane v3, v2;
	v4 =	vadd.s32 v1, v4;
	_ =	sdelay $0x1  }
0x1fa: {  	v3 =	vadd.s32 v1, v3;
	_ =	sdelay $0x1  }
0x1fb: {  	s8 =	simm.s32 $0xFD00  }
0x1fc: {  	[tilespmem:s8], [sflag:$0x2] =	stream.indirect_vreg.gather [hbm4b:s2+s3], $0x80, v4, vm0, $0xb8;
	[tilespmem:$0x18D00] =	vst v63  }
0x1fd: {  	s12 =	simm.s32 $0x10500  }
0x1fe: {  	[tilespmem:s12], [sflag:$0x2] =	stream.indirect_vreg.gather [hbm4b:s2+s3], $0x80, v3, vm0, $0xb8;
	[tilespmem:$0x18D00] =	vst v63  }
0x1ff: {  	_ =	swait.ge [sflag:s11], $0x8000  }
0x200: {  	s19 =	simm.s32 $0xD00;
	[sflag:s11] =	ssyncset.done $0x0  }
0x201: {  	s1 =	simm.s32 $0x6;
	s12 =	rddreg [dreg:$0x8];
	[sflag:s11] =	ssyncadd.s32 $0xFFFF8000  }
0x202: {  	[hbm4b:s12+s3] =	stream.linear.scatter [tilespmem:s19], [sflag:$0x4], $0x8000, $0x38;
	[tilespmem:$0x18D00] =	vst v63  }
0x203: {  	_ =	swait.ge [sflag:s1], $0x8000  }
0x204: {  	[sflag:s1] =	ssyncset.done $0x0  }
0x205: {  	[sflag:s1] =	ssyncadd.s32 $0xFFFF8000  }
0x206: {  	v3 =	vld [tilespmem:$0x280];
	_ =	sdelay $0x4  }
0x207: {  	v8 =	vshll.u32 v3, $0x1  }
0x208: {  	v3 =	vand.u32 $0x7, v3;
	v4 =	vand.u32 $0xFFFFFFF0, v8  }
0x209: {  	v3 =	vor.u32 v3, v4  }
0x20a: {  	v4 =	vperm.xlane v3, v0;
	_ =	sdelay $0x1  }
0x20b: {  	v3 =	vperm.xlane v3, v2;
	v4 =	vadd.s32 v1, v4;
	_ =	sdelay $0x1  }
0x20c: {  	v3 =	vadd.s32 v1, v3;
	_ =	sdelay $0x2  }
0x20d: {  	[tilespmem:s6], [sflag:$0x3] =	stream.indirect_vreg.gather [hbm4b:s2+s3], $0x80, v4, vm0, $0xb8;
	[tilespmem:$0x18D00] =	vst v63  }
0x20e: {  	s15 =	simm.s32 $0x11500  }
0x20f: {  	[tilespmem:s15], [sflag:$0x3] =	stream.indirect_vreg.gather [hbm4b:s2+s3], $0x80, v3, vm0, $0xb8;
	[tilespmem:$0x18D00] =	vst v63  }
0x210: {  	v3 =	vld [tilespmem:$0x290];
	_ =	sdelay $0x4  }
0x211: {  	v9 =	vshll.u32 v3, $0x1  }
0x212: {  	v3 =	vand.u32 $0x7, v3;
	v4 =	vand.u32 $0xFFFFFFF0, v9  }
0x213: {  	v3 =	vor.u32 v3, v4  }
0x214: {  	v4 =	vperm.xlane v3, v0;
	_ =	sdelay $0x1  }
0x215: {  	v3 =	vperm.xlane v3, v2;
	v4 =	vadd.s32 v1, v4;
	_ =	sdelay $0x1  }
0x216: {  	v3 =	vadd.s32 v1, v3;
	_ =	sdelay $0x1  }
0x217: {  	s30 =	simm.s32 $0x11D00  }
0x218: {  	[tilespmem:s30], [sflag:$0x3] =	stream.indirect_vreg.gather [hbm4b:s2+s3], $0x80, v4, vm0, $0xb8;
	[tilespmem:$0x18D00] =	vst v63  }
0x219: {  	s18 =	simm.s32 $0x12500  }
0x21a: {  	[tilespmem:s18], [sflag:$0x3] =	stream.indirect_vreg.gather [hbm4b:s2+s3], $0x80, v3, vm0, $0xb8;
	[tilespmem:$0x18D00] =	vst v63  }
0x21b: {  	v3 =	vld [tilespmem:$0x2A0];
	_ =	sdelay $0x4  }
0x21c: {  	v10 =	vshll.u32 v3, $0x1  }
0x21d: {  	v3 =	vand.u32 $0x7, v3;
	v4 =	vand.u32 $0xFFFFFFF0, v10  }
0x21e: {  	v3 =	vor.u32 v3, v4  }
0x21f: {  	v4 =	vperm.xlane v3, v0;
	_ =	sdelay $0x1  }
0x220: {  	v3 =	vperm.xlane v3, v2;
	v4 =	vadd.s32 v1, v4;
	_ =	sdelay $0x1  }
0x221: {  	v3 =	vadd.s32 v1, v3;
	_ =	sdelay $0x1  }
0x222: {  	s12 =	simm.s32 $0x12D00  }
0x223: {  	[tilespmem:s12], [sflag:$0x3] =	stream.indirect_vreg.gather [hbm4b:s2+s3], $0x80, v4, vm0, $0xb8;
	[tilespmem:$0x18D00] =	vst v63  }
0x224: {  	s19 =	simm.s32 $0x13500  }
0x225: {  	[tilespmem:s19], [sflag:$0x3] =	stream.indirect_vreg.gather [hbm4b:s2+s3], $0x80, v3, vm0, $0xb8;
	[tilespmem:$0x18D00] =	vst v63  }
0x226: {  	v3 =	vld [tilespmem:$0x2B0];
	_ =	sdelay $0x4  }
0x227: {  	v11 =	vshll.u32 v3, $0x1  }
0x228: {  	v3 =	vand.u32 $0x7, v3;
	v4 =	vand.u32 $0xFFFFFFF0, v11  }
0x229: {  	v3 =	vor.u32 v3, v4  }
0x22a: {  	v4 =	vperm.xlane v3, v0;
	_ =	sdelay $0x1  }
0x22b: {  	v3 =	vperm.xlane v3, v2;
	v4 =	vadd.s32 v1, v4;
	_ =	sdelay $0x1  }
0x22c: {  	v3 =	vadd.s32 v1, v3;
	_ =	sdelay $0x1  }
0x22d: {  	s19 =	simm.s32 $0x13D00  }
0x22e: {  	[tilespmem:s19], [sflag:$0x3] =	stream.indirect_vreg.gather [hbm4b:s2+s3], $0x80, v4, vm0, $0xb8;
	[tilespmem:$0x18D00] =	vst v63  }
0x22f: {  	s8 =	simm.s32 $0x14500  }
0x230: {  	[tilespmem:s8], [sflag:$0x3] =	stream.indirect_vreg.gather [hbm4b:s2+s3], $0x80, v3, vm0, $0xb8;
	[tilespmem:$0x18D00] =	vst v63  }
0x231: {  	v3 =	vld [tilespmem:$0x2C0];
	_ =	sdelay $0x4  }
0x232: {  	v12 =	vshll.u32 v3, $0x1  }
0x233: {  	v3 =	vand.u32 $0x7, v3;
	v4 =	vand.u32 $0xFFFFFFF0, v12  }
0x234: {  	v3 =	vor.u32 v3, v4  }
0x235: {  	v4 =	vperm.xlane v3, v0;
	_ =	sdelay $0x1  }
0x236: {  	v3 =	vperm.xlane v3, v2;
	v4 =	vadd.s32 v1, v4;
	_ =	sdelay $0x1  }
0x237: {  	v3 =	vadd.s32 v1, v3;
	_ =	sdelay $0x1  }
0x238: {  	s15 =	simm.s32 $0x14D00  }
0x239: {  	[tilespmem:s15], [sflag:$0x3] =	stream.indirect_vreg.gather [hbm4b:s2+s3], $0x80, v4, vm0, $0xb8;
	[tilespmem:$0x18D00] =	vst v63  }
0x23a: {  	s18 =	simm.s32 $0x15500  }
0x23b: {  	[tilespmem:s18], [sflag:$0x3] =	stream.indirect_vreg.gather [hbm4b:s2+s3], $0x80, v3, vm0, $0xb8;
	[tilespmem:$0x18D00] =	vst v63  }
0x23c: {  	v3 =	vld [tilespmem:$0x2D0];
	_ =	sdelay $0x4  }
0x23d: {  	v13 =	vshll.u32 v3, $0x1  }
0x23e: {  	v3 =	vand.u32 $0x7, v3;
	v4 =	vand.u32 $0xFFFFFFF0, v13  }
0x23f: {  	v3 =	vor.u32 v3, v4  }
0x240: {  	v4 =	vperm.xlane v3, v0;
	_ =	sdelay $0x1  }
0x241: {  	v3 =	vperm.xlane v3, v2;
	v4 =	vadd.s32 v1, v4;
	_ =	sdelay $0x1  }
0x242: {  	v3 =	vadd.s32 v1, v3;
	_ =	sdelay $0x1  }
0x243: {  	s15 =	simm.s32 $0x15D00  }
0x244: {  	[tilespmem:s15], [sflag:$0x3] =	stream.indirect_vreg.gather [hbm4b:s2+s3], $0x80, v4, vm0, $0xb8;
	[tilespmem:$0x18D00] =	vst v63  }
0x245: {  	s8 =	simm.s32 $0x16500  }
0x246: {  	[tilespmem:s8], [sflag:$0x3] =	stream.indirect_vreg.gather [hbm4b:s2+s3], $0x80, v3, vm0, $0xb8;
	[tilespmem:$0x18D00] =	vst v63  }
0x247: {  	v3 =	vld [tilespmem:$0x2E0];
	_ =	sdelay $0x4  }
0x248: {  	v14 =	vshll.u32 v3, $0x1  }
0x249: {  	v3 =	vand.u32 $0x7, v3;
	v4 =	vand.u32 $0xFFFFFFF0, v14  }
0x24a: {  	v3 =	vor.u32 v3, v4  }
0x24b: {  	v4 =	vperm.xlane v3, v0;
	_ =	sdelay $0x1  }
0x24c: {  	v3 =	vperm.xlane v3, v2;
	v4 =	vadd.s32 v1, v4;
	_ =	sdelay $0x1  }
0x24d: {  	v3 =	vadd.s32 v1, v3;
	_ =	sdelay $0x1  }
0x24e: {  	s22 =	simm.s32 $0x16D00  }
0x24f: {  	[tilespmem:s22], [sflag:$0x3] =	stream.indirect_vreg.gather [hbm4b:s2+s3], $0x80, v4, vm0, $0xb8;
	[tilespmem:$0x18D00] =	vst v63  }
0x250: {  	s8 =	simm.s32 $0x17500  }
0x251: {  	[tilespmem:s8], [sflag:$0x3] =	stream.indirect_vreg.gather [hbm4b:s2+s3], $0x80, v3, vm0, $0xb8;
	[tilespmem:$0x18D00] =	vst v63  }
0x252: {  	v3 =	vld [tilespmem:$0x2F0];
	_ =	sdelay $0x4  }
0x253: {  	v15 =	vshll.u32 v3, $0x1  }
0x254: {  	v3 =	vand.u32 $0x7, v3;
	v4 =	vand.u32 $0xFFFFFFF0, v15  }
0x255: {  	v3 =	vor.u32 v3, v4  }
0x256: {  	v4 =	vperm.xlane v3, v0;
	_ =	sdelay $0x1  }
0x257: {  	v3 =	vperm.xlane v3, v2;
	v4 =	vadd.s32 v1, v4;
	_ =	sdelay $0x1  }
0x258: {  	v3 =	vadd.s32 v1, v3;
	_ =	sdelay $0x1  }
0x259: {  	s18 =	simm.s32 $0x17D00  }
0x25a: {  	[tilespmem:s18], [sflag:$0x3] =	stream.indirect_vreg.gather [hbm4b:s2+s3], $0x80, v4, vm0, $0xb8;
	[tilespmem:$0x18D00] =	vst v63  }
0x25b: {  	s22 =	simm.s32 $0x18500  }
0x25c: {  	[tilespmem:s22], [sflag:$0x3] =	stream.indirect_vreg.gather [hbm4b:s2+s3], $0x80, v3, vm0, $0xb8;
	[tilespmem:$0x18D00] =	vst v63  }
0x25d: {  	_ =	swait.ge [sflag:s13], $0x8000  }
0x25e: {  	[sflag:s13] =	ssyncset.done $0x0  }
0x25f: {  	s22 =	simm.s32 $0x8D00;
	s0 =	rddreg [dreg:$0x9];
	[sflag:s13] =	ssyncadd.s32 $0xFFFF8000  }
0x260: {  	[hbm4b:s0+s3] =	stream.linear.scatter [tilespmem:s22], [sflag:$0x5], $0x8000, $0x38;
	[tilespmem:$0x18D00] =	vst v63  }
0x261: {  	_ =	swait.ge [sflag:s14], $0x8000  }
0x262: {  	[sflag:s14] =	ssyncset.done $0x0  }
0x263: {  	[sflag:s14] =	ssyncadd.s32 $0xFFFF8000  }
0x264: {  	v3 =	vld [tilespmem:$0x300];
	_ =	sdelay $0x4  }
0x265: {  	v16 =	vshll.u32 v3, $0x1  }
0x266: {  	v3 =	vand.u32 $0x7, v3;
	v4 =	vand.u32 $0xFFFFFFF0, v16  }
0x267: {  	v3 =	vor.u32 v3, v4  }
0x268: {  	v4 =	vperm.xlane v3, v0;
	_ =	sdelay $0x1  }
0x269: {  	v3 =	vperm.xlane v3, v2;
	v4 =	vadd.s32 v1, v4;
	_ =	sdelay $0x1  }
0x26a: {  	v3 =	vadd.s32 v1, v3;
	_ =	sdelay $0x1  }
0x26b: {  	s4 =	simm.s32 $0xD00  }
0x26c: {  	[tilespmem:s4], [sflag:$0x1] =	stream.indirect_vreg.gather [hbm4b:s2+s3], $0x80, v4, vm0, $0xb8;
	[tilespmem:$0x18D00] =	vst v63  }
0x26d: {  	s18 =	simm.s32 $0x1500  }
0x26e: {  	[tilespmem:s18], [sflag:$0x1] =	stream.indirect_vreg.gather [hbm4b:s2+s3], $0x80, v3, vm0, $0xb8;
	[tilespmem:$0x18D00] =	vst v63  }
0x26f: {  	v3 =	vld [tilespmem:$0x310];
	_ =	sdelay $0x4  }
0x270: {  	v17 =	vshll.u32 v3, $0x1  }
0x271: {  	v3 =	vand.u32 $0x7, v3;
	v4 =	vand.u32 $0xFFFFFFF0, v17  }
0x272: {  	v3 =	vor.u32 v3, v4  }
0x273: {  	v4 =	vperm.xlane v3, v0;
	_ =	sdelay $0x1  }
0x274: {  	v3 =	vperm.xlane v3, v2;
	v4 =	vadd.s32 v1, v4;
	_ =	sdelay $0x1  }
0x275: {  	v3 =	vadd.s32 v1, v3;
	_ =	sdelay $0x1  }
0x276: {  	s18 =	simm.s32 $0x1D00  }
0x277: {  	[tilespmem:s18], [sflag:$0x1] =	stream.indirect_vreg.gather [hbm4b:s2+s3], $0x80, v4, vm0, $0xb8;
	[tilespmem:$0x18D00] =	vst v63  }
0x278: {  	s18 =	simm.s32 $0x2500  }
0x279: {  	[tilespmem:s18], [sflag:$0x1] =	stream.indirect_vreg.gather [hbm4b:s2+s3], $0x80, v3, vm0, $0xb8;
	[tilespmem:$0x18D00] =	vst v63  }
0x27a: {  	v3 =	vld [tilespmem:$0x320];
	_ =	sdelay $0x4  }
0x27b: {  	v18 =	vshll.u32 v3, $0x1  }
0x27c: {  	v3 =	vand.u32 $0x7, v3;
	v4 =	vand.u32 $0xFFFFFFF0, v18  }
0x27d: {  	v3 =	vor.u32 v3, v4  }
0x27e: {  	v4 =	vperm.xlane v3, v0;
	_ =	sdelay $0x1  }
0x27f: {  	v3 =	vperm.xlane v3, v2;
	v4 =	vadd.s32 v1, v4;
	_ =	sdelay $0x1  }
0x280: {  	v3 =	vadd.s32 v1, v3;
	_ =	sdelay $0x1  }
0x281: {  	s18 =	simm.s32 $0x2D00  }
0x282: {  	[tilespmem:s18], [sflag:$0x1] =	stream.indirect_vreg.gather [hbm4b:s2+s3], $0x80, v4, vm0, $0xb8;
	[tilespmem:$0x18D00] =	vst v63  }
0x283: {  	s18 =	simm.s32 $0x3500  }
0x284: {  	[tilespmem:s18], [sflag:$0x1] =	stream.indirect_vreg.gather [hbm4b:s2+s3], $0x80, v3, vm0, $0xb8;
	[tilespmem:$0x18D00] =	vst v63  }
0x285: {  	v3 =	vld [tilespmem:$0x330];
	_ =	sdelay $0x4  }
0x286: {  	v19 =	vshll.u32 v3, $0x1  }
0x287: {  	v3 =	vand.u32 $0x7, v3;
	v4 =	vand.u32 $0xFFFFFFF0, v19  }
0x288: {  	v3 =	vor.u32 v3, v4  }
0x289: {  	v4 =	vperm.xlane v3, v0;
	_ =	sdelay $0x1  }
0x28a: {  	v3 =	vperm.xlane v3, v2;
	v4 =	vadd.s32 v1, v4;
	_ =	sdelay $0x1  }
0x28b: {  	v3 =	vadd.s32 v1, v3;
	_ =	sdelay $0x1  }
0x28c: {  	s18 =	simm.s32 $0x3D00  }
0x28d: {  	[tilespmem:s18], [sflag:$0x1] =	stream.indirect_vreg.gather [hbm4b:s2+s3], $0x80, v4, vm0, $0xb8;
	[tilespmem:$0x18D00] =	vst v63  }
0x28e: {  	s18 =	simm.s32 $0x4500  }
0x28f: {  	[tilespmem:s18], [sflag:$0x1] =	stream.indirect_vreg.gather [hbm4b:s2+s3], $0x80, v3, vm0, $0xb8;
	[tilespmem:$0x18D00] =	vst v63  }
0x290: {  	v3 =	vld [tilespmem:$0x340];
	_ =	sdelay $0x4  }
0x291: {  	v20 =	vshll.u32 v3, $0x1  }
0x292: {  	v3 =	vand.u32 $0x7, v3;
	v4 =	vand.u32 $0xFFFFFFF0, v20  }
0x293: {  	v3 =	vor.u32 v3, v4  }
0x294: {  	v4 =	vperm.xlane v3, v0;
	_ =	sdelay $0x1  }
0x295: {  	v3 =	vperm.xlane v3, v2;
	v4 =	vadd.s32 v1, v4;
	_ =	sdelay $0x1  }
0x296: {  	v3 =	vadd.s32 v1, v3;
	_ =	sdelay $0x2  }
0x297: {  	[tilespmem:s20], [sflag:$0x1] =	stream.indirect_vreg.gather [hbm4b:s2+s3], $0x80, v4, vm0, $0xb8;
	[tilespmem:$0x18D00] =	vst v63  }
0x298: {  	_ = 	snop  }
0x299: {  	[tilespmem:s25], [sflag:$0x1] =	stream.indirect_vreg.gather [hbm4b:s2+s3], $0x80, v3, vm0, $0xb8;
	[tilespmem:$0x18D00] =	vst v63  }
0x29a: {  	v3 =	vld [tilespmem:$0x350];
	_ =	sdelay $0x4  }
0x29b: {  	v21 =	vshll.u32 v3, $0x1  }
0x29c: {  	v3 =	vand.u32 $0x7, v3;
	v4 =	vand.u32 $0xFFFFFFF0, v21  }
0x29d: {  	v3 =	vor.u32 v3, v4  }
0x29e: {  	v4 =	vperm.xlane v3, v0;
	_ =	sdelay $0x1  }
0x29f: {  	v3 =	vperm.xlane v3, v2;
	v4 =	vadd.s32 v1, v4;
	_ =	sdelay $0x1  }
0x2a0: {  	v3 =	vadd.s32 v1, v3;
	_ =	sdelay $0x2  }
0x2a1: {  	[tilespmem:s21], [sflag:$0x1] =	stream.indirect_vreg.gather [hbm4b:s2+s3], $0x80, v4, vm0, $0xb8;
	[tilespmem:$0x18D00] =	vst v63  }
0x2a2: {  	_ = 	snop  }
0x2a3: {  	[tilespmem:s26], [sflag:$0x1] =	stream.indirect_vreg.gather [hbm4b:s2+s3], $0x80, v3, vm0, $0xb8;
	[tilespmem:$0x18D00] =	vst v63  }
0x2a4: {  	v3 =	vld [tilespmem:$0x360];
	_ =	sdelay $0x4  }
0x2a5: {  	v22 =	vshll.u32 v3, $0x1  }
0x2a6: {  	v3 =	vand.u32 $0x7, v3;
	v4 =	vand.u32 $0xFFFFFFF0, v22  }
0x2a7: {  	v3 =	vor.u32 v3, v4  }
0x2a8: {  	v4 =	vperm.xlane v3, v0;
	_ =	sdelay $0x1  }
0x2a9: {  	v3 =	vperm.xlane v3, v2;
	v4 =	vadd.s32 v1, v4;
	_ =	sdelay $0x1  }
0x2aa: {  	v3 =	vadd.s32 v1, v3;
	_ =	sdelay $0x2  }
0x2ab: {  	[tilespmem:s23], [sflag:$0x1] =	stream.indirect_vreg.gather [hbm4b:s2+s3], $0x80, v4, vm0, $0xb8;
	[tilespmem:$0x18D00] =	vst v63  }
0x2ac: {  	_ = 	snop  }
0x2ad: {  	[tilespmem:s28], [sflag:$0x1] =	stream.indirect_vreg.gather [hbm4b:s2+s3], $0x80, v3, vm0, $0xb8;
	[tilespmem:$0x18D00] =	vst v63  }
0x2ae: {  	v3 =	vld [tilespmem:$0x370];
	_ =	sdelay $0x4  }
0x2af: {  	v23 =	vshll.u32 v3, $0x1  }
0x2b0: {  	v3 =	vand.u32 $0x7, v3;
	v4 =	vand.u32 $0xFFFFFFF0, v23  }
0x2b1: {  	v3 =	vor.u32 v3, v4  }
0x2b2: {  	v4 =	vperm.xlane v3, v0;
	_ =	sdelay $0x1  }
0x2b3: {  	v3 =	vperm.xlane v3, v2;
	v4 =	vadd.s32 v1, v4;
	_ =	sdelay $0x1  }
0x2b4: {  	v3 =	vadd.s32 v1, v3;
	_ =	sdelay $0x2  }
0x2b5: {  	[tilespmem:s24], [sflag:$0x1] =	stream.indirect_vreg.gather [hbm4b:s2+s3], $0x80, v4, vm0, $0xb8;
	[tilespmem:$0x18D00] =	vst v63  }
0x2b6: {  	_ = 	snop  }
0x2b7: {  	[tilespmem:s29], [sflag:$0x1] =	stream.indirect_vreg.gather [hbm4b:s2+s3], $0x80, v3, vm0, $0xb8;
	[tilespmem:$0x18D00] =	vst v63  }
0x2b8: {  	_ =	swait.ge [sflag:s17], $0x8000  }
0x2b9: {  	[sflag:s17] =	ssyncset.done $0x0  }
0x2ba: {  	s6 =	simm.s32 $0x10D00;
	s25 =	rddreg [dreg:$0xa];
	[sflag:s17] =	ssyncadd.s32 $0xFFFF8000  }
0x2bb: {  	[hbm4b:s25+s3] =	stream.linear.scatter [tilespmem:s6], [sflag:$0x6], $0x8000, $0x38;
	[tilespmem:$0x18D00] =	vst v63  }
0x2bc: {  	_ =	swait.ge [sflag:s16], $0x8000  }
0x2bd: {  	[sflag:s16] =	ssyncset.done $0x0  }
0x2be: {  	[sflag:s16] =	ssyncadd.s32 $0xFFFF8000  }
0x2bf: {  	v3 =	vld [tilespmem:$0x380];
	_ =	sdelay $0x4  }
0x2c0: {  	v24 =	vshll.u32 v3, $0x1  }
0x2c1: {  	v3 =	vand.u32 $0x7, v3;
	v4 =	vand.u32 $0xFFFFFFF0, v24  }
0x2c2: {  	v3 =	vor.u32 v3, v4  }
0x2c3: {  	v4 =	vperm.xlane v3, v0;
	_ =	sdelay $0x1  }
0x2c4: {  	v3 =	vperm.xlane v3, v2;
	v4 =	vadd.s32 v1, v4;
	_ =	sdelay $0x1  }
0x2c5: {  	v3 =	vadd.s32 v1, v3;
	_ =	sdelay $0x2  }
0x2c6: {  	[tilespmem:s22], [sflag:$0x2] =	stream.indirect_vreg.gather [hbm4b:s2+s3], $0x80, v4, vm0, $0xb8;
	[tilespmem:$0x18D00] =	vst v63  }
0x2c7: {  	s20 =	simm.s32 $0x9500  }
0x2c8: {  	[tilespmem:s20], [sflag:$0x2] =	stream.indirect_vreg.gather [hbm4b:s2+s3], $0x80, v3, vm0, $0xb8;
	[tilespmem:$0x18D00] =	vst v63  }
0x2c9: {  	v3 =	vld [tilespmem:$0x390];
	_ =	sdelay $0x4  }
0x2ca: {  	v25 =	vshll.u32 v3, $0x1  }
0x2cb: {  	v3 =	vand.u32 $0x7, v3;
	v4 =	vand.u32 $0xFFFFFFF0, v25  }
0x2cc: {  	v3 =	vor.u32 v3, v4  }
0x2cd: {  	v4 =	vperm.xlane v3, v0;
	_ =	sdelay $0x1  }
0x2ce: {  	v3 =	vperm.xlane v3, v2;
	v4 =	vadd.s32 v1, v4;
	_ =	sdelay $0x1  }
0x2cf: {  	v3 =	vadd.s32 v1, v3;
	_ =	sdelay $0x2  }
0x2d0: {  	[tilespmem:s5], [sflag:$0x2] =	stream.indirect_vreg.gather [hbm4b:s2+s3], $0x80, v4, vm0, $0xb8;
	[tilespmem:$0x18D00] =	vst v63  }
0x2d1: {  	s21 =	simm.s32 $0xA500  }
0x2d2: {  	[tilespmem:s21], [sflag:$0x2] =	stream.indirect_vreg.gather [hbm4b:s2+s3], $0x80, v3, vm0, $0xb8;
	[tilespmem:$0x18D00] =	vst v63  }
0x2d3: {  	v3 =	vld [tilespmem:$0x3A0];
	_ =	sdelay $0x4  }
0x2d4: {  	v26 =	vshll.u32 v3, $0x1  }
0x2d5: {  	v3 =	vand.u32 $0x7, v3;
	v4 =	vand.u32 $0xFFFFFFF0, v26  }
0x2d6: {  	v3 =	vor.u32 v3, v4  }
0x2d7: {  	v4 =	vperm.xlane v3, v0;
	_ =	sdelay $0x1  }
0x2d8: {  	v3 =	vperm.xlane v3, v2;
	v4 =	vadd.s32 v1, v4;
	_ =	sdelay $0x1  }
0x2d9: {  	v3 =	vadd.s32 v1, v3;
	_ =	sdelay $0x1  }
0x2da: {  	s26 =	simm.s32 $0xAD00  }
0x2db: {  	[tilespmem:s26], [sflag:$0x2] =	stream.indirect_vreg.gather [hbm4b:s2+s3], $0x80, v4, vm0, $0xb8;
	[tilespmem:$0x18D00] =	vst v63  }
0x2dc: {  	s4 =	simm.s32 $0xB500  }
0x2dd: {  	[tilespmem:s4], [sflag:$0x2] =	stream.indirect_vreg.gather [hbm4b:s2+s3], $0x80, v3, vm0, $0xb8;
	[tilespmem:$0x18D00] =	vst v63  }
0x2de: {  	v3 =	vld [tilespmem:$0x3B0];
	_ =	sdelay $0x4  }
0x2df: {  	v27 =	vshll.u32 v3, $0x1  }
0x2e0: {  	v3 =	vand.u32 $0x7, v3;
	v4 =	vand.u32 $0xFFFFFFF0, v27  }
0x2e1: {  	v3 =	vor.u32 v3, v4  }
0x2e2: {  	v4 =	vperm.xlane v3, v0;
	_ =	sdelay $0x1  }
0x2e3: {  	v3 =	vperm.xlane v3, v2;
	v4 =	vadd.s32 v1, v4;
	_ =	sdelay $0x1  }
0x2e4: {  	v3 =	vadd.s32 v1, v3;
	_ =	sdelay $0x1  }
0x2e5: {  	s28 =	simm.s32 $0xBD00  }
0x2e6: {  	[tilespmem:s28], [sflag:$0x2] =	stream.indirect_vreg.gather [hbm4b:s2+s3], $0x80, v4, vm0, $0xb8;
	[tilespmem:$0x18D00] =	vst v63  }
0x2e7: {  	s5 =	simm.s32 $0xC500  }
0x2e8: {  	[tilespmem:s5], [sflag:$0x2] =	stream.indirect_vreg.gather [hbm4b:s2+s3], $0x80, v3, vm0, $0xb8;
	[tilespmem:$0x18D00] =	vst v63  }
0x2e9: {  	v3 =	vld [tilespmem:$0x3C0];
	_ =	sdelay $0x4  }
0x2ea: {  	v28 =	vshll.u32 v3, $0x1  }
0x2eb: {  	v3 =	vand.u32 $0x7, v3;
	v4 =	vand.u32 $0xFFFFFFF0, v28  }
0x2ec: {  	v3 =	vor.u32 v3, v4  }
0x2ed: {  	v4 =	vperm.xlane v3, v0;
	_ =	sdelay $0x1  }
0x2ee: {  	v3 =	vperm.xlane v3, v2;
	v4 =	vadd.s32 v1, v4;
	_ =	sdelay $0x1  }
0x2ef: {  	v3 =	vadd.s32 v1, v3;
	_ =	sdelay $0x1  }
0x2f0: {  	s29 =	simm.s32 $0xCD00  }
0x2f1: {  	[tilespmem:s29], [sflag:$0x2] =	stream.indirect_vreg.gather [hbm4b:s2+s3], $0x80, v4, vm0, $0xb8;
	[tilespmem:$0x18D00] =	vst v63  }
0x2f2: {  	s6 =	simm.s32 $0xD500  }
0x2f3: {  	[tilespmem:s6], [sflag:$0x2] =	stream.indirect_vreg.gather [hbm4b:s2+s3], $0x80, v3, vm0, $0xb8;
	[tilespmem:$0x18D00] =	vst v63  }
0x2f4: {  	v3 =	vld [tilespmem:$0x3D0];
	_ =	sdelay $0x4  }
0x2f5: {  	v29 =	vshll.u32 v3, $0x1  }
0x2f6: {  	v3 =	vand.u32 $0x7, v3;
	v4 =	vand.u32 $0xFFFFFFF0, v29  }
0x2f7: {  	v3 =	vor.u32 v3, v4  }
0x2f8: {  	v4 =	vperm.xlane v3, v0;
	_ =	sdelay $0x1  }
0x2f9: {  	v3 =	vperm.xlane v3, v2;
	v4 =	vadd.s32 v1, v4;
	_ =	sdelay $0x1  }
0x2fa: {  	v3 =	vadd.s32 v1, v3;
	_ =	sdelay $0x2  }
0x2fb: {  	[tilespmem:s31], [sflag:$0x2] =	stream.indirect_vreg.gather [hbm4b:s2+s3], $0x80, v4, vm0, $0xb8;
	[tilespmem:$0x18D00] =	vst v63  }
0x2fc: {  	_ = 	snop  }
0x2fd: {  	[tilespmem:s9], [sflag:$0x2] =	stream.indirect_vreg.gather [hbm4b:s2+s3], $0x80, v3, vm0, $0xb8;
	[tilespmem:$0x18D00] =	vst v63  }
0x2fe: {  	v3 =	vld [tilespmem:$0x3E0];
	_ =	sdelay $0x4  }
0x2ff: {  	v30 =	vshll.u32 v3, $0x1  }
0x300: {  	v3 =	vand.u32 $0x7, v3;
	v4 =	vand.u32 $0xFFFFFFF0, v30  }
0x301: {  	v3 =	vor.u32 v3, v4  }
0x302: {  	v4 =	vperm.xlane v3, v0;
	_ =	sdelay $0x1  }
0x303: {  	v3 =	vperm.xlane v3, v2;
	v4 =	vadd.s32 v1, v4;
	_ =	sdelay $0x1  }
0x304: {  	v3 =	vadd.s32 v1, v3;
	_ =	sdelay $0x2  }
0x305: {  	[tilespmem:s7], [sflag:$0x2] =	stream.indirect_vreg.gather [hbm4b:s2+s3], $0x80, v4, vm0, $0xb8;
	[tilespmem:$0x18D00] =	vst v63  }
0x306: {  	_ = 	snop  }
0x307: {  	[tilespmem:s10], [sflag:$0x2] =	stream.indirect_vreg.gather [hbm4b:s2+s3], $0x80, v3, vm0, $0xb8;
	[tilespmem:$0x18D00] =	vst v63  }
0x308: {  	v3 =	vld [tilespmem:$0x3F0];
	_ =	sdelay $0x4  }
0x309: {  	v31 =	vshll.u32 v3, $0x1  }
0x30a: {  	v3 =	vand.u32 $0x7, v3;
	v4 =	vand.u32 $0xFFFFFFF0, v31  }
0x30b: {  	v3 =	vor.u32 v3, v4  }
0x30c: {  	v4 =	vperm.xlane v3, v0;
	_ =	sdelay $0x1  }
0x30d: {  	v3 =	vperm.xlane v3, v2;
	v4 =	vadd.s32 v1, v4;
	_ =	sdelay $0x1  }
0x30e: {  	v3 =	vadd.s32 v1, v3;
	_ =	sdelay $0x1  }
0x30f: {  	s9 =	simm.s32 $0xFD00  }
0x310: {  	[tilespmem:s9], [sflag:$0x2] =	stream.indirect_vreg.gather [hbm4b:s2+s3], $0x80, v4, vm0, $0xb8;
	[tilespmem:$0x18D00] =	vst v63  }
0x311: {  	s7 =	simm.s32 $0x10500  }
0x312: {  	[tilespmem:s7], [sflag:$0x2] =	stream.indirect_vreg.gather [hbm4b:s2+s3], $0x80, v3, vm0, $0xb8;
	[tilespmem:$0x18D00] =	vst v63  }
0x313: {  	_ =	swait.ge [sflag:s11], $0x8000  }
0x314: {  	[sflag:s11] =	ssyncset.done $0x0  }
0x315: {  	s0 =	simm.s32 $0xD00;
	s10 =	rddreg [dreg:$0xb];
	[sflag:s11] =	ssyncadd.s32 $0xFFFF8000  }
0x316: {  	[hbm4b:s10+s3] =	stream.linear.scatter [tilespmem:s0], [sflag:$0x4], $0x8000, $0x38;
	[tilespmem:$0x18D00] =	vst v63  }
0x317: {  	_ =	swait.ge [sflag:s1], $0x8000  }
0x318: {  	[sflag:s1] =	ssyncset.done $0x0  }
0x319: {  	[sflag:s1] =	ssyncadd.s32 $0xFFFF8000  }
0x31a: {  	v3 =	vld [tilespmem:$0x400];
	_ =	sdelay $0x4  }
0x31b: {  	v32 =	vshll.u32 v3, $0x1  }
0x31c: {  	v3 =	vand.u32 $0x7, v3;
	v4 =	vand.u32 $0xFFFFFFF0, v32  }
0x31d: {  	v3 =	vor.u32 v3, v4  }
0x31e: {  	v4 =	vperm.xlane v3, v0;
	_ =	sdelay $0x1  }
0x31f: {  	v3 =	vperm.xlane v3, v2;
	v4 =	vadd.s32 v1, v4;
	_ =	sdelay $0x1  }
0x320: {  	v3 =	vadd.s32 v1, v3;
	_ =	sdelay $0x1  }
0x321: {  	s23 =	simm.s32 $0x10D00  }
0x322: {  	[tilespmem:s23], [sflag:$0x3] =	stream.indirect_vreg.gather [hbm4b:s2+s3], $0x80, v4, vm0, $0xb8;
	[tilespmem:$0x18D00] =	vst v63  }
0x323: {  	s9 =	simm.s32 $0x11500  }
0x324: {  	[tilespmem:s9], [sflag:$0x3] =	stream.indirect_vreg.gather [hbm4b:s2+s3], $0x80, v3, vm0, $0xb8;
	[tilespmem:$0x18D00] =	vst v63  }
0x325: {  	v3 =	vld [tilespmem:$0x410];
	_ =	sdelay $0x4  }
0x326: {  	v33 =	vshll.u32 v3, $0x1  }
0x327: {  	v3 =	vand.u32 $0x7, v3;
	v4 =	vand.u32 $0xFFFFFFF0, v33  }
0x328: {  	v3 =	vor.u32 v3, v4  }
0x329: {  	v4 =	vperm.xlane v3, v0;
	_ =	sdelay $0x1  }
0x32a: {  	v3 =	vperm.xlane v3, v2;
	v4 =	vadd.s32 v1, v4;
	_ =	sdelay $0x1  }
0x32b: {  	v3 =	vadd.s32 v1, v3;
	_ =	sdelay $0x2  }
0x32c: {  	[tilespmem:s30], [sflag:$0x3] =	stream.indirect_vreg.gather [hbm4b:s2+s3], $0x80, v4, vm0, $0xb8;
	[tilespmem:$0x18D00] =	vst v63  }
0x32d: {  	s18 =	simm.s32 $0x12500  }
0x32e: {  	[tilespmem:s18], [sflag:$0x3] =	stream.indirect_vreg.gather [hbm4b:s2+s3], $0x80, v3, vm0, $0xb8;
	[tilespmem:$0x18D00] =	vst v63  }
0x32f: {  	v3 =	vld [tilespmem:$0x420];
	_ =	sdelay $0x4  }
0x330: {  	v34 =	vshll.u32 v3, $0x1  }
0x331: {  	v3 =	vand.u32 $0x7, v3;
	v4 =	vand.u32 $0xFFFFFFF0, v34  }
0x332: {  	v3 =	vor.u32 v3, v4  }
0x333: {  	v4 =	vperm.xlane v3, v0;
	_ =	sdelay $0x1  }
0x334: {  	v3 =	vperm.xlane v3, v2;
	v4 =	vadd.s32 v1, v4;
	_ =	sdelay $0x1  }
0x335: {  	v3 =	vadd.s32 v1, v3;
	_ =	sdelay $0x2  }
0x336: {  	[tilespmem:s12], [sflag:$0x3] =	stream.indirect_vreg.gather [hbm4b:s2+s3], $0x80, v4, vm0, $0xb8;
	[tilespmem:$0x18D00] =	vst v63  }
0x337: {  	s18 =	simm.s32 $0x13500  }
0x338: {  	[tilespmem:s18], [sflag:$0x3] =	stream.indirect_vreg.gather [hbm4b:s2+s3], $0x80, v3, vm0, $0xb8;
	[tilespmem:$0x18D00] =	vst v63  }
0x339: {  	v3 =	vld [tilespmem:$0x430];
	_ =	sdelay $0x4  }
0x33a: {  	v35 =	vshll.u32 v3, $0x1  }
0x33b: {  	v3 =	vand.u32 $0x7, v3;
	v4 =	vand.u32 $0xFFFFFFF0, v35  }
0x33c: {  	v3 =	vor.u32 v3, v4  }
0x33d: {  	v4 =	vperm.xlane v3, v0;
	_ =	sdelay $0x1  }
0x33e: {  	v3 =	vperm.xlane v3, v2;
	v4 =	vadd.s32 v1, v4;
	_ =	sdelay $0x1  }
0x33f: {  	v3 =	vadd.s32 v1, v3;
	_ =	sdelay $0x2  }
0x340: {  	[tilespmem:s19], [sflag:$0x3] =	stream.indirect_vreg.gather [hbm4b:s2+s3], $0x80, v4, vm0, $0xb8;
	[tilespmem:$0x18D00] =	vst v63  }
0x341: {  	s18 =	simm.s32 $0x14500  }
0x342: {  	[tilespmem:s18], [sflag:$0x3] =	stream.indirect_vreg.gather [hbm4b:s2+s3], $0x80, v3, vm0, $0xb8;
	[tilespmem:$0x18D00] =	vst v63  }
0x343: {  	v3 =	vld [tilespmem:$0x440];
	_ =	sdelay $0x4  }
0x344: {  	v36 =	vshll.u32 v3, $0x1  }
0x345: {  	v3 =	vand.u32 $0x7, v3;
	v4 =	vand.u32 $0xFFFFFFF0, v36  }
0x346: {  	v3 =	vor.u32 v3, v4  }
0x347: {  	v4 =	vperm.xlane v3, v0;
	_ =	sdelay $0x1  }
0x348: {  	v3 =	vperm.xlane v3, v2;
	v4 =	vadd.s32 v1, v4;
	_ =	sdelay $0x1  }
0x349: {  	v3 =	vadd.s32 v1, v3;
	_ =	sdelay $0x1  }
0x34a: {  	s18 =	simm.s32 $0x14D00  }
0x34b: {  	[tilespmem:s18], [sflag:$0x3] =	stream.indirect_vreg.gather [hbm4b:s2+s3], $0x80, v4, vm0, $0xb8;
	[tilespmem:$0x18D00] =	vst v63  }
0x34c: {  	s18 =	simm.s32 $0x15500  }
0x34d: {  	[tilespmem:s18], [sflag:$0x3] =	stream.indirect_vreg.gather [hbm4b:s2+s3], $0x80, v3, vm0, $0xb8;
	[tilespmem:$0x18D00] =	vst v63  }
0x34e: {  	v3 =	vld [tilespmem:$0x450];
	_ =	sdelay $0x4  }
0x34f: {  	v37 =	vshll.u32 v3, $0x1  }
0x350: {  	v3 =	vand.u32 $0x7, v3;
	v4 =	vand.u32 $0xFFFFFFF0, v37  }
0x351: {  	v3 =	vor.u32 v3, v4  }
0x352: {  	v4 =	vperm.xlane v3, v0;
	_ =	sdelay $0x1  }
0x353: {  	v3 =	vperm.xlane v3, v2;
	v4 =	vadd.s32 v1, v4;
	_ =	sdelay $0x1  }
0x354: {  	v3 =	vadd.s32 v1, v3;
	_ =	sdelay $0x2  }
0x355: {  	[tilespmem:s15], [sflag:$0x3] =	stream.indirect_vreg.gather [hbm4b:s2+s3], $0x80, v4, vm0, $0xb8;
	[tilespmem:$0x18D00] =	vst v63  }
0x356: {  	s18 =	simm.s32 $0x16500  }
0x357: {  	[tilespmem:s18], [sflag:$0x3] =	stream.indirect_vreg.gather [hbm4b:s2+s3], $0x80, v3, vm0, $0xb8;
	[tilespmem:$0x18D00] =	vst v63  }
0x358: {  	v3 =	vld [tilespmem:$0x460];
	_ =	sdelay $0x4  }
0x359: {  	v38 =	vshll.u32 v3, $0x1  }
0x35a: {  	v3 =	vand.u32 $0x7, v3;
	v4 =	vand.u32 $0xFFFFFFF0, v38  }
0x35b: {  	v3 =	vor.u32 v3, v4  }
0x35c: {  	v4 =	vperm.xlane v3, v0;
	_ =	sdelay $0x1  }
0x35d: {  	v3 =	vperm.xlane v3, v2;
	v4 =	vadd.s32 v1, v4;
	_ =	sdelay $0x1  }
0x35e: {  	v3 =	vadd.s32 v1, v3;
	_ =	sdelay $0x1  }
0x35f: {  	s0 =	simm.s32 $0x16D00  }
0x360: {  	[tilespmem:s0], [sflag:$0x3] =	stream.indirect_vreg.gather [hbm4b:s2+s3], $0x80, v4, vm0, $0xb8;
	[tilespmem:$0x18D00] =	vst v63  }
0x361: {  	_ = 	snop  }
0x362: {  	[tilespmem:s8], [sflag:$0x3] =	stream.indirect_vreg.gather [hbm4b:s2+s3], $0x80, v3, vm0, $0xb8;
	[tilespmem:$0x18D00] =	vst v63  }
0x363: {  	v3 =	vld [tilespmem:$0x470];
	_ =	sdelay $0x4  }
0x364: {  	v39 =	vshll.u32 v3, $0x1  }
0x365: {  	v3 =	vand.u32 $0x7, v3;
	v4 =	vand.u32 $0xFFFFFFF0, v39  }
0x366: {  	v3 =	vor.u32 v3, v4  }
0x367: {  	v4 =	vperm.xlane v3, v0;
	_ =	sdelay $0x1  }
0x368: {  	v3 =	vperm.xlane v3, v2;
	v4 =	vadd.s32 v1, v4;
	_ =	sdelay $0x1  }
0x369: {  	v3 =	vadd.s32 v1, v3;
	_ =	sdelay $0x1  }
0x36a: {  	s15 =	simm.s32 $0x17D00  }
0x36b: {  	[tilespmem:s15], [sflag:$0x3] =	stream.indirect_vreg.gather [hbm4b:s2+s3], $0x80, v4, vm0, $0xb8;
	[tilespmem:$0x18D00] =	vst v63  }
0x36c: {  	s18 =	simm.s32 $0x18500  }
0x36d: {  	[tilespmem:s18], [sflag:$0x3] =	stream.indirect_vreg.gather [hbm4b:s2+s3], $0x80, v3, vm0, $0xb8;
	[tilespmem:$0x18D00] =	vst v63  }
0x36e: {  	_ =	swait.ge [sflag:s13], $0x8000  }
0x36f: {  	[sflag:s13] =	ssyncset.done $0x0  }
0x370: {  	s15 =	rddreg [dreg:$0xc];
	[sflag:s13] =	ssyncadd.s32 $0xFFFF8000  }
0x371: {  	[hbm4b:s15+s3] =	stream.linear.scatter [tilespmem:s22], [sflag:$0x5], $0x8000, $0x38;
	[tilespmem:$0x18D00] =	vst v63  }
0x372: {  	_ =	swait.ge [sflag:s14], $0x8000  }
0x373: {  	[sflag:s14] =	ssyncset.done $0x0  }
0x374: {  	[sflag:s14] =	ssyncadd.s32 $0xFFFF8000  }
0x375: {  	v3 =	vld [tilespmem:$0x480];
	_ =	sdelay $0x4  }
0x376: {  	v40 =	vshll.u32 v3, $0x1  }
0x377: {  	v3 =	vand.u32 $0x7, v3;
	v4 =	vand.u32 $0xFFFFFFF0, v40  }
0x378: {  	v3 =	vor.u32 v3, v4  }
0x379: {  	v4 =	vperm.xlane v3, v0;
	_ =	sdelay $0x1  }
0x37a: {  	v3 =	vperm.xlane v3, v2;
	v4 =	vadd.s32 v1, v4;
	_ =	sdelay $0x1  }
0x37b: {  	v3 =	vadd.s32 v1, v3;
	_ =	sdelay $0x1  }
0x37c: {  	s10 =	simm.s32 $0xD00  }
0x37d: {  	[tilespmem:s10], [sflag:$0x1] =	stream.indirect_vreg.gather [hbm4b:s2+s3], $0x80, v4, vm0, $0xb8;
	[tilespmem:$0x18D00] =	vst v63  }
0x37e: {  	s18 =	simm.s32 $0x1500  }
0x37f: {  	[tilespmem:s18], [sflag:$0x1] =	stream.indirect_vreg.gather [hbm4b:s2+s3], $0x80, v3, vm0, $0xb8;
	[tilespmem:$0x18D00] =	vst v63  }
0x380: {  	v3 =	vld [tilespmem:$0x490];
	_ =	sdelay $0x4  }
0x381: {  	v41 =	vshll.u32 v3, $0x1  }
0x382: {  	v3 =	vand.u32 $0x7, v3;
	v4 =	vand.u32 $0xFFFFFFF0, v41  }
0x383: {  	v3 =	vor.u32 v3, v4  }
0x384: {  	v4 =	vperm.xlane v3, v0;
	_ =	sdelay $0x1  }
0x385: {  	v3 =	vperm.xlane v3, v2;
	v4 =	vadd.s32 v1, v4;
	_ =	sdelay $0x1  }
0x386: {  	v3 =	vadd.s32 v1, v3;
	_ =	sdelay $0x1  }
0x387: {  	s22 =	simm.s32 $0x1D00  }
0x388: {  	[tilespmem:s22], [sflag:$0x1] =	stream.indirect_vreg.gather [hbm4b:s2+s3], $0x80, v4, vm0, $0xb8;
	[tilespmem:$0x18D00] =	vst v63  }
0x389: {  	s18 =	simm.s32 $0x2500  }
0x38a: {  	[tilespmem:s18], [sflag:$0x1] =	stream.indirect_vreg.gather [hbm4b:s2+s3], $0x80, v3, vm0, $0xb8;
	[tilespmem:$0x18D00] =	vst v63  }
0x38b: {  	v3 =	vld [tilespmem:$0x4A0];
	_ =	sdelay $0x4  }
0x38c: {  	v42 =	vshll.u32 v3, $0x1  }
0x38d: {  	v3 =	vand.u32 $0x7, v3;
	v4 =	vand.u32 $0xFFFFFFF0, v42  }
0x38e: {  	v3 =	vor.u32 v3, v4  }
0x38f: {  	v4 =	vperm.xlane v3, v0;
	_ =	sdelay $0x1  }
0x390: {  	v3 =	vperm.xlane v3, v2;
	v4 =	vadd.s32 v1, v4;
	_ =	sdelay $0x1  }
0x391: {  	v3 =	vadd.s32 v1, v3;
	_ =	sdelay $0x1  }
0x392: {  	s22 =	simm.s32 $0x2D00  }
0x393: {  	[tilespmem:s22], [sflag:$0x1] =	stream.indirect_vreg.gather [hbm4b:s2+s3], $0x80, v4, vm0, $0xb8;
	[tilespmem:$0x18D00] =	vst v63  }
0x394: {  	s18 =	simm.s32 $0x3500  }
0x395: {  	[tilespmem:s18], [sflag:$0x1] =	stream.indirect_vreg.gather [hbm4b:s2+s3], $0x80, v3, vm0, $0xb8;
	[tilespmem:$0x18D00] =	vst v63  }
0x396: {  	v3 =	vld [tilespmem:$0x4B0];
	_ =	sdelay $0x4  }
0x397: {  	v43 =	vshll.u32 v3, $0x1  }
0x398: {  	v3 =	vand.u32 $0x7, v3;
	v4 =	vand.u32 $0xFFFFFFF0, v43  }
0x399: {  	v3 =	vor.u32 v3, v4  }
0x39a: {  	v4 =	vperm.xlane v3, v0;
	_ =	sdelay $0x1  }
0x39b: {  	v3 =	vperm.xlane v3, v2;
	v4 =	vadd.s32 v1, v4;
	_ =	sdelay $0x1  }
0x39c: {  	v3 =	vadd.s32 v1, v3;
	_ =	sdelay $0x1  }
0x39d: {  	s22 =	simm.s32 $0x3D00  }
0x39e: {  	[tilespmem:s22], [sflag:$0x1] =	stream.indirect_vreg.gather [hbm4b:s2+s3], $0x80, v4, vm0, $0xb8;
	[tilespmem:$0x18D00] =	vst v63  }
0x39f: {  	s18 =	simm.s32 $0x4500  }
0x3a0: {  	[tilespmem:s18], [sflag:$0x1] =	stream.indirect_vreg.gather [hbm4b:s2+s3], $0x80, v3, vm0, $0xb8;
	[tilespmem:$0x18D00] =	vst v63  }
0x3a1: {  	v3 =	vld [tilespmem:$0x4C0];
	_ =	sdelay $0x4  }
0x3a2: {  	v44 =	vshll.u32 v3, $0x1  }
0x3a3: {  	v3 =	vand.u32 $0x7, v3;
	v4 =	vand.u32 $0xFFFFFFF0, v44  }
0x3a4: {  	v3 =	vor.u32 v3, v4  }
0x3a5: {  	v4 =	vperm.xlane v3, v0;
	_ =	sdelay $0x1  }
0x3a6: {  	v3 =	vperm.xlane v3, v2;
	v4 =	vadd.s32 v1, v4;
	_ =	sdelay $0x1  }
0x3a7: {  	v3 =	vadd.s32 v1, v3;
	_ =	sdelay $0x1  }
0x3a8: {  	s8 =	simm.s32 $0x4D00  }
0x3a9: {  	[tilespmem:s8], [sflag:$0x1] =	stream.indirect_vreg.gather [hbm4b:s2+s3], $0x80, v4, vm0, $0xb8;
	[tilespmem:$0x18D00] =	vst v63  }
0x3aa: {  	s22 =	simm.s32 $0x5500  }
0x3ab: {  	[tilespmem:s22], [sflag:$0x1] =	stream.indirect_vreg.gather [hbm4b:s2+s3], $0x80, v3, vm0, $0xb8;
	[tilespmem:$0x18D00] =	vst v63  }
0x3ac: {  	v3 =	vld [tilespmem:$0x4D0];
	_ =	sdelay $0x4  }
0x3ad: {  	v45 =	vshll.u32 v3, $0x1  }
0x3ae: {  	v3 =	vand.u32 $0x7, v3;
	v4 =	vand.u32 $0xFFFFFFF0, v45  }
0x3af: {  	v3 =	vor.u32 v3, v4  }
0x3b0: {  	v4 =	vperm.xlane v3, v0;
	_ =	sdelay $0x1  }
0x3b1: {  	v3 =	vperm.xlane v3, v2;
	v4 =	vadd.s32 v1, v4;
	_ =	sdelay $0x1  }
0x3b2: {  	v3 =	vadd.s32 v1, v3;
	_ =	sdelay $0x1  }
0x3b3: {  	s22 =	simm.s32 $0x5D00  }
0x3b4: {  	[tilespmem:s22], [sflag:$0x1] =	stream.indirect_vreg.gather [hbm4b:s2+s3], $0x80, v4, vm0, $0xb8;
	[tilespmem:$0x18D00] =	vst v63  }
0x3b5: {  	s22 =	simm.s32 $0x6500  }
0x3b6: {  	[tilespmem:s22], [sflag:$0x1] =	stream.indirect_vreg.gather [hbm4b:s2+s3], $0x80, v3, vm0, $0xb8;
	[tilespmem:$0x18D00] =	vst v63  }
0x3b7: {  	v3 =	vld [tilespmem:$0x4E0];
	_ =	sdelay $0x4  }
0x3b8: {  	v46 =	vshll.u32 v3, $0x1  }
0x3b9: {  	v3 =	vand.u32 $0x7, v3;
	v4 =	vand.u32 $0xFFFFFFF0, v46  }
0x3ba: {  	v3 =	vor.u32 v3, v4  }
0x3bb: {  	v4 =	vperm.xlane v3, v0;
	_ =	sdelay $0x1  }
0x3bc: {  	v3 =	vperm.xlane v3, v2;
	v4 =	vadd.s32 v1, v4;
	_ =	sdelay $0x1  }
0x3bd: {  	v3 =	vadd.s32 v1, v3;
	_ =	sdelay $0x1  }
0x3be: {  	s22 =	simm.s32 $0x6D00  }
0x3bf: {  	[tilespmem:s22], [sflag:$0x1] =	stream.indirect_vreg.gather [hbm4b:s2+s3], $0x80, v4, vm0, $0xb8;
	[tilespmem:$0x18D00] =	vst v63  }
0x3c0: {  	s22 =	simm.s32 $0x7500  }
0x3c1: {  	[tilespmem:s22], [sflag:$0x1] =	stream.indirect_vreg.gather [hbm4b:s2+s3], $0x80, v3, vm0, $0xb8;
	[tilespmem:$0x18D00] =	vst v63  }
0x3c2: {  	v3 =	vld [tilespmem:$0x4F0];
	_ =	sdelay $0x4  }
0x3c3: {  	v47 =	vshll.u32 v3, $0x1  }
0x3c4: {  	v3 =	vand.u32 $0x7, v3;
	v4 =	vand.u32 $0xFFFFFFF0, v47  }
0x3c5: {  	v3 =	vor.u32 v3, v4  }
0x3c6: {  	v4 =	vperm.xlane v3, v0;
	_ =	sdelay $0x1  }
0x3c7: {  	v3 =	vperm.xlane v3, v2;
	v4 =	vadd.s32 v1, v4;
	_ =	sdelay $0x1  }
0x3c8: {  	v3 =	vadd.s32 v1, v3;
	_ =	sdelay $0x1  }
0x3c9: {  	s22 =	simm.s32 $0x7D00  }
0x3ca: {  	[tilespmem:s22], [sflag:$0x1] =	stream.indirect_vreg.gather [hbm4b:s2+s3], $0x80, v4, vm0, $0xb8;
	[tilespmem:$0x18D00] =	vst v63  }
0x3cb: {  	s22 =	simm.s32 $0x8500  }
0x3cc: {  	[tilespmem:s22], [sflag:$0x1] =	stream.indirect_vreg.gather [hbm4b:s2+s3], $0x80, v3, vm0, $0xb8;
	[tilespmem:$0x18D00] =	vst v63  }
0x3cd: {  	_ =	swait.ge [sflag:s17], $0x8000  }
0x3ce: {  	[sflag:s17] =	ssyncset.done $0x0  }
0x3cf: {  	s22 =	rddreg [dreg:$0xd];
	[sflag:s17] =	ssyncadd.s32 $0xFFFF8000  }
0x3d0: {  	[hbm4b:s22+s3] =	stream.linear.scatter [tilespmem:s23], [sflag:$0x6], $0x8000, $0x38;
	[tilespmem:$0x18D00] =	vst v63  }
0x3d1: {  	_ =	swait.ge [sflag:s16], $0x8000  }
0x3d2: {  	[sflag:s16] =	ssyncset.done $0x0  }
0x3d3: {  	[sflag:s16] =	ssyncadd.s32 $0xFFFF8000  }
0x3d4: {  	v3 =	vld [tilespmem:$0x500];
	_ =	sdelay $0x4  }
0x3d5: {  	v48 =	vshll.u32 v3, $0x1  }
0x3d6: {  	v3 =	vand.u32 $0x7, v3;
	v4 =	vand.u32 $0xFFFFFFF0, v48  }
0x3d7: {  	v3 =	vor.u32 v3, v4  }
0x3d8: {  	v4 =	vperm.xlane v3, v0;
	_ =	sdelay $0x1  }
0x3d9: {  	v3 =	vperm.xlane v3, v2;
	v4 =	vadd.s32 v1, v4;
	_ =	sdelay $0x1  }
0x3da: {  	v3 =	vadd.s32 v1, v3;
	_ =	sdelay $0x1  }
0x3db: {  	s15 =	simm.s32 $0x8D00  }
0x3dc: {  	[tilespmem:s15], [sflag:$0x2] =	stream.indirect_vreg.gather [hbm4b:s2+s3], $0x80, v4, vm0, $0xb8;
	[tilespmem:$0x18D00] =	vst v63  }
0x3dd: {  	_ = 	snop  }
0x3de: {  	[tilespmem:s20], [sflag:$0x2] =	stream.indirect_vreg.gather [hbm4b:s2+s3], $0x80, v3, vm0, $0xb8;
	[tilespmem:$0x18D00] =	vst v63  }
0x3df: {  	v3 =	vld [tilespmem:$0x510];
	_ =	sdelay $0x4  }
0x3e0: {  	v49 =	vshll.u32 v3, $0x1  }
0x3e1: {  	v3 =	vand.u32 $0x7, v3;
	v4 =	vand.u32 $0xFFFFFFF0, v49  }
0x3e2: {  	v3 =	vor.u32 v3, v4  }
0x3e3: {  	v4 =	vperm.xlane v3, v0;
	_ =	sdelay $0x1  }
0x3e4: {  	v3 =	vperm.xlane v3, v2;
	v4 =	vadd.s32 v1, v4;
	_ =	sdelay $0x1  }
0x3e5: {  	v3 =	vadd.s32 v1, v3;
	_ =	sdelay $0x1  }
0x3e6: {  	s24 =	simm.s32 $0x9D00  }
0x3e7: {  	[tilespmem:s24], [sflag:$0x2] =	stream.indirect_vreg.gather [hbm4b:s2+s3], $0x80, v4, vm0, $0xb8;
	[tilespmem:$0x18D00] =	vst v63  }
0x3e8: {  	_ = 	snop  }
0x3e9: {  	[tilespmem:s21], [sflag:$0x2] =	stream.indirect_vreg.gather [hbm4b:s2+s3], $0x80, v3, vm0, $0xb8;
	[tilespmem:$0x18D00] =	vst v63  }
0x3ea: {  	v3 =	vld [tilespmem:$0x520];
	_ =	sdelay $0x4  }
0x3eb: {  	v50 =	vshll.u32 v3, $0x1  }
0x3ec: {  	v3 =	vand.u32 $0x7, v3;
	v4 =	vand.u32 $0xFFFFFFF0, v50  }
0x3ed: {  	v3 =	vor.u32 v3, v4  }
0x3ee: {  	v4 =	vperm.xlane v3, v0;
	_ =	sdelay $0x1  }
0x3ef: {  	v3 =	vperm.xlane v3, v2;
	v4 =	vadd.s32 v1, v4;
	_ =	sdelay $0x1  }
0x3f0: {  	v3 =	vadd.s32 v1, v3;
	_ =	sdelay $0x1  }
0x3f1: {  	s25 =	simm.s32 $0xAD00  }
0x3f2: {  	[tilespmem:s25], [sflag:$0x2] =	stream.indirect_vreg.gather [hbm4b:s2+s3], $0x80, v4, vm0, $0xb8;
	[tilespmem:$0x18D00] =	vst v63  }
0x3f3: {  	_ = 	snop  }
0x3f4: {  	[tilespmem:s4], [sflag:$0x2] =	stream.indirect_vreg.gather [hbm4b:s2+s3], $0x80, v3, vm0, $0xb8;
	[tilespmem:$0x18D00] =	vst v63  }
0x3f5: {  	v3 =	vld [tilespmem:$0x530];
	_ =	sdelay $0x4  }
0x3f6: {  	v51 =	vshll.u32 v3, $0x1  }
0x3f7: {  	v3 =	vand.u32 $0x7, v3;
	v4 =	vand.u32 $0xFFFFFFF0, v51  }
0x3f8: {  	v3 =	vor.u32 v3, v4  }
0x3f9: {  	v4 =	vperm.xlane v3, v0;
	_ =	sdelay $0x1  }
0x3fa: {  	v3 =	vperm.xlane v3, v2;
	v4 =	vadd.s32 v1, v4;
	_ =	sdelay $0x1  }
0x3fb: {  	v3 =	vadd.s32 v1, v3;
	_ =	sdelay $0x1  }
0x3fc: {  	s26 =	simm.s32 $0xBD00  }
0x3fd: {  	[tilespmem:s26], [sflag:$0x2] =	stream.indirect_vreg.gather [hbm4b:s2+s3], $0x80, v4, vm0, $0xb8;
	[tilespmem:$0x18D00] =	vst v63  }
0x3fe: {  	_ = 	snop  }
0x3ff: {  	[tilespmem:s5], [sflag:$0x2] =	stream.indirect_vreg.gather [hbm4b:s2+s3], $0x80, v3, vm0, $0xb8;
	[tilespmem:$0x18D00] =	vst v63  }
0x400: {  	v3 =	vld [tilespmem:$0x540];
	_ =	sdelay $0x4  }
0x401: {  	v52 =	vshll.u32 v3, $0x1  }
0x402: {  	v3 =	vand.u32 $0x7, v3;
	v4 =	vand.u32 $0xFFFFFFF0, v52  }
0x403: {  	v3 =	vor.u32 v3, v4  }
0x404: {  	v4 =	vperm.xlane v3, v0;
	_ =	sdelay $0x1  }
0x405: {  	v3 =	vperm.xlane v3, v2;
	v4 =	vadd.s32 v1, v4;
	_ =	sdelay $0x1  }
0x406: {  	v3 =	vadd.s32 v1, v3;
	_ =	sdelay $0x1  }
0x407: {  	s28 =	simm.s32 $0xCD00  }
0x408: {  	[tilespmem:s28], [sflag:$0x2] =	stream.indirect_vreg.gather [hbm4b:s2+s3], $0x80, v4, vm0, $0xb8;
	[tilespmem:$0x18D00] =	vst v63  }
0x409: {  	_ = 	snop  }
0x40a: {  	[tilespmem:s6], [sflag:$0x2] =	stream.indirect_vreg.gather [hbm4b:s2+s3], $0x80, v3, vm0, $0xb8;
	[tilespmem:$0x18D00] =	vst v63  }
0x40b: {  	v3 =	vld [tilespmem:$0x550];
	_ =	sdelay $0x4  }
0x40c: {  	v53 =	vshll.u32 v3, $0x1  }
0x40d: {  	v3 =	vand.u32 $0x7, v3;
	v4 =	vand.u32 $0xFFFFFFF0, v53  }
0x40e: {  	v3 =	vor.u32 v3, v4  }
0x40f: {  	v4 =	vperm.xlane v3, v0;
	_ =	sdelay $0x1  }
0x410: {  	v3 =	vperm.xlane v3, v2;
	v4 =	vadd.s32 v1, v4;
	_ =	sdelay $0x1  }
0x411: {  	v3 =	vadd.s32 v1, v3;
	_ =	sdelay $0x1  }
0x412: {  	s29 =	simm.s32 $0xDD00  }
0x413: {  	[tilespmem:s29], [sflag:$0x2] =	stream.indirect_vreg.gather [hbm4b:s2+s3], $0x80, v4, vm0, $0xb8;
	[tilespmem:$0x18D00] =	vst v63  }
0x414: {  	s29 =	simm.s32 $0xE500  }
0x415: {  	[tilespmem:s29], [sflag:$0x2] =	stream.indirect_vreg.gather [hbm4b:s2+s3], $0x80, v3, vm0, $0xb8;
	[tilespmem:$0x18D00] =	vst v63  }
0x416: {  	v3 =	vld [tilespmem:$0x560];
	_ =	sdelay $0x4  }
0x417: {  	v54 =	vshll.u32 v3, $0x1  }
0x418: {  	v3 =	vand.u32 $0x7, v3;
	v4 =	vand.u32 $0xFFFFFFF0, v54  }
0x419: {  	v3 =	vor.u32 v3, v4  }
0x41a: {  	v4 =	vperm.xlane v3, v0;
	_ =	sdelay $0x1  }
0x41b: {  	v3 =	vperm.xlane v3, v2;
	v4 =	vadd.s32 v1, v4;
	_ =	sdelay $0x1  }
0x41c: {  	v3 =	vadd.s32 v1, v3;
	_ =	sdelay $0x1  }
0x41d: {  	s31 =	simm.s32 $0xED00  }
0x41e: {  	[tilespmem:s31], [sflag:$0x2] =	stream.indirect_vreg.gather [hbm4b:s2+s3], $0x80, v4, vm0, $0xb8;
	[tilespmem:$0x18D00] =	vst v63  }
0x41f: {  	s31 =	simm.s32 $0xF500  }
0x420: {  	[tilespmem:s31], [sflag:$0x2] =	stream.indirect_vreg.gather [hbm4b:s2+s3], $0x80, v3, vm0, $0xb8;
	[tilespmem:$0x18D00] =	vst v63  }
0x421: {  	v3 =	vld [tilespmem:$0x570];
	_ =	sdelay $0x4  }
0x422: {  	v55 =	vshll.u32 v3, $0x1  }
0x423: {  	v3 =	vand.u32 $0x7, v3;
	v4 =	vand.u32 $0xFFFFFFF0, v55  }
0x424: {  	v3 =	vor.u32 v3, v4  }
0x425: {  	v4 =	vperm.xlane v3, v0;
	_ =	sdelay $0x1  }
0x426: {  	v3 =	vperm.xlane v3, v2;
	v4 =	vadd.s32 v1, v4;
	_ =	sdelay $0x1  }
0x427: {  	v3 =	vadd.s32 v1, v3;
	_ =	sdelay $0x1  }
0x428: {  	s28 =	simm.s32 $0xFD00  }
0x429: {  	[tilespmem:s28], [sflag:$0x2] =	stream.indirect_vreg.gather [hbm4b:s2+s3], $0x80, v4, vm0, $0xb8;
	[tilespmem:$0x18D00] =	vst v63  }
0x42a: {  	_ = 	snop  }
0x42b: {  	[tilespmem:s7], [sflag:$0x2] =	stream.indirect_vreg.gather [hbm4b:s2+s3], $0x80, v3, vm0, $0xb8;
	[tilespmem:$0x18D00] =	vst v63  }
0x42c: {  	_ =	swait.ge [sflag:s11], $0x8000  }
0x42d: {  	[sflag:s11] =	ssyncset.done $0x0  }
0x42e: {  	s18 =	rddreg [dreg:$0xe];
	[sflag:s11] =	ssyncadd.s32 $0xFFFF8000  }
0x42f: {  	[hbm4b:s18+s3] =	stream.linear.scatter [tilespmem:s10], [sflag:$0x4], $0x8000, $0x38;
	[tilespmem:$0x18D00] =	vst v63  }
0x430: {  	_ =	swait.ge [sflag:s1], $0x8000  }
0x431: {  	[sflag:s1] =	ssyncset.done $0x0  }
0x432: {  	[sflag:s1] =	ssyncadd.s32 $0xFFFF8000  }
0x433: {  	v3 =	vld [tilespmem:$0x580];
	_ =	sdelay $0x4  }
0x434: {  	v56 =	vshll.u32 v3, $0x1  }
0x435: {  	v3 =	vand.u32 $0x7, v3;
	v4 =	vand.u32 $0xFFFFFFF0, v56  }
0x436: {  	v3 =	vor.u32 v3, v4  }
0x437: {  	v4 =	vperm.xlane v3, v0;
	_ =	sdelay $0x1  }
0x438: {  	v3 =	vperm.xlane v3, v2;
	v4 =	vadd.s32 v1, v4;
	_ =	sdelay $0x1  }
0x439: {  	v3 =	vadd.s32 v1, v3;
	_ =	sdelay $0x2  }
0x43a: {  	[tilespmem:s23], [sflag:$0x3] =	stream.indirect_vreg.gather [hbm4b:s2+s3], $0x80, v4, vm0, $0xb8;
	[tilespmem:$0x18D00] =	vst v63  }
0x43b: {  	_ = 	snop  }
0x43c: {  	[tilespmem:s9], [sflag:$0x3] =	stream.indirect_vreg.gather [hbm4b:s2+s3], $0x80, v3, vm0, $0xb8;
	[tilespmem:$0x18D00] =	vst v63  }
0x43d: {  	v3 =	vld [tilespmem:$0x590];
	_ =	sdelay $0x4  }
0x43e: {  	v57 =	vshll.u32 v3, $0x1  }
0x43f: {  	v3 =	vand.u32 $0x7, v3;
	v4 =	vand.u32 $0xFFFFFFF0, v57  }
0x440: {  	v3 =	vor.u32 v3, v4  }
0x441: {  	v4 =	vperm.xlane v3, v0;
	_ =	sdelay $0x1  }
0x442: {  	v3 =	vperm.xlane v3, v2;
	v4 =	vadd.s32 v1, v4;
	_ =	sdelay $0x1  }
0x443: {  	v3 =	vadd.s32 v1, v3;
	_ =	sdelay $0x1  }
0x444: {  	s30 =	simm.s32 $0x11D00  }
0x445: {  	[tilespmem:s30], [sflag:$0x3] =	stream.indirect_vreg.gather [hbm4b:s2+s3], $0x80, v4, vm0, $0xb8;
	[tilespmem:$0x18D00] =	vst v63  }
0x446: {  	s18 =	simm.s32 $0x12500  }
0x447: {  	[tilespmem:s18], [sflag:$0x3] =	stream.indirect_vreg.gather [hbm4b:s2+s3], $0x80, v3, vm0, $0xb8;
	[tilespmem:$0x18D00] =	vst v63  }
0x448: {  	v3 =	vld [tilespmem:$0x5A0];
	_ =	sdelay $0x4  }
0x449: {  	v58 =	vshll.u32 v3, $0x1  }
0x44a: {  	v3 =	vand.u32 $0x7, v3;
	v4 =	vand.u32 $0xFFFFFFF0, v58  }
0x44b: {  	v3 =	vor.u32 v3, v4  }
0x44c: {  	v4 =	vperm.xlane v3, v0;
	_ =	sdelay $0x1  }
0x44d: {  	v3 =	vperm.xlane v3, v2;
	v4 =	vadd.s32 v1, v4;
	_ =	sdelay $0x1  }
0x44e: {  	v3 =	vadd.s32 v1, v3;
	_ =	sdelay $0x1  }
0x44f: {  	s12 =	simm.s32 $0x12D00  }
0x450: {  	[tilespmem:s12], [sflag:$0x3] =	stream.indirect_vreg.gather [hbm4b:s2+s3], $0x80, v4, vm0, $0xb8;
	[tilespmem:$0x18D00] =	vst v63  }
0x451: {  	s18 =	simm.s32 $0x13500  }
0x452: {  	[tilespmem:s18], [sflag:$0x3] =	stream.indirect_vreg.gather [hbm4b:s2+s3], $0x80, v3, vm0, $0xb8;
	[tilespmem:$0x18D00] =	vst v63  }
0x453: {  	v3 =	vld [tilespmem:$0x5B0];
	_ =	sdelay $0x4  }
0x454: {  	v59 =	vshll.u32 v3, $0x1  }
0x455: {  	v3 =	vand.u32 $0x7, v3;
	v4 =	vand.u32 $0xFFFFFFF0, v59  }
0x456: {  	v3 =	vor.u32 v3, v4  }
0x457: {  	v4 =	vperm.xlane v3, v0;
	_ =	sdelay $0x1  }
0x458: {  	v3 =	vperm.xlane v3, v2;
	v4 =	vadd.s32 v1, v4;
	_ =	sdelay $0x1  }
0x459: {  	v3 =	vadd.s32 v1, v3;
	_ =	sdelay $0x1  }
0x45a: {  	s19 =	simm.s32 $0x13D00  }
0x45b: {  	[tilespmem:s19], [sflag:$0x3] =	stream.indirect_vreg.gather [hbm4b:s2+s3], $0x80, v4, vm0, $0xb8;
	[tilespmem:$0x18D00] =	vst v63  }
0x45c: {  	s18 =	simm.s32 $0x14500  }
0x45d: {  	[tilespmem:s18], [sflag:$0x3] =	stream.indirect_vreg.gather [hbm4b:s2+s3], $0x80, v3, vm0, $0xb8;
	[tilespmem:$0x18D00] =	vst v63  }
0x45e: {  	v3 =	vld [tilespmem:$0x5C0];
	_ =	sdelay $0x4  }
0x45f: {  	v60 =	vshll.u32 v3, $0x1  }
0x460: {  	v3 =	vand.u32 $0x7, v3;
	v4 =	vand.u32 $0xFFFFFFF0, v60  }
0x461: {  	v3 =	vor.u32 v3, v4  }
0x462: {  	v4 =	vperm.xlane v3, v0;
	_ =	sdelay $0x1  }
0x463: {  	v3 =	vperm.xlane v3, v2;
	v4 =	vadd.s32 v1, v4;
	_ =	sdelay $0x1  }
0x464: {  	v3 =	vadd.s32 v1, v3;
	_ =	sdelay $0x1  }
0x465: {  	s18 =	simm.s32 $0x14D00  }
0x466: {  	[tilespmem:s18], [sflag:$0x3] =	stream.indirect_vreg.gather [hbm4b:s2+s3], $0x80, v4, vm0, $0xb8;
	[tilespmem:$0x18D00] =	vst v63  }
0x467: {  	s18 =	simm.s32 $0x15500  }
0x468: {  	[tilespmem:s18], [sflag:$0x3] =	stream.indirect_vreg.gather [hbm4b:s2+s3], $0x80, v3, vm0, $0xb8;
	[tilespmem:$0x18D00] =	vst v63  }
0x469: {  	v3 =	vld [tilespmem:$0x5D0];
	_ =	sdelay $0x4  }
0x46a: {  	v61 =	vshll.u32 v3, $0x1  }
0x46b: {  	v3 =	vand.u32 $0x7, v3;
	v4 =	vand.u32 $0xFFFFFFF0, v61  }
0x46c: {  	v3 =	vor.u32 v3, v4  }
0x46d: {  	v4 =	vperm.xlane v3, v0;
	_ =	sdelay $0x1  }
0x46e: {  	v3 =	vperm.xlane v3, v2;
	v4 =	vadd.s32 v1, v4;
	_ =	sdelay $0x1  }
0x46f: {  	v3 =	vadd.s32 v1, v3;
	_ =	sdelay $0x1  }
0x470: {  	s18 =	simm.s32 $0x15D00  }
0x471: {  	[tilespmem:s18], [sflag:$0x3] =	stream.indirect_vreg.gather [hbm4b:s2+s3], $0x80, v4, vm0, $0xb8;
	[tilespmem:$0x18D00] =	vst v63  }
0x472: {  	s18 =	simm.s32 $0x16500  }
0x473: {  	[tilespmem:s18], [sflag:$0x3] =	stream.indirect_vreg.gather [hbm4b:s2+s3], $0x80, v3, vm0, $0xb8;
	[tilespmem:$0x18D00] =	vst v63  }
0x474: {  	v3 =	vld [tilespmem:$0x5E0];
	_ =	sdelay $0x4  }
0x475: {  	v62 =	vshll.u32 v3, $0x1  }
0x476: {  	v3 =	vand.u32 $0x7, v3;
	v4 =	vand.u32 $0xFFFFFFF0, v62  }
0x477: {  	v3 =	vor.u32 v3, v4  }
0x478: {  	v4 =	vperm.xlane v3, v0;
	_ =	sdelay $0x1  }
0x479: {  	v3 =	vperm.xlane v3, v2;
	v4 =	vadd.s32 v1, v4;
	_ =	sdelay $0x1  }
0x47a: {  	v3 =	vadd.s32 v1, v3;
	_ =	sdelay $0x2  }
0x47b: {  	[tilespmem:s0], [sflag:$0x3] =	stream.indirect_vreg.gather [hbm4b:s2+s3], $0x80, v4, vm0, $0xb8;
	[tilespmem:$0x18D00] =	vst v63  }
0x47c: {  	s18 =	simm.s32 $0x17500  }
0x47d: {  	[tilespmem:s18], [sflag:$0x3] =	stream.indirect_vreg.gather [hbm4b:s2+s3], $0x80, v3, vm0, $0xb8;
	[tilespmem:$0x18D00] =	vst v63  }
0x47e: {  	v3 =	vld [tilespmem:$0x5F0];
	_ =	sdelay $0x4  }
0x47f: {  	v63 =	vshll.u32 v3, $0x1  }
0x480: {  	v3 =	vand.u32 $0x7, v3;
	v4 =	vand.u32 $0xFFFFFFF0, v63  }
0x481: {  	v3 =	vor.u32 v3, v4  }
0x482: {  	v4 =	vperm.xlane v3, v0;
	_ =	sdelay $0x1  }
0x483: {  	v3 =	vperm.xlane v3, v2;
	v4 =	vadd.s32 v1, v4;
	_ =	sdelay $0x1  }
0x484: {  	v3 =	vadd.s32 v1, v3;
	_ =	sdelay $0x1  }
0x485: {  	s18 =	simm.s32 $0x17D00  }
0x486: {  	[tilespmem:s18], [sflag:$0x3] =	stream.indirect_vreg.gather [hbm4b:s2+s3], $0x80, v4, vm0, $0xb8;
	[tilespmem:$0x18D00] =	vst v63  }
0x487: {  	s18 =	simm.s32 $0x18500  }
0x488: {  	[tilespmem:s18], [sflag:$0x3] =	stream.indirect_vreg.gather [hbm4b:s2+s3], $0x80, v3, vm0, $0xb8;
	[tilespmem:$0x18D00] =	vst v63  }
0x489: {  	_ =	swait.ge [sflag:s13], $0x8000  }
0x48a: {  	[sflag:s13] =	ssyncset.done $0x0  }
0x48b: {  	s18 =	rddreg [dreg:$0xf];
	[sflag:s13] =	ssyncadd.s32 $0xFFFF8000  }
0x48c: {  	[hbm4b:s18+s3] =	stream.linear.scatter [tilespmem:s15], [sflag:$0x5], $0x8000, $0x38;
	[tilespmem:$0x18D00] =	vst v63  }
0x48d: {  	_ =	swait.ge [sflag:s14], $0x8000  }
0x48e: {  	[sflag:s14] =	ssyncset.done $0x0  }
0x48f: {  	[sflag:s14] =	ssyncadd.s32 $0xFFFF8000  }
0x490: {  	v3 =	vld [tilespmem:$0x600];
	_ =	sdelay $0x4  }
0x491: {  	v8 =	vshll.u32 v3, $0x1  }
0x492: {  	v3 =	vand.u32 $0x7, v3;
	v4 =	vand.u32 $0xFFFFFFF0, v8  }
0x493: {  	v3 =	vor.u32 v3, v4  }
0x494: {  	v4 =	vperm.xlane v3, v0;
	_ =	sdelay $0x1  }
0x495: {  	v3 =	vperm.xlane v3, v2;
	v4 =	vadd.s32 v1, v4;
	_ =	sdelay $0x1  }
0x496: {  	v3 =	vadd.s32 v1, v3;
	_ =	sdelay $0x2  }
0x497: {  	[tilespmem:s10], [sflag:$0x1] =	stream.indirect_vreg.gather [hbm4b:s2+s3], $0x80, v4, vm0, $0xb8;
	[tilespmem:$0x18D00] =	vst v63  }
0x498: {  	s18 =	simm.s32 $0x1500  }
0x499: {  	[tilespmem:s18], [sflag:$0x1] =	stream.indirect_vreg.gather [hbm4b:s2+s3], $0x80, v3, vm0, $0xb8;
	[tilespmem:$0x18D00] =	vst v63  }
0x49a: {  	v3 =	vld [tilespmem:$0x610];
	_ =	sdelay $0x4  }
0x49b: {  	v9 =	vshll.u32 v3, $0x1  }
0x49c: {  	v3 =	vand.u32 $0x7, v3;
	v4 =	vand.u32 $0xFFFFFFF0, v9  }
0x49d: {  	v3 =	vor.u32 v3, v4  }
0x49e: {  	v4 =	vperm.xlane v3, v0;
	_ =	sdelay $0x1  }
0x49f: {  	v3 =	vperm.xlane v3, v2;
	v4 =	vadd.s32 v1, v4;
	_ =	sdelay $0x1  }
0x4a0: {  	v3 =	vadd.s32 v1, v3;
	_ =	sdelay $0x1  }
0x4a1: {  	s18 =	simm.s32 $0x1D00  }
0x4a2: {  	[tilespmem:s18], [sflag:$0x1] =	stream.indirect_vreg.gather [hbm4b:s2+s3], $0x80, v4, vm0, $0xb8;
	[tilespmem:$0x18D00] =	vst v63  }
0x4a3: {  	s18 =	simm.s32 $0x2500  }
0x4a4: {  	[tilespmem:s18], [sflag:$0x1] =	stream.indirect_vreg.gather [hbm4b:s2+s3], $0x80, v3, vm0, $0xb8;
	[tilespmem:$0x18D00] =	vst v63  }
0x4a5: {  	v3 =	vld [tilespmem:$0x620];
	_ =	sdelay $0x4  }
0x4a6: {  	v10 =	vshll.u32 v3, $0x1  }
0x4a7: {  	v3 =	vand.u32 $0x7, v3;
	v4 =	vand.u32 $0xFFFFFFF0, v10  }
0x4a8: {  	v3 =	vor.u32 v3, v4  }
0x4a9: {  	v4 =	vperm.xlane v3, v0;
	_ =	sdelay $0x1  }
0x4aa: {  	v3 =	vperm.xlane v3, v2;
	v4 =	vadd.s32 v1, v4;
	_ =	sdelay $0x1  }
0x4ab: {  	v3 =	vadd.s32 v1, v3;
	_ =	sdelay $0x1  }
0x4ac: {  	s18 =	simm.s32 $0x2D00  }
0x4ad: {  	[tilespmem:s18], [sflag:$0x1] =	stream.indirect_vreg.gather [hbm4b:s2+s3], $0x80, v4, vm0, $0xb8;
	[tilespmem:$0x18D00] =	vst v63  }
0x4ae: {  	s18 =	simm.s32 $0x3500  }
0x4af: {  	[tilespmem:s18], [sflag:$0x1] =	stream.indirect_vreg.gather [hbm4b:s2+s3], $0x80, v3, vm0, $0xb8;
	[tilespmem:$0x18D00] =	vst v63  }
0x4b0: {  	v3 =	vld [tilespmem:$0x630];
	_ =	sdelay $0x4  }
0x4b1: {  	v11 =	vshll.u32 v3, $0x1  }
0x4b2: {  	v3 =	vand.u32 $0x7, v3;
	v4 =	vand.u32 $0xFFFFFFF0, v11  }
0x4b3: {  	v3 =	vor.u32 v3, v4  }
0x4b4: {  	v4 =	vperm.xlane v3, v0;
	_ =	sdelay $0x1  }
0x4b5: {  	v3 =	vperm.xlane v3, v2;
	v4 =	vadd.s32 v1, v4;
	_ =	sdelay $0x1  }
0x4b6: {  	v3 =	vadd.s32 v1, v3;
	_ =	sdelay $0x1  }
0x4b7: {  	s18 =	simm.s32 $0x3D00  }
0x4b8: {  	[tilespmem:s18], [sflag:$0x1] =	stream.indirect_vreg.gather [hbm4b:s2+s3], $0x80, v4, vm0, $0xb8;
	[tilespmem:$0x18D00] =	vst v63  }
0x4b9: {  	s18 =	simm.s32 $0x4500  }
0x4ba: {  	[tilespmem:s18], [sflag:$0x1] =	stream.indirect_vreg.gather [hbm4b:s2+s3], $0x80, v3, vm0, $0xb8;
	[tilespmem:$0x18D00] =	vst v63  }
0x4bb: {  	v3 =	vld [tilespmem:$0x640];
	_ =	sdelay $0x4  }
0x4bc: {  	v12 =	vshll.u32 v3, $0x1  }
0x4bd: {  	v3 =	vand.u32 $0x7, v3;
	v4 =	vand.u32 $0xFFFFFFF0, v12  }
0x4be: {  	v3 =	vor.u32 v3, v4  }
0x4bf: {  	v4 =	vperm.xlane v3, v0;
	_ =	sdelay $0x1  }
0x4c0: {  	v3 =	vperm.xlane v3, v2;
	v4 =	vadd.s32 v1, v4;
	_ =	sdelay $0x1  }
0x4c1: {  	v3 =	vadd.s32 v1, v3;
	_ =	sdelay $0x2  }
0x4c2: {  	[tilespmem:s8], [sflag:$0x1] =	stream.indirect_vreg.gather [hbm4b:s2+s3], $0x80, v4, vm0, $0xb8;
	[tilespmem:$0x18D00] =	vst v63  }
0x4c3: {  	s18 =	simm.s32 $0x5500  }
0x4c4: {  	[tilespmem:s18], [sflag:$0x1] =	stream.indirect_vreg.gather [hbm4b:s2+s3], $0x80, v3, vm0, $0xb8;
	[tilespmem:$0x18D00] =	vst v63  }
0x4c5: {  	v3 =	vld [tilespmem:$0x650];
	_ =	sdelay $0x4  }
0x4c6: {  	v13 =	vshll.u32 v3, $0x1  }
0x4c7: {  	v3 =	vand.u32 $0x7, v3;
	v4 =	vand.u32 $0xFFFFFFF0, v13  }
0x4c8: {  	v3 =	vor.u32 v3, v4  }
0x4c9: {  	v4 =	vperm.xlane v3, v0;
	_ =	sdelay $0x1  }
0x4ca: {  	v3 =	vperm.xlane v3, v2;
	v4 =	vadd.s32 v1, v4;
	_ =	sdelay $0x1  }
0x4cb: {  	v3 =	vadd.s32 v1, v3;
	_ =	sdelay $0x1  }
0x4cc: {  	s18 =	simm.s32 $0x5D00  }
0x4cd: {  	[tilespmem:s18], [sflag:$0x1] =	stream.indirect_vreg.gather [hbm4b:s2+s3], $0x80, v4, vm0, $0xb8;
	[tilespmem:$0x18D00] =	vst v63  }
0x4ce: {  	s18 =	simm.s32 $0x6500  }
0x4cf: {  	[tilespmem:s18], [sflag:$0x1] =	stream.indirect_vreg.gather [hbm4b:s2+s3], $0x80, v3, vm0, $0xb8;
	[tilespmem:$0x18D00] =	vst v63  }
0x4d0: {  	v3 =	vld [tilespmem:$0x660];
	_ =	sdelay $0x4  }
0x4d1: {  	v14 =	vshll.u32 v3, $0x1  }
0x4d2: {  	v3 =	vand.u32 $0x7, v3;
	v4 =	vand.u32 $0xFFFFFFF0, v14  }
0x4d3: {  	v3 =	vor.u32 v3, v4  }
0x4d4: {  	v4 =	vperm.xlane v3, v0;
	_ =	sdelay $0x1  }
0x4d5: {  	v3 =	vperm.xlane v3, v2;
	v4 =	vadd.s32 v1, v4;
	_ =	sdelay $0x1  }
0x4d6: {  	v3 =	vadd.s32 v1, v3;
	_ =	sdelay $0x1  }
0x4d7: {  	s18 =	simm.s32 $0x6D00  }
0x4d8: {  	[tilespmem:s18], [sflag:$0x1] =	stream.indirect_vreg.gather [hbm4b:s2+s3], $0x80, v4, vm0, $0xb8;
	[tilespmem:$0x18D00] =	vst v63  }
0x4d9: {  	s18 =	simm.s32 $0x7500  }
0x4da: {  	[tilespmem:s18], [sflag:$0x1] =	stream.indirect_vreg.gather [hbm4b:s2+s3], $0x80, v3, vm0, $0xb8;
	[tilespmem:$0x18D00] =	vst v63  }
0x4db: {  	v3 =	vld [tilespmem:$0x670];
	_ =	sdelay $0x4  }
0x4dc: {  	v15 =	vshll.u32 v3, $0x1  }
0x4dd: {  	v3 =	vand.u32 $0x7, v3;
	v4 =	vand.u32 $0xFFFFFFF0, v15  }
0x4de: {  	v3 =	vor.u32 v3, v4  }
0x4df: {  	v4 =	vperm.xlane v3, v0;
	_ =	sdelay $0x1  }
0x4e0: {  	v3 =	vperm.xlane v3, v2;
	v4 =	vadd.s32 v1, v4;
	_ =	sdelay $0x1  }
0x4e1: {  	v3 =	vadd.s32 v1, v3;
	_ =	sdelay $0x1  }
0x4e2: {  	s18 =	simm.s32 $0x7D00  }
0x4e3: {  	[tilespmem:s18], [sflag:$0x1] =	stream.indirect_vreg.gather [hbm4b:s2+s3], $0x80, v4, vm0, $0xb8;
	[tilespmem:$0x18D00] =	vst v63  }
0x4e4: {  	s18 =	simm.s32 $0x8500  }
0x4e5: {  	[tilespmem:s18], [sflag:$0x1] =	stream.indirect_vreg.gather [hbm4b:s2+s3], $0x80, v3, vm0, $0xb8;
	[tilespmem:$0x18D00] =	vst v63  }
0x4e6: {  	_ =	swait.ge [sflag:s17], $0x8000  }
0x4e7: {  	[sflag:s17] =	ssyncset.done $0x0  }
0x4e8: {  	s18 =	rddreg [dreg:$0x10];
	[sflag:s17] =	ssyncadd.s32 $0xFFFF8000  }
0x4e9: {  	[hbm4b:s18+s3] =	stream.linear.scatter [tilespmem:s23], [sflag:$0x6], $0x8000, $0x38;
	[tilespmem:$0x18D00] =	vst v63  }
0x4ea: {  	_ =	swait.ge [sflag:s16], $0x8000  }
0x4eb: {  	[sflag:s16] =	ssyncset.done $0x0  }
0x4ec: {  	[sflag:s16] =	ssyncadd.s32 $0xFFFF8000  }
0x4ed: {  	v3 =	vld [tilespmem:$0x680];
	_ =	sdelay $0x4  }
0x4ee: {  	v16 =	vshll.u32 v3, $0x1  }
0x4ef: {  	v3 =	vand.u32 $0x7, v3;
	v4 =	vand.u32 $0xFFFFFFF0, v16  }
0x4f0: {  	v3 =	vor.u32 v3, v4  }
0x4f1: {  	v4 =	vperm.xlane v3, v0;
	_ =	sdelay $0x1  }
0x4f2: {  	v3 =	vperm.xlane v3, v2;
	v4 =	vadd.s32 v1, v4;
	_ =	sdelay $0x1  }
0x4f3: {  	v3 =	vadd.s32 v1, v3;
	_ =	sdelay $0x2  }
0x4f4: {  	[tilespmem:s15], [sflag:$0x2] =	stream.indirect_vreg.gather [hbm4b:s2+s3], $0x80, v4, vm0, $0xb8;
	[tilespmem:$0x18D00] =	vst v63  }
0x4f5: {  	s18 =	simm.s32 $0x9500  }
0x4f6: {  	[tilespmem:s18], [sflag:$0x2] =	stream.indirect_vreg.gather [hbm4b:s2+s3], $0x80, v3, vm0, $0xb8;
	[tilespmem:$0x18D00] =	vst v63  }
0x4f7: {  	v3 =	vld [tilespmem:$0x690];
	_ =	sdelay $0x4  }
0x4f8: {  	v17 =	vshll.u32 v3, $0x1  }
0x4f9: {  	v3 =	vand.u32 $0x7, v3;
	v4 =	vand.u32 $0xFFFFFFF0, v17  }
0x4fa: {  	v3 =	vor.u32 v3, v4  }
0x4fb: {  	v4 =	vperm.xlane v3, v0;
	_ =	sdelay $0x1  }
0x4fc: {  	v3 =	vperm.xlane v3, v2;
	v4 =	vadd.s32 v1, v4;
	_ =	sdelay $0x1  }
0x4fd: {  	v3 =	vadd.s32 v1, v3;
	_ =	sdelay $0x1  }
0x4fe: {  	s24 =	simm.s32 $0x9D00  }
0x4ff: {  	[tilespmem:s24], [sflag:$0x2] =	stream.indirect_vreg.gather [hbm4b:s2+s3], $0x80, v4, vm0, $0xb8;
	[tilespmem:$0x18D00] =	vst v63  }
0x500: {  	s21 =	simm.s32 $0xA500  }
0x501: {  	[tilespmem:s21], [sflag:$0x2] =	stream.indirect_vreg.gather [hbm4b:s2+s3], $0x80, v3, vm0, $0xb8;
	[tilespmem:$0x18D00] =	vst v63  }
0x502: {  	v3 =	vld [tilespmem:$0x6A0];
	_ =	sdelay $0x4  }
0x503: {  	v18 =	vshll.u32 v3, $0x1  }
0x504: {  	v3 =	vand.u32 $0x7, v3;
	v4 =	vand.u32 $0xFFFFFFF0, v18  }
0x505: {  	v3 =	vor.u32 v3, v4  }
0x506: {  	v4 =	vperm.xlane v3, v0;
	_ =	sdelay $0x1  }
0x507: {  	v3 =	vperm.xlane v3, v2;
	v4 =	vadd.s32 v1, v4;
	_ =	sdelay $0x1  }
0x508: {  	v3 =	vadd.s32 v1, v3;
	_ =	sdelay $0x1  }
0x509: {  	s21 =	simm.s32 $0xAD00  }
0x50a: {  	[tilespmem:s21], [sflag:$0x2] =	stream.indirect_vreg.gather [hbm4b:s2+s3], $0x80, v4, vm0, $0xb8;
	[tilespmem:$0x18D00] =	vst v63  }
0x50b: {  	s20 =	simm.s32 $0xB500  }
0x50c: {  	[tilespmem:s20], [sflag:$0x2] =	stream.indirect_vreg.gather [hbm4b:s2+s3], $0x80, v3, vm0, $0xb8;
	[tilespmem:$0x18D00] =	vst v63  }
0x50d: {  	v3 =	vld [tilespmem:$0x6B0];
	_ =	sdelay $0x4  }
0x50e: {  	v19 =	vshll.u32 v3, $0x1  }
0x50f: {  	v3 =	vand.u32 $0x7, v3;
	v4 =	vand.u32 $0xFFFFFFF0, v19  }
0x510: {  	v3 =	vor.u32 v3, v4  }
0x511: {  	v4 =	vperm.xlane v3, v0;
	_ =	sdelay $0x1  }
0x512: {  	v3 =	vperm.xlane v3, v2;
	v4 =	vadd.s32 v1, v4;
	_ =	sdelay $0x1  }
0x513: {  	v3 =	vadd.s32 v1, v3;
	_ =	sdelay $0x1  }
0x514: {  	s26 =	simm.s32 $0xBD00  }
0x515: {  	[tilespmem:s26], [sflag:$0x2] =	stream.indirect_vreg.gather [hbm4b:s2+s3], $0x80, v4, vm0, $0xb8;
	[tilespmem:$0x18D00] =	vst v63  }
0x516: {  	s22 =	simm.s32 $0xC500  }
0x517: {  	[tilespmem:s22], [sflag:$0x2] =	stream.indirect_vreg.gather [hbm4b:s2+s3], $0x80, v3, vm0, $0xb8;
	[tilespmem:$0x18D00] =	vst v63  }
0x518: {  	v3 =	vld [tilespmem:$0x6C0];
	_ =	sdelay $0x4  }
0x519: {  	v20 =	vshll.u32 v3, $0x1  }
0x51a: {  	v3 =	vand.u32 $0x7, v3;
	v4 =	vand.u32 $0xFFFFFFF0, v20  }
0x51b: {  	v3 =	vor.u32 v3, v4  }
0x51c: {  	v4 =	vperm.xlane v3, v0;
	_ =	sdelay $0x1  }
0x51d: {  	v3 =	vperm.xlane v3, v2;
	v4 =	vadd.s32 v1, v4;
	_ =	sdelay $0x1  }
0x51e: {  	v3 =	vadd.s32 v1, v3;
	_ =	sdelay $0x1  }
0x51f: {  	s4 =	simm.s32 $0xCD00  }
0x520: {  	[tilespmem:s4], [sflag:$0x2] =	stream.indirect_vreg.gather [hbm4b:s2+s3], $0x80, v4, vm0, $0xb8;
	[tilespmem:$0x18D00] =	vst v63  }
0x521: {  	s25 =	simm.s32 $0xD500  }
0x522: {  	[tilespmem:s25], [sflag:$0x2] =	stream.indirect_vreg.gather [hbm4b:s2+s3], $0x80, v3, vm0, $0xb8;
	[tilespmem:$0x18D00] =	vst v63  }
0x523: {  	v3 =	vld [tilespmem:$0x6D0];
	_ =	sdelay $0x4  }
0x524: {  	v21 =	vshll.u32 v3, $0x1  }
0x525: {  	v3 =	vand.u32 $0x7, v3;
	v4 =	vand.u32 $0xFFFFFFF0, v21  }
0x526: {  	v3 =	vor.u32 v3, v4  }
0x527: {  	v4 =	vperm.xlane v3, v0;
	_ =	sdelay $0x1  }
0x528: {  	v3 =	vperm.xlane v3, v2;
	v4 =	vadd.s32 v1, v4;
	_ =	sdelay $0x1  }
0x529: {  	v3 =	vadd.s32 v1, v3;
	_ =	sdelay $0x1  }
0x52a: {  	s5 =	simm.s32 $0xDD00  }
0x52b: {  	[tilespmem:s5], [sflag:$0x2] =	stream.indirect_vreg.gather [hbm4b:s2+s3], $0x80, v4, vm0, $0xb8;
	[tilespmem:$0x18D00] =	vst v63  }
0x52c: {  	s29 =	simm.s32 $0xE500  }
0x52d: {  	[tilespmem:s29], [sflag:$0x2] =	stream.indirect_vreg.gather [hbm4b:s2+s3], $0x80, v3, vm0, $0xb8;
	[tilespmem:$0x18D00] =	vst v63  }
0x52e: {  	v3 =	vld [tilespmem:$0x6E0];
	_ =	sdelay $0x4  }
0x52f: {  	v22 =	vshll.u32 v3, $0x1  }
0x530: {  	v3 =	vand.u32 $0x7, v3;
	v4 =	vand.u32 $0xFFFFFFF0, v22  }
0x531: {  	v3 =	vor.u32 v3, v4  }
0x532: {  	v4 =	vperm.xlane v3, v0;
	_ =	sdelay $0x1  }
0x533: {  	v3 =	vperm.xlane v3, v2;
	v4 =	vadd.s32 v1, v4;
	_ =	sdelay $0x1  }
0x534: {  	v3 =	vadd.s32 v1, v3;
	_ =	sdelay $0x1  }
0x535: {  	s6 =	simm.s32 $0xED00  }
0x536: {  	[tilespmem:s6], [sflag:$0x2] =	stream.indirect_vreg.gather [hbm4b:s2+s3], $0x80, v4, vm0, $0xb8;
	[tilespmem:$0x18D00] =	vst v63  }
0x537: {  	s31 =	simm.s32 $0xF500  }
0x538: {  	[tilespmem:s31], [sflag:$0x2] =	stream.indirect_vreg.gather [hbm4b:s2+s3], $0x80, v3, vm0, $0xb8;
	[tilespmem:$0x18D00] =	vst v63  }
0x539: {  	v3 =	vld [tilespmem:$0x6F0];
	_ =	sdelay $0x4  }
0x53a: {  	v23 =	vshll.u32 v3, $0x1  }
0x53b: {  	v3 =	vand.u32 $0x7, v3;
	v4 =	vand.u32 $0xFFFFFFF0, v23  }
0x53c: {  	v3 =	vor.u32 v3, v4  }
0x53d: {  	v4 =	vperm.xlane v3, v0;
	_ =	sdelay $0x1  }
0x53e: {  	v3 =	vperm.xlane v3, v2;
	v4 =	vadd.s32 v1, v4;
	_ =	sdelay $0x1  }
0x53f: {  	v3 =	vadd.s32 v1, v3;
	_ =	sdelay $0x1  }
0x540: {  	s28 =	simm.s32 $0xFD00  }
0x541: {  	[tilespmem:s28], [sflag:$0x2] =	stream.indirect_vreg.gather [hbm4b:s2+s3], $0x80, v4, vm0, $0xb8;
	[tilespmem:$0x18D00] =	vst v63  }
0x542: {  	s7 =	simm.s32 $0x10500  }
0x543: {  	[tilespmem:s7], [sflag:$0x2] =	stream.indirect_vreg.gather [hbm4b:s2+s3], $0x80, v3, vm0, $0xb8;
	[tilespmem:$0x18D00] =	vst v63  }
0x544: {  	_ =	swait.ge [sflag:s11], $0x8000  }
0x545: {  	[sflag:s11] =	ssyncset.done $0x0  }
0x546: {  	s7 =	rddreg [dreg:$0x11];
	[sflag:s11] =	ssyncadd.s32 $0xFFFF8000  }
0x547: {  	[hbm4b:s7+s3] =	stream.linear.scatter [tilespmem:s10], [sflag:$0x4], $0x8000, $0x38;
	[tilespmem:$0x18D00] =	vst v63  }
0x548: {  	_ =	swait.ge [sflag:s1], $0x8000  }
0x549: {  	[sflag:s1] =	ssyncset.done $0x0  }
0x54a: {  	[sflag:s1] =	ssyncadd.s32 $0xFFFF8000  }
0x54b: {  	v3 =	vld [tilespmem:$0x700];
	_ =	sdelay $0x4  }
0x54c: {  	v24 =	vshll.u32 v3, $0x1  }
0x54d: {  	v3 =	vand.u32 $0x7, v3;
	v4 =	vand.u32 $0xFFFFFFF0, v24  }
0x54e: {  	v3 =	vor.u32 v3, v4  }
0x54f: {  	v4 =	vperm.xlane v3, v0;
	_ =	sdelay $0x1  }
0x550: {  	v3 =	vperm.xlane v3, v2;
	v4 =	vadd.s32 v1, v4;
	_ =	sdelay $0x1  }
0x551: {  	v3 =	vadd.s32 v1, v3;
	_ =	sdelay $0x2  }
0x552: {  	[tilespmem:s23], [sflag:$0x3] =	stream.indirect_vreg.gather [hbm4b:s2+s3], $0x80, v4, vm0, $0xb8;
	[tilespmem:$0x18D00] =	vst v63  }
0x553: {  	s9 =	simm.s32 $0x11500  }
0x554: {  	[tilespmem:s9], [sflag:$0x3] =	stream.indirect_vreg.gather [hbm4b:s2+s3], $0x80, v3, vm0, $0xb8;
	[tilespmem:$0x18D00] =	vst v63  }
0x555: {  	v3 =	vld [tilespmem:$0x710];
	_ =	sdelay $0x4  }
0x556: {  	v25 =	vshll.u32 v3, $0x1  }
0x557: {  	v3 =	vand.u32 $0x7, v3;
	v4 =	vand.u32 $0xFFFFFFF0, v25  }
0x558: {  	v3 =	vor.u32 v3, v4  }
0x559: {  	v4 =	vperm.xlane v3, v0;
	_ =	sdelay $0x1  }
0x55a: {  	v3 =	vperm.xlane v3, v2;
	v4 =	vadd.s32 v1, v4;
	_ =	sdelay $0x1  }
0x55b: {  	v3 =	vadd.s32 v1, v3;
	_ =	sdelay $0x1  }
0x55c: {  	s30 =	simm.s32 $0x11D00  }
0x55d: {  	[tilespmem:s30], [sflag:$0x3] =	stream.indirect_vreg.gather [hbm4b:s2+s3], $0x80, v4, vm0, $0xb8;
	[tilespmem:$0x18D00] =	vst v63  }
0x55e: {  	s18 =	simm.s32 $0x12500  }
0x55f: {  	[tilespmem:s18], [sflag:$0x3] =	stream.indirect_vreg.gather [hbm4b:s2+s3], $0x80, v3, vm0, $0xb8;
	[tilespmem:$0x18D00] =	vst v63  }
0x560: {  	v3 =	vld [tilespmem:$0x720];
	_ =	sdelay $0x4  }
0x561: {  	v26 =	vshll.u32 v3, $0x1  }
0x562: {  	v3 =	vand.u32 $0x7, v3;
	v4 =	vand.u32 $0xFFFFFFF0, v26  }
0x563: {  	v3 =	vor.u32 v3, v4  }
0x564: {  	v4 =	vperm.xlane v3, v0;
	_ =	sdelay $0x1  }
0x565: {  	v3 =	vperm.xlane v3, v2;
	v4 =	vadd.s32 v1, v4;
	_ =	sdelay $0x1  }
0x566: {  	v3 =	vadd.s32 v1, v3;
	_ =	sdelay $0x1  }
0x567: {  	s12 =	simm.s32 $0x12D00  }
0x568: {  	[tilespmem:s12], [sflag:$0x3] =	stream.indirect_vreg.gather [hbm4b:s2+s3], $0x80, v4, vm0, $0xb8;
	[tilespmem:$0x18D00] =	vst v63  }
0x569: {  	s18 =	simm.s32 $0x13500  }
0x56a: {  	[tilespmem:s18], [sflag:$0x3] =	stream.indirect_vreg.gather [hbm4b:s2+s3], $0x80, v3, vm0, $0xb8;
	[tilespmem:$0x18D00] =	vst v63  }
0x56b: {  	v3 =	vld [tilespmem:$0x730];
	_ =	sdelay $0x4  }
0x56c: {  	v27 =	vshll.u32 v3, $0x1  }
0x56d: {  	v3 =	vand.u32 $0x7, v3;
	v4 =	vand.u32 $0xFFFFFFF0, v27  }
0x56e: {  	v3 =	vor.u32 v3, v4  }
0x56f: {  	v4 =	vperm.xlane v3, v0;
	_ =	sdelay $0x1  }
0x570: {  	v3 =	vperm.xlane v3, v2;
	v4 =	vadd.s32 v1, v4;
	_ =	sdelay $0x1  }
0x571: {  	v3 =	vadd.s32 v1, v3;
	_ =	sdelay $0x1  }
0x572: {  	s19 =	simm.s32 $0x13D00  }
0x573: {  	[tilespmem:s19], [sflag:$0x3] =	stream.indirect_vreg.gather [hbm4b:s2+s3], $0x80, v4, vm0, $0xb8;
	[tilespmem:$0x18D00] =	vst v63  }
0x574: {  	s18 =	simm.s32 $0x14500  }
0x575: {  	[tilespmem:s18], [sflag:$0x3] =	stream.indirect_vreg.gather [hbm4b:s2+s3], $0x80, v3, vm0, $0xb8;
	[tilespmem:$0x18D00] =	vst v63  }
0x576: {  	v3 =	vld [tilespmem:$0x740];
	_ =	sdelay $0x4  }
0x577: {  	v28 =	vshll.u32 v3, $0x1  }
0x578: {  	v3 =	vand.u32 $0x7, v3;
	v4 =	vand.u32 $0xFFFFFFF0, v28  }
0x579: {  	v3 =	vor.u32 v3, v4  }
0x57a: {  	v4 =	vperm.xlane v3, v0;
	_ =	sdelay $0x1  }
0x57b: {  	v3 =	vperm.xlane v3, v2;
	v4 =	vadd.s32 v1, v4;
	_ =	sdelay $0x1  }
0x57c: {  	v3 =	vadd.s32 v1, v3;
	_ =	sdelay $0x1  }
0x57d: {  	s18 =	simm.s32 $0x14D00  }
0x57e: {  	[tilespmem:s18], [sflag:$0x3] =	stream.indirect_vreg.gather [hbm4b:s2+s3], $0x80, v4, vm0, $0xb8;
	[tilespmem:$0x18D00] =	vst v63  }
0x57f: {  	s18 =	simm.s32 $0x15500  }
0x580: {  	[tilespmem:s18], [sflag:$0x3] =	stream.indirect_vreg.gather [hbm4b:s2+s3], $0x80, v3, vm0, $0xb8;
	[tilespmem:$0x18D00] =	vst v63  }
0x581: {  	v3 =	vld [tilespmem:$0x750];
	_ =	sdelay $0x4  }
0x582: {  	v29 =	vshll.u32 v3, $0x1  }
0x583: {  	v3 =	vand.u32 $0x7, v3;
	v4 =	vand.u32 $0xFFFFFFF0, v29  }
0x584: {  	v3 =	vor.u32 v3, v4  }
0x585: {  	v4 =	vperm.xlane v3, v0;
	_ =	sdelay $0x1  }
0x586: {  	v3 =	vperm.xlane v3, v2;
	v4 =	vadd.s32 v1, v4;
	_ =	sdelay $0x1  }
0x587: {  	v3 =	vadd.s32 v1, v3;
	_ =	sdelay $0x1  }
0x588: {  	s18 =	simm.s32 $0x15D00  }
0x589: {  	[tilespmem:s18], [sflag:$0x3] =	stream.indirect_vreg.gather [hbm4b:s2+s3], $0x80, v4, vm0, $0xb8;
	[tilespmem:$0x18D00] =	vst v63  }
0x58a: {  	s18 =	simm.s32 $0x16500  }
0x58b: {  	[tilespmem:s18], [sflag:$0x3] =	stream.indirect_vreg.gather [hbm4b:s2+s3], $0x80, v3, vm0, $0xb8;
	[tilespmem:$0x18D00] =	vst v63  }
0x58c: {  	v3 =	vld [tilespmem:$0x760];
	_ =	sdelay $0x4  }
0x58d: {  	v30 =	vshll.u32 v3, $0x1  }
0x58e: {  	v3 =	vand.u32 $0x7, v3;
	v4 =	vand.u32 $0xFFFFFFF0, v30  }
0x58f: {  	v3 =	vor.u32 v3, v4  }
0x590: {  	v4 =	vperm.xlane v3, v0;
	_ =	sdelay $0x1  }
0x591: {  	v3 =	vperm.xlane v3, v2;
	v4 =	vadd.s32 v1, v4;
	_ =	sdelay $0x1  }
0x592: {  	v3 =	vadd.s32 v1, v3;
	_ =	sdelay $0x1  }
0x593: {  	s18 =	simm.s32 $0x16D00  }
0x594: {  	[tilespmem:s18], [sflag:$0x3] =	stream.indirect_vreg.gather [hbm4b:s2+s3], $0x80, v4, vm0, $0xb8;
	[tilespmem:$0x18D00] =	vst v63  }
0x595: {  	s18 =	simm.s32 $0x17500  }
0x596: {  	[tilespmem:s18], [sflag:$0x3] =	stream.indirect_vreg.gather [hbm4b:s2+s3], $0x80, v3, vm0, $0xb8;
	[tilespmem:$0x18D00] =	vst v63  }
0x597: {  	v3 =	vld [tilespmem:$0x770];
	_ =	sdelay $0x4  }
0x598: {  	v31 =	vshll.u32 v3, $0x1  }
0x599: {  	v3 =	vand.u32 $0x7, v3;
	v4 =	vand.u32 $0xFFFFFFF0, v31  }
0x59a: {  	v3 =	vor.u32 v3, v4  }
0x59b: {  	v4 =	vperm.xlane v3, v0;
	_ =	sdelay $0x1  }
0x59c: {  	v3 =	vperm.xlane v3, v2;
	v4 =	vadd.s32 v1, v4;
	_ =	sdelay $0x1  }
0x59d: {  	v3 =	vadd.s32 v1, v3;
	_ =	sdelay $0x1  }
0x59e: {  	s0 =	simm.s32 $0x17D00  }
0x59f: {  	[tilespmem:s0], [sflag:$0x3] =	stream.indirect_vreg.gather [hbm4b:s2+s3], $0x80, v4, vm0, $0xb8;
	[tilespmem:$0x18D00] =	vst v63  }
0x5a0: {  	s18 =	simm.s32 $0x18500  }
0x5a1: {  	[tilespmem:s18], [sflag:$0x3] =	stream.indirect_vreg.gather [hbm4b:s2+s3], $0x80, v3, vm0, $0xb8;
	[tilespmem:$0x18D00] =	vst v63  }
0x5a2: {  	_ =	swait.ge [sflag:s13], $0x8000  }
0x5a3: {  	[sflag:s13] =	ssyncset.done $0x0  }
0x5a4: {  	s0 =	rddreg [dreg:$0x12];
	[sflag:s13] =	ssyncadd.s32 $0xFFFF8000  }
0x5a5: {  	[hbm4b:s0+s3] =	stream.linear.scatter [tilespmem:s15], [sflag:$0x5], $0x8000, $0x38;
	[tilespmem:$0x18D00] =	vst v63  }
0x5a6: {  	_ =	swait.ge [sflag:s14], $0x8000  }
0x5a7: {  	[sflag:s14] =	ssyncset.done $0x0  }
0x5a8: {  	[sflag:s14] =	ssyncadd.s32 $0xFFFF8000  }
0x5a9: {  	v3 =	vld [tilespmem:$0x780];
	_ =	sdelay $0x4  }
0x5aa: {  	v32 =	vshll.u32 v3, $0x1  }
0x5ab: {  	v3 =	vand.u32 $0x7, v3;
	v4 =	vand.u32 $0xFFFFFFF0, v32  }
0x5ac: {  	v3 =	vor.u32 v3, v4  }
0x5ad: {  	v4 =	vperm.xlane v3, v0;
	_ =	sdelay $0x1  }
0x5ae: {  	v3 =	vperm.xlane v3, v2;
	v4 =	vadd.s32 v1, v4;
	_ =	sdelay $0x1  }
0x5af: {  	v3 =	vadd.s32 v1, v3;
	_ =	sdelay $0x2  }
0x5b0: {  	[tilespmem:s10], [sflag:$0x1] =	stream.indirect_vreg.gather [hbm4b:s2+s3], $0x80, v4, vm0, $0xb8;
	[tilespmem:$0x18D00] =	vst v63  }
0x5b1: {  	s18 =	simm.s32 $0x1500  }
0x5b2: {  	[tilespmem:s18], [sflag:$0x1] =	stream.indirect_vreg.gather [hbm4b:s2+s3], $0x80, v3, vm0, $0xb8;
	[tilespmem:$0x18D00] =	vst v63  }
0x5b3: {  	v3 =	vld [tilespmem:$0x790];
	_ =	sdelay $0x4  }
0x5b4: {  	v33 =	vshll.u32 v3, $0x1  }
0x5b5: {  	v3 =	vand.u32 $0x7, v3;
	v4 =	vand.u32 $0xFFFFFFF0, v33  }
0x5b6: {  	v3 =	vor.u32 v3, v4  }
0x5b7: {  	v4 =	vperm.xlane v3, v0;
	_ =	sdelay $0x1  }
0x5b8: {  	v3 =	vperm.xlane v3, v2;
	v4 =	vadd.s32 v1, v4;
	_ =	sdelay $0x1  }
0x5b9: {  	v3 =	vadd.s32 v1, v3;
	_ =	sdelay $0x1  }
0x5ba: {  	s18 =	simm.s32 $0x1D00  }
0x5bb: {  	[tilespmem:s18], [sflag:$0x1] =	stream.indirect_vreg.gather [hbm4b:s2+s3], $0x80, v4, vm0, $0xb8;
	[tilespmem:$0x18D00] =	vst v63  }
0x5bc: {  	s18 =	simm.s32 $0x2500  }
0x5bd: {  	[tilespmem:s18], [sflag:$0x1] =	stream.indirect_vreg.gather [hbm4b:s2+s3], $0x80, v3, vm0, $0xb8;
	[tilespmem:$0x18D00] =	vst v63  }
0x5be: {  	v3 =	vld [tilespmem:$0x7A0];
	_ =	sdelay $0x4  }
0x5bf: {  	v34 =	vshll.u32 v3, $0x1  }
0x5c0: {  	v3 =	vand.u32 $0x7, v3;
	v4 =	vand.u32 $0xFFFFFFF0, v34  }
0x5c1: {  	v3 =	vor.u32 v3, v4  }
0x5c2: {  	v4 =	vperm.xlane v3, v0;
	_ =	sdelay $0x1  }
0x5c3: {  	v3 =	vperm.xlane v3, v2;
	v4 =	vadd.s32 v1, v4;
	_ =	sdelay $0x1  }
0x5c4: {  	v3 =	vadd.s32 v1, v3;
	_ =	sdelay $0x1  }
0x5c5: {  	s18 =	simm.s32 $0x2D00  }
0x5c6: {  	[tilespmem:s18], [sflag:$0x1] =	stream.indirect_vreg.gather [hbm4b:s2+s3], $0x80, v4, vm0, $0xb8;
	[tilespmem:$0x18D00] =	vst v63  }
0x5c7: {  	s18 =	simm.s32 $0x3500  }
0x5c8: {  	[tilespmem:s18], [sflag:$0x1] =	stream.indirect_vreg.gather [hbm4b:s2+s3], $0x80, v3, vm0, $0xb8;
	[tilespmem:$0x18D00] =	vst v63  }
0x5c9: {  	v3 =	vld [tilespmem:$0x7B0];
	_ =	sdelay $0x4  }
0x5ca: {  	v35 =	vshll.u32 v3, $0x1  }
0x5cb: {  	v3 =	vand.u32 $0x7, v3;
	v4 =	vand.u32 $0xFFFFFFF0, v35  }
0x5cc: {  	v3 =	vor.u32 v3, v4  }
0x5cd: {  	v4 =	vperm.xlane v3, v0;
	_ =	sdelay $0x1  }
0x5ce: {  	v3 =	vperm.xlane v3, v2;
	v4 =	vadd.s32 v1, v4;
	_ =	sdelay $0x1  }
0x5cf: {  	v3 =	vadd.s32 v1, v3;
	_ =	sdelay $0x1  }
0x5d0: {  	s18 =	simm.s32 $0x3D00  }
0x5d1: {  	[tilespmem:s18], [sflag:$0x1] =	stream.indirect_vreg.gather [hbm4b:s2+s3], $0x80, v4, vm0, $0xb8;
	[tilespmem:$0x18D00] =	vst v63  }
0x5d2: {  	s18 =	simm.s32 $0x4500  }
0x5d3: {  	[tilespmem:s18], [sflag:$0x1] =	stream.indirect_vreg.gather [hbm4b:s2+s3], $0x80, v3, vm0, $0xb8;
	[tilespmem:$0x18D00] =	vst v63  }
0x5d4: {  	v3 =	vld [tilespmem:$0x7C0];
	_ =	sdelay $0x4  }
0x5d5: {  	v36 =	vshll.u32 v3, $0x1  }
0x5d6: {  	v3 =	vand.u32 $0x7, v3;
	v4 =	vand.u32 $0xFFFFFFF0, v36  }
0x5d7: {  	v3 =	vor.u32 v3, v4  }
0x5d8: {  	v4 =	vperm.xlane v3, v0;
	_ =	sdelay $0x1  }
0x5d9: {  	v3 =	vperm.xlane v3, v2;
	v4 =	vadd.s32 v1, v4;
	_ =	sdelay $0x1  }
0x5da: {  	v3 =	vadd.s32 v1, v3;
	_ =	sdelay $0x2  }
0x5db: {  	[tilespmem:s8], [sflag:$0x1] =	stream.indirect_vreg.gather [hbm4b:s2+s3], $0x80, v4, vm0, $0xb8;
	[tilespmem:$0x18D00] =	vst v63  }
0x5dc: {  	s18 =	simm.s32 $0x5500  }
0x5dd: {  	[tilespmem:s18], [sflag:$0x1] =	stream.indirect_vreg.gather [hbm4b:s2+s3], $0x80, v3, vm0, $0xb8;
	[tilespmem:$0x18D00] =	vst v63  }
0x5de: {  	v3 =	vld [tilespmem:$0x7D0];
	_ =	sdelay $0x4  }
0x5df: {  	v37 =	vshll.u32 v3, $0x1  }
0x5e0: {  	v3 =	vand.u32 $0x7, v3;
	v4 =	vand.u32 $0xFFFFFFF0, v37  }
0x5e1: {  	v3 =	vor.u32 v3, v4  }
0x5e2: {  	v4 =	vperm.xlane v3, v0;
	_ =	sdelay $0x1  }
0x5e3: {  	v3 =	vperm.xlane v3, v2;
	v4 =	vadd.s32 v1, v4;
	_ =	sdelay $0x1  }
0x5e4: {  	v3 =	vadd.s32 v1, v3;
	_ =	sdelay $0x1  }
0x5e5: {  	s18 =	simm.s32 $0x5D00  }
0x5e6: {  	[tilespmem:s18], [sflag:$0x1] =	stream.indirect_vreg.gather [hbm4b:s2+s3], $0x80, v4, vm0, $0xb8;
	[tilespmem:$0x18D00] =	vst v63  }
0x5e7: {  	s18 =	simm.s32 $0x6500  }
0x5e8: {  	[tilespmem:s18], [sflag:$0x1] =	stream.indirect_vreg.gather [hbm4b:s2+s3], $0x80, v3, vm0, $0xb8;
	[tilespmem:$0x18D00] =	vst v63  }
0x5e9: {  	v3 =	vld [tilespmem:$0x7E0];
	_ =	sdelay $0x4  }
0x5ea: {  	v38 =	vshll.u32 v3, $0x1  }
0x5eb: {  	v3 =	vand.u32 $0x7, v3;
	v4 =	vand.u32 $0xFFFFFFF0, v38  }
0x5ec: {  	v3 =	vor.u32 v3, v4  }
0x5ed: {  	v4 =	vperm.xlane v3, v0;
	_ =	sdelay $0x1  }
0x5ee: {  	v3 =	vperm.xlane v3, v2;
	v4 =	vadd.s32 v1, v4;
	_ =	sdelay $0x1  }
0x5ef: {  	v3 =	vadd.s32 v1, v3;
	_ =	sdelay $0x1  }
0x5f0: {  	s18 =	simm.s32 $0x6D00  }
0x5f1: {  	[tilespmem:s18], [sflag:$0x1] =	stream.indirect_vreg.gather [hbm4b:s2+s3], $0x80, v4, vm0, $0xb8;
	[tilespmem:$0x18D00] =	vst v63  }
0x5f2: {  	s18 =	simm.s32 $0x7500  }
0x5f3: {  	[tilespmem:s18], [sflag:$0x1] =	stream.indirect_vreg.gather [hbm4b:s2+s3], $0x80, v3, vm0, $0xb8;
	[tilespmem:$0x18D00] =	vst v63  }
0x5f4: {  	v3 =	vld [tilespmem:$0x7F0];
	_ =	sdelay $0x4  }
0x5f5: {  	v39 =	vshll.u32 v3, $0x1  }
0x5f6: {  	v3 =	vand.u32 $0x7, v3;
	v4 =	vand.u32 $0xFFFFFFF0, v39  }
0x5f7: {  	v3 =	vor.u32 v3, v4  }
0x5f8: {  	v4 =	vperm.xlane v3, v0;
	_ =	sdelay $0x1  }
0x5f9: {  	v3 =	vperm.xlane v3, v2;
	v4 =	vadd.s32 v1, v4;
	_ =	sdelay $0x1  }
0x5fa: {  	v3 =	vadd.s32 v1, v3;
	_ =	sdelay $0x1  }
0x5fb: {  	s18 =	simm.s32 $0x7D00  }
0x5fc: {  	[tilespmem:s18], [sflag:$0x1] =	stream.indirect_vreg.gather [hbm4b:s2+s3], $0x80, v4, vm0, $0xb8;
	[tilespmem:$0x18D00] =	vst v63  }
0x5fd: {  	s18 =	simm.s32 $0x8500  }
0x5fe: {  	[tilespmem:s18], [sflag:$0x1] =	stream.indirect_vreg.gather [hbm4b:s2+s3], $0x80, v3, vm0, $0xb8;
	[tilespmem:$0x18D00] =	vst v63  }
0x5ff: {  	_ =	swait.ge [sflag:s17], $0x8000  }
0x600: {  	[sflag:s17] =	ssyncset.done $0x0  }
0x601: {  	s8 =	rddreg [dreg:$0x13];
	[sflag:s17] =	ssyncadd.s32 $0xFFFF8000  }
0x602: {  	[hbm4b:s8+s3] =	stream.linear.scatter [tilespmem:s23], [sflag:$0x6], $0x8000, $0x38;
	[tilespmem:$0x18D00] =	vst v63  }
0x603: {  	_ =	swait.ge [sflag:s16], $0x8000  }
0x604: {  	[sflag:s16] =	ssyncset.done $0x0  }
0x605: {  	[sflag:s16] =	ssyncadd.s32 $0xFFFF8000  }
0x606: {  	v3 =	vld [tilespmem:$0x800];
	_ =	sdelay $0x4  }
0x607: {  	v40 =	vshll.u32 v3, $0x1  }
0x608: {  	v3 =	vand.u32 $0x7, v3;
	v4 =	vand.u32 $0xFFFFFFF0, v40  }
0x609: {  	v3 =	vor.u32 v3, v4  }
0x60a: {  	v4 =	vperm.xlane v3, v0;
	_ =	sdelay $0x1  }
0x60b: {  	v3 =	vperm.xlane v3, v2;
	v4 =	vadd.s32 v1, v4;
	_ =	sdelay $0x1  }
0x60c: {  	v3 =	vadd.s32 v1, v3;
	_ =	sdelay $0x2  }
0x60d: {  	[tilespmem:s15], [sflag:$0x2] =	stream.indirect_vreg.gather [hbm4b:s2+s3], $0x80, v4, vm0, $0xb8;
	[tilespmem:$0x18D00] =	vst v63  }
0x60e: {  	s18 =	simm.s32 $0x9500  }
0x60f: {  	[tilespmem:s18], [sflag:$0x2] =	stream.indirect_vreg.gather [hbm4b:s2+s3], $0x80, v3, vm0, $0xb8;
	[tilespmem:$0x18D00] =	vst v63  }
0x610: {  	v3 =	vld [tilespmem:$0x810];
	_ =	sdelay $0x4  }
0x611: {  	v41 =	vshll.u32 v3, $0x1  }
0x612: {  	v3 =	vand.u32 $0x7, v3;
	v4 =	vand.u32 $0xFFFFFFF0, v41  }
0x613: {  	v3 =	vor.u32 v3, v4  }
0x614: {  	v4 =	vperm.xlane v3, v0;
	_ =	sdelay $0x1  }
0x615: {  	v3 =	vperm.xlane v3, v2;
	v4 =	vadd.s32 v1, v4;
	_ =	sdelay $0x1  }
0x616: {  	v3 =	vadd.s32 v1, v3;
	_ =	sdelay $0x1  }
0x617: {  	s18 =	simm.s32 $0x9D00  }
0x618: {  	[tilespmem:s18], [sflag:$0x2] =	stream.indirect_vreg.gather [hbm4b:s2+s3], $0x80, v4, vm0, $0xb8;
	[tilespmem:$0x18D00] =	vst v63  }
0x619: {  	s24 =	simm.s32 $0xA500  }
0x61a: {  	[tilespmem:s24], [sflag:$0x2] =	stream.indirect_vreg.gather [hbm4b:s2+s3], $0x80, v3, vm0, $0xb8;
	[tilespmem:$0x18D00] =	vst v63  }
0x61b: {  	v3 =	vld [tilespmem:$0x820];
	_ =	sdelay $0x4  }
0x61c: {  	v42 =	vshll.u32 v3, $0x1  }
0x61d: {  	v3 =	vand.u32 $0x7, v3;
	v4 =	vand.u32 $0xFFFFFFF0, v42  }
0x61e: {  	v3 =	vor.u32 v3, v4  }
0x61f: {  	v4 =	vperm.xlane v3, v0;
	_ =	sdelay $0x1  }
0x620: {  	v3 =	vperm.xlane v3, v2;
	v4 =	vadd.s32 v1, v4;
	_ =	sdelay $0x1  }
0x621: {  	v3 =	vadd.s32 v1, v3;
	_ =	sdelay $0x1  }
0x622: {  	s18 =	simm.s32 $0xAD00  }
0x623: {  	[tilespmem:s18], [sflag:$0x2] =	stream.indirect_vreg.gather [hbm4b:s2+s3], $0x80, v4, vm0, $0xb8;
	[tilespmem:$0x18D00] =	vst v63  }
0x624: {  	s21 =	simm.s32 $0xB500  }
0x625: {  	[tilespmem:s21], [sflag:$0x2] =	stream.indirect_vreg.gather [hbm4b:s2+s3], $0x80, v3, vm0, $0xb8;
	[tilespmem:$0x18D00] =	vst v63  }
0x626: {  	v3 =	vld [tilespmem:$0x830];
	_ =	sdelay $0x4  }
0x627: {  	v43 =	vshll.u32 v3, $0x1  }
0x628: {  	v3 =	vand.u32 $0x7, v3;
	v4 =	vand.u32 $0xFFFFFFF0, v43  }
0x629: {  	v3 =	vor.u32 v3, v4  }
0x62a: {  	v4 =	vperm.xlane v3, v0;
	_ =	sdelay $0x1  }
0x62b: {  	v3 =	vperm.xlane v3, v2;
	v4 =	vadd.s32 v1, v4;
	_ =	sdelay $0x1  }
0x62c: {  	v3 =	vadd.s32 v1, v3;
	_ =	sdelay $0x1  }
0x62d: {  	s26 =	simm.s32 $0xBD00  }
0x62e: {  	[tilespmem:s26], [sflag:$0x2] =	stream.indirect_vreg.gather [hbm4b:s2+s3], $0x80, v4, vm0, $0xb8;
	[tilespmem:$0x18D00] =	vst v63  }
0x62f: {  	s20 =	simm.s32 $0xC500  }
0x630: {  	[tilespmem:s20], [sflag:$0x2] =	stream.indirect_vreg.gather [hbm4b:s2+s3], $0x80, v3, vm0, $0xb8;
	[tilespmem:$0x18D00] =	vst v63  }
0x631: {  	v3 =	vld [tilespmem:$0x840];
	_ =	sdelay $0x4  }
0x632: {  	v44 =	vshll.u32 v3, $0x1  }
0x633: {  	v3 =	vand.u32 $0x7, v3;
	v4 =	vand.u32 $0xFFFFFFF0, v44  }
0x634: {  	v3 =	vor.u32 v3, v4  }
0x635: {  	v4 =	vperm.xlane v3, v0;
	_ =	sdelay $0x1  }
0x636: {  	v3 =	vperm.xlane v3, v2;
	v4 =	vadd.s32 v1, v4;
	_ =	sdelay $0x1  }
0x637: {  	v3 =	vadd.s32 v1, v3;
	_ =	sdelay $0x1  }
0x638: {  	s22 =	simm.s32 $0xCD00  }
0x639: {  	[tilespmem:s22], [sflag:$0x2] =	stream.indirect_vreg.gather [hbm4b:s2+s3], $0x80, v4, vm0, $0xb8;
	[tilespmem:$0x18D00] =	vst v63  }
0x63a: {  	s4 =	simm.s32 $0xD500  }
0x63b: {  	[tilespmem:s4], [sflag:$0x2] =	stream.indirect_vreg.gather [hbm4b:s2+s3], $0x80, v3, vm0, $0xb8;
	[tilespmem:$0x18D00] =	vst v63  }
0x63c: {  	v3 =	vld [tilespmem:$0x850];
	_ =	sdelay $0x4  }
0x63d: {  	v45 =	vshll.u32 v3, $0x1  }
0x63e: {  	v3 =	vand.u32 $0x7, v3;
	v4 =	vand.u32 $0xFFFFFFF0, v45  }
0x63f: {  	v3 =	vor.u32 v3, v4  }
0x640: {  	v4 =	vperm.xlane v3, v0;
	_ =	sdelay $0x1  }
0x641: {  	v3 =	vperm.xlane v3, v2;
	v4 =	vadd.s32 v1, v4;
	_ =	sdelay $0x1  }
0x642: {  	v3 =	vadd.s32 v1, v3;
	_ =	sdelay $0x1  }
0x643: {  	s25 =	simm.s32 $0xDD00  }
0x644: {  	[tilespmem:s25], [sflag:$0x2] =	stream.indirect_vreg.gather [hbm4b:s2+s3], $0x80, v4, vm0, $0xb8;
	[tilespmem:$0x18D00] =	vst v63  }
0x645: {  	s29 =	simm.s32 $0xE500  }
0x646: {  	[tilespmem:s29], [sflag:$0x2] =	stream.indirect_vreg.gather [hbm4b:s2+s3], $0x80, v3, vm0, $0xb8;
	[tilespmem:$0x18D00] =	vst v63  }
0x647: {  	v3 =	vld [tilespmem:$0x860];
	_ =	sdelay $0x4  }
0x648: {  	v46 =	vshll.u32 v3, $0x1  }
0x649: {  	v3 =	vand.u32 $0x7, v3;
	v4 =	vand.u32 $0xFFFFFFF0, v46  }
0x64a: {  	v3 =	vor.u32 v3, v4  }
0x64b: {  	v4 =	vperm.xlane v3, v0;
	_ =	sdelay $0x1  }
0x64c: {  	v3 =	vperm.xlane v3, v2;
	v4 =	vadd.s32 v1, v4;
	_ =	sdelay $0x1  }
0x64d: {  	v3 =	vadd.s32 v1, v3;
	_ =	sdelay $0x1  }
0x64e: {  	s6 =	simm.s32 $0xED00  }
0x64f: {  	[tilespmem:s6], [sflag:$0x2] =	stream.indirect_vreg.gather [hbm4b:s2+s3], $0x80, v4, vm0, $0xb8;
	[tilespmem:$0x18D00] =	vst v63  }
0x650: {  	s31 =	simm.s32 $0xF500  }
0x651: {  	[tilespmem:s31], [sflag:$0x2] =	stream.indirect_vreg.gather [hbm4b:s2+s3], $0x80, v3, vm0, $0xb8;
	[tilespmem:$0x18D00] =	vst v63  }
0x652: {  	v3 =	vld [tilespmem:$0x870];
	_ =	sdelay $0x4  }
0x653: {  	v47 =	vshll.u32 v3, $0x1  }
0x654: {  	v3 =	vand.u32 $0x7, v3;
	v4 =	vand.u32 $0xFFFFFFF0, v47  }
0x655: {  	v3 =	vor.u32 v3, v4  }
0x656: {  	v4 =	vperm.xlane v3, v0;
	_ =	sdelay $0x1  }
0x657: {  	v3 =	vperm.xlane v3, v2;
	v4 =	vadd.s32 v1, v4;
	_ =	sdelay $0x1  }
0x658: {  	v3 =	vadd.s32 v1, v3;
	_ =	sdelay $0x1  }
0x659: {  	s28 =	simm.s32 $0xFD00  }
0x65a: {  	[tilespmem:s28], [sflag:$0x2] =	stream.indirect_vreg.gather [hbm4b:s2+s3], $0x80, v4, vm0, $0xb8;
	[tilespmem:$0x18D00] =	vst v63  }
0x65b: {  	s5 =	simm.s32 $0x10500  }
0x65c: {  	[tilespmem:s5], [sflag:$0x2] =	stream.indirect_vreg.gather [hbm4b:s2+s3], $0x80, v3, vm0, $0xb8;
	[tilespmem:$0x18D00] =	vst v63  }
0x65d: {  	_ =	swait.ge [sflag:s11], $0x8000  }
0x65e: {  	[sflag:s11] =	ssyncset.done $0x0  }
0x65f: {  	s18 =	rddreg [dreg:$0x14];
	[sflag:s11] =	ssyncadd.s32 $0xFFFF8000  }
0x660: {  	[hbm4b:s18+s3] =	stream.linear.scatter [tilespmem:s10], [sflag:$0x4], $0x8000, $0x38;
	[tilespmem:$0x18D00] =	vst v63  }
0x661: {  	_ =	swait.ge [sflag:s1], $0x8000  }
0x662: {  	[sflag:s1] =	ssyncset.done $0x0  }
0x663: {  	[sflag:s1] =	ssyncadd.s32 $0xFFFF8000  }
0x664: {  	v3 =	vld [tilespmem:$0x880];
	_ =	sdelay $0x4  }
0x665: {  	v48 =	vshll.u32 v3, $0x1  }
0x666: {  	v3 =	vand.u32 $0x7, v3;
	v4 =	vand.u32 $0xFFFFFFF0, v48  }
0x667: {  	v3 =	vor.u32 v3, v4  }
0x668: {  	v4 =	vperm.xlane v3, v0;
	_ =	sdelay $0x1  }
0x669: {  	v3 =	vperm.xlane v3, v2;
	v4 =	vadd.s32 v1, v4;
	_ =	sdelay $0x1  }
0x66a: {  	v3 =	vadd.s32 v1, v3;
	_ =	sdelay $0x2  }
0x66b: {  	[tilespmem:s23], [sflag:$0x3] =	stream.indirect_vreg.gather [hbm4b:s2+s3], $0x80, v4, vm0, $0xb8;
	[tilespmem:$0x18D00] =	vst v63  }
0x66c: {  	s7 =	simm.s32 $0x11500  }
0x66d: {  	[tilespmem:s7], [sflag:$0x3] =	stream.indirect_vreg.gather [hbm4b:s2+s3], $0x80, v3, vm0, $0xb8;
	[tilespmem:$0x18D00] =	vst v63  }
0x66e: {  	v3 =	vld [tilespmem:$0x890];
	_ =	sdelay $0x4  }
0x66f: {  	v49 =	vshll.u32 v3, $0x1  }
0x670: {  	v3 =	vand.u32 $0x7, v3;
	v4 =	vand.u32 $0xFFFFFFF0, v49  }
0x671: {  	v3 =	vor.u32 v3, v4  }
0x672: {  	v4 =	vperm.xlane v3, v0;
	_ =	sdelay $0x1  }
0x673: {  	v3 =	vperm.xlane v3, v2;
	v4 =	vadd.s32 v1, v4;
	_ =	sdelay $0x1  }
0x674: {  	v3 =	vadd.s32 v1, v3;
	_ =	sdelay $0x1  }
0x675: {  	s30 =	simm.s32 $0x11D00  }
0x676: {  	[tilespmem:s30], [sflag:$0x3] =	stream.indirect_vreg.gather [hbm4b:s2+s3], $0x80, v4, vm0, $0xb8;
	[tilespmem:$0x18D00] =	vst v63  }
0x677: {  	s18 =	simm.s32 $0x12500  }
0x678: {  	[tilespmem:s18], [sflag:$0x3] =	stream.indirect_vreg.gather [hbm4b:s2+s3], $0x80, v3, vm0, $0xb8;
	[tilespmem:$0x18D00] =	vst v63  }
0x679: {  	v3 =	vld [tilespmem:$0x8A0];
	_ =	sdelay $0x4  }
0x67a: {  	v50 =	vshll.u32 v3, $0x1  }
0x67b: {  	v3 =	vand.u32 $0x7, v3;
	v4 =	vand.u32 $0xFFFFFFF0, v50  }
0x67c: {  	v3 =	vor.u32 v3, v4  }
0x67d: {  	v4 =	vperm.xlane v3, v0;
	_ =	sdelay $0x1  }
0x67e: {  	v3 =	vperm.xlane v3, v2;
	v4 =	vadd.s32 v1, v4;
	_ =	sdelay $0x1  }
0x67f: {  	v3 =	vadd.s32 v1, v3;
	_ =	sdelay $0x1  }
0x680: {  	s12 =	simm.s32 $0x12D00  }
0x681: {  	[tilespmem:s12], [sflag:$0x3] =	stream.indirect_vreg.gather [hbm4b:s2+s3], $0x80, v4, vm0, $0xb8;
	[tilespmem:$0x18D00] =	vst v63  }
0x682: {  	s18 =	simm.s32 $0x13500  }
0x683: {  	[tilespmem:s18], [sflag:$0x3] =	stream.indirect_vreg.gather [hbm4b:s2+s3], $0x80, v3, vm0, $0xb8;
	[tilespmem:$0x18D00] =	vst v63  }
0x684: {  	v3 =	vld [tilespmem:$0x8B0];
	_ =	sdelay $0x4  }
0x685: {  	v51 =	vshll.u32 v3, $0x1  }
0x686: {  	v3 =	vand.u32 $0x7, v3;
	v4 =	vand.u32 $0xFFFFFFF0, v51  }
0x687: {  	v3 =	vor.u32 v3, v4  }
0x688: {  	v4 =	vperm.xlane v3, v0;
	_ =	sdelay $0x1  }
0x689: {  	v3 =	vperm.xlane v3, v2;
	v4 =	vadd.s32 v1, v4;
	_ =	sdelay $0x1  }
0x68a: {  	v3 =	vadd.s32 v1, v3;
	_ =	sdelay $0x1  }
0x68b: {  	s19 =	simm.s32 $0x13D00  }
0x68c: {  	[tilespmem:s19], [sflag:$0x3] =	stream.indirect_vreg.gather [hbm4b:s2+s3], $0x80, v4, vm0, $0xb8;
	[tilespmem:$0x18D00] =	vst v63  }
0x68d: {  	s18 =	simm.s32 $0x14500  }
0x68e: {  	[tilespmem:s18], [sflag:$0x3] =	stream.indirect_vreg.gather [hbm4b:s2+s3], $0x80, v3, vm0, $0xb8;
	[tilespmem:$0x18D00] =	vst v63  }
0x68f: {  	v3 =	vld [tilespmem:$0x8C0];
	_ =	sdelay $0x4  }
0x690: {  	v52 =	vshll.u32 v3, $0x1  }
0x691: {  	v3 =	vand.u32 $0x7, v3;
	v4 =	vand.u32 $0xFFFFFFF0, v52  }
0x692: {  	v3 =	vor.u32 v3, v4  }
0x693: {  	v4 =	vperm.xlane v3, v0;
	_ =	sdelay $0x1  }
0x694: {  	v3 =	vperm.xlane v3, v2;
	v4 =	vadd.s32 v1, v4;
	_ =	sdelay $0x1  }
0x695: {  	v3 =	vadd.s32 v1, v3;
	_ =	sdelay $0x1  }
0x696: {  	s18 =	simm.s32 $0x14D00  }
0x697: {  	[tilespmem:s18], [sflag:$0x3] =	stream.indirect_vreg.gather [hbm4b:s2+s3], $0x80, v4, vm0, $0xb8;
	[tilespmem:$0x18D00] =	vst v63  }
0x698: {  	s18 =	simm.s32 $0x15500  }
0x699: {  	[tilespmem:s18], [sflag:$0x3] =	stream.indirect_vreg.gather [hbm4b:s2+s3], $0x80, v3, vm0, $0xb8;
	[tilespmem:$0x18D00] =	vst v63  }
0x69a: {  	v3 =	vld [tilespmem:$0x8D0];
	_ =	sdelay $0x4  }
0x69b: {  	v53 =	vshll.u32 v3, $0x1  }
0x69c: {  	v3 =	vand.u32 $0x7, v3;
	v4 =	vand.u32 $0xFFFFFFF0, v53  }
0x69d: {  	v3 =	vor.u32 v3, v4  }
0x69e: {  	v4 =	vperm.xlane v3, v0;
	_ =	sdelay $0x1  }
0x69f: {  	v3 =	vperm.xlane v3, v2;
	v4 =	vadd.s32 v1, v4;
	_ =	sdelay $0x1  }
0x6a0: {  	v3 =	vadd.s32 v1, v3;
	_ =	sdelay $0x1  }
0x6a1: {  	s9 =	simm.s32 $0x15D00  }
0x6a2: {  	[tilespmem:s9], [sflag:$0x3] =	stream.indirect_vreg.gather [hbm4b:s2+s3], $0x80, v4, vm0, $0xb8;
	[tilespmem:$0x18D00] =	vst v63  }
0x6a3: {  	s18 =	simm.s32 $0x16500  }
0x6a4: {  	[tilespmem:s18], [sflag:$0x3] =	stream.indirect_vreg.gather [hbm4b:s2+s3], $0x80, v3, vm0, $0xb8;
	[tilespmem:$0x18D00] =	vst v63  }
0x6a5: {  	v3 =	vld [tilespmem:$0x8E0];
	_ =	sdelay $0x4  }
0x6a6: {  	v54 =	vshll.u32 v3, $0x1  }
0x6a7: {  	v3 =	vand.u32 $0x7, v3;
	v4 =	vand.u32 $0xFFFFFFF0, v54  }
0x6a8: {  	v3 =	vor.u32 v3, v4  }
0x6a9: {  	v4 =	vperm.xlane v3, v0;
	_ =	sdelay $0x1  }
0x6aa: {  	v3 =	vperm.xlane v3, v2;
	v4 =	vadd.s32 v1, v4;
	_ =	sdelay $0x1  }
0x6ab: {  	v3 =	vadd.s32 v1, v3;
	_ =	sdelay $0x1  }
0x6ac: {  	s18 =	simm.s32 $0x16D00  }
0x6ad: {  	[tilespmem:s18], [sflag:$0x3] =	stream.indirect_vreg.gather [hbm4b:s2+s3], $0x80, v4, vm0, $0xb8;
	[tilespmem:$0x18D00] =	vst v63  }
0x6ae: {  	s18 =	simm.s32 $0x17500  }
0x6af: {  	[tilespmem:s18], [sflag:$0x3] =	stream.indirect_vreg.gather [hbm4b:s2+s3], $0x80, v3, vm0, $0xb8;
	[tilespmem:$0x18D00] =	vst v63  }
0x6b0: {  	v3 =	vld [tilespmem:$0x8F0];
	_ =	sdelay $0x4  }
0x6b1: {  	v55 =	vshll.u32 v3, $0x1  }
0x6b2: {  	v3 =	vand.u32 $0x7, v3;
	v4 =	vand.u32 $0xFFFFFFF0, v55  }
0x6b3: {  	v3 =	vor.u32 v3, v4  }
0x6b4: {  	v4 =	vperm.xlane v3, v0;
	_ =	sdelay $0x1  }
0x6b5: {  	v3 =	vperm.xlane v3, v2;
	v4 =	vadd.s32 v1, v4;
	_ =	sdelay $0x1  }
0x6b6: {  	v3 =	vadd.s32 v1, v3;
	_ =	sdelay $0x1  }
0x6b7: {  	s18 =	simm.s32 $0x17D00  }
0x6b8: {  	[tilespmem:s18], [sflag:$0x3] =	stream.indirect_vreg.gather [hbm4b:s2+s3], $0x80, v4, vm0, $0xb8;
	[tilespmem:$0x18D00] =	vst v63  }
0x6b9: {  	s18 =	simm.s32 $0x18500  }
0x6ba: {  	[tilespmem:s18], [sflag:$0x3] =	stream.indirect_vreg.gather [hbm4b:s2+s3], $0x80, v3, vm0, $0xb8;
	[tilespmem:$0x18D00] =	vst v63  }
0x6bb: {  	_ =	swait.ge [sflag:s13], $0x8000  }
0x6bc: {  	[sflag:s13] =	ssyncset.done $0x0  }
0x6bd: {  	s18 =	rddreg [dreg:$0x15];
	[sflag:s13] =	ssyncadd.s32 $0xFFFF8000  }
0x6be: {  	[hbm4b:s18+s3] =	stream.linear.scatter [tilespmem:s15], [sflag:$0x5], $0x8000, $0x38;
	[tilespmem:$0x18D00] =	vst v63  }
0x6bf: {  	_ =	swait.ge [sflag:s14], $0x8000  }
0x6c0: {  	[sflag:s14] =	ssyncset.done $0x0  }
0x6c1: {  	[sflag:s14] =	ssyncadd.s32 $0xFFFF8000  }
0x6c2: {  	v3 =	vld [tilespmem:$0x900];
	_ =	sdelay $0x4  }
0x6c3: {  	v56 =	vshll.u32 v3, $0x1  }
0x6c4: {  	v3 =	vand.u32 $0x7, v3;
	v4 =	vand.u32 $0xFFFFFFF0, v56  }
0x6c5: {  	v3 =	vor.u32 v3, v4  }
0x6c6: {  	v4 =	vperm.xlane v3, v0;
	_ =	sdelay $0x1  }
0x6c7: {  	v3 =	vperm.xlane v3, v2;
	v4 =	vadd.s32 v1, v4;
	_ =	sdelay $0x1  }
0x6c8: {  	v3 =	vadd.s32 v1, v3;
	_ =	sdelay $0x2  }
0x6c9: {  	[tilespmem:s10], [sflag:$0x1] =	stream.indirect_vreg.gather [hbm4b:s2+s3], $0x80, v4, vm0, $0xb8;
	[tilespmem:$0x18D00] =	vst v63  }
0x6ca: {  	s18 =	simm.s32 $0x1500  }
0x6cb: {  	[tilespmem:s18], [sflag:$0x1] =	stream.indirect_vreg.gather [hbm4b:s2+s3], $0x80, v3, vm0, $0xb8;
	[tilespmem:$0x18D00] =	vst v63  }
0x6cc: {  	v3 =	vld [tilespmem:$0x910];
	_ =	sdelay $0x4  }
0x6cd: {  	v57 =	vshll.u32 v3, $0x1  }
0x6ce: {  	v3 =	vand.u32 $0x7, v3;
	v4 =	vand.u32 $0xFFFFFFF0, v57  }
0x6cf: {  	v3 =	vor.u32 v3, v4  }
0x6d0: {  	v4 =	vperm.xlane v3, v0;
	_ =	sdelay $0x1  }
0x6d1: {  	v3 =	vperm.xlane v3, v2;
	v4 =	vadd.s32 v1, v4;
	_ =	sdelay $0x1  }
0x6d2: {  	v3 =	vadd.s32 v1, v3;
	_ =	sdelay $0x1  }
0x6d3: {  	s18 =	simm.s32 $0x1D00  }
0x6d4: {  	[tilespmem:s18], [sflag:$0x1] =	stream.indirect_vreg.gather [hbm4b:s2+s3], $0x80, v4, vm0, $0xb8;
	[tilespmem:$0x18D00] =	vst v63  }
0x6d5: {  	s18 =	simm.s32 $0x2500  }
0x6d6: {  	[tilespmem:s18], [sflag:$0x1] =	stream.indirect_vreg.gather [hbm4b:s2+s3], $0x80, v3, vm0, $0xb8;
	[tilespmem:$0x18D00] =	vst v63  }
0x6d7: {  	v3 =	vld [tilespmem:$0x920];
	_ =	sdelay $0x4  }
0x6d8: {  	v58 =	vshll.u32 v3, $0x1  }
0x6d9: {  	v3 =	vand.u32 $0x7, v3;
	v4 =	vand.u32 $0xFFFFFFF0, v58  }
0x6da: {  	v3 =	vor.u32 v3, v4  }
0x6db: {  	v4 =	vperm.xlane v3, v0;
	_ =	sdelay $0x1  }
0x6dc: {  	v3 =	vperm.xlane v3, v2;
	v4 =	vadd.s32 v1, v4;
	_ =	sdelay $0x1  }
0x6dd: {  	v3 =	vadd.s32 v1, v3;
	_ =	sdelay $0x1  }
0x6de: {  	s18 =	simm.s32 $0x2D00  }
0x6df: {  	[tilespmem:s18], [sflag:$0x1] =	stream.indirect_vreg.gather [hbm4b:s2+s3], $0x80, v4, vm0, $0xb8;
	[tilespmem:$0x18D00] =	vst v63  }
0x6e0: {  	s18 =	simm.s32 $0x3500  }
0x6e1: {  	[tilespmem:s18], [sflag:$0x1] =	stream.indirect_vreg.gather [hbm4b:s2+s3], $0x80, v3, vm0, $0xb8;
	[tilespmem:$0x18D00] =	vst v63  }
0x6e2: {  	v3 =	vld [tilespmem:$0x930];
	_ =	sdelay $0x4  }
0x6e3: {  	v59 =	vshll.u32 v3, $0x1  }
0x6e4: {  	v3 =	vand.u32 $0x7, v3;
	v4 =	vand.u32 $0xFFFFFFF0, v59  }
0x6e5: {  	v3 =	vor.u32 v3, v4  }
0x6e6: {  	v4 =	vperm.xlane v3, v0;
	_ =	sdelay $0x1  }
0x6e7: {  	v3 =	vperm.xlane v3, v2;
	v4 =	vadd.s32 v1, v4;
	_ =	sdelay $0x1  }
0x6e8: {  	v3 =	vadd.s32 v1, v3;
	_ =	sdelay $0x1  }
0x6e9: {  	s18 =	simm.s32 $0x3D00  }
0x6ea: {  	[tilespmem:s18], [sflag:$0x1] =	stream.indirect_vreg.gather [hbm4b:s2+s3], $0x80, v4, vm0, $0xb8;
	[tilespmem:$0x18D00] =	vst v63  }
0x6eb: {  	s18 =	simm.s32 $0x4500  }
0x6ec: {  	[tilespmem:s18], [sflag:$0x1] =	stream.indirect_vreg.gather [hbm4b:s2+s3], $0x80, v3, vm0, $0xb8;
	[tilespmem:$0x18D00] =	vst v63  }
0x6ed: {  	v3 =	vld [tilespmem:$0x940];
	_ =	sdelay $0x4  }
0x6ee: {  	v60 =	vshll.u32 v3, $0x1  }
0x6ef: {  	v3 =	vand.u32 $0x7, v3;
	v4 =	vand.u32 $0xFFFFFFF0, v60  }
0x6f0: {  	v3 =	vor.u32 v3, v4  }
0x6f1: {  	v4 =	vperm.xlane v3, v0;
	_ =	sdelay $0x1  }
0x6f2: {  	v3 =	vperm.xlane v3, v2;
	v4 =	vadd.s32 v1, v4;
	_ =	sdelay $0x1  }
0x6f3: {  	v3 =	vadd.s32 v1, v3;
	_ =	sdelay $0x1  }
0x6f4: {  	s0 =	simm.s32 $0x4D00  }
0x6f5: {  	[tilespmem:s0], [sflag:$0x1] =	stream.indirect_vreg.gather [hbm4b:s2+s3], $0x80, v4, vm0, $0xb8;
	[tilespmem:$0x18D00] =	vst v63  }
0x6f6: {  	s18 =	simm.s32 $0x5500  }
0x6f7: {  	[tilespmem:s18], [sflag:$0x1] =	stream.indirect_vreg.gather [hbm4b:s2+s3], $0x80, v3, vm0, $0xb8;
	[tilespmem:$0x18D00] =	vst v63  }
0x6f8: {  	v3 =	vld [tilespmem:$0x950];
	_ =	sdelay $0x4  }
0x6f9: {  	v61 =	vshll.u32 v3, $0x1  }
0x6fa: {  	v3 =	vand.u32 $0x7, v3;
	v4 =	vand.u32 $0xFFFFFFF0, v61  }
0x6fb: {  	v3 =	vor.u32 v3, v4  }
0x6fc: {  	v4 =	vperm.xlane v3, v0;
	_ =	sdelay $0x1  }
0x6fd: {  	v3 =	vperm.xlane v3, v2;
	v4 =	vadd.s32 v1, v4;
	_ =	sdelay $0x1  }
0x6fe: {  	v3 =	vadd.s32 v1, v3;
	_ =	sdelay $0x1  }
0x6ff: {  	s18 =	simm.s32 $0x5D00  }
0x700: {  	[tilespmem:s18], [sflag:$0x1] =	stream.indirect_vreg.gather [hbm4b:s2+s3], $0x80, v4, vm0, $0xb8;
	[tilespmem:$0x18D00] =	vst v63  }
0x701: {  	s18 =	simm.s32 $0x6500  }
0x702: {  	[tilespmem:s18], [sflag:$0x1] =	stream.indirect_vreg.gather [hbm4b:s2+s3], $0x80, v3, vm0, $0xb8;
	[tilespmem:$0x18D00] =	vst v63  }
0x703: {  	v3 =	vld [tilespmem:$0x960];
	_ =	sdelay $0x4  }
0x704: {  	v62 =	vshll.u32 v3, $0x1  }
0x705: {  	v3 =	vand.u32 $0x7, v3;
	v4 =	vand.u32 $0xFFFFFFF0, v62  }
0x706: {  	v3 =	vor.u32 v3, v4  }
0x707: {  	v4 =	vperm.xlane v3, v0;
	_ =	sdelay $0x1  }
0x708: {  	v3 =	vperm.xlane v3, v2;
	v4 =	vadd.s32 v1, v4;
	_ =	sdelay $0x1  }
0x709: {  	v3 =	vadd.s32 v1, v3;
	_ =	sdelay $0x1  }
0x70a: {  	s18 =	simm.s32 $0x6D00  }
0x70b: {  	[tilespmem:s18], [sflag:$0x1] =	stream.indirect_vreg.gather [hbm4b:s2+s3], $0x80, v4, vm0, $0xb8;
	[tilespmem:$0x18D00] =	vst v63  }
0x70c: {  	s18 =	simm.s32 $0x7500  }
0x70d: {  	[tilespmem:s18], [sflag:$0x1] =	stream.indirect_vreg.gather [hbm4b:s2+s3], $0x80, v3, vm0, $0xb8;
	[tilespmem:$0x18D00] =	vst v63  }
0x70e: {  	v3 =	vld [tilespmem:$0x970];
	_ =	sdelay $0x4  }
0x70f: {  	v63 =	vshll.u32 v3, $0x1  }
0x710: {  	v3 =	vand.u32 $0x7, v3;
	v4 =	vand.u32 $0xFFFFFFF0, v63  }
0x711: {  	v3 =	vor.u32 v3, v4  }
0x712: {  	v4 =	vperm.xlane v3, v0;
	_ =	sdelay $0x1  }
0x713: {  	v3 =	vperm.xlane v3, v2;
	v4 =	vadd.s32 v1, v4;
	_ =	sdelay $0x1  }
0x714: {  	v3 =	vadd.s32 v1, v3;
	_ =	sdelay $0x1  }
0x715: {  	s18 =	simm.s32 $0x7D00  }
0x716: {  	[tilespmem:s18], [sflag:$0x1] =	stream.indirect_vreg.gather [hbm4b:s2+s3], $0x80, v4, vm0, $0xb8;
	[tilespmem:$0x18D00] =	vst v63  }
0x717: {  	s18 =	simm.s32 $0x8500  }
0x718: {  	[tilespmem:s18], [sflag:$0x1] =	stream.indirect_vreg.gather [hbm4b:s2+s3], $0x80, v3, vm0, $0xb8;
	[tilespmem:$0x18D00] =	vst v63  }
0x719: {  	_ =	swait.ge [sflag:s17], $0x8000  }
0x71a: {  	[sflag:s17] =	ssyncset.done $0x0  }
0x71b: {  	s18 =	rddreg [dreg:$0x16];
	[sflag:s17] =	ssyncadd.s32 $0xFFFF8000  }
0x71c: {  	[hbm4b:s18+s3] =	stream.linear.scatter [tilespmem:s23], [sflag:$0x6], $0x8000, $0x38;
	[tilespmem:$0x18D00] =	vst v63  }
0x71d: {  	_ =	swait.ge [sflag:s16], $0x8000  }
0x71e: {  	[sflag:s16] =	ssyncset.done $0x0  }
0x71f: {  	[sflag:s16] =	ssyncadd.s32 $0xFFFF8000  }
0x720: {  	v3 =	vld [tilespmem:$0x980];
	_ =	sdelay $0x4  }
0x721: {  	v8 =	vshll.u32 v3, $0x1  }
0x722: {  	v3 =	vand.u32 $0x7, v3;
	v4 =	vand.u32 $0xFFFFFFF0, v8  }
0x723: {  	v3 =	vor.u32 v3, v4  }
0x724: {  	v4 =	vperm.xlane v3, v0;
	_ =	sdelay $0x1  }
0x725: {  	v3 =	vperm.xlane v3, v2;
	v4 =	vadd.s32 v1, v4;
	_ =	sdelay $0x1  }
0x726: {  	v3 =	vadd.s32 v1, v3;
	_ =	sdelay $0x2  }
0x727: {  	[tilespmem:s15], [sflag:$0x2] =	stream.indirect_vreg.gather [hbm4b:s2+s3], $0x80, v4, vm0, $0xb8;
	[tilespmem:$0x18D00] =	vst v63  }
0x728: {  	s8 =	simm.s32 $0x9500  }
0x729: {  	[tilespmem:s8], [sflag:$0x2] =	stream.indirect_vreg.gather [hbm4b:s2+s3], $0x80, v3, vm0, $0xb8;
	[tilespmem:$0x18D00] =	vst v63  }
0x72a: {  	v3 =	vld [tilespmem:$0x990];
	_ =	sdelay $0x4  }
0x72b: {  	v9 =	vshll.u32 v3, $0x1  }
0x72c: {  	v3 =	vand.u32 $0x7, v3;
	v4 =	vand.u32 $0xFFFFFFF0, v9  }
0x72d: {  	v3 =	vor.u32 v3, v4  }
0x72e: {  	v4 =	vperm.xlane v3, v0;
	_ =	sdelay $0x1  }
0x72f: {  	v3 =	vperm.xlane v3, v2;
	v4 =	vadd.s32 v1, v4;
	_ =	sdelay $0x1  }
0x730: {  	v3 =	vadd.s32 v1, v3;
	_ =	sdelay $0x1  }
0x731: {  	s18 =	simm.s32 $0x9D00  }
0x732: {  	[tilespmem:s18], [sflag:$0x2] =	stream.indirect_vreg.gather [hbm4b:s2+s3], $0x80, v4, vm0, $0xb8;
	[tilespmem:$0x18D00] =	vst v63  }
0x733: {  	s24 =	simm.s32 $0xA500  }
0x734: {  	[tilespmem:s24], [sflag:$0x2] =	stream.indirect_vreg.gather [hbm4b:s2+s3], $0x80, v3, vm0, $0xb8;
	[tilespmem:$0x18D00] =	vst v63  }
0x735: {  	v3 =	vld [tilespmem:$0x9A0];
	_ =	sdelay $0x4  }
0x736: {  	v10 =	vshll.u32 v3, $0x1  }
0x737: {  	v3 =	vand.u32 $0x7, v3;
	v4 =	vand.u32 $0xFFFFFFF0, v10  }
0x738: {  	v3 =	vor.u32 v3, v4  }
0x739: {  	v4 =	vperm.xlane v3, v0;
	_ =	sdelay $0x1  }
0x73a: {  	v3 =	vperm.xlane v3, v2;
	v4 =	vadd.s32 v1, v4;
	_ =	sdelay $0x1  }
0x73b: {  	v3 =	vadd.s32 v1, v3;
	_ =	sdelay $0x1  }
0x73c: {  	s24 =	simm.s32 $0xAD00  }
0x73d: {  	[tilespmem:s24], [sflag:$0x2] =	stream.indirect_vreg.gather [hbm4b:s2+s3], $0x80, v4, vm0, $0xb8;
	[tilespmem:$0x18D00] =	vst v63  }
0x73e: {  	s21 =	simm.s32 $0xB500  }
0x73f: {  	[tilespmem:s21], [sflag:$0x2] =	stream.indirect_vreg.gather [hbm4b:s2+s3], $0x80, v3, vm0, $0xb8;
	[tilespmem:$0x18D00] =	vst v63  }
0x740: {  	v3 =	vld [tilespmem:$0x9B0];
	_ =	sdelay $0x4  }
0x741: {  	v11 =	vshll.u32 v3, $0x1  }
0x742: {  	v3 =	vand.u32 $0x7, v3;
	v4 =	vand.u32 $0xFFFFFFF0, v11  }
0x743: {  	v3 =	vor.u32 v3, v4  }
0x744: {  	v4 =	vperm.xlane v3, v0;
	_ =	sdelay $0x1  }
0x745: {  	v3 =	vperm.xlane v3, v2;
	v4 =	vadd.s32 v1, v4;
	_ =	sdelay $0x1  }
0x746: {  	v3 =	vadd.s32 v1, v3;
	_ =	sdelay $0x1  }
0x747: {  	s26 =	simm.s32 $0xBD00  }
0x748: {  	[tilespmem:s26], [sflag:$0x2] =	stream.indirect_vreg.gather [hbm4b:s2+s3], $0x80, v4, vm0, $0xb8;
	[tilespmem:$0x18D00] =	vst v63  }
0x749: {  	s20 =	simm.s32 $0xC500  }
0x74a: {  	[tilespmem:s20], [sflag:$0x2] =	stream.indirect_vreg.gather [hbm4b:s2+s3], $0x80, v3, vm0, $0xb8;
	[tilespmem:$0x18D00] =	vst v63  }
0x74b: {  	v3 =	vld [tilespmem:$0x9C0];
	_ =	sdelay $0x4  }
0x74c: {  	v12 =	vshll.u32 v3, $0x1  }
0x74d: {  	v3 =	vand.u32 $0x7, v3;
	v4 =	vand.u32 $0xFFFFFFF0, v12  }
0x74e: {  	v3 =	vor.u32 v3, v4  }
0x74f: {  	v4 =	vperm.xlane v3, v0;
	_ =	sdelay $0x1  }
0x750: {  	v3 =	vperm.xlane v3, v2;
	v4 =	vadd.s32 v1, v4;
	_ =	sdelay $0x1  }
0x751: {  	v3 =	vadd.s32 v1, v3;
	_ =	sdelay $0x1  }
0x752: {  	s22 =	simm.s32 $0xCD00  }
0x753: {  	[tilespmem:s22], [sflag:$0x2] =	stream.indirect_vreg.gather [hbm4b:s2+s3], $0x80, v4, vm0, $0xb8;
	[tilespmem:$0x18D00] =	vst v63  }
0x754: {  	s4 =	simm.s32 $0xD500  }
0x755: {  	[tilespmem:s4], [sflag:$0x2] =	stream.indirect_vreg.gather [hbm4b:s2+s3], $0x80, v3, vm0, $0xb8;
	[tilespmem:$0x18D00] =	vst v63  }
0x756: {  	v3 =	vld [tilespmem:$0x9D0];
	_ =	sdelay $0x4  }
0x757: {  	v13 =	vshll.u32 v3, $0x1  }
0x758: {  	v3 =	vand.u32 $0x7, v3;
	v4 =	vand.u32 $0xFFFFFFF0, v13  }
0x759: {  	v3 =	vor.u32 v3, v4  }
0x75a: {  	v4 =	vperm.xlane v3, v0;
	_ =	sdelay $0x1  }
0x75b: {  	v3 =	vperm.xlane v3, v2;
	v4 =	vadd.s32 v1, v4;
	_ =	sdelay $0x1  }
0x75c: {  	v3 =	vadd.s32 v1, v3;
	_ =	sdelay $0x1  }
0x75d: {  	s25 =	simm.s32 $0xDD00  }
0x75e: {  	[tilespmem:s25], [sflag:$0x2] =	stream.indirect_vreg.gather [hbm4b:s2+s3], $0x80, v4, vm0, $0xb8;
	[tilespmem:$0x18D00] =	vst v63  }
0x75f: {  	s29 =	simm.s32 $0xE500  }
0x760: {  	[tilespmem:s29], [sflag:$0x2] =	stream.indirect_vreg.gather [hbm4b:s2+s3], $0x80, v3, vm0, $0xb8;
	[tilespmem:$0x18D00] =	vst v63  }
0x761: {  	v3 =	vld [tilespmem:$0x9E0];
	_ =	sdelay $0x4  }
0x762: {  	v14 =	vshll.u32 v3, $0x1  }
0x763: {  	v3 =	vand.u32 $0x7, v3;
	v4 =	vand.u32 $0xFFFFFFF0, v14  }
0x764: {  	v3 =	vor.u32 v3, v4  }
0x765: {  	v4 =	vperm.xlane v3, v0;
	_ =	sdelay $0x1  }
0x766: {  	v3 =	vperm.xlane v3, v2;
	v4 =	vadd.s32 v1, v4;
	_ =	sdelay $0x1  }
0x767: {  	v3 =	vadd.s32 v1, v3;
	_ =	sdelay $0x1  }
0x768: {  	s6 =	simm.s32 $0xED00  }
0x769: {  	[tilespmem:s6], [sflag:$0x2] =	stream.indirect_vreg.gather [hbm4b:s2+s3], $0x80, v4, vm0, $0xb8;
	[tilespmem:$0x18D00] =	vst v63  }
0x76a: {  	s31 =	simm.s32 $0xF500  }
0x76b: {  	[tilespmem:s31], [sflag:$0x2] =	stream.indirect_vreg.gather [hbm4b:s2+s3], $0x80, v3, vm0, $0xb8;
	[tilespmem:$0x18D00] =	vst v63  }
0x76c: {  	v3 =	vld [tilespmem:$0x9F0];
	_ =	sdelay $0x4  }
0x76d: {  	v15 =	vshll.u32 v3, $0x1  }
0x76e: {  	v3 =	vand.u32 $0x7, v3;
	v4 =	vand.u32 $0xFFFFFFF0, v15  }
0x76f: {  	v3 =	vor.u32 v3, v4  }
0x770: {  	v4 =	vperm.xlane v3, v0;
	_ =	sdelay $0x1  }
0x771: {  	v3 =	vperm.xlane v3, v2;
	v4 =	vadd.s32 v1, v4;
	_ =	sdelay $0x1  }
0x772: {  	v3 =	vadd.s32 v1, v3;
	_ =	sdelay $0x1  }
0x773: {  	s28 =	simm.s32 $0xFD00  }
0x774: {  	[tilespmem:s28], [sflag:$0x2] =	stream.indirect_vreg.gather [hbm4b:s2+s3], $0x80, v4, vm0, $0xb8;
	[tilespmem:$0x18D00] =	vst v63  }
0x775: {  	s5 =	simm.s32 $0x10500  }
0x776: {  	[tilespmem:s5], [sflag:$0x2] =	stream.indirect_vreg.gather [hbm4b:s2+s3], $0x80, v3, vm0, $0xb8;
	[tilespmem:$0x18D00] =	vst v63  }
0x777: {  	_ =	swait.ge [sflag:s11], $0x8000  }
0x778: {  	[sflag:s11] =	ssyncset.done $0x0  }
0x779: {  	s28 =	rddreg [dreg:$0x17];
	[sflag:s11] =	ssyncadd.s32 $0xFFFF8000  }
0x77a: {  	[hbm4b:s28+s3] =	stream.linear.scatter [tilespmem:s10], [sflag:$0x4], $0x8000, $0x38;
	[tilespmem:$0x18D00] =	vst v63  }
0x77b: {  	_ =	swait.ge [sflag:s1], $0x8000  }
0x77c: {  	[sflag:s1] =	ssyncset.done $0x0  }
0x77d: {  	[sflag:s1] =	ssyncadd.s32 $0xFFFF8000  }
0x77e: {  	v3 =	vld [tilespmem:$0xA00];
	_ =	sdelay $0x4  }
0x77f: {  	v16 =	vshll.u32 v3, $0x1  }
0x780: {  	v3 =	vand.u32 $0x7, v3;
	v4 =	vand.u32 $0xFFFFFFF0, v16  }
0x781: {  	v3 =	vor.u32 v3, v4  }
0x782: {  	v4 =	vperm.xlane v3, v0;
	_ =	sdelay $0x1  }
0x783: {  	v3 =	vperm.xlane v3, v2;
	v4 =	vadd.s32 v1, v4;
	_ =	sdelay $0x1  }
0x784: {  	v3 =	vadd.s32 v1, v3;
	_ =	sdelay $0x2  }
0x785: {  	[tilespmem:s23], [sflag:$0x3] =	stream.indirect_vreg.gather [hbm4b:s2+s3], $0x80, v4, vm0, $0xb8;
	[tilespmem:$0x18D00] =	vst v63  }
0x786: {  	s7 =	simm.s32 $0x11500  }
0x787: {  	[tilespmem:s7], [sflag:$0x3] =	stream.indirect_vreg.gather [hbm4b:s2+s3], $0x80, v3, vm0, $0xb8;
	[tilespmem:$0x18D00] =	vst v63  }
0x788: {  	v3 =	vld [tilespmem:$0xA10];
	_ =	sdelay $0x4  }
0x789: {  	v17 =	vshll.u32 v3, $0x1  }
0x78a: {  	v3 =	vand.u32 $0x7, v3;
	v4 =	vand.u32 $0xFFFFFFF0, v17  }
0x78b: {  	v3 =	vor.u32 v3, v4  }
0x78c: {  	v4 =	vperm.xlane v3, v0;
	_ =	sdelay $0x1  }
0x78d: {  	v3 =	vperm.xlane v3, v2;
	v4 =	vadd.s32 v1, v4;
	_ =	sdelay $0x1  }
0x78e: {  	v3 =	vadd.s32 v1, v3;
	_ =	sdelay $0x1  }
0x78f: {  	s30 =	simm.s32 $0x11D00  }
0x790: {  	[tilespmem:s30], [sflag:$0x3] =	stream.indirect_vreg.gather [hbm4b:s2+s3], $0x80, v4, vm0, $0xb8;
	[tilespmem:$0x18D00] =	vst v63  }
0x791: {  	s30 =	simm.s32 $0x12500  }
0x792: {  	[tilespmem:s30], [sflag:$0x3] =	stream.indirect_vreg.gather [hbm4b:s2+s3], $0x80, v3, vm0, $0xb8;
	[tilespmem:$0x18D00] =	vst v63  }
0x793: {  	v3 =	vld [tilespmem:$0xA20];
	_ =	sdelay $0x4  }
0x794: {  	v18 =	vshll.u32 v3, $0x1  }
0x795: {  	v3 =	vand.u32 $0x7, v3;
	v4 =	vand.u32 $0xFFFFFFF0, v18  }
0x796: {  	v3 =	vor.u32 v3, v4  }
0x797: {  	v4 =	vperm.xlane v3, v0;
	_ =	sdelay $0x1  }
0x798: {  	v3 =	vperm.xlane v3, v2;
	v4 =	vadd.s32 v1, v4;
	_ =	sdelay $0x1  }
0x799: {  	v3 =	vadd.s32 v1, v3;
	_ =	sdelay $0x1  }
0x79a: {  	s12 =	simm.s32 $0x12D00  }
0x79b: {  	[tilespmem:s12], [sflag:$0x3] =	stream.indirect_vreg.gather [hbm4b:s2+s3], $0x80, v4, vm0, $0xb8;
	[tilespmem:$0x18D00] =	vst v63  }
0x79c: {  	s6 =	simm.s32 $0x13500  }
0x79d: {  	[tilespmem:s6], [sflag:$0x3] =	stream.indirect_vreg.gather [hbm4b:s2+s3], $0x80, v3, vm0, $0xb8;
	[tilespmem:$0x18D00] =	vst v63  }
0x79e: {  	v3 =	vld [tilespmem:$0xA30];
	_ =	sdelay $0x4  }
0x79f: {  	v19 =	vshll.u32 v3, $0x1  }
0x7a0: {  	v3 =	vand.u32 $0x7, v3;
	v4 =	vand.u32 $0xFFFFFFF0, v19  }
0x7a1: {  	v3 =	vor.u32 v3, v4  }
0x7a2: {  	v4 =	vperm.xlane v3, v0;
	_ =	sdelay $0x1  }
0x7a3: {  	v3 =	vperm.xlane v3, v2;
	v4 =	vadd.s32 v1, v4;
	_ =	sdelay $0x1  }
0x7a4: {  	v3 =	vadd.s32 v1, v3;
	_ =	sdelay $0x1  }
0x7a5: {  	s19 =	simm.s32 $0x13D00  }
0x7a6: {  	[tilespmem:s19], [sflag:$0x3] =	stream.indirect_vreg.gather [hbm4b:s2+s3], $0x80, v4, vm0, $0xb8;
	[tilespmem:$0x18D00] =	vst v63  }
0x7a7: {  	s7 =	simm.s32 $0x14500  }
0x7a8: {  	[tilespmem:s7], [sflag:$0x3] =	stream.indirect_vreg.gather [hbm4b:s2+s3], $0x80, v3, vm0, $0xb8;
	[tilespmem:$0x18D00] =	vst v63  }
0x7a9: {  	v3 =	vld [tilespmem:$0xA40];
	_ =	sdelay $0x4  }
0x7aa: {  	v20 =	vshll.u32 v3, $0x1  }
0x7ab: {  	v3 =	vand.u32 $0x7, v3;
	v4 =	vand.u32 $0xFFFFFFF0, v20  }
0x7ac: {  	v3 =	vor.u32 v3, v4  }
0x7ad: {  	v4 =	vperm.xlane v3, v0;
	_ =	sdelay $0x1  }
0x7ae: {  	v3 =	vperm.xlane v3, v2;
	v4 =	vadd.s32 v1, v4;
	_ =	sdelay $0x1  }
0x7af: {  	v3 =	vadd.s32 v1, v3;
	_ =	sdelay $0x1  }
0x7b0: {  	s8 =	simm.s32 $0x14D00  }
0x7b1: {  	[tilespmem:s8], [sflag:$0x3] =	stream.indirect_vreg.gather [hbm4b:s2+s3], $0x80, v4, vm0, $0xb8;
	[tilespmem:$0x18D00] =	vst v63  }
0x7b2: {  	s18 =	simm.s32 $0x15500  }
0x7b3: {  	[tilespmem:s18], [sflag:$0x3] =	stream.indirect_vreg.gather [hbm4b:s2+s3], $0x80, v3, vm0, $0xb8;
	[tilespmem:$0x18D00] =	vst v63  }
0x7b4: {  	v3 =	vld [tilespmem:$0xA50];
	_ =	sdelay $0x4  }
0x7b5: {  	v21 =	vshll.u32 v3, $0x1  }
0x7b6: {  	v3 =	vand.u32 $0x7, v3;
	v4 =	vand.u32 $0xFFFFFFF0, v21  }
0x7b7: {  	v3 =	vor.u32 v3, v4  }
0x7b8: {  	v4 =	vperm.xlane v3, v0;
	_ =	sdelay $0x1  }
0x7b9: {  	v3 =	vperm.xlane v3, v2;
	v4 =	vadd.s32 v1, v4;
	_ =	sdelay $0x1  }
0x7ba: {  	v3 =	vadd.s32 v1, v3;
	_ =	sdelay $0x1  }
0x7bb: {  	s9 =	simm.s32 $0x15D00  }
0x7bc: {  	[tilespmem:s9], [sflag:$0x3] =	stream.indirect_vreg.gather [hbm4b:s2+s3], $0x80, v4, vm0, $0xb8;
	[tilespmem:$0x18D00] =	vst v63  }
0x7bd: {  	s20 =	simm.s32 $0x16500  }
0x7be: {  	[tilespmem:s20], [sflag:$0x3] =	stream.indirect_vreg.gather [hbm4b:s2+s3], $0x80, v3, vm0, $0xb8;
	[tilespmem:$0x18D00] =	vst v63  }
0x7bf: {  	v3 =	vld [tilespmem:$0xA60];
	_ =	sdelay $0x4  }
0x7c0: {  	v22 =	vshll.u32 v3, $0x1  }
0x7c1: {  	v3 =	vand.u32 $0x7, v3;
	v4 =	vand.u32 $0xFFFFFFF0, v22  }
0x7c2: {  	v3 =	vor.u32 v3, v4  }
0x7c3: {  	v4 =	vperm.xlane v3, v0;
	_ =	sdelay $0x1  }
0x7c4: {  	v3 =	vperm.xlane v3, v2;
	v4 =	vadd.s32 v1, v4;
	_ =	sdelay $0x1  }
0x7c5: {  	v3 =	vadd.s32 v1, v3;
	_ =	sdelay $0x1  }
0x7c6: {  	s22 =	simm.s32 $0x16D00  }
0x7c7: {  	[tilespmem:s22], [sflag:$0x3] =	stream.indirect_vreg.gather [hbm4b:s2+s3], $0x80, v4, vm0, $0xb8;
	[tilespmem:$0x18D00] =	vst v63  }
0x7c8: {  	s25 =	simm.s32 $0x17500  }
0x7c9: {  	[tilespmem:s25], [sflag:$0x3] =	stream.indirect_vreg.gather [hbm4b:s2+s3], $0x80, v3, vm0, $0xb8;
	[tilespmem:$0x18D00] =	vst v63  }
0x7ca: {  	v3 =	vld [tilespmem:$0xA70];
	_ =	sdelay $0x4  }
0x7cb: {  	v23 =	vshll.u32 v3, $0x1  }
0x7cc: {  	v3 =	vand.u32 $0x7, v3;
	v4 =	vand.u32 $0xFFFFFFF0, v23  }
0x7cd: {  	v3 =	vor.u32 v3, v4  }
0x7ce: {  	v4 =	vperm.xlane v3, v0;
	_ =	sdelay $0x1  }
0x7cf: {  	v3 =	vperm.xlane v3, v2;
	v4 =	vadd.s32 v1, v4;
	_ =	sdelay $0x1  }
0x7d0: {  	v3 =	vadd.s32 v1, v3;
	_ =	sdelay $0x1  }
0x7d1: {  	s6 =	simm.s32 $0x17D00  }
0x7d2: {  	[tilespmem:s6], [sflag:$0x3] =	stream.indirect_vreg.gather [hbm4b:s2+s3], $0x80, v4, vm0, $0xb8;
	[tilespmem:$0x18D00] =	vst v63  }
0x7d3: {  	s7 =	simm.s32 $0x18500  }
0x7d4: {  	[tilespmem:s7], [sflag:$0x3] =	stream.indirect_vreg.gather [hbm4b:s2+s3], $0x80, v3, vm0, $0xb8;
	[tilespmem:$0x18D00] =	vst v63  }
0x7d5: {  	_ =	swait.ge [sflag:s13], $0x8000  }
0x7d6: {  	[sflag:s13] =	ssyncset.done $0x0  }
0x7d7: {  	s8 =	rddreg [dreg:$0x18];
	[sflag:s13] =	ssyncadd.s32 $0xFFFF8000  }
0x7d8: {  	[hbm4b:s8+s3] =	stream.linear.scatter [tilespmem:s15], [sflag:$0x5], $0x8000, $0x38;
	[tilespmem:$0x18D00] =	vst v63  }
0x7d9: {  	_ =	swait.ge [sflag:s14], $0x8000  }
0x7da: {  	[sflag:s14] =	ssyncset.done $0x0  }
0x7db: {  	[sflag:s14] =	ssyncadd.s32 $0xFFFF8000  }
0x7dc: {  	v3 =	vld [tilespmem:$0xA80];
	_ =	sdelay $0x4  }
0x7dd: {  	v24 =	vshll.u32 v3, $0x1  }
0x7de: {  	v3 =	vand.u32 $0x7, v3;
	v4 =	vand.u32 $0xFFFFFFF0, v24  }
0x7df: {  	v3 =	vor.u32 v3, v4  }
0x7e0: {  	v4 =	vperm.xlane v3, v0;
	_ =	sdelay $0x1  }
0x7e1: {  	v3 =	vperm.xlane v3, v2;
	v4 =	vadd.s32 v1, v4;
	_ =	sdelay $0x1  }
0x7e2: {  	v3 =	vadd.s32 v1, v3;
	_ =	sdelay $0x2  }
0x7e3: {  	[tilespmem:s10], [sflag:$0x1] =	stream.indirect_vreg.gather [hbm4b:s2+s3], $0x80, v4, vm0, $0xb8;
	[tilespmem:$0x18D00] =	vst v63  }
0x7e4: {  	s20 =	simm.s32 $0x1500  }
0x7e5: {  	[tilespmem:s20], [sflag:$0x1] =	stream.indirect_vreg.gather [hbm4b:s2+s3], $0x80, v3, vm0, $0xb8;
	[tilespmem:$0x18D00] =	vst v63  }
0x7e6: {  	v3 =	vld [tilespmem:$0xA90];
	_ =	sdelay $0x4  }
0x7e7: {  	v25 =	vshll.u32 v3, $0x1  }
0x7e8: {  	v3 =	vand.u32 $0x7, v3;
	v4 =	vand.u32 $0xFFFFFFF0, v25  }
0x7e9: {  	v3 =	vor.u32 v3, v4  }
0x7ea: {  	v4 =	vperm.xlane v3, v0;
	_ =	sdelay $0x1  }
0x7eb: {  	v3 =	vperm.xlane v3, v2;
	v4 =	vadd.s32 v1, v4;
	_ =	sdelay $0x1  }
0x7ec: {  	v3 =	vadd.s32 v1, v3;
	_ =	sdelay $0x1  }
0x7ed: {  	s22 =	simm.s32 $0x1D00  }
0x7ee: {  	[tilespmem:s22], [sflag:$0x1] =	stream.indirect_vreg.gather [hbm4b:s2+s3], $0x80, v4, vm0, $0xb8;
	[tilespmem:$0x18D00] =	vst v63  }
0x7ef: {  	s25 =	simm.s32 $0x2500  }
0x7f0: {  	[tilespmem:s25], [sflag:$0x1] =	stream.indirect_vreg.gather [hbm4b:s2+s3], $0x80, v3, vm0, $0xb8;
	[tilespmem:$0x18D00] =	vst v63  }
0x7f1: {  	v3 =	vld [tilespmem:$0xAA0];
	_ =	sdelay $0x4  }
0x7f2: {  	v26 =	vshll.u32 v3, $0x1  }
0x7f3: {  	v3 =	vand.u32 $0x7, v3;
	v4 =	vand.u32 $0xFFFFFFF0, v26  }
0x7f4: {  	v3 =	vor.u32 v3, v4  }
0x7f5: {  	v4 =	vperm.xlane v3, v0;
	_ =	sdelay $0x1  }
0x7f6: {  	v3 =	vperm.xlane v3, v2;
	v4 =	vadd.s32 v1, v4;
	_ =	sdelay $0x1  }
0x7f7: {  	v3 =	vadd.s32 v1, v3;
	_ =	sdelay $0x1  }
0x7f8: {  	s8 =	simm.s32 $0x2D00  }
0x7f9: {  	[tilespmem:s8], [sflag:$0x1] =	stream.indirect_vreg.gather [hbm4b:s2+s3], $0x80, v4, vm0, $0xb8;
	[tilespmem:$0x18D00] =	vst v63  }
0x7fa: {  	s18 =	simm.s32 $0x3500  }
0x7fb: {  	[tilespmem:s18], [sflag:$0x1] =	stream.indirect_vreg.gather [hbm4b:s2+s3], $0x80, v3, vm0, $0xb8;
	[tilespmem:$0x18D00] =	vst v63  }
0x7fc: {  	v3 =	vld [tilespmem:$0xAB0];
	_ =	sdelay $0x4  }
0x7fd: {  	v27 =	vshll.u32 v3, $0x1  }
0x7fe: {  	v3 =	vand.u32 $0x7, v3;
	v4 =	vand.u32 $0xFFFFFFF0, v27  }
0x7ff: {  	v3 =	vor.u32 v3, v4  }
0x800: {  	v4 =	vperm.xlane v3, v0;
	_ =	sdelay $0x1  }
0x801: {  	v3 =	vperm.xlane v3, v2;
	v4 =	vadd.s32 v1, v4;
	_ =	sdelay $0x1  }
0x802: {  	v3 =	vadd.s32 v1, v3;
	_ =	sdelay $0x1  }
0x803: {  	s20 =	simm.s32 $0x3D00  }
0x804: {  	[tilespmem:s20], [sflag:$0x1] =	stream.indirect_vreg.gather [hbm4b:s2+s3], $0x80, v4, vm0, $0xb8;
	[tilespmem:$0x18D00] =	vst v63  }
0x805: {  	s22 =	simm.s32 $0x4500  }
0x806: {  	[tilespmem:s22], [sflag:$0x1] =	stream.indirect_vreg.gather [hbm4b:s2+s3], $0x80, v3, vm0, $0xb8;
	[tilespmem:$0x18D00] =	vst v63  }
0x807: {  	v3 =	vld [tilespmem:$0xAC0];
	_ =	sdelay $0x4  }
0x808: {  	v28 =	vshll.u32 v3, $0x1  }
0x809: {  	v3 =	vand.u32 $0x7, v3;
	v4 =	vand.u32 $0xFFFFFFF0, v28  }
0x80a: {  	v3 =	vor.u32 v3, v4  }
0x80b: {  	v4 =	vperm.xlane v3, v0;
	_ =	sdelay $0x1  }
0x80c: {  	v3 =	vperm.xlane v3, v2;
	v4 =	vadd.s32 v1, v4;
	_ =	sdelay $0x1  }
0x80d: {  	v3 =	vadd.s32 v1, v3;
	_ =	sdelay $0x1  }
0x80e: {  	s0 =	simm.s32 $0x4D00  }
0x80f: {  	[tilespmem:s0], [sflag:$0x1] =	stream.indirect_vreg.gather [hbm4b:s2+s3], $0x80, v4, vm0, $0xb8;
	[tilespmem:$0x18D00] =	vst v63  }
0x810: {  	s25 =	simm.s32 $0x5500  }
0x811: {  	[tilespmem:s25], [sflag:$0x1] =	stream.indirect_vreg.gather [hbm4b:s2+s3], $0x80, v3, vm0, $0xb8;
	[tilespmem:$0x18D00] =	vst v63  }
0x812: {  	v3 =	vld [tilespmem:$0xAD0];
	_ =	sdelay $0x4  }
0x813: {  	v29 =	vshll.u32 v3, $0x1  }
0x814: {  	v3 =	vand.u32 $0x7, v3;
	v4 =	vand.u32 $0xFFFFFFF0, v29  }
0x815: {  	v3 =	vor.u32 v3, v4  }
0x816: {  	v4 =	vperm.xlane v3, v0;
	_ =	sdelay $0x1  }
0x817: {  	v3 =	vperm.xlane v3, v2;
	v4 =	vadd.s32 v1, v4;
	_ =	sdelay $0x1  }
0x818: {  	v3 =	vadd.s32 v1, v3;
	_ =	sdelay $0x1  }
0x819: {  	s18 =	simm.s32 $0x5D00  }
0x81a: {  	[tilespmem:s18], [sflag:$0x1] =	stream.indirect_vreg.gather [hbm4b:s2+s3], $0x80, v4, vm0, $0xb8;
	[tilespmem:$0x18D00] =	vst v63  }
0x81b: {  	s22 =	simm.s32 $0x6500  }
0x81c: {  	[tilespmem:s22], [sflag:$0x1] =	stream.indirect_vreg.gather [hbm4b:s2+s3], $0x80, v3, vm0, $0xb8;
	[tilespmem:$0x18D00] =	vst v63  }
0x81d: {  	v3 =	vld [tilespmem:$0xAE0];
	_ =	sdelay $0x4  }
0x81e: {  	v30 =	vshll.u32 v3, $0x1  }
0x81f: {  	v3 =	vand.u32 $0x7, v3;
	v4 =	vand.u32 $0xFFFFFFF0, v30  }
0x820: {  	v3 =	vor.u32 v3, v4  }
0x821: {  	v4 =	vperm.xlane v3, v0;
	_ =	sdelay $0x1  }
0x822: {  	v3 =	vperm.xlane v3, v2;
	v4 =	vadd.s32 v1, v4;
	_ =	sdelay $0x1  }
0x823: {  	v3 =	vadd.s32 v1, v3;
	_ =	sdelay $0x1  }
0x824: {  	s25 =	simm.s32 $0x6D00  }
0x825: {  	[tilespmem:s25], [sflag:$0x1] =	stream.indirect_vreg.gather [hbm4b:s2+s3], $0x80, v4, vm0, $0xb8;
	[tilespmem:$0x18D00] =	vst v63  }
0x826: {  	s18 =	simm.s32 $0x7500  }
0x827: {  	[tilespmem:s18], [sflag:$0x1] =	stream.indirect_vreg.gather [hbm4b:s2+s3], $0x80, v3, vm0, $0xb8;
	[tilespmem:$0x18D00] =	vst v63  }
0x828: {  	v3 =	vld [tilespmem:$0xAF0];
	_ =	sdelay $0x4  }
0x829: {  	v31 =	vshll.u32 v3, $0x1  }
0x82a: {  	v3 =	vand.u32 $0x7, v3;
	v4 =	vand.u32 $0xFFFFFFF0, v31  }
0x82b: {  	v3 =	vor.u32 v3, v4  }
0x82c: {  	v4 =	vperm.xlane v3, v0;
	_ =	sdelay $0x1  }
0x82d: {  	v3 =	vperm.xlane v3, v2;
	v4 =	vadd.s32 v1, v4;
	_ =	sdelay $0x1  }
0x82e: {  	v3 =	vadd.s32 v1, v3;
	_ =	sdelay $0x1  }
0x82f: {  	s22 =	simm.s32 $0x7D00  }
0x830: {  	[tilespmem:s22], [sflag:$0x1] =	stream.indirect_vreg.gather [hbm4b:s2+s3], $0x80, v4, vm0, $0xb8;
	[tilespmem:$0x18D00] =	vst v63  }
0x831: {  	s25 =	simm.s32 $0x8500  }
0x832: {  	[tilespmem:s25], [sflag:$0x1] =	stream.indirect_vreg.gather [hbm4b:s2+s3], $0x80, v3, vm0, $0xb8;
	[tilespmem:$0x18D00] =	vst v63  }
0x833: {  	_ =	swait.ge [sflag:s17], $0x8000  }
0x834: {  	[sflag:s17] =	ssyncset.done $0x0  }
0x835: {  	s0 =	rddreg [dreg:$0x19];
	[sflag:s17] =	ssyncadd.s32 $0xFFFF8000  }
0x836: {  	[hbm4b:s0+s3] =	stream.linear.scatter [tilespmem:s23], [sflag:$0x6], $0x8000, $0x38;
	[tilespmem:$0x18D00] =	vst v63  }
0x837: {  	_ =	swait.ge [sflag:s16], $0x8000  }
0x838: {  	[sflag:s16] =	ssyncset.done $0x0  }
0x839: {  	[sflag:s16] =	ssyncadd.s32 $0xFFFF8000  }
0x83a: {  	v3 =	vld [tilespmem:$0xB00];
	_ =	sdelay $0x4  }
0x83b: {  	v32 =	vshll.u32 v3, $0x1  }
0x83c: {  	v3 =	vand.u32 $0x7, v3;
	v4 =	vand.u32 $0xFFFFFFF0, v32  }
0x83d: {  	v3 =	vor.u32 v3, v4  }
0x83e: {  	v4 =	vperm.xlane v3, v0;
	_ =	sdelay $0x1  }
0x83f: {  	v3 =	vperm.xlane v3, v2;
	v4 =	vadd.s32 v1, v4;
	_ =	sdelay $0x1  }
0x840: {  	v3 =	vadd.s32 v1, v3;
	_ =	sdelay $0x2  }
0x841: {  	[tilespmem:s15], [sflag:$0x2] =	stream.indirect_vreg.gather [hbm4b:s2+s3], $0x80, v4, vm0, $0xb8;
	[tilespmem:$0x18D00] =	vst v63  }
0x842: {  	s18 =	simm.s32 $0x9500  }
0x843: {  	[tilespmem:s18], [sflag:$0x2] =	stream.indirect_vreg.gather [hbm4b:s2+s3], $0x80, v3, vm0, $0xb8;
	[tilespmem:$0x18D00] =	vst v63  }
0x844: {  	v3 =	vld [tilespmem:$0xB10];
	_ =	sdelay $0x4  }
0x845: {  	v33 =	vshll.u32 v3, $0x1  }
0x846: {  	v3 =	vand.u32 $0x7, v3;
	v4 =	vand.u32 $0xFFFFFFF0, v33  }
0x847: {  	v3 =	vor.u32 v3, v4  }
0x848: {  	v4 =	vperm.xlane v3, v0;
	_ =	sdelay $0x1  }
0x849: {  	v3 =	vperm.xlane v3, v2;
	v4 =	vadd.s32 v1, v4;
	_ =	sdelay $0x1  }
0x84a: {  	v3 =	vadd.s32 v1, v3;
	_ =	sdelay $0x1  }
0x84b: {  	s22 =	simm.s32 $0x9D00  }
0x84c: {  	[tilespmem:s22], [sflag:$0x2] =	stream.indirect_vreg.gather [hbm4b:s2+s3], $0x80, v4, vm0, $0xb8;
	[tilespmem:$0x18D00] =	vst v63  }
0x84d: {  	s25 =	simm.s32 $0xA500  }
0x84e: {  	[tilespmem:s25], [sflag:$0x2] =	stream.indirect_vreg.gather [hbm4b:s2+s3], $0x80, v3, vm0, $0xb8;
	[tilespmem:$0x18D00] =	vst v63  }
0x84f: {  	v3 =	vld [tilespmem:$0xB20];
	_ =	sdelay $0x4  }
0x850: {  	v34 =	vshll.u32 v3, $0x1  }
0x851: {  	v3 =	vand.u32 $0x7, v3;
	v4 =	vand.u32 $0xFFFFFFF0, v34  }
0x852: {  	v3 =	vor.u32 v3, v4  }
0x853: {  	v4 =	vperm.xlane v3, v0;
	_ =	sdelay $0x1  }
0x854: {  	v3 =	vperm.xlane v3, v2;
	v4 =	vadd.s32 v1, v4;
	_ =	sdelay $0x1  }
0x855: {  	v3 =	vadd.s32 v1, v3;
	_ =	sdelay $0x1  }
0x856: {  	s22 =	simm.s32 $0xAD00  }
0x857: {  	[tilespmem:s22], [sflag:$0x2] =	stream.indirect_vreg.gather [hbm4b:s2+s3], $0x80, v4, vm0, $0xb8;
	[tilespmem:$0x18D00] =	vst v63  }
0x858: {  	s21 =	simm.s32 $0xB500  }
0x859: {  	[tilespmem:s21], [sflag:$0x2] =	stream.indirect_vreg.gather [hbm4b:s2+s3], $0x80, v3, vm0, $0xb8;
	[tilespmem:$0x18D00] =	vst v63  }
0x85a: {  	v3 =	vld [tilespmem:$0xB30];
	_ =	sdelay $0x4  }
0x85b: {  	v35 =	vshll.u32 v3, $0x1  }
0x85c: {  	v3 =	vand.u32 $0x7, v3;
	v4 =	vand.u32 $0xFFFFFFF0, v35  }
0x85d: {  	v3 =	vor.u32 v3, v4  }
0x85e: {  	v4 =	vperm.xlane v3, v0;
	_ =	sdelay $0x1  }
0x85f: {  	v3 =	vperm.xlane v3, v2;
	v4 =	vadd.s32 v1, v4;
	_ =	sdelay $0x1  }
0x860: {  	v3 =	vadd.s32 v1, v3;
	_ =	sdelay $0x1  }
0x861: {  	s22 =	simm.s32 $0xBD00  }
0x862: {  	[tilespmem:s22], [sflag:$0x2] =	stream.indirect_vreg.gather [hbm4b:s2+s3], $0x80, v4, vm0, $0xb8;
	[tilespmem:$0x18D00] =	vst v63  }
0x863: {  	s24 =	simm.s32 $0xC500  }
0x864: {  	[tilespmem:s24], [sflag:$0x2] =	stream.indirect_vreg.gather [hbm4b:s2+s3], $0x80, v3, vm0, $0xb8;
	[tilespmem:$0x18D00] =	vst v63  }
0x865: {  	v3 =	vld [tilespmem:$0xB40];
	_ =	sdelay $0x4  }
0x866: {  	v36 =	vshll.u32 v3, $0x1  }
0x867: {  	v3 =	vand.u32 $0x7, v3;
	v4 =	vand.u32 $0xFFFFFFF0, v36  }
0x868: {  	v3 =	vor.u32 v3, v4  }
0x869: {  	v4 =	vperm.xlane v3, v0;
	_ =	sdelay $0x1  }
0x86a: {  	v3 =	vperm.xlane v3, v2;
	v4 =	vadd.s32 v1, v4;
	_ =	sdelay $0x1  }
0x86b: {  	v3 =	vadd.s32 v1, v3;
	_ =	sdelay $0x1  }
0x86c: {  	s24 =	simm.s32 $0xCD00  }
0x86d: {  	[tilespmem:s24], [sflag:$0x2] =	stream.indirect_vreg.gather [hbm4b:s2+s3], $0x80, v4, vm0, $0xb8;
	[tilespmem:$0x18D00] =	vst v63  }
0x86e: {  	s26 =	simm.s32 $0xD500  }
0x86f: {  	[tilespmem:s26], [sflag:$0x2] =	stream.indirect_vreg.gather [hbm4b:s2+s3], $0x80, v3, vm0, $0xb8;
	[tilespmem:$0x18D00] =	vst v63  }
0x870: {  	v3 =	vld [tilespmem:$0xB50];
	_ =	sdelay $0x4  }
0x871: {  	v37 =	vshll.u32 v3, $0x1  }
0x872: {  	v3 =	vand.u32 $0x7, v3;
	v4 =	vand.u32 $0xFFFFFFF0, v37  }
0x873: {  	v3 =	vor.u32 v3, v4  }
0x874: {  	v4 =	vperm.xlane v3, v0;
	_ =	sdelay $0x1  }
0x875: {  	v3 =	vperm.xlane v3, v2;
	v4 =	vadd.s32 v1, v4;
	_ =	sdelay $0x1  }
0x876: {  	v3 =	vadd.s32 v1, v3;
	_ =	sdelay $0x1  }
0x877: {  	s26 =	simm.s32 $0xDD00  }
0x878: {  	[tilespmem:s26], [sflag:$0x2] =	stream.indirect_vreg.gather [hbm4b:s2+s3], $0x80, v4, vm0, $0xb8;
	[tilespmem:$0x18D00] =	vst v63  }
0x879: {  	s26 =	simm.s32 $0xE500  }
0x87a: {  	[tilespmem:s26], [sflag:$0x2] =	stream.indirect_vreg.gather [hbm4b:s2+s3], $0x80, v3, vm0, $0xb8;
	[tilespmem:$0x18D00] =	vst v63  }
0x87b: {  	v3 =	vld [tilespmem:$0xB60];
	_ =	sdelay $0x4  }
0x87c: {  	v38 =	vshll.u32 v3, $0x1  }
0x87d: {  	v3 =	vand.u32 $0x7, v3;
	v4 =	vand.u32 $0xFFFFFFF0, v38  }
0x87e: {  	v3 =	vor.u32 v3, v4  }
0x87f: {  	v4 =	vperm.xlane v3, v0;
	_ =	sdelay $0x1  }
0x880: {  	v3 =	vperm.xlane v3, v2;
	v4 =	vadd.s32 v1, v4;
	_ =	sdelay $0x1  }
0x881: {  	v3 =	vadd.s32 v1, v3;
	_ =	sdelay $0x1  }
0x882: {  	s26 =	simm.s32 $0xED00  }
0x883: {  	[tilespmem:s26], [sflag:$0x2] =	stream.indirect_vreg.gather [hbm4b:s2+s3], $0x80, v4, vm0, $0xb8;
	[tilespmem:$0x18D00] =	vst v63  }
0x884: {  	s26 =	simm.s32 $0xF500  }
0x885: {  	[tilespmem:s26], [sflag:$0x2] =	stream.indirect_vreg.gather [hbm4b:s2+s3], $0x80, v3, vm0, $0xb8;
	[tilespmem:$0x18D00] =	vst v63  }
0x886: {  	v3 =	vld [tilespmem:$0xB70];
	_ =	sdelay $0x4  }
0x887: {  	v39 =	vshll.u32 v3, $0x1  }
0x888: {  	v3 =	vand.u32 $0x7, v3;
	v4 =	vand.u32 $0xFFFFFFF0, v39  }
0x889: {  	v3 =	vor.u32 v3, v4  }
0x88a: {  	v4 =	vperm.xlane v3, v0;
	_ =	sdelay $0x1  }
0x88b: {  	v3 =	vperm.xlane v3, v2;
	v4 =	vadd.s32 v1, v4;
	_ =	sdelay $0x1  }
0x88c: {  	v3 =	vadd.s32 v1, v3;
	_ =	sdelay $0x1  }
0x88d: {  	s26 =	simm.s32 $0xFD00  }
0x88e: {  	[tilespmem:s26], [sflag:$0x2] =	stream.indirect_vreg.gather [hbm4b:s2+s3], $0x80, v4, vm0, $0xb8;
	[tilespmem:$0x18D00] =	vst v63  }
0x88f: {  	s29 =	simm.s32 $0x10500  }
0x890: {  	[tilespmem:s29], [sflag:$0x2] =	stream.indirect_vreg.gather [hbm4b:s2+s3], $0x80, v3, vm0, $0xb8;
	[tilespmem:$0x18D00] =	vst v63  }
0x891: {  	_ =	swait.ge [sflag:s11], $0x8000  }
0x892: {  	[sflag:s11] =	ssyncset.done $0x0  }
0x893: {  	s29 =	rddreg [dreg:$0x1a];
	[sflag:s11] =	ssyncadd.s32 $0xFFFF8000  }
0x894: {  	[hbm4b:s29+s3] =	stream.linear.scatter [tilespmem:s10], [sflag:$0x4], $0x8000, $0x38;
	[tilespmem:$0x18D00] =	vst v63  }
0x895: {  	_ =	swait.ge [sflag:s1], $0x8000  }
0x896: {  	[sflag:s1] =	ssyncset.done $0x0  }
0x897: {  	[sflag:s1] =	ssyncadd.s32 $0xFFFF8000  }
0x898: {  	v3 =	vld [tilespmem:$0xB80];
	_ =	sdelay $0x4  }
0x899: {  	v40 =	vshll.u32 v3, $0x1  }
0x89a: {  	v3 =	vand.u32 $0x7, v3;
	v4 =	vand.u32 $0xFFFFFFF0, v40  }
0x89b: {  	v3 =	vor.u32 v3, v4  }
0x89c: {  	v4 =	vperm.xlane v3, v0;
	_ =	sdelay $0x1  }
0x89d: {  	v3 =	vperm.xlane v3, v2;
	v4 =	vadd.s32 v1, v4;
	_ =	sdelay $0x1  }
0x89e: {  	v3 =	vadd.s32 v1, v3;
	_ =	sdelay $0x2  }
0x89f: {  	[tilespmem:s23], [sflag:$0x3] =	stream.indirect_vreg.gather [hbm4b:s2+s3], $0x80, v4, vm0, $0xb8;
	[tilespmem:$0x18D00] =	vst v63  }
0x8a0: {  	s5 =	simm.s32 $0x11500  }
0x8a1: {  	[tilespmem:s5], [sflag:$0x3] =	stream.indirect_vreg.gather [hbm4b:s2+s3], $0x80, v3, vm0, $0xb8;
	[tilespmem:$0x18D00] =	vst v63  }
0x8a2: {  	v3 =	vld [tilespmem:$0xB90];
	_ =	sdelay $0x4  }
0x8a3: {  	v41 =	vshll.u32 v3, $0x1  }
0x8a4: {  	v3 =	vand.u32 $0x7, v3;
	v4 =	vand.u32 $0xFFFFFFF0, v41  }
0x8a5: {  	v3 =	vor.u32 v3, v4  }
0x8a6: {  	v4 =	vperm.xlane v3, v0;
	_ =	sdelay $0x1  }
0x8a7: {  	v3 =	vperm.xlane v3, v2;
	v4 =	vadd.s32 v1, v4;
	_ =	sdelay $0x1  }
0x8a8: {  	v3 =	vadd.s32 v1, v3;
	_ =	sdelay $0x1  }
0x8a9: {  	s31 =	simm.s32 $0x11D00  }
0x8aa: {  	[tilespmem:s31], [sflag:$0x3] =	stream.indirect_vreg.gather [hbm4b:s2+s3], $0x80, v4, vm0, $0xb8;
	[tilespmem:$0x18D00] =	vst v63  }
0x8ab: {  	s31 =	simm.s32 $0x12500  }
0x8ac: {  	[tilespmem:s31], [sflag:$0x3] =	stream.indirect_vreg.gather [hbm4b:s2+s3], $0x80, v3, vm0, $0xb8;
	[tilespmem:$0x18D00] =	vst v63  }
0x8ad: {  	v3 =	vld [tilespmem:$0xBA0];
	_ =	sdelay $0x4  }
0x8ae: {  	v42 =	vshll.u32 v3, $0x1  }
0x8af: {  	v3 =	vand.u32 $0x7, v3;
	v4 =	vand.u32 $0xFFFFFFF0, v42  }
0x8b0: {  	v3 =	vor.u32 v3, v4  }
0x8b1: {  	v4 =	vperm.xlane v3, v0;
	_ =	sdelay $0x1  }
0x8b2: {  	v3 =	vperm.xlane v3, v2;
	v4 =	vadd.s32 v1, v4;
	_ =	sdelay $0x1  }
0x8b3: {  	v3 =	vadd.s32 v1, v3;
	_ =	sdelay $0x1  }
0x8b4: {  	s30 =	simm.s32 $0x12D00  }
0x8b5: {  	[tilespmem:s30], [sflag:$0x3] =	stream.indirect_vreg.gather [hbm4b:s2+s3], $0x80, v4, vm0, $0xb8;
	[tilespmem:$0x18D00] =	vst v63  }
0x8b6: {  	s18 =	simm.s32 $0x13500  }
0x8b7: {  	[tilespmem:s18], [sflag:$0x3] =	stream.indirect_vreg.gather [hbm4b:s2+s3], $0x80, v3, vm0, $0xb8;
	[tilespmem:$0x18D00] =	vst v63  }
0x8b8: {  	v3 =	vld [tilespmem:$0xBB0];
	_ =	sdelay $0x4  }
0x8b9: {  	v43 =	vshll.u32 v3, $0x1  }
0x8ba: {  	v3 =	vand.u32 $0x7, v3;
	v4 =	vand.u32 $0xFFFFFFF0, v43  }
0x8bb: {  	v3 =	vor.u32 v3, v4  }
0x8bc: {  	v4 =	vperm.xlane v3, v0;
	_ =	sdelay $0x1  }
0x8bd: {  	v3 =	vperm.xlane v3, v2;
	v4 =	vadd.s32 v1, v4;
	_ =	sdelay $0x1  }
0x8be: {  	v3 =	vadd.s32 v1, v3;
	_ =	sdelay $0x1  }
0x8bf: {  	s12 =	simm.s32 $0x13D00  }
0x8c0: {  	[tilespmem:s12], [sflag:$0x3] =	stream.indirect_vreg.gather [hbm4b:s2+s3], $0x80, v4, vm0, $0xb8;
	[tilespmem:$0x18D00] =	vst v63  }
0x8c1: {  	s29 =	simm.s32 $0x14500  }
0x8c2: {  	[tilespmem:s29], [sflag:$0x3] =	stream.indirect_vreg.gather [hbm4b:s2+s3], $0x80, v3, vm0, $0xb8;
	[tilespmem:$0x18D00] =	vst v63  }
0x8c3: {  	v3 =	vld [tilespmem:$0xBC0];
	_ =	sdelay $0x4  }
0x8c4: {  	v44 =	vshll.u32 v3, $0x1  }
0x8c5: {  	v3 =	vand.u32 $0x7, v3;
	v4 =	vand.u32 $0xFFFFFFF0, v44  }
0x8c6: {  	v3 =	vor.u32 v3, v4  }
0x8c7: {  	v4 =	vperm.xlane v3, v0;
	_ =	sdelay $0x1  }
0x8c8: {  	v3 =	vperm.xlane v3, v2;
	v4 =	vadd.s32 v1, v4;
	_ =	sdelay $0x1  }
0x8c9: {  	v3 =	vadd.s32 v1, v3;
	_ =	sdelay $0x1  }
0x8ca: {  	s19 =	simm.s32 $0x14D00  }
0x8cb: {  	[tilespmem:s19], [sflag:$0x3] =	stream.indirect_vreg.gather [hbm4b:s2+s3], $0x80, v4, vm0, $0xb8;
	[tilespmem:$0x18D00] =	vst v63  }
0x8cc: {  	s30 =	simm.s32 $0x15500  }
0x8cd: {  	[tilespmem:s30], [sflag:$0x3] =	stream.indirect_vreg.gather [hbm4b:s2+s3], $0x80, v3, vm0, $0xb8;
	[tilespmem:$0x18D00] =	vst v63  }
0x8ce: {  	v3 =	vld [tilespmem:$0xBD0];
	_ =	sdelay $0x4  }
0x8cf: {  	v45 =	vshll.u32 v3, $0x1  }
0x8d0: {  	v3 =	vand.u32 $0x7, v3;
	v4 =	vand.u32 $0xFFFFFFF0, v45  }
0x8d1: {  	v3 =	vor.u32 v3, v4  }
0x8d2: {  	v4 =	vperm.xlane v3, v0;
	_ =	sdelay $0x1  }
0x8d3: {  	v3 =	vperm.xlane v3, v2;
	v4 =	vadd.s32 v1, v4;
	_ =	sdelay $0x1  }
0x8d4: {  	v3 =	vadd.s32 v1, v3;
	_ =	sdelay $0x1  }
0x8d5: {  	s28 =	simm.s32 $0x15D00  }
0x8d6: {  	[tilespmem:s28], [sflag:$0x3] =	stream.indirect_vreg.gather [hbm4b:s2+s3], $0x80, v4, vm0, $0xb8;
	[tilespmem:$0x18D00] =	vst v63  }
0x8d7: {  	s31 =	simm.s32 $0x16500  }
0x8d8: {  	[tilespmem:s31], [sflag:$0x3] =	stream.indirect_vreg.gather [hbm4b:s2+s3], $0x80, v3, vm0, $0xb8;
	[tilespmem:$0x18D00] =	vst v63  }
0x8d9: {  	v3 =	vld [tilespmem:$0xBE0];
	_ =	sdelay $0x4  }
0x8da: {  	v46 =	vshll.u32 v3, $0x1  }
0x8db: {  	v3 =	vand.u32 $0x7, v3;
	v4 =	vand.u32 $0xFFFFFFF0, v46  }
0x8dc: {  	v3 =	vor.u32 v3, v4  }
0x8dd: {  	v4 =	vperm.xlane v3, v0;
	_ =	sdelay $0x1  }
0x8de: {  	v3 =	vperm.xlane v3, v2;
	v4 =	vadd.s32 v1, v4;
	_ =	sdelay $0x1  }
0x8df: {  	v3 =	vadd.s32 v1, v3;
	_ =	sdelay $0x1  }
0x8e0: {  	s4 =	simm.s32 $0x16D00  }
0x8e1: {  	[tilespmem:s4], [sflag:$0x3] =	stream.indirect_vreg.gather [hbm4b:s2+s3], $0x80, v4, vm0, $0xb8;
	[tilespmem:$0x18D00] =	vst v63  }
0x8e2: {  	s5 =	simm.s32 $0x17500  }
0x8e3: {  	[tilespmem:s5], [sflag:$0x3] =	stream.indirect_vreg.gather [hbm4b:s2+s3], $0x80, v3, vm0, $0xb8;
	[tilespmem:$0x18D00] =	vst v63  }
0x8e4: {  	v3 =	vld [tilespmem:$0xBF0];
	_ =	sdelay $0x4  }
0x8e5: {  	v47 =	vshll.u32 v3, $0x1  }
0x8e6: {  	v3 =	vand.u32 $0x7, v3;
	v4 =	vand.u32 $0xFFFFFFF0, v47  }
0x8e7: {  	v3 =	vor.u32 v3, v4  }
0x8e8: {  	v4 =	vperm.xlane v3, v0;
	_ =	sdelay $0x1  }
0x8e9: {  	v3 =	vperm.xlane v3, v2;
	v4 =	vadd.s32 v1, v4;
	_ =	sdelay $0x1  }
0x8ea: {  	v3 =	vadd.s32 v1, v3;
	_ =	sdelay $0x1  }
0x8eb: {  	s9 =	simm.s32 $0x17D00  }
0x8ec: {  	[tilespmem:s9], [sflag:$0x3] =	stream.indirect_vreg.gather [hbm4b:s2+s3], $0x80, v4, vm0, $0xb8;
	[tilespmem:$0x18D00] =	vst v63  }
0x8ed: {  	s9 =	simm.s32 $0x18500  }
0x8ee: {  	[tilespmem:s9], [sflag:$0x3] =	stream.indirect_vreg.gather [hbm4b:s2+s3], $0x80, v3, vm0, $0xb8;
	[tilespmem:$0x18D00] =	vst v63  }
0x8ef: {  	_ =	swait.ge [sflag:s13], $0x8000  }
0x8f0: {  	[sflag:s13] =	ssyncset.done $0x0  }
0x8f1: {  	s12 =	rddreg [dreg:$0x1b];
	[sflag:s13] =	ssyncadd.s32 $0xFFFF8000  }
0x8f2: {  	[hbm4b:s12+s3] =	stream.linear.scatter [tilespmem:s15], [sflag:$0x5], $0x8000, $0x38;
	[tilespmem:$0x18D00] =	vst v63  }
0x8f3: {  	_ =	swait.ge [sflag:s14], $0x8000  }
0x8f4: {  	[sflag:s14] =	ssyncset.done $0x0  }
0x8f5: {  	[sflag:s14] =	ssyncadd.s32 $0xFFFF8000  }
0x8f6: {  	v3 =	vld [tilespmem:$0xC00];
	_ =	sdelay $0x4  }
0x8f7: {  	v48 =	vshll.u32 v3, $0x1  }
0x8f8: {  	v3 =	vand.u32 $0x7, v3;
	v4 =	vand.u32 $0xFFFFFFF0, v48  }
0x8f9: {  	v3 =	vor.u32 v3, v4  }
0x8fa: {  	v4 =	vperm.xlane v3, v0;
	_ =	sdelay $0x1  }
0x8fb: {  	v3 =	vperm.xlane v3, v2;
	v4 =	vadd.s32 v1, v4;
	_ =	sdelay $0x1  }
0x8fc: {  	v3 =	vadd.s32 v1, v3;
	_ =	sdelay $0x2  }
0x8fd: {  	[tilespmem:s10], [sflag:$0x1] =	stream.indirect_vreg.gather [hbm4b:s2+s3], $0x80, v4, vm0, $0xb8;
	[tilespmem:$0x18D00] =	vst v63  }
0x8fe: {  	s18 =	simm.s32 $0x1500  }
0x8ff: {  	[tilespmem:s18], [sflag:$0x1] =	stream.indirect_vreg.gather [hbm4b:s2+s3], $0x80, v3, vm0, $0xb8;
	[tilespmem:$0x18D00] =	vst v63  }
0x900: {  	v3 =	vld [tilespmem:$0xC10];
	_ =	sdelay $0x4  }
0x901: {  	v49 =	vshll.u32 v3, $0x1  }
0x902: {  	v3 =	vand.u32 $0x7, v3;
	v4 =	vand.u32 $0xFFFFFFF0, v49  }
0x903: {  	v3 =	vor.u32 v3, v4  }
0x904: {  	v4 =	vperm.xlane v3, v0;
	_ =	sdelay $0x1  }
0x905: {  	v3 =	vperm.xlane v3, v2;
	v4 =	vadd.s32 v1, v4;
	_ =	sdelay $0x1  }
0x906: {  	v3 =	vadd.s32 v1, v3;
	_ =	sdelay $0x1  }
0x907: {  	s6 =	simm.s32 $0x1D00  }
0x908: {  	[tilespmem:s6], [sflag:$0x1] =	stream.indirect_vreg.gather [hbm4b:s2+s3], $0x80, v4, vm0, $0xb8;
	[tilespmem:$0x18D00] =	vst v63  }
0x909: {  	s19 =	simm.s32 $0x2500  }
0x90a: {  	[tilespmem:s19], [sflag:$0x1] =	stream.indirect_vreg.gather [hbm4b:s2+s3], $0x80, v3, vm0, $0xb8;
	[tilespmem:$0x18D00] =	vst v63  }
0x90b: {  	v3 =	vld [tilespmem:$0xC20];
	_ =	sdelay $0x4  }
0x90c: {  	v50 =	vshll.u32 v3, $0x1  }
0x90d: {  	v3 =	vand.u32 $0x7, v3;
	v4 =	vand.u32 $0xFFFFFFF0, v50  }
0x90e: {  	v3 =	vor.u32 v3, v4  }
0x90f: {  	v4 =	vperm.xlane v3, v0;
	_ =	sdelay $0x1  }
0x910: {  	v3 =	vperm.xlane v3, v2;
	v4 =	vadd.s32 v1, v4;
	_ =	sdelay $0x1  }
0x911: {  	v3 =	vadd.s32 v1, v3;
	_ =	sdelay $0x1  }
0x912: {  	s8 =	simm.s32 $0x2D00  }
0x913: {  	[tilespmem:s8], [sflag:$0x1] =	stream.indirect_vreg.gather [hbm4b:s2+s3], $0x80, v4, vm0, $0xb8;
	[tilespmem:$0x18D00] =	vst v63  }
0x914: {  	s28 =	simm.s32 $0x3500  }
0x915: {  	[tilespmem:s28], [sflag:$0x1] =	stream.indirect_vreg.gather [hbm4b:s2+s3], $0x80, v3, vm0, $0xb8;
	[tilespmem:$0x18D00] =	vst v63  }
0x916: {  	v3 =	vld [tilespmem:$0xC30];
	_ =	sdelay $0x4  }
0x917: {  	v51 =	vshll.u32 v3, $0x1  }
0x918: {  	v3 =	vand.u32 $0x7, v3;
	v4 =	vand.u32 $0xFFFFFFF0, v51  }
0x919: {  	v3 =	vor.u32 v3, v4  }
0x91a: {  	v4 =	vperm.xlane v3, v0;
	_ =	sdelay $0x1  }
0x91b: {  	v3 =	vperm.xlane v3, v2;
	v4 =	vadd.s32 v1, v4;
	_ =	sdelay $0x1  }
0x91c: {  	v3 =	vadd.s32 v1, v3;
	_ =	sdelay $0x1  }
0x91d: {  	s20 =	simm.s32 $0x3D00  }
0x91e: {  	[tilespmem:s20], [sflag:$0x1] =	stream.indirect_vreg.gather [hbm4b:s2+s3], $0x80, v4, vm0, $0xb8;
	[tilespmem:$0x18D00] =	vst v63  }
0x91f: {  	s29 =	simm.s32 $0x4500  }
0x920: {  	[tilespmem:s29], [sflag:$0x1] =	stream.indirect_vreg.gather [hbm4b:s2+s3], $0x80, v3, vm0, $0xb8;
	[tilespmem:$0x18D00] =	vst v63  }
0x921: {  	v3 =	vld [tilespmem:$0xC40];
	_ =	sdelay $0x4  }
0x922: {  	v52 =	vshll.u32 v3, $0x1  }
0x923: {  	v3 =	vand.u32 $0x7, v3;
	v4 =	vand.u32 $0xFFFFFFF0, v52  }
0x924: {  	v3 =	vor.u32 v3, v4  }
0x925: {  	v4 =	vperm.xlane v3, v0;
	_ =	sdelay $0x1  }
0x926: {  	v3 =	vperm.xlane v3, v2;
	v4 =	vadd.s32 v1, v4;
	_ =	sdelay $0x1  }
0x927: {  	v3 =	vadd.s32 v1, v3;
	_ =	sdelay $0x1  }
0x928: {  	s7 =	simm.s32 $0x4D00  }
0x929: {  	[tilespmem:s7], [sflag:$0x1] =	stream.indirect_vreg.gather [hbm4b:s2+s3], $0x80, v4, vm0, $0xb8;
	[tilespmem:$0x18D00] =	vst v63  }
0x92a: {  	s30 =	simm.s32 $0x5500  }
0x92b: {  	[tilespmem:s30], [sflag:$0x1] =	stream.indirect_vreg.gather [hbm4b:s2+s3], $0x80, v3, vm0, $0xb8;
	[tilespmem:$0x18D00] =	vst v63  }
0x92c: {  	v3 =	vld [tilespmem:$0xC50];
	_ =	sdelay $0x4  }
0x92d: {  	v53 =	vshll.u32 v3, $0x1  }
0x92e: {  	v3 =	vand.u32 $0x7, v3;
	v4 =	vand.u32 $0xFFFFFFF0, v53  }
0x92f: {  	v3 =	vor.u32 v3, v4  }
0x930: {  	v4 =	vperm.xlane v3, v0;
	_ =	sdelay $0x1  }
0x931: {  	v3 =	vperm.xlane v3, v2;
	v4 =	vadd.s32 v1, v4;
	_ =	sdelay $0x1  }
0x932: {  	v3 =	vadd.s32 v1, v3;
	_ =	sdelay $0x1  }
0x933: {  	s31 =	simm.s32 $0x5D00  }
0x934: {  	[tilespmem:s31], [sflag:$0x1] =	stream.indirect_vreg.gather [hbm4b:s2+s3], $0x80, v4, vm0, $0xb8;
	[tilespmem:$0x18D00] =	vst v63  }
0x935: {  	s5 =	simm.s32 $0x6500  }
0x936: {  	[tilespmem:s5], [sflag:$0x1] =	stream.indirect_vreg.gather [hbm4b:s2+s3], $0x80, v3, vm0, $0xb8;
	[tilespmem:$0x18D00] =	vst v63  }
0x937: {  	v3 =	vld [tilespmem:$0xC60];
	_ =	sdelay $0x4  }
0x938: {  	v54 =	vshll.u32 v3, $0x1  }
0x939: {  	v3 =	vand.u32 $0x7, v3;
	v4 =	vand.u32 $0xFFFFFFF0, v54  }
0x93a: {  	v3 =	vor.u32 v3, v4  }
0x93b: {  	v4 =	vperm.xlane v3, v0;
	_ =	sdelay $0x1  }
0x93c: {  	v3 =	vperm.xlane v3, v2;
	v4 =	vadd.s32 v1, v4;
	_ =	sdelay $0x1  }
0x93d: {  	v3 =	vadd.s32 v1, v3;
	_ =	sdelay $0x1  }
0x93e: {  	s6 =	simm.s32 $0x6D00  }
0x93f: {  	[tilespmem:s6], [sflag:$0x1] =	stream.indirect_vreg.gather [hbm4b:s2+s3], $0x80, v4, vm0, $0xb8;
	[tilespmem:$0x18D00] =	vst v63  }
0x940: {  	s7 =	simm.s32 $0x7500  }
0x941: {  	[tilespmem:s7], [sflag:$0x1] =	stream.indirect_vreg.gather [hbm4b:s2+s3], $0x80, v3, vm0, $0xb8;
	[tilespmem:$0x18D00] =	vst v63  }
0x942: {  	v3 =	vld [tilespmem:$0xC70];
	_ =	sdelay $0x4  }
0x943: {  	v55 =	vshll.u32 v3, $0x1  }
0x944: {  	v3 =	vand.u32 $0x7, v3;
	v4 =	vand.u32 $0xFFFFFFF0, v55  }
0x945: {  	v3 =	vor.u32 v3, v4  }
0x946: {  	v4 =	vperm.xlane v3, v0;
	_ =	sdelay $0x1  }
0x947: {  	v3 =	vperm.xlane v3, v2;
	v4 =	vadd.s32 v1, v4;
	_ =	sdelay $0x1  }
0x948: {  	v3 =	vadd.s32 v1, v3;
	_ =	sdelay $0x1  }
0x949: {  	s8 =	simm.s32 $0x7D00  }
0x94a: {  	[tilespmem:s8], [sflag:$0x1] =	stream.indirect_vreg.gather [hbm4b:s2+s3], $0x80, v4, vm0, $0xb8;
	[tilespmem:$0x18D00] =	vst v63  }
0x94b: {  	s9 =	simm.s32 $0x8500  }
0x94c: {  	[tilespmem:s9], [sflag:$0x1] =	stream.indirect_vreg.gather [hbm4b:s2+s3], $0x80, v3, vm0, $0xb8;
	[tilespmem:$0x18D00] =	vst v63  }
0x94d: {  	_ =	swait.ge [sflag:s17], $0x8000  }
0x94e: {  	[sflag:s17] =	ssyncset.done $0x0  }
0x94f: {  	s12 =	rddreg [dreg:$0x1c];
	[sflag:s17] =	ssyncadd.s32 $0xFFFF8000  }
0x950: {  	[hbm4b:s12+s3] =	stream.linear.scatter [tilespmem:s23], [sflag:$0x6], $0x8000, $0x38;
	[tilespmem:$0x18D00] =	vst v63  }
0x951: {  	_ =	swait.ge [sflag:s16], $0x8000  }
0x952: {  	[sflag:s16] =	ssyncset.done $0x0  }
0x953: {  	[sflag:s16] =	ssyncadd.s32 $0xFFFF8000  }
0x954: {  	v3 =	vld [tilespmem:$0xC80];
	_ =	sdelay $0x4  }
0x955: {  	v56 =	vshll.u32 v3, $0x1  }
0x956: {  	v3 =	vand.u32 $0x7, v3;
	v4 =	vand.u32 $0xFFFFFFF0, v56  }
0x957: {  	v3 =	vor.u32 v3, v4  }
0x958: {  	v4 =	vperm.xlane v3, v0;
	_ =	sdelay $0x1  }
0x959: {  	v3 =	vperm.xlane v3, v2;
	v4 =	vadd.s32 v1, v4;
	_ =	sdelay $0x1  }
0x95a: {  	v3 =	vadd.s32 v1, v3;
	_ =	sdelay $0x2  }
0x95b: {  	[tilespmem:s15], [sflag:$0x2] =	stream.indirect_vreg.gather [hbm4b:s2+s3], $0x80, v4, vm0, $0xb8;
	[tilespmem:$0x18D00] =	vst v63  }
0x95c: {  	s0 =	simm.s32 $0x9500  }
0x95d: {  	[tilespmem:s0], [sflag:$0x2] =	stream.indirect_vreg.gather [hbm4b:s2+s3], $0x80, v3, vm0, $0xb8;
	[tilespmem:$0x18D00] =	vst v63  }
0x95e: {  	v3 =	vld [tilespmem:$0xC90];
	_ =	sdelay $0x4  }
0x95f: {  	v57 =	vshll.u32 v3, $0x1  }
0x960: {  	v3 =	vand.u32 $0x7, v3;
	v4 =	vand.u32 $0xFFFFFFF0, v57  }
0x961: {  	v3 =	vor.u32 v3, v4  }
0x962: {  	v4 =	vperm.xlane v3, v0;
	_ =	sdelay $0x1  }
0x963: {  	v3 =	vperm.xlane v3, v2;
	v4 =	vadd.s32 v1, v4;
	_ =	sdelay $0x1  }
0x964: {  	v3 =	vadd.s32 v1, v3;
	_ =	sdelay $0x1  }
0x965: {  	s18 =	simm.s32 $0x9D00  }
0x966: {  	[tilespmem:s18], [sflag:$0x2] =	stream.indirect_vreg.gather [hbm4b:s2+s3], $0x80, v4, vm0, $0xb8;
	[tilespmem:$0x18D00] =	vst v63  }
0x967: {  	s25 =	simm.s32 $0xA500  }
0x968: {  	[tilespmem:s25], [sflag:$0x2] =	stream.indirect_vreg.gather [hbm4b:s2+s3], $0x80, v3, vm0, $0xb8;
	[tilespmem:$0x18D00] =	vst v63  }
0x969: {  	v3 =	vld [tilespmem:$0xCA0];
	_ =	sdelay $0x4  }
0x96a: {  	v58 =	vshll.u32 v3, $0x1  }
0x96b: {  	v3 =	vand.u32 $0x7, v3;
	v4 =	vand.u32 $0xFFFFFFF0, v58  }
0x96c: {  	v3 =	vor.u32 v3, v4  }
0x96d: {  	v4 =	vperm.xlane v3, v0;
	_ =	sdelay $0x1  }
0x96e: {  	v3 =	vperm.xlane v3, v2;
	v4 =	vadd.s32 v1, v4;
	_ =	sdelay $0x1  }
0x96f: {  	v3 =	vadd.s32 v1, v3;
	_ =	sdelay $0x1  }
0x970: {  	s19 =	simm.s32 $0xAD00  }
0x971: {  	[tilespmem:s19], [sflag:$0x2] =	stream.indirect_vreg.gather [hbm4b:s2+s3], $0x80, v4, vm0, $0xb8;
	[tilespmem:$0x18D00] =	vst v63  }
0x972: {  	s21 =	simm.s32 $0xB500  }
0x973: {  	[tilespmem:s21], [sflag:$0x2] =	stream.indirect_vreg.gather [hbm4b:s2+s3], $0x80, v3, vm0, $0xb8;
	[tilespmem:$0x18D00] =	vst v63  }
0x974: {  	v3 =	vld [tilespmem:$0xCB0];
	_ =	sdelay $0x4  }
0x975: {  	v59 =	vshll.u32 v3, $0x1  }
0x976: {  	v3 =	vand.u32 $0x7, v3;
	v4 =	vand.u32 $0xFFFFFFF0, v59  }
0x977: {  	v3 =	vor.u32 v3, v4  }
0x978: {  	v4 =	vperm.xlane v3, v0;
	_ =	sdelay $0x1  }
0x979: {  	v3 =	vperm.xlane v3, v2;
	v4 =	vadd.s32 v1, v4;
	_ =	sdelay $0x1  }
0x97a: {  	v3 =	vadd.s32 v1, v3;
	_ =	sdelay $0x1  }
0x97b: {  	s21 =	simm.s32 $0xBD00  }
0x97c: {  	[tilespmem:s21], [sflag:$0x2] =	stream.indirect_vreg.gather [hbm4b:s2+s3], $0x80, v4, vm0, $0xb8;
	[tilespmem:$0x18D00] =	vst v63  }
0x97d: {  	s22 =	simm.s32 $0xC500  }
0x97e: {  	[tilespmem:s22], [sflag:$0x2] =	stream.indirect_vreg.gather [hbm4b:s2+s3], $0x80, v3, vm0, $0xb8;
	[tilespmem:$0x18D00] =	vst v63  }
0x97f: {  	v3 =	vld [tilespmem:$0xCC0];
	_ =	sdelay $0x4  }
0x980: {  	v60 =	vshll.u32 v3, $0x1  }
0x981: {  	v3 =	vand.u32 $0x7, v3;
	v4 =	vand.u32 $0xFFFFFFF0, v60  }
0x982: {  	v3 =	vor.u32 v3, v4  }
0x983: {  	v4 =	vperm.xlane v3, v0;
	_ =	sdelay $0x1  }
0x984: {  	v3 =	vperm.xlane v3, v2;
	v4 =	vadd.s32 v1, v4;
	_ =	sdelay $0x1  }
0x985: {  	v3 =	vadd.s32 v1, v3;
	_ =	sdelay $0x1  }
0x986: {  	s22 =	simm.s32 $0xCD00  }
0x987: {  	[tilespmem:s22], [sflag:$0x2] =	stream.indirect_vreg.gather [hbm4b:s2+s3], $0x80, v4, vm0, $0xb8;
	[tilespmem:$0x18D00] =	vst v63  }
0x988: {  	s24 =	simm.s32 $0xD500  }
0x989: {  	[tilespmem:s24], [sflag:$0x2] =	stream.indirect_vreg.gather [hbm4b:s2+s3], $0x80, v3, vm0, $0xb8;
	[tilespmem:$0x18D00] =	vst v63  }
0x98a: {  	v3 =	vld [tilespmem:$0xCD0];
	_ =	sdelay $0x4  }
0x98b: {  	v61 =	vshll.u32 v3, $0x1  }
0x98c: {  	v3 =	vand.u32 $0x7, v3;
	v4 =	vand.u32 $0xFFFFFFF0, v61  }
0x98d: {  	v3 =	vor.u32 v3, v4  }
0x98e: {  	v4 =	vperm.xlane v3, v0;
	_ =	sdelay $0x1  }
0x98f: {  	v3 =	vperm.xlane v3, v2;
	v4 =	vadd.s32 v1, v4;
	_ =	sdelay $0x1  }
0x990: {  	v3 =	vadd.s32 v1, v3;
	_ =	sdelay $0x1  }
0x991: {  	s23 =	simm.s32 $0xDD00  }
0x992: {  	[tilespmem:s23], [sflag:$0x2] =	stream.indirect_vreg.gather [hbm4b:s2+s3], $0x80, v4, vm0, $0xb8;
	[tilespmem:$0x18D00] =	vst v63  }
0x993: {  	s24 =	simm.s32 $0xE500  }
0x994: {  	[tilespmem:s24], [sflag:$0x2] =	stream.indirect_vreg.gather [hbm4b:s2+s3], $0x80, v3, vm0, $0xb8;
	[tilespmem:$0x18D00] =	vst v63  }
0x995: {  	v3 =	vld [tilespmem:$0xCE0];
	_ =	sdelay $0x4  }
0x996: {  	v62 =	vshll.u32 v3, $0x1  }
0x997: {  	v3 =	vand.u32 $0x7, v3;
	v4 =	vand.u32 $0xFFFFFFF0, v62  }
0x998: {  	v3 =	vor.u32 v3, v4  }
0x999: {  	v4 =	vperm.xlane v3, v0;
	_ =	sdelay $0x1  }
0x99a: {  	v3 =	vperm.xlane v3, v2;
	v4 =	vadd.s32 v1, v4;
	_ =	sdelay $0x1  }
0x99b: {  	v3 =	vadd.s32 v1, v3;
	_ =	sdelay $0x1  }
0x99c: {  	s25 =	simm.s32 $0xED00  }
0x99d: {  	[tilespmem:s25], [sflag:$0x2] =	stream.indirect_vreg.gather [hbm4b:s2+s3], $0x80, v4, vm0, $0xb8;
	[tilespmem:$0x18D00] =	vst v63  }
0x99e: {  	s28 =	simm.s32 $0xF500  }
0x99f: {  	[tilespmem:s28], [sflag:$0x2] =	stream.indirect_vreg.gather [hbm4b:s2+s3], $0x80, v3, vm0, $0xb8;
	[tilespmem:$0x18D00] =	vst v63  }
0x9a0: {  	v3 =	vld [tilespmem:$0xCF0];
	_ =	sdelay $0x4  }
0x9a1: {  	v63 =	vshll.u32 v3, $0x1  }
0x9a2: {  	v3 =	vand.u32 $0x7, v3;
	v4 =	vand.u32 $0xFFFFFFF0, v63  }
0x9a3: {  	v3 =	vor.u32 v3, v4  }
0x9a4: {  	v4 =	vperm.xlane v3, v0;
	_ =	sdelay $0x1  }
0x9a5: {  	v3 =	vperm.xlane v3, v2;
	v4 =	vadd.s32 v1, v4;
	_ =	sdelay $0x1  }
0x9a6: {  	v3 =	vadd.s32 v1, v3;
	_ =	sdelay $0x1  }
0x9a7: {  	s29 =	simm.s32 $0xFD00  }
0x9a8: {  	[tilespmem:s29], [sflag:$0x2] =	stream.indirect_vreg.gather [hbm4b:s2+s3], $0x80, v4, vm0, $0xb8;
	[tilespmem:$0x18D00] =	vst v63  }
0x9a9: {  	s26 =	simm.s32 $0x10500  }
0x9aa: {  	[tilespmem:s26], [sflag:$0x2] =	stream.indirect_vreg.gather [hbm4b:s2+s3], $0x80, v3, vm0, $0xb8;
	[tilespmem:$0x18D00] =	vst v63  }
0x9ab: {  	s20 =	rddreg [dreg:$0x1f];
	_ =	swait.ge [sflag:s11], $0x8000  }
0x9ac: {  	[sflag:s11] =	ssyncset.done $0x0  }
0x9ad: {  	s30 =	rddreg [dreg:$0x1d];
	[sflag:s11] =	ssyncadd.s32 $0xFFFF8000  }
0x9ae: {  	[hbm4b:s30+s3] =	stream.linear.scatter [tilespmem:s10], [sflag:$0x4], $0x8000, $0x38;
	[tilespmem:$0x18D00] =	vst v63  }
0x9af: {  	_ =	swait.ge [sflag:s13], $0x8000  }
0x9b0: {  	[sflag:s13] =	ssyncset.done $0x0  }
0x9b1: {  	s31 =	rddreg [dreg:$0x1e];
	[sflag:s13] =	ssyncadd.s32 $0xFFFF8000  }
0x9b2: {  	[hbm4b:s31+s3] =	stream.linear.scatter [tilespmem:s15], [sflag:$0x5], $0x8000, $0x38;
	[tilespmem:$0x18D00] =	vst v63  }
0x9b3: {  	_ =	swait.ge [sflag:s1], $0x8000  }
0x9b4: {  	[sflag:s1] =	ssyncset.done $0x0  }
0x9b5: {  	[sflag:s1] =	ssyncadd.s32 $0xFFFF8000  }
0x9b6: {  	p0 =	sne.s32 s20, $0x1;
	_ =	swait.ge [sflag:s14], $0x8000  }
.Ltmp0:
0x9b7: {  	[sflag:s14] =	ssyncset.done $0x0;
	(pc) =	sbr.rel @p0 .LBB2_1-.Ltmp0, $4  }
0x9b8: {  	[sflag:s14] =	ssyncadd.s32 $0xFFFF8000  }
0x9b9: {  	_ =	swait.ge [sflag:s16], $0x8000  }
0x9ba: {  	[sflag:s16] =	ssyncset.done $0x0  }
0x9bb: {  	s0 =	sadd.s32 $0xFFFFFFFF, s20;
	[sflag:s16] =	ssyncadd.s32 $0xFFFF8000  }
0x9bc: {  	_ =	sfence.sel $0x180000  }
0x9bd: {  	[bflag:$0x0] =	sbarrier.arrive $0xFFFF  }
0x9be: {  	_ =	strace $0x90000047  }
0x9bf: {  	s0 =	stileid.u32;
	[bflag:$0x2] =	sbarrier.arrive $0xFFFF  }
0x9c0: {  	p0 =	sne.s32 s0, $0x0;
	s0 =	rddreg [dreg:$0x3]  }
0x9c1: {  	s0 =	sadd.s32 @!p0 $0x100000, s0  }
0x9c2: {  	[sflag:s0] =	ssyncadd.tile.s32 @!p0 $0x1;
	_ =	shalt  }
.Lfunc_end2:
_tile_overlayer_lowered:
.L_overlay_start_2:
0x9c3: {  	(tag) =	ssettag $0x2  }
0x9c4: {  	s0 =	rddreg [dreg:$0x0];
	s2 =	stileid.u32  }
0x9c5: {  	s1 =	rddreg [dreg:$0x1];
	p0 =	sne.s32 s2, $0x0  }
0x9c6: {  	s3 =	rddreg [dreg:$0x2];
	[bflag:$0x3] =	sbarrier.arrive $0xFFFF;
	s2 =	simm.s32 @!p0 $0x1C07  }
0x9c7: {  	[timem:s3], [sflag:s2] =	dma.local @!p0 [hbm:s0], s1  }
0x9c8: {  	s0 =	simm.s32 @!p0 $0x7  }
0x9c9: {  	_ =	swait.ge @!p0 [sflag:s0], s1  }
0x9ca: {  	s1 =	ssub.s32 @!p0 $0x0, s1;
	[sflag:s0] =	ssyncset.done @!p0 $0x0  }
0x9cb: {  	[sflag:s0] =	ssyncadd.s32 @!p0 s1  }
0x9cc: {  	[bflag:$0x3] =	sbarrier.arrive $0xFFFF  }
0x9cd: {  	_ =	shalt  }

</sc_bundles>
